<compile_context>
chip_gen: v7x
topology: tpu7x:2x2x1
jax: 0.10.2.dev20260603
libtpu: 0.0.44.dev20260713+nightly
codegen_flags: <defaults>
</compile_context>

<pallas_src>
import functools

import jax
import jax.numpy as jnp
import numpy as np
from jax import lax
from jax.experimental import pallas as pl
from jax.experimental.pallas import tpu as pltpu
from jax.experimental.pallas import tpu_sc as plsc

PS = 16
DPR = 24
DPC = 24
SPR = 48
SPC = 48
S = 4
B = 8
M = 288
NQ = DPR * DPC

N_OUT_ROWS = B * 3 * DPR * PS * DPC
N_SRC_ROWS = S * B * 3 * SPR * PS * SPC
ROWS_PER_B = 3 * DPR * PS * DPC
SRC_ROWS_PER_IMG = 3 * SPR * PS * SPC
SEG_PER_IMG = SPR * PS * SPC

N_TILES = 32
ROWS_PER_TILE = N_OUT_ROWS // N_TILES
DMA_ROWS = 128
N_DMA = ROWS_PER_TILE // DMA_ROWS
M_VECS = M // 16
DEPTH = 27


def _build_comb():
    o = np.arange(N_OUT_ROWS, dtype=np.int64)
    c = (o // 9216) % 3
    t = o % 9216
    ri2 = t // 192
    ci2 = (t // 64) % 3
    wy = (t // 8) % 8
    sx = t % 8
    y = ri2 * 8 + wy
    r = y % PS
    q = (y // PS) * DPC + (ci2 * 8 + sx)
    offs = c * SEG_PER_IMG + (r // 8) * 384 + (r % 8) * 8
    return (offs * 1024 + q).astype(np.int32)


_COMB = _build_comb()


@functools.cache
def _make_sc_remap():
    mesh = plsc.VectorSubcoreMesh(core_axis_name="c", subcore_axis_name="s")

    @functools.partial(
        pl.kernel,
        out_type=jax.ShapeDtypeStruct((N_OUT_ROWS, PS), jnp.float32),
        mesh=mesh,
        scratch_types=[
        pltpu.VMEM((4 * M,), jnp.int32),
        pltpu.VMEM((NQ,), jnp.int32),
        pltpu.VMEM((ROWS_PER_TILE,), jnp.int32),
        pltpu.VMEM((N_DMA, DMA_ROWS), jnp.int32),
            pltpu.VMEM((ROWS_PER_TILE, PS), jnp.float32),
            pltpu.SemaphoreType.DMA,
            pltpu.SemaphoreType.DMA,
        ],
        compiler_params=pltpu.CompilerParams(use_tc_tiling_on_sc=False, needs_layout_passes=False),
    )
    def _sc_remap(src_hbm, meta_hbm, comb_hbm, out_hbm,
                  meta_v, a_v, comb_v, idx_v, buf_v, gsem, csem):
        wid = lax.axis_index("s") * 2 + lax.axis_index("c")
        b = wid // 4
        base = wid * ROWS_PER_TILE

        cp_meta = pltpu.async_copy(
            meta_hbm.at[pl.ds(b * 4 * M, 4 * M)], meta_v, csem)
        cp_comb = pltpu.async_copy(
            comb_hbm.at[pl.ds(base, ROWS_PER_TILE)], comb_v, csem)
        cp_meta.wait()

        def splat(x):
            return jnp.full((16,), x, jnp.int32)

        c_img = splat(B * SRC_ROWS_PER_IMG)
        c_48 = splat(SPC)
        c_768 = splat(768)
        c_8 = splat(8)
        c_64 = splat(64)
        c_boff = lax.broadcast(b * SRC_ROWS_PER_IMG, (16,))
        for i in range(M_VECS):
            siv = meta_v[pl.ds(i * 16, 16)]
            spv = meta_v[pl.ds(M + i * 16, 16)]
            d0v = meta_v[pl.ds(2 * M + i * 16, 16)]
            d1v = meta_v[pl.ds(3 * M + i * 16, 16)]
            spc8 = lax.div(lax.rem(spv, c_48), c_8)
            val = (siv * c_img + c_boff
                   + lax.div(spv, c_48) * c_768
                   + spc8 * c_64 + lax.rem(spv, c_8))
            plsc.store_scatter(a_v, [d0v], val)
            plsc.store_scatter(a_v, [d1v], val)
        cp_comb.wait()

        c_mask = splat(1023)
        c_shift = splat(10)

        def step(j, carry):
            for rr in range(DMA_ROWS // 16):
                cv = comb_v[pl.ds(j * DMA_ROWS + rr * 16, 16)]
                qv = lax.bitwise_and(cv, c_mask)
                ov = lax.shift_right_logical(cv, c_shift)
                av = plsc.load_gather(a_v, [qv])
                idx_v[j, pl.ds(rr * 16, 16)] = av + ov
            pltpu.async_copy(
                src_hbm.at[idx_v.at[j]],
                buf_v.at[pl.ds(j * DMA_ROWS, DMA_ROWS)], gsem)

            @pl.when(j >= DEPTH)
            def _():
                jw = j - DEPTH
                pltpu.make_async_copy(
                    src_hbm.at[idx_v.at[jw]],
                    buf_v.at[pl.ds(jw * DMA_ROWS, DMA_ROWS)], gsem).wait()
                pltpu.async_copy(
                    buf_v.at[pl.ds(jw * DMA_ROWS, DMA_ROWS)],
                    out_hbm.at[pl.ds(base + jw * DMA_ROWS, DMA_ROWS)], csem)
            return carry

        lax.fori_loop(0, N_DMA, step, 0)
        for jw in range(N_DMA - DEPTH, N_DMA):
            pltpu.make_async_copy(
                src_hbm.at[idx_v.at[jw]],
                buf_v.at[pl.ds(jw * DMA_ROWS, DMA_ROWS)], gsem).wait()
            pltpu.async_copy(
                buf_v.at[pl.ds(jw * DMA_ROWS, DMA_ROWS)],
                out_hbm.at[pl.ds(base + jw * DMA_ROWS, DMA_ROWS)], csem)

        def drain(j, carry):
            pltpu.make_async_copy(
                buf_v.at[pl.ds(j * DMA_ROWS, DMA_ROWS)],
                out_hbm.at[pl.ds(base + j * DMA_ROWS, DMA_ROWS)], csem).wait()
            return carry

        lax.fori_loop(0, N_DMA, drain, 0)

    return _sc_remap


def kernel(src_images, mappings):
    src_table = (
        src_images.reshape(S, B, 3, 96, 8, 6, 128)
        .transpose(0, 1, 2, 3, 5, 4, 6)
        .reshape(N_SRC_ROWS, PS))
    mp = mappings.astype(jnp.int32)
    meta = jnp.stack(
        [mp[:, :, 0, 0], mp[:, :, 0, 1], mp[:, :, 1, 0], mp[:, :, 1, 1]],
        axis=1).reshape(-1)
    out = _make_sc_remap()(src_table, meta, jnp.asarray(_COMB))
    return (out.reshape(B, 3, 48, 3, 8, 128)
            .transpose(0, 1, 2, 4, 3, 5)
            .reshape(B, 3, DPR * PS, DPC * PS))

# --- scband reference (transcript-rebuilt; emitter-appended) ---
"""Pipeline reference for scband-multi-vi-tpatch-mapper-738734375555 (READ-ONLY COPY).

The authoritative reference and input builder live on the scoring server;
editing this copy changes nothing except your own understanding.
"""

import jax, jax.numpy as jnp
import numpy as np

PS = 16        # patch_size
DPR = 24       # dst_patch_rows
DPC = 24       # dst_patch_cols
MULT = 2       # multiplier
SPR = DPR * MULT   # src_patch_rows = 48
SPC = DPC * MULT   # src_patch_cols = 48
S = 4          # number of source images
B = 8          # batch
M = 288        # mappings per batch element
K = 2          # dst patches per mapping (and len of m[0] = [src_i, src_p])


def setup_inputs(seed: int = 0) -> dict:
    key = jax.random.key(seed)
    k1, k2, k3, k4 = jax.random.split(key, 4)
    src_images = jax.random.normal(k1, (S, B, 3, SPR * PS, SPC * PS), dtype=jnp.float32)
    # mappings[b, m] = [[src_i, src_p], [dst_p_0, dst_p_1]]
    src_i = jax.random.randint(k2, (B, M), 0, S)
    src_p = jax.random.randint(k3, (B, M), 0, SPR * SPC)
    # each destination patch written exactly once per batch element (permutation)
    dst = jnp.stack([
        jax.random.permutation(jax.random.fold_in(k4, b), DPR * DPC).reshape(M, K)
        for b in range(B)
    ], axis=0).astype(jnp.int64)
    comp0 = jnp.stack([src_i, src_p], axis=-1).astype(jnp.int64)  # [B, M, 2]
    mappings = jnp.stack([comp0, dst], axis=2)  # [B, M, 2, K]
    return {"src_images": src_images, "mappings": mappings}


def reference(src_images, mappings):
    # patchify source images: [S, B, n_src_patches, 3, PS, PS]
    src_patches = src_images.reshape(S, B, 3, SPR, PS, SPC, PS)
    src_patches = src_patches.transpose(0, 1, 3, 5, 2, 4, 6)
    src_patches = src_patches.reshape(S, B, SPR * SPC, 3, PS, PS)

    src_i = mappings[:, :, 0, 0]   # [B, M]
    src_p = mappings[:, :, 0, 1]   # [B, M]
    dst_p = mappings[:, :, 1, :]   # [B, M, K]

    b_idx = jnp.arange(B)[:, None]  # [B, 1]
    gathered = src_patches[src_i, b_idx, src_p]  # [B, M, 3, PS, PS]

    dst_patches = jnp.zeros((B, DPR * DPC, 3, PS, PS), dtype=src_images.dtype)
    for k in range(K):
        # scatter-overwrite: dst_image[b, :, dst_y0:dst_y1, dst_x0:dst_x1] = src patch
        dst_patches = dst_patches.at[b_idx, dst_p[:, :, k]].set(gathered)

    dst_image = dst_patches.reshape(B, DPR, DPC, 3, PS, PS)
    dst_image = dst_image.transpose(0, 3, 1, 4, 2, 5)
    dst_image = dst_image.reshape(B, 3, DPR * PS, DPC * PS)
    return dst_image

if __name__ == "__main__":
    import jax
    _d = setup_inputs()
    print(jax.jit(kernel)(*tuple(_d.values())))

</pallas_src>

<mosaic_0001>
#map = affine_map<(d0, d1) -> (0, 0)>
#map1 = affine_map<(d0, d1) -> (0)>
module attributes {stable_mosaic.version = 14 : i64} {
  func.func @_sc_remap(%arg0: i32, %arg1: i32, %arg2: memref<3538944x16xf32, #tpu.memory_space<hbm>>, %arg3: memref<9216xi32, #tpu.memory_space<hbm>>, %arg4: memref<221184xi32, #tpu.memory_space<hbm>>, %arg5: memref<221184x16xf32, #tpu.memory_space<hbm>>, %arg6: memref<1152xi32, #tpu.memory_space<vmem>>, %arg7: memref<576xi32, #tpu.memory_space<vmem>>, %arg8: memref<6912xi32, #tpu.memory_space<vmem>>, %arg9: memref<54x128xi32, #tpu.memory_space<vmem>>, %arg10: memref<6912x16xf32, #tpu.memory_space<vmem>>, %arg11: memref<!tpu.dma_semaphore, #tpu.memory_space<semaphore_mem>>, %arg12: memref<!tpu.dma_semaphore, #tpu.memory_space<semaphore_mem>>) attributes {dimension_semantics = [#tpu.dimension_semantics<core_parallel>, #tpu.dimension_semantics<subcore_parallel>], iteration_bounds = array<i64: 2, 16>, scalar_prefetch = 0 : i64, scratch_operands = 7 : i64, tpu.core_type = #tpu.core_type<sc_vector_subcore>, window_params = [{transform_indices = #map}, {transform_indices = #map1}, {transform_indices = #map1}, {transform_indices = #map}]} {
    %mul3A = arith.constant 2 : i32
    %mul3A_0 = arith.muli %arg1, %mul3A : i32
    %add3A = arith.addi %mul3A_0, %arg0 : i32
    %jit3A = arith.constant 4 : i32
    %div3A = arith.divsi %add3A, %jit3A : i32
    %sign3A = arith.constant 0 : i32
    %sign3A_1 = arith.cmpi sgt, %add3A, %sign3A : i32
    %sign3A_2 = arith.extui %sign3A_1 : i1 to i32
    %sign3A_3 = arith.constant 0 : i32
    %sign3A_4 = arith.cmpi slt, %add3A, %sign3A_3 : i32
    %sign3A_5 = arith.extui %sign3A_4 : i1 to i32
    %sign3A_6 = arith.subi %sign3A_2, %sign3A_5 : i32
    %sign3A_7 = arith.constant 0 : i32
    %sign3A_8 = arith.cmpi sgt, %jit3A, %sign3A_7 : i32
    %sign3A_9 = arith.extui %sign3A_8 : i1 to i32
    %sign3A_10 = arith.constant 0 : i32
    %sign3A_11 = arith.cmpi slt, %jit3A, %sign3A_10 : i32
    %sign3A_12 = arith.extui %sign3A_11 : i1 to i32
    %sign3A_13 = arith.subi %sign3A_9, %sign3A_12 : i32
    %ne3A = arith.cmpi ne, %sign3A_6, %sign3A_13 : i32
    %rem3A = arith.remsi %add3A, %jit3A : i32
    %ne3A_14 = arith.constant 0 : i32
    %ne3A_15 = arith.cmpi ne, %rem3A, %ne3A_14 : i32
    %and3A = arith.andi %ne3A, %ne3A_15 : i1
    %sub3A = arith.constant 1 : i32
    %sub3A_16 = arith.subi %div3A, %sub3A : i32
    %select_n3A = arith.select %and3A, %sub3A_16, %div3A : i32
    %mul3A_17 = arith.constant 6912 : i32
    %mul3A_18 = arith.muli %add3A, %mul3A_17 : i32
    %mul3A_19 = arith.constant 4 : i32
    %mul3A_20 = arith.muli %select_n3A, %mul3A_19 : i32
    %mul3A_21 = arith.constant 288 : i32
    %mul3A_22 = arith.muli %mul3A_20, %mul3A_21 : i32
    %dma_start3A = tpu.memref_slice %arg3[%mul3A_22] : memref<9216xi32, #tpu.memory_space<hbm>> -> memref<1152xi32, #tpu.memory_space<hbm>>
    %dma_start3A_23 = tpu.memref_slice %arg3[%mul3A_22] : memref<9216xi32, #tpu.memory_space<hbm>> -> memref<1152xi32, #tpu.memory_space<hbm>>
    tpu.enqueue_dma source(%dma_start3A_23 : memref<1152xi32, #tpu.memory_space<hbm>>) target(%arg6 : memref<1152xi32, #tpu.memory_space<vmem>>) target_semaphore(%arg12 : memref<!tpu.dma_semaphore, #tpu.memory_space<semaphore_mem>>)
    %dma_start3A_24 = tpu.memref_slice %arg4[%mul3A_18] : memref<221184xi32, #tpu.memory_space<hbm>> -> memref<6912xi32, #tpu.memory_space<hbm>>
    %dma_start3A_25 = tpu.memref_slice %arg4[%mul3A_18] : memref<221184xi32, #tpu.memory_space<hbm>> -> memref<6912xi32, #tpu.memory_space<hbm>>
    tpu.enqueue_dma source(%dma_start3A_25 : memref<6912xi32, #tpu.memory_space<hbm>>) target(%arg8 : memref<6912xi32, #tpu.memory_space<vmem>>) target_semaphore(%arg12 : memref<!tpu.dma_semaphore, #tpu.memory_space<semaphore_mem>>)
    %dma_wait3A = tpu.memref_slice %arg3[%mul3A_22] : memref<9216xi32, #tpu.memory_space<hbm>> -> memref<1152xi32, #tpu.memory_space<hbm>>
    %dma_wait3A_26 = tpu.memref_slice %arg3[%mul3A_22] : memref<9216xi32, #tpu.memory_space<hbm>> -> memref<1152xi32, #tpu.memory_space<hbm>>
    tpu.wait_dma2 semaphore(%arg12 : memref<!tpu.dma_semaphore, #tpu.memory_space<semaphore_mem>>) src(%dma_wait3A_26 : memref<1152xi32, #tpu.memory_space<hbm>>) dst(%arg6 : memref<1152xi32, #tpu.memory_space<vmem>>)
    %broadcast_in_dim3A = arith.constant 884736 : i32
    %broadcast_in_dim3A_27 = vector.broadcast %broadcast_in_dim3A : i32 to vector<16xi32>
    %broadcast_in_dim3A_28 = arith.constant 48 : i32
    %broadcast_in_dim3A_29 = vector.broadcast %broadcast_in_dim3A_28 : i32 to vector<16xi32>
    %broadcast_in_dim3A_30 = arith.constant 768 : i32
    %broadcast_in_dim3A_31 = vector.broadcast %broadcast_in_dim3A_30 : i32 to vector<16xi32>
    %broadcast_in_dim3A_32 = arith.constant 8 : i32
    %broadcast_in_dim3A_33 = vector.broadcast %broadcast_in_dim3A_32 : i32 to vector<16xi32>
    %broadcast_in_dim3A_34 = arith.constant 64 : i32
    %broadcast_in_dim3A_35 = vector.broadcast %broadcast_in_dim3A_34 : i32 to vector<16xi32>
    %mul3A_36 = arith.constant 110592 : i32
    %mul3A_37 = arith.muli %select_n3A, %mul3A_36 : i32
    %broadcast_in_dim3A_38 = vector.broadcast %mul3A_37 : i32 to vector<16xi32>
    %get3A = arith.constant 0 : index
    %get3A_39 = tpu.vector_load %arg6[%get3A] {strides = array<i32>} : memref<1152xi32, #tpu.memory_space<vmem>>, vector<16xi32>,
    %get3A_40 = arith.constant 288 : index
    %get3A_41 = tpu.vector_load %arg6[%get3A_40] {strides = array<i32>} : memref<1152xi32, #tpu.memory_space<vmem>>, vector<16xi32>,
    %get3A_42 = arith.constant 576 : index
    %get3A_43 = tpu.vector_load %arg6[%get3A_42] {strides = array<i32>} : memref<1152xi32, #tpu.memory_space<vmem>>, vector<16xi32>,
    %get3A_44 = arith.constant 864 : index
    %get3A_45 = tpu.vector_load %arg6[%get3A_44] {strides = array<i32>} : memref<1152xi32, #tpu.memory_space<vmem>>, vector<16xi32>,
    %rem3A_46 = arith.remsi %get3A_41, %broadcast_in_dim3A_29 : vector<16xi32>
    %div3A_47 = arith.divsi %rem3A_46, %broadcast_in_dim3A_33 : vector<16xi32>
    %mul3A_48 = arith.muli %get3A_39, %broadcast_in_dim3A_27 : vector<16xi32>
    %add3A_49 = arith.addi %mul3A_48, %broadcast_in_dim3A_38 : vector<16xi32>
    %div3A_50 = arith.divsi %get3A_41, %broadcast_in_dim3A_29 : vector<16xi32>
    %mul3A_51 = arith.muli %div3A_50, %broadcast_in_dim3A_31 : vector<16xi32>
    %add3A_52 = arith.addi %add3A_49, %mul3A_51 : vector<16xi32>
    %mul3A_53 = arith.muli %div3A_47, %broadcast_in_dim3A_35 : vector<16xi32>
    %add3A_54 = arith.addi %add3A_52, %mul3A_53 : vector<16xi32>
    %rem3A_55 = arith.remsi %get3A_41, %broadcast_in_dim3A_33 : vector<16xi32>
    %add3A_56 = arith.addi %add3A_54, %rem3A_55 : vector<16xi32>
    tpu.vector_store_idx %arg7[%get3A_43], %add3A_56 : memref<576xi32, #tpu.memory_space<vmem>>[vector<16xi32>], vector<16xi32>,
    tpu.vector_store_idx %arg7[%get3A_45], %add3A_56 : memref<576xi32, #tpu.memory_space<vmem>>[vector<16xi32>], vector<16xi32>,
    %get3A_57 = arith.constant 16 : index
    %get3A_58 = tpu.vector_load %arg6[%get3A_57] {strides = array<i32>} : memref<1152xi32, #tpu.memory_space<vmem>>, vector<16xi32>,
    %get3A_59 = arith.constant 304 : index
    %get3A_60 = tpu.vector_load %arg6[%get3A_59] {strides = array<i32>} : memref<1152xi32, #tpu.memory_space<vmem>>, vector<16xi32>,
    %get3A_61 = arith.constant 592 : index
    %get3A_62 = tpu.vector_load %arg6[%get3A_61] {strides = array<i32>} : memref<1152xi32, #tpu.memory_space<vmem>>, vector<16xi32>,
    %get3A_63 = arith.constant 880 : index
    %get3A_64 = tpu.vector_load %arg6[%get3A_63] {strides = array<i32>} : memref<1152xi32, #tpu.memory_space<vmem>>, vector<16xi32>,
    %rem3A_65 = arith.remsi %get3A_60, %broadcast_in_dim3A_29 : vector<16xi32>
    %div3A_66 = arith.divsi %rem3A_65, %broadcast_in_dim3A_33 : vector<16xi32>
    %mul3A_67 = arith.muli %get3A_58, %broadcast_in_dim3A_27 : vector<16xi32>
    %add3A_68 = arith.addi %mul3A_67, %broadcast_in_dim3A_38 : vector<16xi32>
    %div3A_69 = arith.divsi %get3A_60, %broadcast_in_dim3A_29 : vector<16xi32>
    %mul3A_70 = arith.muli %div3A_69, %broadcast_in_dim3A_31 : vector<16xi32>
    %add3A_71 = arith.addi %add3A_68, %mul3A_70 : vector<16xi32>
    %mul3A_72 = arith.muli %div3A_66, %broadcast_in_dim3A_35 : vector<16xi32>
    %add3A_73 = arith.addi %add3A_71, %mul3A_72 : vector<16xi32>
    %rem3A_74 = arith.remsi %get3A_60, %broadcast_in_dim3A_33 : vector<16xi32>
    %add3A_75 = arith.addi %add3A_73, %rem3A_74 : vector<16xi32>
    tpu.vector_store_idx %arg7[%get3A_62], %add3A_75 : memref<576xi32, #tpu.memory_space<vmem>>[vector<16xi32>], vector<16xi32>,
    tpu.vector_store_idx %arg7[%get3A_64], %add3A_75 : memref<576xi32, #tpu.memory_space<vmem>>[vector<16xi32>], vector<16xi32>,
    %get3A_76 = arith.constant 32 : index
    %get3A_77 = tpu.vector_load %arg6[%get3A_76] {strides = array<i32>} : memref<1152xi32, #tpu.memory_space<vmem>>, vector<16xi32>,
    %get3A_78 = arith.constant 320 : index
    %get3A_79 = tpu.vector_load %arg6[%get3A_78] {strides = array<i32>} : memref<1152xi32, #tpu.memory_space<vmem>>, vector<16xi32>,
    %get3A_80 = arith.constant 608 : index
    %get3A_81 = tpu.vector_load %arg6[%get3A_80] {strides = array<i32>} : memref<1152xi32, #tpu.memory_space<vmem>>, vector<16xi32>,
    %get3A_82 = arith.constant 896 : index
    %get3A_83 = tpu.vector_load %arg6[%get3A_82] {strides = array<i32>} : memref<1152xi32, #tpu.memory_space<vmem>>, vector<16xi32>,
    %rem3A_84 = arith.remsi %get3A_79, %broadcast_in_dim3A_29 : vector<16xi32>
    %div3A_85 = arith.divsi %rem3A_84, %broadcast_in_dim3A_33 : vector<16xi32>
    %mul3A_86 = arith.muli %get3A_77, %broadcast_in_dim3A_27 : vector<16xi32>
    %add3A_87 = arith.addi %mul3A_86, %broadcast_in_dim3A_38 : vector<16xi32>
    %div3A_88 = arith.divsi %get3A_79, %broadcast_in_dim3A_29 : vector<16xi32>
    %mul3A_89 = arith.muli %div3A_88, %broadcast_in_dim3A_31 : vector<16xi32>
    %add3A_90 = arith.addi %add3A_87, %mul3A_89 : vector<16xi32>
    %mul3A_91 = arith.muli %div3A_85, %broadcast_in_dim3A_35 : vector<16xi32>
    %add3A_92 = arith.addi %add3A_90, %mul3A_91 : vector<16xi32>
    %rem3A_93 = arith.remsi %get3A_79, %broadcast_in_dim3A_33 : vector<16xi32>
    %add3A_94 = arith.addi %add3A_92, %rem3A_93 : vector<16xi32>
    tpu.vector_store_idx %arg7[%get3A_81], %add3A_94 : memref<576xi32, #tpu.memory_space<vmem>>[vector<16xi32>], vector<16xi32>,
    tpu.vector_store_idx %arg7[%get3A_83], %add3A_94 : memref<576xi32, #tpu.memory_space<vmem>>[vector<16xi32>], vector<16xi32>,
    %get3A_95 = arith.constant 48 : index
    %get3A_96 = tpu.vector_load %arg6[%get3A_95] {strides = array<i32>} : memref<1152xi32, #tpu.memory_space<vmem>>, vector<16xi32>,
    %get3A_97 = arith.constant 336 : index
    %get3A_98 = tpu.vector_load %arg6[%get3A_97] {strides = array<i32>} : memref<1152xi32, #tpu.memory_space<vmem>>, vector<16xi32>,
    %get3A_99 = arith.constant 624 : index
    %get3A_100 = tpu.vector_load %arg6[%get3A_99] {strides = array<i32>} : memref<1152xi32, #tpu.memory_space<vmem>>, vector<16xi32>,
    %get3A_101 = arith.constant 912 : index
    %get3A_102 = tpu.vector_load %arg6[%get3A_101] {strides = array<i32>} : memref<1152xi32, #tpu.memory_space<vmem>>, vector<16xi32>,
    %rem3A_103 = arith.remsi %get3A_98, %broadcast_in_dim3A_29 : vector<16xi32>
    %div3A_104 = arith.divsi %rem3A_103, %broadcast_in_dim3A_33 : vector<16xi32>
    %mul3A_105 = arith.muli %get3A_96, %broadcast_in_dim3A_27 : vector<16xi32>
    %add3A_106 = arith.addi %mul3A_105, %broadcast_in_dim3A_38 : vector<16xi32>
    %div3A_107 = arith.divsi %get3A_98, %broadcast_in_dim3A_29 : vector<16xi32>
    %mul3A_108 = arith.muli %div3A_107, %broadcast_in_dim3A_31 : vector<16xi32>
    %add3A_109 = arith.addi %add3A_106, %mul3A_108 : vector<16xi32>
    %mul3A_110 = arith.muli %div3A_104, %broadcast_in_dim3A_35 : vector<16xi32>
    %add3A_111 = arith.addi %add3A_109, %mul3A_110 : vector<16xi32>
    %rem3A_112 = arith.remsi %get3A_98, %broadcast_in_dim3A_33 : vector<16xi32>
    %add3A_113 = arith.addi %add3A_111, %rem3A_112 : vector<16xi32>
    tpu.vector_store_idx %arg7[%get3A_100], %add3A_113 : memref<576xi32, #tpu.memory_space<vmem>>[vector<16xi32>], vector<16xi32>,
    tpu.vector_store_idx %arg7[%get3A_102], %add3A_113 : memref<576xi32, #tpu.memory_space<vmem>>[vector<16xi32>], vector<16xi32>,
    %get3A_114 = arith.constant 64 : index
    %get3A_115 = tpu.vector_load %arg6[%get3A_114] {strides = array<i32>} : memref<1152xi32, #tpu.memory_space<vmem>>, vector<16xi32>,
    %get3A_116 = arith.constant 352 : index
    %get3A_117 = tpu.vector_load %arg6[%get3A_116] {strides = array<i32>} : memref<1152xi32, #tpu.memory_space<vmem>>, vector<16xi32>,
    %get3A_118 = arith.constant 640 : index
    %get3A_119 = tpu.vector_load %arg6[%get3A_118] {strides = array<i32>} : memref<1152xi32, #tpu.memory_space<vmem>>, vector<16xi32>,
    %get3A_120 = arith.constant 928 : index
    %get3A_121 = tpu.vector_load %arg6[%get3A_120] {strides = array<i32>} : memref<1152xi32, #tpu.memory_space<vmem>>, vector<16xi32>,
    %rem3A_122 = arith.remsi %get3A_117, %broadcast_in_dim3A_29 : vector<16xi32>
    %div3A_123 = arith.divsi %rem3A_122, %broadcast_in_dim3A_33 : vector<16xi32>
    %mul3A_124 = arith.muli %get3A_115, %broadcast_in_dim3A_27 : vector<16xi32>
    %add3A_125 = arith.addi %mul3A_124, %broadcast_in_dim3A_38 : vector<16xi32>
    %div3A_126 = arith.divsi %get3A_117, %broadcast_in_dim3A_29 : vector<16xi32>
    %mul3A_127 = arith.muli %div3A_126, %broadcast_in_dim3A_31 : vector<16xi32>
    %add3A_128 = arith.addi %add3A_125, %mul3A_127 : vector<16xi32>
    %mul3A_129 = arith.muli %div3A_123, %broadcast_in_dim3A_35 : vector<16xi32>
    %add3A_130 = arith.addi %add3A_128, %mul3A_129 : vector<16xi32>
    %rem3A_131 = arith.remsi %get3A_117, %broadcast_in_dim3A_33 : vector<16xi32>
    %add3A_132 = arith.addi %add3A_130, %rem3A_131 : vector<16xi32>
    tpu.vector_store_idx %arg7[%get3A_119], %add3A_132 : memref<576xi32, #tpu.memory_space<vmem>>[vector<16xi32>], vector<16xi32>,
    tpu.vector_store_idx %arg7[%get3A_121], %add3A_132 : memref<576xi32, #tpu.memory_space<vmem>>[vector<16xi32>], vector<16xi32>,
    %get3A_133 = arith.constant 80 : index
    %get3A_134 = tpu.vector_load %arg6[%get3A_133] {strides = array<i32>} : memref<1152xi32, #tpu.memory_space<vmem>>, vector<16xi32>,
    %get3A_135 = arith.constant 368 : index
    %get3A_136 = tpu.vector_load %arg6[%get3A_135] {strides = array<i32>} : memref<1152xi32, #tpu.memory_space<vmem>>, vector<16xi32>,
    %get3A_137 = arith.constant 656 : index
    %get3A_138 = tpu.vector_load %arg6[%get3A_137] {strides = array<i32>} : memref<1152xi32, #tpu.memory_space<vmem>>, vector<16xi32>,
    %get3A_139 = arith.constant 944 : index
    %get3A_140 = tpu.vector_load %arg6[%get3A_139] {strides = array<i32>} : memref<1152xi32, #tpu.memory_space<vmem>>, vector<16xi32>,
    %rem3A_141 = arith.remsi %get3A_136, %broadcast_in_dim3A_29 : vector<16xi32>
    %div3A_142 = arith.divsi %rem3A_141, %broadcast_in_dim3A_33 : vector<16xi32>
    %mul3A_143 = arith.muli %get3A_134, %broadcast_in_dim3A_27 : vector<16xi32>
    %add3A_144 = arith.addi %mul3A_143, %broadcast_in_dim3A_38 : vector<16xi32>
    %div3A_145 = arith.divsi %get3A_136, %broadcast_in_dim3A_29 : vector<16xi32>
    %mul3A_146 = arith.muli %div3A_145, %broadcast_in_dim3A_31 : vector<16xi32>
    %add3A_147 = arith.addi %add3A_144, %mul3A_146 : vector<16xi32>
    %mul3A_148 = arith.muli %div3A_142, %broadcast_in_dim3A_35 : vector<16xi32>
    %add3A_149 = arith.addi %add3A_147, %mul3A_148 : vector<16xi32>
    %rem3A_150 = arith.remsi %get3A_136, %broadcast_in_dim3A_33 : vector<16xi32>
    %add3A_151 = arith.addi %add3A_149, %rem3A_150 : vector<16xi32>
    tpu.vector_store_idx %arg7[%get3A_138], %add3A_151 : memref<576xi32, #tpu.memory_space<vmem>>[vector<16xi32>], vector<16xi32>,
    tpu.vector_store_idx %arg7[%get3A_140], %add3A_151 : memref<576xi32, #tpu.memory_space<vmem>>[vector<16xi32>], vector<16xi32>,
    %get3A_152 = arith.constant 96 : index
    %get3A_153 = tpu.vector_load %arg6[%get3A_152] {strides = array<i32>} : memref<1152xi32, #tpu.memory_space<vmem>>, vector<16xi32>,
    %get3A_154 = arith.constant 384 : index
    %get3A_155 = tpu.vector_load %arg6[%get3A_154] {strides = array<i32>} : memref<1152xi32, #tpu.memory_space<vmem>>, vector<16xi32>,
    %get3A_156 = arith.constant 672 : index
    %get3A_157 = tpu.vector_load %arg6[%get3A_156] {strides = array<i32>} : memref<1152xi32, #tpu.memory_space<vmem>>, vector<16xi32>,
    %get3A_158 = arith.constant 960 : index
    %get3A_159 = tpu.vector_load %arg6[%get3A_158] {strides = array<i32>} : memref<1152xi32, #tpu.memory_space<vmem>>, vector<16xi32>,
    %rem3A_160 = arith.remsi %get3A_155, %broadcast_in_dim3A_29 : vector<16xi32>
    %div3A_161 = arith.divsi %rem3A_160, %broadcast_in_dim3A_33 : vector<16xi32>
    %mul3A_162 = arith.muli %get3A_153, %broadcast_in_dim3A_27 : vector<16xi32>
    %add3A_163 = arith.addi %mul3A_162, %broadcast_in_dim3A_38 : vector<16xi32>
    %div3A_164 = arith.divsi %get3A_155, %broadcast_in_dim3A_29 : vector<16xi32>
    %mul3A_165 = arith.muli %div3A_164, %broadcast_in_dim3A_31 : vector<16xi32>
    %add3A_166 = arith.addi %add3A_163, %mul3A_165 : vector<16xi32>
    %mul3A_167 = arith.muli %div3A_161, %broadcast_in_dim3A_35 : vector<16xi32>
    %add3A_168 = arith.addi %add3A_166, %mul3A_167 : vector<16xi32>
    %rem3A_169 = arith.remsi %get3A_155, %broadcast_in_dim3A_33 : vector<16xi32>
    %add3A_170 = arith.addi %add3A_168, %rem3A_169 : vector<16xi32>
    tpu.vector_store_idx %arg7[%get3A_157], %add3A_170 : memref<576xi32, #tpu.memory_space<vmem>>[vector<16xi32>], vector<16xi32>,
    tpu.vector_store_idx %arg7[%get3A_159], %add3A_170 : memref<576xi32, #tpu.memory_space<vmem>>[vector<16xi32>], vector<16xi32>,
    %get3A_171 = arith.constant 112 : index
    %get3A_172 = tpu.vector_load %arg6[%get3A_171] {strides = array<i32>} : memref<1152xi32, #tpu.memory_space<vmem>>, vector<16xi32>,
    %get3A_173 = arith.constant 400 : index
    %get3A_174 = tpu.vector_load %arg6[%get3A_173] {strides = array<i32>} : memref<1152xi32, #tpu.memory_space<vmem>>, vector<16xi32>,
    %get3A_175 = arith.constant 688 : index
    %get3A_176 = tpu.vector_load %arg6[%get3A_175] {strides = array<i32>} : memref<1152xi32, #tpu.memory_space<vmem>>, vector<16xi32>,
    %get3A_177 = arith.constant 976 : index
    %get3A_178 = tpu.vector_load %arg6[%get3A_177] {strides = array<i32>} : memref<1152xi32, #tpu.memory_space<vmem>>, vector<16xi32>,
    %rem3A_179 = arith.remsi %get3A_174, %broadcast_in_dim3A_29 : vector<16xi32>
    %div3A_180 = arith.divsi %rem3A_179, %broadcast_in_dim3A_33 : vector<16xi32>
    %mul3A_181 = arith.muli %get3A_172, %broadcast_in_dim3A_27 : vector<16xi32>
    %add3A_182 = arith.addi %mul3A_181, %broadcast_in_dim3A_38 : vector<16xi32>
    %div3A_183 = arith.divsi %get3A_174, %broadcast_in_dim3A_29 : vector<16xi32>
    %mul3A_184 = arith.muli %div3A_183, %broadcast_in_dim3A_31 : vector<16xi32>
    %add3A_185 = arith.addi %add3A_182, %mul3A_184 : vector<16xi32>
    %mul3A_186 = arith.muli %div3A_180, %broadcast_in_dim3A_35 : vector<16xi32>
    %add3A_187 = arith.addi %add3A_185, %mul3A_186 : vector<16xi32>
    %rem3A_188 = arith.remsi %get3A_174, %broadcast_in_dim3A_33 : vector<16xi32>
    %add3A_189 = arith.addi %add3A_187, %rem3A_188 : vector<16xi32>
    tpu.vector_store_idx %arg7[%get3A_176], %add3A_189 : memref<576xi32, #tpu.memory_space<vmem>>[vector<16xi32>], vector<16xi32>,
    tpu.vector_store_idx %arg7[%get3A_178], %add3A_189 : memref<576xi32, #tpu.memory_space<vmem>>[vector<16xi32>], vector<16xi32>,
    %get3A_190 = arith.constant 128 : index
    %get3A_191 = tpu.vector_load %arg6[%get3A_190] {strides = array<i32>} : memref<1152xi32, #tpu.memory_space<vmem>>, vector<16xi32>,
    %get3A_192 = arith.constant 416 : index
    %get3A_193 = tpu.vector_load %arg6[%get3A_192] {strides = array<i32>} : memref<1152xi32, #tpu.memory_space<vmem>>, vector<16xi32>,
    %get3A_194 = arith.constant 704 : index
    %get3A_195 = tpu.vector_load %arg6[%get3A_194] {strides = array<i32>} : memref<1152xi32, #tpu.memory_space<vmem>>, vector<16xi32>,
    %get3A_196 = arith.constant 992 : index
    %get3A_197 = tpu.vector_load %arg6[%get3A_196] {strides = array<i32>} : memref<1152xi32, #tpu.memory_space<vmem>>, vector<16xi32>,
    %rem3A_198 = arith.remsi %get3A_193, %broadcast_in_dim3A_29 : vector<16xi32>
    %div3A_199 = arith.divsi %rem3A_198, %broadcast_in_dim3A_33 : vector<16xi32>
    %mul3A_200 = arith.muli %get3A_191, %broadcast_in_dim3A_27 : vector<16xi32>
    %add3A_201 = arith.addi %mul3A_200, %broadcast_in_dim3A_38 : vector<16xi32>
    %div3A_202 = arith.divsi %get3A_193, %broadcast_in_dim3A_29 : vector<16xi32>
    %mul3A_203 = arith.muli %div3A_202, %broadcast_in_dim3A_31 : vector<16xi32>
    %add3A_204 = arith.addi %add3A_201, %mul3A_203 : vector<16xi32>
    %mul3A_205 = arith.muli %div3A_199, %broadcast_in_dim3A_35 : vector<16xi32>
    %add3A_206 = arith.addi %add3A_204, %mul3A_205 : vector<16xi32>
    %rem3A_207 = arith.remsi %get3A_193, %broadcast_in_dim3A_33 : vector<16xi32>
    %add3A_208 = arith.addi %add3A_206, %rem3A_207 : vector<16xi32>
    tpu.vector_store_idx %arg7[%get3A_195], %add3A_208 : memref<576xi32, #tpu.memory_space<vmem>>[vector<16xi32>], vector<16xi32>,
    tpu.vector_store_idx %arg7[%get3A_197], %add3A_208 : memref<576xi32, #tpu.memory_space<vmem>>[vector<16xi32>], vector<16xi32>,
    %get3A_209 = arith.constant 144 : index
    %get3A_210 = tpu.vector_load %arg6[%get3A_209] {strides = array<i32>} : memref<1152xi32, #tpu.memory_space<vmem>>, vector<16xi32>,
    %get3A_211 = arith.constant 432 : index
    %get3A_212 = tpu.vector_load %arg6[%get3A_211] {strides = array<i32>} : memref<1152xi32, #tpu.memory_space<vmem>>, vector<16xi32>,
    %get3A_213 = arith.constant 720 : index
    %get3A_214 = tpu.vector_load %arg6[%get3A_213] {strides = array<i32>} : memref<1152xi32, #tpu.memory_space<vmem>>, vector<16xi32>,
    %get3A_215 = arith.constant 1008 : index
    %get3A_216 = tpu.vector_load %arg6[%get3A_215] {strides = array<i32>} : memref<1152xi32, #tpu.memory_space<vmem>>, vector<16xi32>,
    %rem3A_217 = arith.remsi %get3A_212, %broadcast_in_dim3A_29 : vector<16xi32>
    %div3A_218 = arith.divsi %rem3A_217, %broadcast_in_dim3A_33 : vector<16xi32>
    %mul3A_219 = arith.muli %get3A_210, %broadcast_in_dim3A_27 : vector<16xi32>
    %add3A_220 = arith.addi %mul3A_219, %broadcast_in_dim3A_38 : vector<16xi32>
    %div3A_221 = arith.divsi %get3A_212, %broadcast_in_dim3A_29 : vector<16xi32>
    %mul3A_222 = arith.muli %div3A_221, %broadcast_in_dim3A_31 : vector<16xi32>
    %add3A_223 = arith.addi %add3A_220, %mul3A_222 : vector<16xi32>
    %mul3A_224 = arith.muli %div3A_218, %broadcast_in_dim3A_35 : vector<16xi32>
    %add3A_225 = arith.addi %add3A_223, %mul3A_224 : vector<16xi32>
    %rem3A_226 = arith.remsi %get3A_212, %broadcast_in_dim3A_33 : vector<16xi32>
    %add3A_227 = arith.addi %add3A_225, %rem3A_226 : vector<16xi32>
    tpu.vector_store_idx %arg7[%get3A_214], %add3A_227 : memref<576xi32, #tpu.memory_space<vmem>>[vector<16xi32>], vector<16xi32>,
    tpu.vector_store_idx %arg7[%get3A_216], %add3A_227 : memref<576xi32, #tpu.memory_space<vmem>>[vector<16xi32>], vector<16xi32>,
    %get3A_228 = arith.constant 160 : index
    %get3A_229 = tpu.vector_load %arg6[%get3A_228] {strides = array<i32>} : memref<1152xi32, #tpu.memory_space<vmem>>, vector<16xi32>,
    %get3A_230 = arith.constant 448 : index
    %get3A_231 = tpu.vector_load %arg6[%get3A_230] {strides = array<i32>} : memref<1152xi32, #tpu.memory_space<vmem>>, vector<16xi32>,
    %get3A_232 = arith.constant 736 : index
    %get3A_233 = tpu.vector_load %arg6[%get3A_232] {strides = array<i32>} : memref<1152xi32, #tpu.memory_space<vmem>>, vector<16xi32>,
    %get3A_234 = arith.constant 1024 : index
    %get3A_235 = tpu.vector_load %arg6[%get3A_234] {strides = array<i32>} : memref<1152xi32, #tpu.memory_space<vmem>>, vector<16xi32>,
    %rem3A_236 = arith.remsi %get3A_231, %broadcast_in_dim3A_29 : vector<16xi32>
    %div3A_237 = arith.divsi %rem3A_236, %broadcast_in_dim3A_33 : vector<16xi32>
    %mul3A_238 = arith.muli %get3A_229, %broadcast_in_dim3A_27 : vector<16xi32>
    %add3A_239 = arith.addi %mul3A_238, %broadcast_in_dim3A_38 : vector<16xi32>
    %div3A_240 = arith.divsi %get3A_231, %broadcast_in_dim3A_29 : vector<16xi32>
    %mul3A_241 = arith.muli %div3A_240, %broadcast_in_dim3A_31 : vector<16xi32>
    %add3A_242 = arith.addi %add3A_239, %mul3A_241 : vector<16xi32>
    %mul3A_243 = arith.muli %div3A_237, %broadcast_in_dim3A_35 : vector<16xi32>
    %add3A_244 = arith.addi %add3A_242, %mul3A_243 : vector<16xi32>
    %rem3A_245 = arith.remsi %get3A_231, %broadcast_in_dim3A_33 : vector<16xi32>
    %add3A_246 = arith.addi %add3A_244, %rem3A_245 : vector<16xi32>
    tpu.vector_store_idx %arg7[%get3A_233], %add3A_246 : memref<576xi32, #tpu.memory_space<vmem>>[vector<16xi32>], vector<16xi32>,
    tpu.vector_store_idx %arg7[%get3A_235], %add3A_246 : memref<576xi32, #tpu.memory_space<vmem>>[vector<16xi32>], vector<16xi32>,
    %get3A_247 = arith.constant 176 : index
    %get3A_248 = tpu.vector_load %arg6[%get3A_247] {strides = array<i32>} : memref<1152xi32, #tpu.memory_space<vmem>>, vector<16xi32>,
    %get3A_249 = arith.constant 464 : index
    %get3A_250 = tpu.vector_load %arg6[%get3A_249] {strides = array<i32>} : memref<1152xi32, #tpu.memory_space<vmem>>, vector<16xi32>,
    %get3A_251 = arith.constant 752 : index
    %get3A_252 = tpu.vector_load %arg6[%get3A_251] {strides = array<i32>} : memref<1152xi32, #tpu.memory_space<vmem>>, vector<16xi32>,
    %get3A_253 = arith.constant 1040 : index
    %get3A_254 = tpu.vector_load %arg6[%get3A_253] {strides = array<i32>} : memref<1152xi32, #tpu.memory_space<vmem>>, vector<16xi32>,
    %rem3A_255 = arith.remsi %get3A_250, %broadcast_in_dim3A_29 : vector<16xi32>
    %div3A_256 = arith.divsi %rem3A_255, %broadcast_in_dim3A_33 : vector<16xi32>
    %mul3A_257 = arith.muli %get3A_248, %broadcast_in_dim3A_27 : vector<16xi32>
    %add3A_258 = arith.addi %mul3A_257, %broadcast_in_dim3A_38 : vector<16xi32>
    %div3A_259 = arith.divsi %get3A_250, %broadcast_in_dim3A_29 : vector<16xi32>
    %mul3A_260 = arith.muli %div3A_259, %broadcast_in_dim3A_31 : vector<16xi32>
    %add3A_261 = arith.addi %add3A_258, %mul3A_260 : vector<16xi32>
    %mul3A_262 = arith.muli %div3A_256, %broadcast_in_dim3A_35 : vector<16xi32>
    %add3A_263 = arith.addi %add3A_261, %mul3A_262 : vector<16xi32>
    %rem3A_264 = arith.remsi %get3A_250, %broadcast_in_dim3A_33 : vector<16xi32>
    %add3A_265 = arith.addi %add3A_263, %rem3A_264 : vector<16xi32>
    tpu.vector_store_idx %arg7[%get3A_252], %add3A_265 : memref<576xi32, #tpu.memory_space<vmem>>[vector<16xi32>], vector<16xi32>,
    tpu.vector_store_idx %arg7[%get3A_254], %add3A_265 : memref<576xi32, #tpu.memory_space<vmem>>[vector<16xi32>], vector<16xi32>,
    %get3A_266 = arith.constant 192 : index
    %get3A_267 = tpu.vector_load %arg6[%get3A_266] {strides = array<i32>} : memref<1152xi32, #tpu.memory_space<vmem>>, vector<16xi32>,
    %get3A_268 = arith.constant 480 : index
    %get3A_269 = tpu.vector_load %arg6[%get3A_268] {strides = array<i32>} : memref<1152xi32, #tpu.memory_space<vmem>>, vector<16xi32>,
    %get3A_270 = arith.constant 768 : index
    %get3A_271 = tpu.vector_load %arg6[%get3A_270] {strides = array<i32>} : memref<1152xi32, #tpu.memory_space<vmem>>, vector<16xi32>,
    %get3A_272 = arith.constant 1056 : index
    %get3A_273 = tpu.vector_load %arg6[%get3A_272] {strides = array<i32>} : memref<1152xi32, #tpu.memory_space<vmem>>, vector<16xi32>,
    %rem3A_274 = arith.remsi %get3A_269, %broadcast_in_dim3A_29 : vector<16xi32>
    %div3A_275 = arith.divsi %rem3A_274, %broadcast_in_dim3A_33 : vector<16xi32>
    %mul3A_276 = arith.muli %get3A_267, %broadcast_in_dim3A_27 : vector<16xi32>
    %add3A_277 = arith.addi %mul3A_276, %broadcast_in_dim3A_38 : vector<16xi32>
    %div3A_278 = arith.divsi %get3A_269, %broadcast_in_dim3A_29 : vector<16xi32>
    %mul3A_279 = arith.muli %div3A_278, %broadcast_in_dim3A_31 : vector<16xi32>
    %add3A_280 = arith.addi %add3A_277, %mul3A_279 : vector<16xi32>
    %mul3A_281 = arith.muli %div3A_275, %broadcast_in_dim3A_35 : vector<16xi32>
    %add3A_282 = arith.addi %add3A_280, %mul3A_281 : vector<16xi32>
    %rem3A_283 = arith.remsi %get3A_269, %broadcast_in_dim3A_33 : vector<16xi32>
    %add3A_284 = arith.addi %add3A_282, %rem3A_283 : vector<16xi32>
    tpu.vector_store_idx %arg7[%get3A_271], %add3A_284 : memref<576xi32, #tpu.memory_space<vmem>>[vector<16xi32>], vector<16xi32>,
    tpu.vector_store_idx %arg7[%get3A_273], %add3A_284 : memref<576xi32, #tpu.memory_space<vmem>>[vector<16xi32>], vector<16xi32>,
    %get3A_285 = arith.constant 208 : index
    %get3A_286 = tpu.vector_load %arg6[%get3A_285] {strides = array<i32>} : memref<1152xi32, #tpu.memory_space<vmem>>, vector<16xi32>,
    %get3A_287 = arith.constant 496 : index
    %get3A_288 = tpu.vector_load %arg6[%get3A_287] {strides = array<i32>} : memref<1152xi32, #tpu.memory_space<vmem>>, vector<16xi32>,
    %get3A_289 = arith.constant 784 : index
    %get3A_290 = tpu.vector_load %arg6[%get3A_289] {strides = array<i32>} : memref<1152xi32, #tpu.memory_space<vmem>>, vector<16xi32>,
    %get3A_291 = arith.constant 1072 : index
    %get3A_292 = tpu.vector_load %arg6[%get3A_291] {strides = array<i32>} : memref<1152xi32, #tpu.memory_space<vmem>>, vector<16xi32>,
    %rem3A_293 = arith.remsi %get3A_288, %broadcast_in_dim3A_29 : vector<16xi32>
    %div3A_294 = arith.divsi %rem3A_293, %broadcast_in_dim3A_33 : vector<16xi32>
    %mul3A_295 = arith.muli %get3A_286, %broadcast_in_dim3A_27 : vector<16xi32>
    %add3A_296 = arith.addi %mul3A_295, %broadcast_in_dim3A_38 : vector<16xi32>
    %div3A_297 = arith.divsi %get3A_288, %broadcast_in_dim3A_29 : vector<16xi32>
    %mul3A_298 = arith.muli %div3A_297, %broadcast_in_dim3A_31 : vector<16xi32>
    %add3A_299 = arith.addi %add3A_296, %mul3A_298 : vector<16xi32>
    %mul3A_300 = arith.muli %div3A_294, %broadcast_in_dim3A_35 : vector<16xi32>
    %add3A_301 = arith.addi %add3A_299, %mul3A_300 : vector<16xi32>
    %rem3A_302 = arith.remsi %get3A_288, %broadcast_in_dim3A_33 : vector<16xi32>
    %add3A_303 = arith.addi %add3A_301, %rem3A_302 : vector<16xi32>
    tpu.vector_store_idx %arg7[%get3A_290], %add3A_303 : memref<576xi32, #tpu.memory_space<vmem>>[vector<16xi32>], vector<16xi32>,
    tpu.vector_store_idx %arg7[%get3A_292], %add3A_303 : memref<576xi32, #tpu.memory_space<vmem>>[vector<16xi32>], vector<16xi32>,
    %get3A_304 = arith.constant 224 : index
    %get3A_305 = tpu.vector_load %arg6[%get3A_304] {strides = array<i32>} : memref<1152xi32, #tpu.memory_space<vmem>>, vector<16xi32>,
    %get3A_306 = arith.constant 512 : index
    %get3A_307 = tpu.vector_load %arg6[%get3A_306] {strides = array<i32>} : memref<1152xi32, #tpu.memory_space<vmem>>, vector<16xi32>,
    %get3A_308 = arith.constant 800 : index
    %get3A_309 = tpu.vector_load %arg6[%get3A_308] {strides = array<i32>} : memref<1152xi32, #tpu.memory_space<vmem>>, vector<16xi32>,
    %get3A_310 = arith.constant 1088 : index
    %get3A_311 = tpu.vector_load %arg6[%get3A_310] {strides = array<i32>} : memref<1152xi32, #tpu.memory_space<vmem>>, vector<16xi32>,
    %rem3A_312 = arith.remsi %get3A_307, %broadcast_in_dim3A_29 : vector<16xi32>
    %div3A_313 = arith.divsi %rem3A_312, %broadcast_in_dim3A_33 : vector<16xi32>
    %mul3A_314 = arith.muli %get3A_305, %broadcast_in_dim3A_27 : vector<16xi32>
    %add3A_315 = arith.addi %mul3A_314, %broadcast_in_dim3A_38 : vector<16xi32>
    %div3A_316 = arith.divsi %get3A_307, %broadcast_in_dim3A_29 : vector<16xi32>
    %mul3A_317 = arith.muli %div3A_316, %broadcast_in_dim3A_31 : vector<16xi32>
    %add3A_318 = arith.addi %add3A_315, %mul3A_317 : vector<16xi32>
    %mul3A_319 = arith.muli %div3A_313, %broadcast_in_dim3A_35 : vector<16xi32>
    %add3A_320 = arith.addi %add3A_318, %mul3A_319 : vector<16xi32>
    %rem3A_321 = arith.remsi %get3A_307, %broadcast_in_dim3A_33 : vector<16xi32>
    %add3A_322 = arith.addi %add3A_320, %rem3A_321 : vector<16xi32>
    tpu.vector_store_idx %arg7[%get3A_309], %add3A_322 : memref<576xi32, #tpu.memory_space<vmem>>[vector<16xi32>], vector<16xi32>,
    tpu.vector_store_idx %arg7[%get3A_311], %add3A_322 : memref<576xi32, #tpu.memory_space<vmem>>[vector<16xi32>], vector<16xi32>,
    %get3A_323 = arith.constant 240 : index
    %get3A_324 = tpu.vector_load %arg6[%get3A_323] {strides = array<i32>} : memref<1152xi32, #tpu.memory_space<vmem>>, vector<16xi32>,
    %get3A_325 = arith.constant 528 : index
    %get3A_326 = tpu.vector_load %arg6[%get3A_325] {strides = array<i32>} : memref<1152xi32, #tpu.memory_space<vmem>>, vector<16xi32>,
    %get3A_327 = arith.constant 816 : index
    %get3A_328 = tpu.vector_load %arg6[%get3A_327] {strides = array<i32>} : memref<1152xi32, #tpu.memory_space<vmem>>, vector<16xi32>,
    %get3A_329 = arith.constant 1104 : index
    %get3A_330 = tpu.vector_load %arg6[%get3A_329] {strides = array<i32>} : memref<1152xi32, #tpu.memory_space<vmem>>, vector<16xi32>,
    %rem3A_331 = arith.remsi %get3A_326, %broadcast_in_dim3A_29 : vector<16xi32>
    %div3A_332 = arith.divsi %rem3A_331, %broadcast_in_dim3A_33 : vector<16xi32>
    %mul3A_333 = arith.muli %get3A_324, %broadcast_in_dim3A_27 : vector<16xi32>
    %add3A_334 = arith.addi %mul3A_333, %broadcast_in_dim3A_38 : vector<16xi32>
    %div3A_335 = arith.divsi %get3A_326, %broadcast_in_dim3A_29 : vector<16xi32>
    %mul3A_336 = arith.muli %div3A_335, %broadcast_in_dim3A_31 : vector<16xi32>
    %add3A_337 = arith.addi %add3A_334, %mul3A_336 : vector<16xi32>
    %mul3A_338 = arith.muli %div3A_332, %broadcast_in_dim3A_35 : vector<16xi32>
    %add3A_339 = arith.addi %add3A_337, %mul3A_338 : vector<16xi32>
    %rem3A_340 = arith.remsi %get3A_326, %broadcast_in_dim3A_33 : vector<16xi32>
    %add3A_341 = arith.addi %add3A_339, %rem3A_340 : vector<16xi32>
    tpu.vector_store_idx %arg7[%get3A_328], %add3A_341 : memref<576xi32, #tpu.memory_space<vmem>>[vector<16xi32>], vector<16xi32>,
    tpu.vector_store_idx %arg7[%get3A_330], %add3A_341 : memref<576xi32, #tpu.memory_space<vmem>>[vector<16xi32>], vector<16xi32>,
    %get3A_342 = arith.constant 256 : index
    %get3A_343 = tpu.vector_load %arg6[%get3A_342] {strides = array<i32>} : memref<1152xi32, #tpu.memory_space<vmem>>, vector<16xi32>,
    %get3A_344 = arith.constant 544 : index
    %get3A_345 = tpu.vector_load %arg6[%get3A_344] {strides = array<i32>} : memref<1152xi32, #tpu.memory_space<vmem>>, vector<16xi32>,
    %get3A_346 = arith.constant 832 : index
    %get3A_347 = tpu.vector_load %arg6[%get3A_346] {strides = array<i32>} : memref<1152xi32, #tpu.memory_space<vmem>>, vector<16xi32>,
    %get3A_348 = arith.constant 1120 : index
    %get3A_349 = tpu.vector_load %arg6[%get3A_348] {strides = array<i32>} : memref<1152xi32, #tpu.memory_space<vmem>>, vector<16xi32>,
    %rem3A_350 = arith.remsi %get3A_345, %broadcast_in_dim3A_29 : vector<16xi32>
    %div3A_351 = arith.divsi %rem3A_350, %broadcast_in_dim3A_33 : vector<16xi32>
    %mul3A_352 = arith.muli %get3A_343, %broadcast_in_dim3A_27 : vector<16xi32>
    %add3A_353 = arith.addi %mul3A_352, %broadcast_in_dim3A_38 : vector<16xi32>
    %div3A_354 = arith.divsi %get3A_345, %broadcast_in_dim3A_29 : vector<16xi32>
    %mul3A_355 = arith.muli %div3A_354, %broadcast_in_dim3A_31 : vector<16xi32>
    %add3A_356 = arith.addi %add3A_353, %mul3A_355 : vector<16xi32>
    %mul3A_357 = arith.muli %div3A_351, %broadcast_in_dim3A_35 : vector<16xi32>
    %add3A_358 = arith.addi %add3A_356, %mul3A_357 : vector<16xi32>
    %rem3A_359 = arith.remsi %get3A_345, %broadcast_in_dim3A_33 : vector<16xi32>
    %add3A_360 = arith.addi %add3A_358, %rem3A_359 : vector<16xi32>
    tpu.vector_store_idx %arg7[%get3A_347], %add3A_360 : memref<576xi32, #tpu.memory_space<vmem>>[vector<16xi32>], vector<16xi32>,
    tpu.vector_store_idx %arg7[%get3A_349], %add3A_360 : memref<576xi32, #tpu.memory_space<vmem>>[vector<16xi32>], vector<16xi32>,
    %get3A_361 = arith.constant 272 : index
    %get3A_362 = tpu.vector_load %arg6[%get3A_361] {strides = array<i32>} : memref<1152xi32, #tpu.memory_space<vmem>>, vector<16xi32>,
    %get3A_363 = arith.constant 560 : index
    %get3A_364 = tpu.vector_load %arg6[%get3A_363] {strides = array<i32>} : memref<1152xi32, #tpu.memory_space<vmem>>, vector<16xi32>,
    %get3A_365 = arith.constant 848 : index
    %get3A_366 = tpu.vector_load %arg6[%get3A_365] {strides = array<i32>} : memref<1152xi32, #tpu.memory_space<vmem>>, vector<16xi32>,
    %get3A_367 = arith.constant 1136 : index
    %get3A_368 = tpu.vector_load %arg6[%get3A_367] {strides = array<i32>} : memref<1152xi32, #tpu.memory_space<vmem>>, vector<16xi32>,
    %rem3A_369 = arith.remsi %get3A_364, %broadcast_in_dim3A_29 : vector<16xi32>
    %div3A_370 = arith.divsi %rem3A_369, %broadcast_in_dim3A_33 : vector<16xi32>
    %mul3A_371 = arith.muli %get3A_362, %broadcast_in_dim3A_27 : vector<16xi32>
    %add3A_372 = arith.addi %mul3A_371, %broadcast_in_dim3A_38 : vector<16xi32>
    %div3A_373 = arith.divsi %get3A_364, %broadcast_in_dim3A_29 : vector<16xi32>
    %mul3A_374 = arith.muli %div3A_373, %broadcast_in_dim3A_31 : vector<16xi32>
    %add3A_375 = arith.addi %add3A_372, %mul3A_374 : vector<16xi32>
    %mul3A_376 = arith.muli %div3A_370, %broadcast_in_dim3A_35 : vector<16xi32>
    %add3A_377 = arith.addi %add3A_375, %mul3A_376 : vector<16xi32>
    %rem3A_378 = arith.remsi %get3A_364, %broadcast_in_dim3A_33 : vector<16xi32>
    %add3A_379 = arith.addi %add3A_377, %rem3A_378 : vector<16xi32>
    tpu.vector_store_idx %arg7[%get3A_366], %add3A_379 : memref<576xi32, #tpu.memory_space<vmem>>[vector<16xi32>], vector<16xi32>,
    tpu.vector_store_idx %arg7[%get3A_368], %add3A_379 : memref<576xi32, #tpu.memory_space<vmem>>[vector<16xi32>], vector<16xi32>,
    %dma_wait3A_380 = tpu.memref_slice %arg4[%mul3A_18] : memref<221184xi32, #tpu.memory_space<hbm>> -> memref<6912xi32, #tpu.memory_space<hbm>>
    %dma_wait3A_381 = tpu.memref_slice %arg4[%mul3A_18] : memref<221184xi32, #tpu.memory_space<hbm>> -> memref<6912xi32, #tpu.memory_space<hbm>>
    tpu.wait_dma2 semaphore(%arg12 : memref<!tpu.dma_semaphore, #tpu.memory_space<semaphore_mem>>) src(%dma_wait3A_381 : memref<6912xi32, #tpu.memory_space<hbm>>) dst(%arg8 : memref<6912xi32, #tpu.memory_space<vmem>>)
    %broadcast_in_dim3A_382 = arith.constant 1023 : i32
    %broadcast_in_dim3A_383 = vector.broadcast %broadcast_in_dim3A_382 : i32 to vector<16xi32>
    %broadcast_in_dim3A_384 = arith.constant 10 : i32
    %broadcast_in_dim3A_385 = vector.broadcast %broadcast_in_dim3A_384 : i32 to vector<16xi32>
    %scan3A = arith.constant 0 : i32
    %scan3A_386 = arith.constant 0 : i32
    %scan3A_387 = arith.constant 54 : i32
    %scan3A_388 = arith.addi %scan3A_386, %scan3A_387 : i32
    %scan3A_389 = arith.constant 1 : i32
    scf.for %scan3A_991 = %scan3A_386 to %scan3A_388 step %scan3A_389  : i32 {
      %mul3A_992 = arith.constant 128 : i32
      %mul3A_993 = arith.muli %scan3A_991, %mul3A_992 : i32
      %add3A_994 = arith.constant 0 : i32
      %add3A_995 = arith.addi %mul3A_993, %add3A_994 : i32
      %get3A_996 = arith.index_cast %add3A_995 : i32 to index
      %get3A_997 = tpu.vector_load %arg8[%get3A_996] {strides = array<i32>} : memref<6912xi32, #tpu.memory_space<vmem>>, vector<16xi32>,
      %and3A_998 = arith.andi %get3A_997, %broadcast_in_dim3A_383 : vector<16xi32>
      %shift_right_logical3A = arith.shrui %get3A_997, %broadcast_in_dim3A_385 : vector<16xi32>
      %gather3A = tpu.vector_load_idx %arg7[%and3A_998] : memref<576xi32, #tpu.memory_space<vmem>>[vector<16xi32>], vector<16xi32>,
      %add3A_999 = arith.addi %gather3A, %shift_right_logical3A : vector<16xi32>
      %swap3A = arith.index_cast %scan3A_991 : i32 to index
      %swap3A_1000 = arith.constant 0 : index
      %swap3A_1001 = tpu.vector_load %arg9[%swap3A, %swap3A_1000] {strides = array<i32>} : memref<54x128xi32, #tpu.memory_space<vmem>>, vector<16xi32>,
      tpu.vector_store %arg9[%swap3A, %swap3A_1000], %add3A_999 {strides = array<i32>} : memref<54x128xi32, #tpu.memory_space<vmem>>, vector<16xi32>,
      %mul3A_1002 = arith.constant 128 : i32
      %mul3A_1003 = arith.muli %scan3A_991, %mul3A_1002 : i32
      %add3A_1004 = arith.constant 16 : i32
      %add3A_1005 = arith.addi %mul3A_1003, %add3A_1004 : i32
      %get3A_1006 = arith.index_cast %add3A_1005 : i32 to index
      %get3A_1007 = tpu.vector_load %arg8[%get3A_1006] {strides = array<i32>} : memref<6912xi32, #tpu.memory_space<vmem>>, vector<16xi32>,
      %and3A_1008 = arith.andi %get3A_1007, %broadcast_in_dim3A_383 : vector<16xi32>
      %shift_right_logical3A_1009 = arith.shrui %get3A_1007, %broadcast_in_dim3A_385 : vector<16xi32>
      %gather3A_1010 = tpu.vector_load_idx %arg7[%and3A_1008] : memref<576xi32, #tpu.memory_space<vmem>>[vector<16xi32>], vector<16xi32>,
      %add3A_1011 = arith.addi %gather3A_1010, %shift_right_logical3A_1009 : vector<16xi32>
      %swap3A_1012 = arith.index_cast %scan3A_991 : i32 to index
      %swap3A_1013 = arith.constant 16 : index
      %swap3A_1014 = tpu.vector_load %arg9[%swap3A_1012, %swap3A_1013] {strides = array<i32>} : memref<54x128xi32, #tpu.memory_space<vmem>>, vector<16xi32>,
      tpu.vector_store %arg9[%swap3A_1012, %swap3A_1013], %add3A_1011 {strides = array<i32>} : memref<54x128xi32, #tpu.memory_space<vmem>>, vector<16xi32>,
      %mul3A_1015 = arith.constant 128 : i32
      %mul3A_1016 = arith.muli %scan3A_991, %mul3A_1015 : i32
      %add3A_1017 = arith.constant 32 : i32
      %add3A_1018 = arith.addi %mul3A_1016, %add3A_1017 : i32
      %get3A_1019 = arith.index_cast %add3A_1018 : i32 to index
      %get3A_1020 = tpu.vector_load %arg8[%get3A_1019] {strides = array<i32>} : memref<6912xi32, #tpu.memory_space<vmem>>, vector<16xi32>,
      %and3A_1021 = arith.andi %get3A_1020, %broadcast_in_dim3A_383 : vector<16xi32>
      %shift_right_logical3A_1022 = arith.shrui %get3A_1020, %broadcast_in_dim3A_385 : vector<16xi32>
      %gather3A_1023 = tpu.vector_load_idx %arg7[%and3A_1021] : memref<576xi32, #tpu.memory_space<vmem>>[vector<16xi32>], vector<16xi32>,
      %add3A_1024 = arith.addi %gather3A_1023, %shift_right_logical3A_1022 : vector<16xi32>
      %swap3A_1025 = arith.index_cast %scan3A_991 : i32 to index
      %swap3A_1026 = arith.constant 32 : index
      %swap3A_1027 = tpu.vector_load %arg9[%swap3A_1025, %swap3A_1026] {strides = array<i32>} : memref<54x128xi32, #tpu.memory_space<vmem>>, vector<16xi32>,
      tpu.vector_store %arg9[%swap3A_1025, %swap3A_1026], %add3A_1024 {strides = array<i32>} : memref<54x128xi32, #tpu.memory_space<vmem>>, vector<16xi32>,
      %mul3A_1028 = arith.constant 128 : i32
      %mul3A_1029 = arith.muli %scan3A_991, %mul3A_1028 : i32
      %add3A_1030 = arith.constant 48 : i32
      %add3A_1031 = arith.addi %mul3A_1029, %add3A_1030 : i32
      %get3A_1032 = arith.index_cast %add3A_1031 : i32 to index
      %get3A_1033 = tpu.vector_load %arg8[%get3A_1032] {strides = array<i32>} : memref<6912xi32, #tpu.memory_space<vmem>>, vector<16xi32>,
      %and3A_1034 = arith.andi %get3A_1033, %broadcast_in_dim3A_383 : vector<16xi32>
      %shift_right_logical3A_1035 = arith.shrui %get3A_1033, %broadcast_in_dim3A_385 : vector<16xi32>
      %gather3A_1036 = tpu.vector_load_idx %arg7[%and3A_1034] : memref<576xi32, #tpu.memory_space<vmem>>[vector<16xi32>], vector<16xi32>,
      %add3A_1037 = arith.addi %gather3A_1036, %shift_right_logical3A_1035 : vector<16xi32>
      %swap3A_1038 = arith.index_cast %scan3A_991 : i32 to index
      %swap3A_1039 = arith.constant 48 : index
      %swap3A_1040 = tpu.vector_load %arg9[%swap3A_1038, %swap3A_1039] {strides = array<i32>} : memref<54x128xi32, #tpu.memory_space<vmem>>, vector<16xi32>,
      tpu.vector_store %arg9[%swap3A_1038, %swap3A_1039], %add3A_1037 {strides = array<i32>} : memref<54x128xi32, #tpu.memory_space<vmem>>, vector<16xi32>,
      %mul3A_1041 = arith.constant 128 : i32
      %mul3A_1042 = arith.muli %scan3A_991, %mul3A_1041 : i32
      %add3A_1043 = arith.constant 64 : i32
      %add3A_1044 = arith.addi %mul3A_1042, %add3A_1043 : i32
      %get3A_1045 = arith.index_cast %add3A_1044 : i32 to index
      %get3A_1046 = tpu.vector_load %arg8[%get3A_1045] {strides = array<i32>} : memref<6912xi32, #tpu.memory_space<vmem>>, vector<16xi32>,
      %and3A_1047 = arith.andi %get3A_1046, %broadcast_in_dim3A_383 : vector<16xi32>
      %shift_right_logical3A_1048 = arith.shrui %get3A_1046, %broadcast_in_dim3A_385 : vector<16xi32>
      %gather3A_1049 = tpu.vector_load_idx %arg7[%and3A_1047] : memref<576xi32, #tpu.memory_space<vmem>>[vector<16xi32>], vector<16xi32>,
      %add3A_1050 = arith.addi %gather3A_1049, %shift_right_logical3A_1048 : vector<16xi32>
      %swap3A_1051 = arith.index_cast %scan3A_991 : i32 to index
      %swap3A_1052 = arith.constant 64 : index
      %swap3A_1053 = tpu.vector_load %arg9[%swap3A_1051, %swap3A_1052] {strides = array<i32>} : memref<54x128xi32, #tpu.memory_space<vmem>>, vector<16xi32>,
      tpu.vector_store %arg9[%swap3A_1051, %swap3A_1052], %add3A_1050 {strides = array<i32>} : memref<54x128xi32, #tpu.memory_space<vmem>>, vector<16xi32>,
      %mul3A_1054 = arith.constant 128 : i32
      %mul3A_1055 = arith.muli %scan3A_991, %mul3A_1054 : i32
      %add3A_1056 = arith.constant 80 : i32
      %add3A_1057 = arith.addi %mul3A_1055, %add3A_1056 : i32
      %get3A_1058 = arith.index_cast %add3A_1057 : i32 to index
      %get3A_1059 = tpu.vector_load %arg8[%get3A_1058] {strides = array<i32>} : memref<6912xi32, #tpu.memory_space<vmem>>, vector<16xi32>,
      %and3A_1060 = arith.andi %get3A_1059, %broadcast_in_dim3A_383 : vector<16xi32>
      %shift_right_logical3A_1061 = arith.shrui %get3A_1059, %broadcast_in_dim3A_385 : vector<16xi32>
      %gather3A_1062 = tpu.vector_load_idx %arg7[%and3A_1060] : memref<576xi32, #tpu.memory_space<vmem>>[vector<16xi32>], vector<16xi32>,
      %add3A_1063 = arith.addi %gather3A_1062, %shift_right_logical3A_1061 : vector<16xi32>
      %swap3A_1064 = arith.index_cast %scan3A_991 : i32 to index
      %swap3A_1065 = arith.constant 80 : index
      %swap3A_1066 = tpu.vector_load %arg9[%swap3A_1064, %swap3A_1065] {strides = array<i32>} : memref<54x128xi32, #tpu.memory_space<vmem>>, vector<16xi32>,
      tpu.vector_store %arg9[%swap3A_1064, %swap3A_1065], %add3A_1063 {strides = array<i32>} : memref<54x128xi32, #tpu.memory_space<vmem>>, vector<16xi32>,
      %mul3A_1067 = arith.constant 128 : i32
      %mul3A_1068 = arith.muli %scan3A_991, %mul3A_1067 : i32
      %add3A_1069 = arith.constant 96 : i32
      %add3A_1070 = arith.addi %mul3A_1068, %add3A_1069 : i32
      %get3A_1071 = arith.index_cast %add3A_1070 : i32 to index
      %get3A_1072 = tpu.vector_load %arg8[%get3A_1071] {strides = array<i32>} : memref<6912xi32, #tpu.memory_space<vmem>>, vector<16xi32>,
      %and3A_1073 = arith.andi %get3A_1072, %broadcast_in_dim3A_383 : vector<16xi32>
      %shift_right_logical3A_1074 = arith.shrui %get3A_1072, %broadcast_in_dim3A_385 : vector<16xi32>
      %gather3A_1075 = tpu.vector_load_idx %arg7[%and3A_1073] : memref<576xi32, #tpu.memory_space<vmem>>[vector<16xi32>], vector<16xi32>,
      %add3A_1076 = arith.addi %gather3A_1075, %shift_right_logical3A_1074 : vector<16xi32>
      %swap3A_1077 = arith.index_cast %scan3A_991 : i32 to index
      %swap3A_1078 = arith.constant 96 : index
      %swap3A_1079 = tpu.vector_load %arg9[%swap3A_1077, %swap3A_1078] {strides = array<i32>} : memref<54x128xi32, #tpu.memory_space<vmem>>, vector<16xi32>,
      tpu.vector_store %arg9[%swap3A_1077, %swap3A_1078], %add3A_1076 {strides = array<i32>} : memref<54x128xi32, #tpu.memory_space<vmem>>, vector<16xi32>,
      %mul3A_1080 = arith.constant 128 : i32
      %mul3A_1081 = arith.muli %scan3A_991, %mul3A_1080 : i32
      %add3A_1082 = arith.constant 112 : i32
      %add3A_1083 = arith.addi %mul3A_1081, %add3A_1082 : i32
      %get3A_1084 = arith.index_cast %add3A_1083 : i32 to index
      %get3A_1085 = tpu.vector_load %arg8[%get3A_1084] {strides = array<i32>} : memref<6912xi32, #tpu.memory_space<vmem>>, vector<16xi32>,
      %and3A_1086 = arith.andi %get3A_1085, %broadcast_in_dim3A_383 : vector<16xi32>
      %shift_right_logical3A_1087 = arith.shrui %get3A_1085, %broadcast_in_dim3A_385 : vector<16xi32>
      %gather3A_1088 = tpu.vector_load_idx %arg7[%and3A_1086] : memref<576xi32, #tpu.memory_space<vmem>>[vector<16xi32>], vector<16xi32>,
      %add3A_1089 = arith.addi %gather3A_1088, %shift_right_logical3A_1087 : vector<16xi32>
      %swap3A_1090 = arith.index_cast %scan3A_991 : i32 to index
      %swap3A_1091 = arith.constant 112 : index
      %swap3A_1092 = tpu.vector_load %arg9[%swap3A_1090, %swap3A_1091] {strides = array<i32>} : memref<54x128xi32, #tpu.memory_space<vmem>>, vector<16xi32>,
      tpu.vector_store %arg9[%swap3A_1090, %swap3A_1091], %add3A_1089 {strides = array<i32>} : memref<54x128xi32, #tpu.memory_space<vmem>>, vector<16xi32>,
      %mul3A_1093 = arith.constant 128 : i32
      %mul3A_1094 = arith.muli %scan3A_991, %mul3A_1093 : i32
      %dma_start3A_1095 = arith.constant 0 : i32
      %dma_start3A_1096 = tpu.memref_slice %arg10[%mul3A_1094, %dma_start3A_1095] : memref<6912x16xf32, #tpu.memory_space<vmem>> -> memref<128x16xf32, #tpu.memory_space<vmem>>
      %dma_start3A_1097 = arith.constant 0 : i32
      %dma_start3A_1098 = tpu.memref_slice %arg9[%scan3A_991, %dma_start3A_1097] : memref<54x128xi32, #tpu.memory_space<vmem>> -> memref<1x128xi32, #tpu.memory_space<vmem>>
      %dma_start3A_1099 = tpu.memref_squeeze %dma_start3A_1098 : memref<1x128xi32, #tpu.memory_space<vmem>> -> memref<128xi32, #tpu.memory_space<vmem>>
      %dma_start3A_1100 = arith.constant 0 : i32
      %dma_start3A_1101 = arith.constant 0 : i32
      %dma_start3A_1102 = tpu.memref_slice %arg2[%dma_start3A_1100, %dma_start3A_1101] : memref<3538944x16xf32, #tpu.memory_space<hbm>> -> memref<3538944x16xf32, #tpu.memory_space<hbm>>
      tpu.enqueue_indirect_dma source(%dma_start3A_1102 : memref<3538944x16xf32, #tpu.memory_space<hbm>>) target(%dma_start3A_1096 : memref<128x16xf32, #tpu.memory_space<vmem>>) offsets(%dma_start3A_1099 : memref<128xi32, #tpu.memory_space<vmem>>) semaphore(%arg11 : memref<!tpu.dma_semaphore, #tpu.memory_space<semaphore_mem>>)
      %ge3A = arith.constant 27 : i32
      %ge3A_1103 = arith.cmpi sge, %scan3A_991, %ge3A : i32
      %convert_element_type3A = arith.extui %ge3A_1103 : i1 to i32
      %cond3A = arith.constant 0 : i32
      %cond3A_1104 = arith.cmpi ne, %convert_element_type3A, %cond3A : i32
      scf.if %cond3A_1104 {
        %sub3A_1105 = arith.constant 27 : i32
        %sub3A_1106 = arith.subi %scan3A_991, %sub3A_1105 : i32
        %mul3A_1107 = arith.constant 128 : i32
        %mul3A_1108 = arith.muli %sub3A_1106, %mul3A_1107 : i32
        %dma_wait3A_1109 = arith.constant 0 : i32
        %dma_wait3A_1110 = tpu.memref_slice %arg10[%mul3A_1108, %dma_wait3A_1109] : memref<6912x16xf32, #tpu.memory_space<vmem>> -> memref<128x16xf32, #tpu.memory_space<vmem>>
        %dma_wait3A_1111 = arith.constant 0 : i32
        %dma_wait3A_1112 = tpu.memref_slice %arg9[%sub3A_1106, %dma_wait3A_1111] : memref<54x128xi32, #tpu.memory_space<vmem>> -> memref<1x128xi32, #tpu.memory_space<vmem>>
        %dma_wait3A_1113 = tpu.memref_squeeze %dma_wait3A_1112 : memref<1x128xi32, #tpu.memory_space<vmem>> -> memref<128xi32, #tpu.memory_space<vmem>>
        %dma_wait3A_1114 = arith.constant 0 : i32
        %dma_wait3A_1115 = arith.constant 0 : i32
        %dma_wait3A_1116 = tpu.memref_slice %arg2[%dma_wait3A_1114, %dma_wait3A_1115] : memref<3538944x16xf32, #tpu.memory_space<hbm>> -> memref<3538944x16xf32, #tpu.memory_space<hbm>>
        tpu.wait_indirect_dma semaphore(%arg11 : memref<!tpu.dma_semaphore, #tpu.memory_space<semaphore_mem>>) src(%dma_wait3A_1116 : memref<3538944x16xf32, #tpu.memory_space<hbm>>) dst(%dma_wait3A_1110 : memref<128x16xf32, #tpu.memory_space<vmem>>)
        %mul3A_1117 = arith.constant 128 : i32
        %mul3A_1118 = arith.muli %sub3A_1106, %mul3A_1117 : i32
        %mul3A_1119 = arith.constant 128 : i32
        %mul3A_1120 = arith.muli %sub3A_1106, %mul3A_1119 : i32
        %add3A_1121 = arith.addi %mul3A_18, %mul3A_1120 : i32
        %dma_start3A_1122 = arith.constant 0 : i32
        %dma_start3A_1123 = tpu.memref_slice %arg10[%mul3A_1118, %dma_start3A_1122] : memref<6912x16xf32, #tpu.memory_space<vmem>> -> memref<128x16xf32, #tpu.memory_space<vmem>>
        %dma_start3A_1124 = arith.constant 0 : i32
        %dma_start3A_1125 = tpu.memref_slice %arg5[%add3A_1121, %dma_start3A_1124] : memref<221184x16xf32, #tpu.memory_space<hbm>> -> memref<128x16xf32, #tpu.memory_space<hbm>>
        %dma_start3A_1126 = arith.constant 0 : i32
        %dma_start3A_1127 = tpu.memref_slice %arg5[%add3A_1121, %dma_start3A_1126] : memref<221184x16xf32, #tpu.memory_space<hbm>> -> memref<128x16xf32, #tpu.memory_space<hbm>>
        %dma_start3A_1128 = arith.constant 0 : i32
        %dma_start3A_1129 = tpu.memref_slice %arg10[%mul3A_1118, %dma_start3A_1128] : memref<6912x16xf32, #tpu.memory_space<vmem>> -> memref<128x16xf32, #tpu.memory_space<vmem>>
        tpu.enqueue_dma source(%dma_start3A_1129 : memref<128x16xf32, #tpu.memory_space<vmem>>) target(%dma_start3A_1127 : memref<128x16xf32, #tpu.memory_space<hbm>>) target_semaphore(%arg12 : memref<!tpu.dma_semaphore, #tpu.memory_space<semaphore_mem>>)
      } else {
      }
    }
    %scan3A_390 = arith.constant 54 : i32
    %dma_wait3A_391 = arith.constant 27 : i32
    %dma_wait3A_392 = arith.constant 3456 : i32
    %dma_wait3A_393 = arith.constant 0 : i32
    %dma_wait3A_394 = tpu.memref_slice %arg10[%dma_wait3A_392, %dma_wait3A_393] : memref<6912x16xf32, #tpu.memory_space<vmem>> -> memref<128x16xf32, #tpu.memory_space<vmem>>
    %dma_wait3A_395 = arith.constant 0 : i32
    %dma_wait3A_396 = tpu.memref_slice %arg9[%dma_wait3A_391, %dma_wait3A_395] : memref<54x128xi32, #tpu.memory_space<vmem>> -> memref<1x128xi32, #tpu.memory_space<vmem>>
    %dma_wait3A_397 = tpu.memref_squeeze %dma_wait3A_396 : memref<1x128xi32, #tpu.memory_space<vmem>> -> memref<128xi32, #tpu.memory_space<vmem>>
    %dma_wait3A_398 = arith.constant 0 : i32
    %dma_wait3A_399 = arith.constant 0 : i32
    %dma_wait3A_400 = tpu.memref_slice %arg2[%dma_wait3A_398, %dma_wait3A_399] : memref<3538944x16xf32, #tpu.memory_space<hbm>> -> memref<3538944x16xf32, #tpu.memory_space<hbm>>
    tpu.wait_indirect_dma semaphore(%arg11 : memref<!tpu.dma_semaphore, #tpu.memory_space<semaphore_mem>>) src(%dma_wait3A_400 : memref<3538944x16xf32, #tpu.memory_space<hbm>>) dst(%dma_wait3A_394 : memref<128x16xf32, #tpu.memory_space<vmem>>)
    %add3A_401 = arith.constant 3456 : i32
    %add3A_402 = arith.addi %mul3A_18, %add3A_401 : i32
    %dma_start3A_403 = arith.constant 3456 : i32
    %dma_start3A_404 = arith.constant 0 : i32
    %dma_start3A_405 = tpu.memref_slice %arg10[%dma_start3A_403, %dma_start3A_404] : memref<6912x16xf32, #tpu.memory_space<vmem>> -> memref<128x16xf32, #tpu.memory_space<vmem>>
    %dma_start3A_406 = arith.constant 0 : i32
    %dma_start3A_407 = tpu.memref_slice %arg5[%add3A_402, %dma_start3A_406] : memref<221184x16xf32, #tpu.memory_space<hbm>> -> memref<128x16xf32, #tpu.memory_space<hbm>>
    %dma_start3A_408 = arith.constant 0 : i32
    %dma_start3A_409 = tpu.memref_slice %arg5[%add3A_402, %dma_start3A_408] : memref<221184x16xf32, #tpu.memory_space<hbm>> -> memref<128x16xf32, #tpu.memory_space<hbm>>
    %dma_start3A_410 = arith.constant 3456 : i32
    %dma_start3A_411 = arith.constant 0 : i32
    %dma_start3A_412 = tpu.memref_slice %arg10[%dma_start3A_410, %dma_start3A_411] : memref<6912x16xf32, #tpu.memory_space<vmem>> -> memref<128x16xf32, #tpu.memory_space<vmem>>
    tpu.enqueue_dma source(%dma_start3A_412 : memref<128x16xf32, #tpu.memory_space<vmem>>) target(%dma_start3A_409 : memref<128x16xf32, #tpu.memory_space<hbm>>) target_semaphore(%arg12 : memref<!tpu.dma_semaphore, #tpu.memory_space<semaphore_mem>>)
    %dma_wait3A_413 = arith.constant 28 : i32
    %dma_wait3A_414 = arith.constant 3584 : i32
    %dma_wait3A_415 = arith.constant 0 : i32
    %dma_wait3A_416 = tpu.memref_slice %arg10[%dma_wait3A_414, %dma_wait3A_415] : memref<6912x16xf32, #tpu.memory_space<vmem>> -> memref<128x16xf32, #tpu.memory_space<vmem>>
    %dma_wait3A_417 = arith.constant 0 : i32
    %dma_wait3A_418 = tpu.memref_slice %arg9[%dma_wait3A_413, %dma_wait3A_417] : memref<54x128xi32, #tpu.memory_space<vmem>> -> memref<1x128xi32, #tpu.memory_space<vmem>>
    %dma_wait3A_419 = tpu.memref_squeeze %dma_wait3A_418 : memref<1x128xi32, #tpu.memory_space<vmem>> -> memref<128xi32, #tpu.memory_space<vmem>>
    %dma_wait3A_420 = arith.constant 0 : i32
    %dma_wait3A_421 = arith.constant 0 : i32
    %dma_wait3A_422 = tpu.memref_slice %arg2[%dma_wait3A_420, %dma_wait3A_421] : memref<3538944x16xf32, #tpu.memory_space<hbm>> -> memref<3538944x16xf32, #tpu.memory_space<hbm>>
    tpu.wait_indirect_dma semaphore(%arg11 : memref<!tpu.dma_semaphore, #tpu.memory_space<semaphore_mem>>) src(%dma_wait3A_422 : memref<3538944x16xf32, #tpu.memory_space<hbm>>) dst(%dma_wait3A_416 : memref<128x16xf32, #tpu.memory_space<vmem>>)
    %add3A_423 = arith.constant 3584 : i32
    %add3A_424 = arith.addi %mul3A_18, %add3A_423 : i32
    %dma_start3A_425 = arith.constant 3584 : i32
    %dma_start3A_426 = arith.constant 0 : i32
    %dma_start3A_427 = tpu.memref_slice %arg10[%dma_start3A_425, %dma_start3A_426] : memref<6912x16xf32, #tpu.memory_space<vmem>> -> memref<128x16xf32, #tpu.memory_space<vmem>>
    %dma_start3A_428 = arith.constant 0 : i32
    %dma_start3A_429 = tpu.memref_slice %arg5[%add3A_424, %dma_start3A_428] : memref<221184x16xf32, #tpu.memory_space<hbm>> -> memref<128x16xf32, #tpu.memory_space<hbm>>
    %dma_start3A_430 = arith.constant 0 : i32
    %dma_start3A_431 = tpu.memref_slice %arg5[%add3A_424, %dma_start3A_430] : memref<221184x16xf32, #tpu.memory_space<hbm>> -> memref<128x16xf32, #tpu.memory_space<hbm>>
    %dma_start3A_432 = arith.constant 3584 : i32
    %dma_start3A_433 = arith.constant 0 : i32
    %dma_start3A_434 = tpu.memref_slice %arg10[%dma_start3A_432, %dma_start3A_433] : memref<6912x16xf32, #tpu.memory_space<vmem>> -> memref<128x16xf32, #tpu.memory_space<vmem>>
    tpu.enqueue_dma source(%dma_start3A_434 : memref<128x16xf32, #tpu.memory_space<vmem>>) target(%dma_start3A_431 : memref<128x16xf32, #tpu.memory_space<hbm>>) target_semaphore(%arg12 : memref<!tpu.dma_semaphore, #tpu.memory_space<semaphore_mem>>)
    %dma_wait3A_435 = arith.constant 29 : i32
    %dma_wait3A_436 = arith.constant 3712 : i32
    %dma_wait3A_437 = arith.constant 0 : i32
    %dma_wait3A_438 = tpu.memref_slice %arg10[%dma_wait3A_436, %dma_wait3A_437] : memref<6912x16xf32, #tpu.memory_space<vmem>> -> memref<128x16xf32, #tpu.memory_space<vmem>>
    %dma_wait3A_439 = arith.constant 0 : i32
    %dma_wait3A_440 = tpu.memref_slice %arg9[%dma_wait3A_435, %dma_wait3A_439] : memref<54x128xi32, #tpu.memory_space<vmem>> -> memref<1x128xi32, #tpu.memory_space<vmem>>
    %dma_wait3A_441 = tpu.memref_squeeze %dma_wait3A_440 : memref<1x128xi32, #tpu.memory_space<vmem>> -> memref<128xi32, #tpu.memory_space<vmem>>
    %dma_wait3A_442 = arith.constant 0 : i32
    %dma_wait3A_443 = arith.constant 0 : i32
    %dma_wait3A_444 = tpu.memref_slice %arg2[%dma_wait3A_442, %dma_wait3A_443] : memref<3538944x16xf32, #tpu.memory_space<hbm>> -> memref<3538944x16xf32, #tpu.memory_space<hbm>>
    tpu.wait_indirect_dma semaphore(%arg11 : memref<!tpu.dma_semaphore, #tpu.memory_space<semaphore_mem>>) src(%dma_wait3A_444 : memref<3538944x16xf32, #tpu.memory_space<hbm>>) dst(%dma_wait3A_438 : memref<128x16xf32, #tpu.memory_space<vmem>>)
    %add3A_445 = arith.constant 3712 : i32
    %add3A_446 = arith.addi %mul3A_18, %add3A_445 : i32
    %dma_start3A_447 = arith.constant 3712 : i32
    %dma_start3A_448 = arith.constant 0 : i32
    %dma_start3A_449 = tpu.memref_slice %arg10[%dma_start3A_447, %dma_start3A_448] : memref<6912x16xf32, #tpu.memory_space<vmem>> -> memref<128x16xf32, #tpu.memory_space<vmem>>
    %dma_start3A_450 = arith.constant 0 : i32
    %dma_start3A_451 = tpu.memref_slice %arg5[%add3A_446, %dma_start3A_450] : memref<221184x16xf32, #tpu.memory_space<hbm>> -> memref<128x16xf32, #tpu.memory_space<hbm>>
    %dma_start3A_452 = arith.constant 0 : i32
    %dma_start3A_453 = tpu.memref_slice %arg5[%add3A_446, %dma_start3A_452] : memref<221184x16xf32, #tpu.memory_space<hbm>> -> memref<128x16xf32, #tpu.memory_space<hbm>>
    %dma_start3A_454 = arith.constant 3712 : i32
    %dma_start3A_455 = arith.constant 0 : i32
    %dma_start3A_456 = tpu.memref_slice %arg10[%dma_start3A_454, %dma_start3A_455] : memref<6912x16xf32, #tpu.memory_space<vmem>> -> memref<128x16xf32, #tpu.memory_space<vmem>>
    tpu.enqueue_dma source(%dma_start3A_456 : memref<128x16xf32, #tpu.memory_space<vmem>>) target(%dma_start3A_453 : memref<128x16xf32, #tpu.memory_space<hbm>>) target_semaphore(%arg12 : memref<!tpu.dma_semaphore, #tpu.memory_space<semaphore_mem>>)
    %dma_wait3A_457 = arith.constant 30 : i32
    %dma_wait3A_458 = arith.constant 3840 : i32
    %dma_wait3A_459 = arith.constant 0 : i32
    %dma_wait3A_460 = tpu.memref_slice %arg10[%dma_wait3A_458, %dma_wait3A_459] : memref<6912x16xf32, #tpu.memory_space<vmem>> -> memref<128x16xf32, #tpu.memory_space<vmem>>
    %dma_wait3A_461 = arith.constant 0 : i32
    %dma_wait3A_462 = tpu.memref_slice %arg9[%dma_wait3A_457, %dma_wait3A_461] : memref<54x128xi32, #tpu.memory_space<vmem>> -> memref<1x128xi32, #tpu.memory_space<vmem>>
    %dma_wait3A_463 = tpu.memref_squeeze %dma_wait3A_462 : memref<1x128xi32, #tpu.memory_space<vmem>> -> memref<128xi32, #tpu.memory_space<vmem>>
    %dma_wait3A_464 = arith.constant 0 : i32
    %dma_wait3A_465 = arith.constant 0 : i32
    %dma_wait3A_466 = tpu.memref_slice %arg2[%dma_wait3A_464, %dma_wait3A_465] : memref<3538944x16xf32, #tpu.memory_space<hbm>> -> memref<3538944x16xf32, #tpu.memory_space<hbm>>
    tpu.wait_indirect_dma semaphore(%arg11 : memref<!tpu.dma_semaphore, #tpu.memory_space<semaphore_mem>>) src(%dma_wait3A_466 : memref<3538944x16xf32, #tpu.memory_space<hbm>>) dst(%dma_wait3A_460 : memref<128x16xf32, #tpu.memory_space<vmem>>)
    %add3A_467 = arith.constant 3840 : i32
    %add3A_468 = arith.addi %mul3A_18, %add3A_467 : i32
    %dma_start3A_469 = arith.constant 3840 : i32
    %dma_start3A_470 = arith.constant 0 : i32
    %dma_start3A_471 = tpu.memref_slice %arg10[%dma_start3A_469, %dma_start3A_470] : memref<6912x16xf32, #tpu.memory_space<vmem>> -> memref<128x16xf32, #tpu.memory_space<vmem>>
    %dma_start3A_472 = arith.constant 0 : i32
    %dma_start3A_473 = tpu.memref_slice %arg5[%add3A_468, %dma_start3A_472] : memref<221184x16xf32, #tpu.memory_space<hbm>> -> memref<128x16xf32, #tpu.memory_space<hbm>>
    %dma_start3A_474 = arith.constant 0 : i32
    %dma_start3A_475 = tpu.memref_slice %arg5[%add3A_468, %dma_start3A_474] : memref<221184x16xf32, #tpu.memory_space<hbm>> -> memref<128x16xf32, #tpu.memory_space<hbm>>
    %dma_start3A_476 = arith.constant 3840 : i32
    %dma_start3A_477 = arith.constant 0 : i32
    %dma_start3A_478 = tpu.memref_slice %arg10[%dma_start3A_476, %dma_start3A_477] : memref<6912x16xf32, #tpu.memory_space<vmem>> -> memref<128x16xf32, #tpu.memory_space<vmem>>
    tpu.enqueue_dma source(%dma_start3A_478 : memref<128x16xf32, #tpu.memory_space<vmem>>) target(%dma_start3A_475 : memref<128x16xf32, #tpu.memory_space<hbm>>) target_semaphore(%arg12 : memref<!tpu.dma_semaphore, #tpu.memory_space<semaphore_mem>>)
    %dma_wait3A_479 = arith.constant 31 : i32
    %dma_wait3A_480 = arith.constant 3968 : i32
    %dma_wait3A_481 = arith.constant 0 : i32
    %dma_wait3A_482 = tpu.memref_slice %arg10[%dma_wait3A_480, %dma_wait3A_481] : memref<6912x16xf32, #tpu.memory_space<vmem>> -> memref<128x16xf32, #tpu.memory_space<vmem>>
    %dma_wait3A_483 = arith.constant 0 : i32
    %dma_wait3A_484 = tpu.memref_slice %arg9[%dma_wait3A_479, %dma_wait3A_483] : memref<54x128xi32, #tpu.memory_space<vmem>> -> memref<1x128xi32, #tpu.memory_space<vmem>>
    %dma_wait3A_485 = tpu.memref_squeeze %dma_wait3A_484 : memref<1x128xi32, #tpu.memory_space<vmem>> -> memref<128xi32, #tpu.memory_space<vmem>>
    %dma_wait3A_486 = arith.constant 0 : i32
    %dma_wait3A_487 = arith.constant 0 : i32
    %dma_wait3A_488 = tpu.memref_slice %arg2[%dma_wait3A_486, %dma_wait3A_487] : memref<3538944x16xf32, #tpu.memory_space<hbm>> -> memref<3538944x16xf32, #tpu.memory_space<hbm>>
    tpu.wait_indirect_dma semaphore(%arg11 : memref<!tpu.dma_semaphore, #tpu.memory_space<semaphore_mem>>) src(%dma_wait3A_488 : memref<3538944x16xf32, #tpu.memory_space<hbm>>) dst(%dma_wait3A_482 : memref<128x16xf32, #tpu.memory_space<vmem>>)
    %add3A_489 = arith.constant 3968 : i32
    %add3A_490 = arith.addi %mul3A_18, %add3A_489 : i32
    %dma_start3A_491 = arith.constant 3968 : i32
    %dma_start3A_492 = arith.constant 0 : i32
    %dma_start3A_493 = tpu.memref_slice %arg10[%dma_start3A_491, %dma_start3A_492] : memref<6912x16xf32, #tpu.memory_space<vmem>> -> memref<128x16xf32, #tpu.memory_space<vmem>>
    %dma_start3A_494 = arith.constant 0 : i32
    %dma_start3A_495 = tpu.memref_slice %arg5[%add3A_490, %dma_start3A_494] : memref<221184x16xf32, #tpu.memory_space<hbm>> -> memref<128x16xf32, #tpu.memory_space<hbm>>
    %dma_start3A_496 = arith.constant 0 : i32
    %dma_start3A_497 = tpu.memref_slice %arg5[%add3A_490, %dma_start3A_496] : memref<221184x16xf32, #tpu.memory_space<hbm>> -> memref<128x16xf32, #tpu.memory_space<hbm>>
    %dma_start3A_498 = arith.constant 3968 : i32
    %dma_start3A_499 = arith.constant 0 : i32
    %dma_start3A_500 = tpu.memref_slice %arg10[%dma_start3A_498, %dma_start3A_499] : memref<6912x16xf32, #tpu.memory_space<vmem>> -> memref<128x16xf32, #tpu.memory_space<vmem>>
    tpu.enqueue_dma source(%dma_start3A_500 : memref<128x16xf32, #tpu.memory_space<vmem>>) target(%dma_start3A_497 : memref<128x16xf32, #tpu.memory_space<hbm>>) target_semaphore(%arg12 : memref<!tpu.dma_semaphore, #tpu.memory_space<semaphore_mem>>)
    %dma_wait3A_501 = arith.constant 32 : i32
    %dma_wait3A_502 = arith.constant 4096 : i32
    %dma_wait3A_503 = arith.constant 0 : i32
    %dma_wait3A_504 = tpu.memref_slice %arg10[%dma_wait3A_502, %dma_wait3A_503] : memref<6912x16xf32, #tpu.memory_space<vmem>> -> memref<128x16xf32, #tpu.memory_space<vmem>>
    %dma_wait3A_505 = arith.constant 0 : i32
    %dma_wait3A_506 = tpu.memref_slice %arg9[%dma_wait3A_501, %dma_wait3A_505] : memref<54x128xi32, #tpu.memory_space<vmem>> -> memref<1x128xi32, #tpu.memory_space<vmem>>
    %dma_wait3A_507 = tpu.memref_squeeze %dma_wait3A_506 : memref<1x128xi32, #tpu.memory_space<vmem>> -> memref<128xi32, #tpu.memory_space<vmem>>
    %dma_wait3A_508 = arith.constant 0 : i32
    %dma_wait3A_509 = arith.constant 0 : i32
    %dma_wait3A_510 = tpu.memref_slice %arg2[%dma_wait3A_508, %dma_wait3A_509] : memref<3538944x16xf32, #tpu.memory_space<hbm>> -> memref<3538944x16xf32, #tpu.memory_space<hbm>>
    tpu.wait_indirect_dma semaphore(%arg11 : memref<!tpu.dma_semaphore, #tpu.memory_space<semaphore_mem>>) src(%dma_wait3A_510 : memref<3538944x16xf32, #tpu.memory_space<hbm>>) dst(%dma_wait3A_504 : memref<128x16xf32, #tpu.memory_space<vmem>>)
    %add3A_511 = arith.constant 4096 : i32
    %add3A_512 = arith.addi %mul3A_18, %add3A_511 : i32
    %dma_start3A_513 = arith.constant 4096 : i32
    %dma_start3A_514 = arith.constant 0 : i32
    %dma_start3A_515 = tpu.memref_slice %arg10[%dma_start3A_513, %dma_start3A_514] : memref<6912x16xf32, #tpu.memory_space<vmem>> -> memref<128x16xf32, #tpu.memory_space<vmem>>
    %dma_start3A_516 = arith.constant 0 : i32
    %dma_start3A_517 = tpu.memref_slice %arg5[%add3A_512, %dma_start3A_516] : memref<221184x16xf32, #tpu.memory_space<hbm>> -> memref<128x16xf32, #tpu.memory_space<hbm>>
    %dma_start3A_518 = arith.constant 0 : i32
    %dma_start3A_519 = tpu.memref_slice %arg5[%add3A_512, %dma_start3A_518] : memref<221184x16xf32, #tpu.memory_space<hbm>> -> memref<128x16xf32, #tpu.memory_space<hbm>>
    %dma_start3A_520 = arith.constant 4096 : i32
    %dma_start3A_521 = arith.constant 0 : i32
    %dma_start3A_522 = tpu.memref_slice %arg10[%dma_start3A_520, %dma_start3A_521] : memref<6912x16xf32, #tpu.memory_space<vmem>> -> memref<128x16xf32, #tpu.memory_space<vmem>>
    tpu.enqueue_dma source(%dma_start3A_522 : memref<128x16xf32, #tpu.memory_space<vmem>>) target(%dma_start3A_519 : memref<128x16xf32, #tpu.memory_space<hbm>>) target_semaphore(%arg12 : memref<!tpu.dma_semaphore, #tpu.memory_space<semaphore_mem>>)
    %dma_wait3A_523 = arith.constant 33 : i32
    %dma_wait3A_524 = arith.constant 4224 : i32
    %dma_wait3A_525 = arith.constant 0 : i32
    %dma_wait3A_526 = tpu.memref_slice %arg10[%dma_wait3A_524, %dma_wait3A_525] : memref<6912x16xf32, #tpu.memory_space<vmem>> -> memref<128x16xf32, #tpu.memory_space<vmem>>
    %dma_wait3A_527 = arith.constant 0 : i32
    %dma_wait3A_528 = tpu.memref_slice %arg9[%dma_wait3A_523, %dma_wait3A_527] : memref<54x128xi32, #tpu.memory_space<vmem>> -> memref<1x128xi32, #tpu.memory_space<vmem>>
    %dma_wait3A_529 = tpu.memref_squeeze %dma_wait3A_528 : memref<1x128xi32, #tpu.memory_space<vmem>> -> memref<128xi32, #tpu.memory_space<vmem>>
    %dma_wait3A_530 = arith.constant 0 : i32
    %dma_wait3A_531 = arith.constant 0 : i32
    %dma_wait3A_532 = tpu.memref_slice %arg2[%dma_wait3A_530, %dma_wait3A_531] : memref<3538944x16xf32, #tpu.memory_space<hbm>> -> memref<3538944x16xf32, #tpu.memory_space<hbm>>
    tpu.wait_indirect_dma semaphore(%arg11 : memref<!tpu.dma_semaphore, #tpu.memory_space<semaphore_mem>>) src(%dma_wait3A_532 : memref<3538944x16xf32, #tpu.memory_space<hbm>>) dst(%dma_wait3A_526 : memref<128x16xf32, #tpu.memory_space<vmem>>)
    %add3A_533 = arith.constant 4224 : i32
    %add3A_534 = arith.addi %mul3A_18, %add3A_533 : i32
    %dma_start3A_535 = arith.constant 4224 : i32
    %dma_start3A_536 = arith.constant 0 : i32
    %dma_start3A_537 = tpu.memref_slice %arg10[%dma_start3A_535, %dma_start3A_536] : memref<6912x16xf32, #tpu.memory_space<vmem>> -> memref<128x16xf32, #tpu.memory_space<vmem>>
    %dma_start3A_538 = arith.constant 0 : i32
    %dma_start3A_539 = tpu.memref_slice %arg5[%add3A_534, %dma_start3A_538] : memref<221184x16xf32, #tpu.memory_space<hbm>> -> memref<128x16xf32, #tpu.memory_space<hbm>>
    %dma_start3A_540 = arith.constant 0 : i32
    %dma_start3A_541 = tpu.memref_slice %arg5[%add3A_534, %dma_start3A_540] : memref<221184x16xf32, #tpu.memory_space<hbm>> -> memref<128x16xf32, #tpu.memory_space<hbm>>
    %dma_start3A_542 = arith.constant 4224 : i32
    %dma_start3A_543 = arith.constant 0 : i32
    %dma_start3A_544 = tpu.memref_slice %arg10[%dma_start3A_542, %dma_start3A_543] : memref<6912x16xf32, #tpu.memory_space<vmem>> -> memref<128x16xf32, #tpu.memory_space<vmem>>
    tpu.enqueue_dma source(%dma_start3A_544 : memref<128x16xf32, #tpu.memory_space<vmem>>) target(%dma_start3A_541 : memref<128x16xf32, #tpu.memory_space<hbm>>) target_semaphore(%arg12 : memref<!tpu.dma_semaphore, #tpu.memory_space<semaphore_mem>>)
    %dma_wait3A_545 = arith.constant 34 : i32
    %dma_wait3A_546 = arith.constant 4352 : i32
    %dma_wait3A_547 = arith.constant 0 : i32
    %dma_wait3A_548 = tpu.memref_slice %arg10[%dma_wait3A_546, %dma_wait3A_547] : memref<6912x16xf32, #tpu.memory_space<vmem>> -> memref<128x16xf32, #tpu.memory_space<vmem>>
    %dma_wait3A_549 = arith.constant 0 : i32
    %dma_wait3A_550 = tpu.memref_slice %arg9[%dma_wait3A_545, %dma_wait3A_549] : memref<54x128xi32, #tpu.memory_space<vmem>> -> memref<1x128xi32, #tpu.memory_space<vmem>>
    %dma_wait3A_551 = tpu.memref_squeeze %dma_wait3A_550 : memref<1x128xi32, #tpu.memory_space<vmem>> -> memref<128xi32, #tpu.memory_space<vmem>>
    %dma_wait3A_552 = arith.constant 0 : i32
    %dma_wait3A_553 = arith.constant 0 : i32
    %dma_wait3A_554 = tpu.memref_slice %arg2[%dma_wait3A_552, %dma_wait3A_553] : memref<3538944x16xf32, #tpu.memory_space<hbm>> -> memref<3538944x16xf32, #tpu.memory_space<hbm>>
    tpu.wait_indirect_dma semaphore(%arg11 : memref<!tpu.dma_semaphore, #tpu.memory_space<semaphore_mem>>) src(%dma_wait3A_554 : memref<3538944x16xf32, #tpu.memory_space<hbm>>) dst(%dma_wait3A_548 : memref<128x16xf32, #tpu.memory_space<vmem>>)
    %add3A_555 = arith.constant 4352 : i32
    %add3A_556 = arith.addi %mul3A_18, %add3A_555 : i32
    %dma_start3A_557 = arith.constant 4352 : i32
    %dma_start3A_558 = arith.constant 0 : i32
    %dma_start3A_559 = tpu.memref_slice %arg10[%dma_start3A_557, %dma_start3A_558] : memref<6912x16xf32, #tpu.memory_space<vmem>> -> memref<128x16xf32, #tpu.memory_space<vmem>>
    %dma_start3A_560 = arith.constant 0 : i32
    %dma_start3A_561 = tpu.memref_slice %arg5[%add3A_556, %dma_start3A_560] : memref<221184x16xf32, #tpu.memory_space<hbm>> -> memref<128x16xf32, #tpu.memory_space<hbm>>
    %dma_start3A_562 = arith.constant 0 : i32
    %dma_start3A_563 = tpu.memref_slice %arg5[%add3A_556, %dma_start3A_562] : memref<221184x16xf32, #tpu.memory_space<hbm>> -> memref<128x16xf32, #tpu.memory_space<hbm>>
    %dma_start3A_564 = arith.constant 4352 : i32
    %dma_start3A_565 = arith.constant 0 : i32
    %dma_start3A_566 = tpu.memref_slice %arg10[%dma_start3A_564, %dma_start3A_565] : memref<6912x16xf32, #tpu.memory_space<vmem>> -> memref<128x16xf32, #tpu.memory_space<vmem>>
    tpu.enqueue_dma source(%dma_start3A_566 : memref<128x16xf32, #tpu.memory_space<vmem>>) target(%dma_start3A_563 : memref<128x16xf32, #tpu.memory_space<hbm>>) target_semaphore(%arg12 : memref<!tpu.dma_semaphore, #tpu.memory_space<semaphore_mem>>)
    %dma_wait3A_567 = arith.constant 35 : i32
    %dma_wait3A_568 = arith.constant 4480 : i32
    %dma_wait3A_569 = arith.constant 0 : i32
    %dma_wait3A_570 = tpu.memref_slice %arg10[%dma_wait3A_568, %dma_wait3A_569] : memref<6912x16xf32, #tpu.memory_space<vmem>> -> memref<128x16xf32, #tpu.memory_space<vmem>>
    %dma_wait3A_571 = arith.constant 0 : i32
    %dma_wait3A_572 = tpu.memref_slice %arg9[%dma_wait3A_567, %dma_wait3A_571] : memref<54x128xi32, #tpu.memory_space<vmem>> -> memref<1x128xi32, #tpu.memory_space<vmem>>
    %dma_wait3A_573 = tpu.memref_squeeze %dma_wait3A_572 : memref<1x128xi32, #tpu.memory_space<vmem>> -> memref<128xi32, #tpu.memory_space<vmem>>
    %dma_wait3A_574 = arith.constant 0 : i32
    %dma_wait3A_575 = arith.constant 0 : i32
    %dma_wait3A_576 = tpu.memref_slice %arg2[%dma_wait3A_574, %dma_wait3A_575] : memref<3538944x16xf32, #tpu.memory_space<hbm>> -> memref<3538944x16xf32, #tpu.memory_space<hbm>>
    tpu.wait_indirect_dma semaphore(%arg11 : memref<!tpu.dma_semaphore, #tpu.memory_space<semaphore_mem>>) src(%dma_wait3A_576 : memref<3538944x16xf32, #tpu.memory_space<hbm>>) dst(%dma_wait3A_570 : memref<128x16xf32, #tpu.memory_space<vmem>>)
    %add3A_577 = arith.constant 4480 : i32
    %add3A_578 = arith.addi %mul3A_18, %add3A_577 : i32
    %dma_start3A_579 = arith.constant 4480 : i32
    %dma_start3A_580 = arith.constant 0 : i32
    %dma_start3A_581 = tpu.memref_slice %arg10[%dma_start3A_579, %dma_start3A_580] : memref<6912x16xf32, #tpu.memory_space<vmem>> -> memref<128x16xf32, #tpu.memory_space<vmem>>
    %dma_start3A_582 = arith.constant 0 : i32
    %dma_start3A_583 = tpu.memref_slice %arg5[%add3A_578, %dma_start3A_582] : memref<221184x16xf32, #tpu.memory_space<hbm>> -> memref<128x16xf32, #tpu.memory_space<hbm>>
    %dma_start3A_584 = arith.constant 0 : i32
    %dma_start3A_585 = tpu.memref_slice %arg5[%add3A_578, %dma_start3A_584] : memref<221184x16xf32, #tpu.memory_space<hbm>> -> memref<128x16xf32, #tpu.memory_space<hbm>>
    %dma_start3A_586 = arith.constant 4480 : i32
    %dma_start3A_587 = arith.constant 0 : i32
    %dma_start3A_588 = tpu.memref_slice %arg10[%dma_start3A_586, %dma_start3A_587] : memref<6912x16xf32, #tpu.memory_space<vmem>> -> memref<128x16xf32, #tpu.memory_space<vmem>>
    tpu.enqueue_dma source(%dma_start3A_588 : memref<128x16xf32, #tpu.memory_space<vmem>>) target(%dma_start3A_585 : memref<128x16xf32, #tpu.memory_space<hbm>>) target_semaphore(%arg12 : memref<!tpu.dma_semaphore, #tpu.memory_space<semaphore_mem>>)
    %dma_wait3A_589 = arith.constant 36 : i32
    %dma_wait3A_590 = arith.constant 4608 : i32
    %dma_wait3A_591 = arith.constant 0 : i32
    %dma_wait3A_592 = tpu.memref_slice %arg10[%dma_wait3A_590, %dma_wait3A_591] : memref<6912x16xf32, #tpu.memory_space<vmem>> -> memref<128x16xf32, #tpu.memory_space<vmem>>
    %dma_wait3A_593 = arith.constant 0 : i32
    %dma_wait3A_594 = tpu.memref_slice %arg9[%dma_wait3A_589, %dma_wait3A_593] : memref<54x128xi32, #tpu.memory_space<vmem>> -> memref<1x128xi32, #tpu.memory_space<vmem>>
    %dma_wait3A_595 = tpu.memref_squeeze %dma_wait3A_594 : memref<1x128xi32, #tpu.memory_space<vmem>> -> memref<128xi32, #tpu.memory_space<vmem>>
    %dma_wait3A_596 = arith.constant 0 : i32
    %dma_wait3A_597 = arith.constant 0 : i32
    %dma_wait3A_598 = tpu.memref_slice %arg2[%dma_wait3A_596, %dma_wait3A_597] : memref<3538944x16xf32, #tpu.memory_space<hbm>> -> memref<3538944x16xf32, #tpu.memory_space<hbm>>
    tpu.wait_indirect_dma semaphore(%arg11 : memref<!tpu.dma_semaphore, #tpu.memory_space<semaphore_mem>>) src(%dma_wait3A_598 : memref<3538944x16xf32, #tpu.memory_space<hbm>>) dst(%dma_wait3A_592 : memref<128x16xf32, #tpu.memory_space<vmem>>)
    %add3A_599 = arith.constant 4608 : i32
    %add3A_600 = arith.addi %mul3A_18, %add3A_599 : i32
    %dma_start3A_601 = arith.constant 4608 : i32
    %dma_start3A_602 = arith.constant 0 : i32
    %dma_start3A_603 = tpu.memref_slice %arg10[%dma_start3A_601, %dma_start3A_602] : memref<6912x16xf32, #tpu.memory_space<vmem>> -> memref<128x16xf32, #tpu.memory_space<vmem>>
    %dma_start3A_604 = arith.constant 0 : i32
    %dma_start3A_605 = tpu.memref_slice %arg5[%add3A_600, %dma_start3A_604] : memref<221184x16xf32, #tpu.memory_space<hbm>> -> memref<128x16xf32, #tpu.memory_space<hbm>>
    %dma_start3A_606 = arith.constant 0 : i32
    %dma_start3A_607 = tpu.memref_slice %arg5[%add3A_600, %dma_start3A_606] : memref<221184x16xf32, #tpu.memory_space<hbm>> -> memref<128x16xf32, #tpu.memory_space<hbm>>
    %dma_start3A_608 = arith.constant 4608 : i32
    %dma_start3A_609 = arith.constant 0 : i32
    %dma_start3A_610 = tpu.memref_slice %arg10[%dma_start3A_608, %dma_start3A_609] : memref<6912x16xf32, #tpu.memory_space<vmem>> -> memref<128x16xf32, #tpu.memory_space<vmem>>
    tpu.enqueue_dma source(%dma_start3A_610 : memref<128x16xf32, #tpu.memory_space<vmem>>) target(%dma_start3A_607 : memref<128x16xf32, #tpu.memory_space<hbm>>) target_semaphore(%arg12 : memref<!tpu.dma_semaphore, #tpu.memory_space<semaphore_mem>>)
    %dma_wait3A_611 = arith.constant 37 : i32
    %dma_wait3A_612 = arith.constant 4736 : i32
    %dma_wait3A_613 = arith.constant 0 : i32
    %dma_wait3A_614 = tpu.memref_slice %arg10[%dma_wait3A_612, %dma_wait3A_613] : memref<6912x16xf32, #tpu.memory_space<vmem>> -> memref<128x16xf32, #tpu.memory_space<vmem>>
    %dma_wait3A_615 = arith.constant 0 : i32
    %dma_wait3A_616 = tpu.memref_slice %arg9[%dma_wait3A_611, %dma_wait3A_615] : memref<54x128xi32, #tpu.memory_space<vmem>> -> memref<1x128xi32, #tpu.memory_space<vmem>>
    %dma_wait3A_617 = tpu.memref_squeeze %dma_wait3A_616 : memref<1x128xi32, #tpu.memory_space<vmem>> -> memref<128xi32, #tpu.memory_space<vmem>>
    %dma_wait3A_618 = arith.constant 0 : i32
    %dma_wait3A_619 = arith.constant 0 : i32
    %dma_wait3A_620 = tpu.memref_slice %arg2[%dma_wait3A_618, %dma_wait3A_619] : memref<3538944x16xf32, #tpu.memory_space<hbm>> -> memref<3538944x16xf32, #tpu.memory_space<hbm>>
    tpu.wait_indirect_dma semaphore(%arg11 : memref<!tpu.dma_semaphore, #tpu.memory_space<semaphore_mem>>) src(%dma_wait3A_620 : memref<3538944x16xf32, #tpu.memory_space<hbm>>) dst(%dma_wait3A_614 : memref<128x16xf32, #tpu.memory_space<vmem>>)
    %add3A_621 = arith.constant 4736 : i32
    %add3A_622 = arith.addi %mul3A_18, %add3A_621 : i32
    %dma_start3A_623 = arith.constant 4736 : i32
    %dma_start3A_624 = arith.constant 0 : i32
    %dma_start3A_625 = tpu.memref_slice %arg10[%dma_start3A_623, %dma_start3A_624] : memref<6912x16xf32, #tpu.memory_space<vmem>> -> memref<128x16xf32, #tpu.memory_space<vmem>>
    %dma_start3A_626 = arith.constant 0 : i32
    %dma_start3A_627 = tpu.memref_slice %arg5[%add3A_622, %dma_start3A_626] : memref<221184x16xf32, #tpu.memory_space<hbm>> -> memref<128x16xf32, #tpu.memory_space<hbm>>
    %dma_start3A_628 = arith.constant 0 : i32
    %dma_start3A_629 = tpu.memref_slice %arg5[%add3A_622, %dma_start3A_628] : memref<221184x16xf32, #tpu.memory_space<hbm>> -> memref<128x16xf32, #tpu.memory_space<hbm>>
    %dma_start3A_630 = arith.constant 4736 : i32
    %dma_start3A_631 = arith.constant 0 : i32
    %dma_start3A_632 = tpu.memref_slice %arg10[%dma_start3A_630, %dma_start3A_631] : memref<6912x16xf32, #tpu.memory_space<vmem>> -> memref<128x16xf32, #tpu.memory_space<vmem>>
    tpu.enqueue_dma source(%dma_start3A_632 : memref<128x16xf32, #tpu.memory_space<vmem>>) target(%dma_start3A_629 : memref<128x16xf32, #tpu.memory_space<hbm>>) target_semaphore(%arg12 : memref<!tpu.dma_semaphore, #tpu.memory_space<semaphore_mem>>)
    %dma_wait3A_633 = arith.constant 38 : i32
    %dma_wait3A_634 = arith.constant 4864 : i32
    %dma_wait3A_635 = arith.constant 0 : i32
    %dma_wait3A_636 = tpu.memref_slice %arg10[%dma_wait3A_634, %dma_wait3A_635] : memref<6912x16xf32, #tpu.memory_space<vmem>> -> memref<128x16xf32, #tpu.memory_space<vmem>>
    %dma_wait3A_637 = arith.constant 0 : i32
    %dma_wait3A_638 = tpu.memref_slice %arg9[%dma_wait3A_633, %dma_wait3A_637] : memref<54x128xi32, #tpu.memory_space<vmem>> -> memref<1x128xi32, #tpu.memory_space<vmem>>
    %dma_wait3A_639 = tpu.memref_squeeze %dma_wait3A_638 : memref<1x128xi32, #tpu.memory_space<vmem>> -> memref<128xi32, #tpu.memory_space<vmem>>
    %dma_wait3A_640 = arith.constant 0 : i32
    %dma_wait3A_641 = arith.constant 0 : i32
    %dma_wait3A_642 = tpu.memref_slice %arg2[%dma_wait3A_640, %dma_wait3A_641] : memref<3538944x16xf32, #tpu.memory_space<hbm>> -> memref<3538944x16xf32, #tpu.memory_space<hbm>>
    tpu.wait_indirect_dma semaphore(%arg11 : memref<!tpu.dma_semaphore, #tpu.memory_space<semaphore_mem>>) src(%dma_wait3A_642 : memref<3538944x16xf32, #tpu.memory_space<hbm>>) dst(%dma_wait3A_636 : memref<128x16xf32, #tpu.memory_space<vmem>>)
    %add3A_643 = arith.constant 4864 : i32
    %add3A_644 = arith.addi %mul3A_18, %add3A_643 : i32
    %dma_start3A_645 = arith.constant 4864 : i32
    %dma_start3A_646 = arith.constant 0 : i32
    %dma_start3A_647 = tpu.memref_slice %arg10[%dma_start3A_645, %dma_start3A_646] : memref<6912x16xf32, #tpu.memory_space<vmem>> -> memref<128x16xf32, #tpu.memory_space<vmem>>
    %dma_start3A_648 = arith.constant 0 : i32
    %dma_start3A_649 = tpu.memref_slice %arg5[%add3A_644, %dma_start3A_648] : memref<221184x16xf32, #tpu.memory_space<hbm>> -> memref<128x16xf32, #tpu.memory_space<hbm>>
    %dma_start3A_650 = arith.constant 0 : i32
    %dma_start3A_651 = tpu.memref_slice %arg5[%add3A_644, %dma_start3A_650] : memref<221184x16xf32, #tpu.memory_space<hbm>> -> memref<128x16xf32, #tpu.memory_space<hbm>>
    %dma_start3A_652 = arith.constant 4864 : i32
    %dma_start3A_653 = arith.constant 0 : i32
    %dma_start3A_654 = tpu.memref_slice %arg10[%dma_start3A_652, %dma_start3A_653] : memref<6912x16xf32, #tpu.memory_space<vmem>> -> memref<128x16xf32, #tpu.memory_space<vmem>>
    tpu.enqueue_dma source(%dma_start3A_654 : memref<128x16xf32, #tpu.memory_space<vmem>>) target(%dma_start3A_651 : memref<128x16xf32, #tpu.memory_space<hbm>>) target_semaphore(%arg12 : memref<!tpu.dma_semaphore, #tpu.memory_space<semaphore_mem>>)
    %dma_wait3A_655 = arith.constant 39 : i32
    %dma_wait3A_656 = arith.constant 4992 : i32
    %dma_wait3A_657 = arith.constant 0 : i32
    %dma_wait3A_658 = tpu.memref_slice %arg10[%dma_wait3A_656, %dma_wait3A_657] : memref<6912x16xf32, #tpu.memory_space<vmem>> -> memref<128x16xf32, #tpu.memory_space<vmem>>
    %dma_wait3A_659 = arith.constant 0 : i32
    %dma_wait3A_660 = tpu.memref_slice %arg9[%dma_wait3A_655, %dma_wait3A_659] : memref<54x128xi32, #tpu.memory_space<vmem>> -> memref<1x128xi32, #tpu.memory_space<vmem>>
    %dma_wait3A_661 = tpu.memref_squeeze %dma_wait3A_660 : memref<1x128xi32, #tpu.memory_space<vmem>> -> memref<128xi32, #tpu.memory_space<vmem>>
    %dma_wait3A_662 = arith.constant 0 : i32
    %dma_wait3A_663 = arith.constant 0 : i32
    %dma_wait3A_664 = tpu.memref_slice %arg2[%dma_wait3A_662, %dma_wait3A_663] : memref<3538944x16xf32, #tpu.memory_space<hbm>> -> memref<3538944x16xf32, #tpu.memory_space<hbm>>
    tpu.wait_indirect_dma semaphore(%arg11 : memref<!tpu.dma_semaphore, #tpu.memory_space<semaphore_mem>>) src(%dma_wait3A_664 : memref<3538944x16xf32, #tpu.memory_space<hbm>>) dst(%dma_wait3A_658 : memref<128x16xf32, #tpu.memory_space<vmem>>)
    %add3A_665 = arith.constant 4992 : i32
    %add3A_666 = arith.addi %mul3A_18, %add3A_665 : i32
    %dma_start3A_667 = arith.constant 4992 : i32
    %dma_start3A_668 = arith.constant 0 : i32
    %dma_start3A_669 = tpu.memref_slice %arg10[%dma_start3A_667, %dma_start3A_668] : memref<6912x16xf32, #tpu.memory_space<vmem>> -> memref<128x16xf32, #tpu.memory_space<vmem>>
    %dma_start3A_670 = arith.constant 0 : i32
    %dma_start3A_671 = tpu.memref_slice %arg5[%add3A_666, %dma_start3A_670] : memref<221184x16xf32, #tpu.memory_space<hbm>> -> memref<128x16xf32, #tpu.memory_space<hbm>>
    %dma_start3A_672 = arith.constant 0 : i32
    %dma_start3A_673 = tpu.memref_slice %arg5[%add3A_666, %dma_start3A_672] : memref<221184x16xf32, #tpu.memory_space<hbm>> -> memref<128x16xf32, #tpu.memory_space<hbm>>
    %dma_start3A_674 = arith.constant 4992 : i32
    %dma_start3A_675 = arith.constant 0 : i32
    %dma_start3A_676 = tpu.memref_slice %arg10[%dma_start3A_674, %dma_start3A_675] : memref<6912x16xf32, #tpu.memory_space<vmem>> -> memref<128x16xf32, #tpu.memory_space<vmem>>
    tpu.enqueue_dma source(%dma_start3A_676 : memref<128x16xf32, #tpu.memory_space<vmem>>) target(%dma_start3A_673 : memref<128x16xf32, #tpu.memory_space<hbm>>) target_semaphore(%arg12 : memref<!tpu.dma_semaphore, #tpu.memory_space<semaphore_mem>>)
    %dma_wait3A_677 = arith.constant 40 : i32
    %dma_wait3A_678 = arith.constant 5120 : i32
    %dma_wait3A_679 = arith.constant 0 : i32
    %dma_wait3A_680 = tpu.memref_slice %arg10[%dma_wait3A_678, %dma_wait3A_679] : memref<6912x16xf32, #tpu.memory_space<vmem>> -> memref<128x16xf32, #tpu.memory_space<vmem>>
    %dma_wait3A_681 = arith.constant 0 : i32
    %dma_wait3A_682 = tpu.memref_slice %arg9[%dma_wait3A_677, %dma_wait3A_681] : memref<54x128xi32, #tpu.memory_space<vmem>> -> memref<1x128xi32, #tpu.memory_space<vmem>>
    %dma_wait3A_683 = tpu.memref_squeeze %dma_wait3A_682 : memref<1x128xi32, #tpu.memory_space<vmem>> -> memref<128xi32, #tpu.memory_space<vmem>>
    %dma_wait3A_684 = arith.constant 0 : i32
    %dma_wait3A_685 = arith.constant 0 : i32
    %dma_wait3A_686 = tpu.memref_slice %arg2[%dma_wait3A_684, %dma_wait3A_685] : memref<3538944x16xf32, #tpu.memory_space<hbm>> -> memref<3538944x16xf32, #tpu.memory_space<hbm>>
    tpu.wait_indirect_dma semaphore(%arg11 : memref<!tpu.dma_semaphore, #tpu.memory_space<semaphore_mem>>) src(%dma_wait3A_686 : memref<3538944x16xf32, #tpu.memory_space<hbm>>) dst(%dma_wait3A_680 : memref<128x16xf32, #tpu.memory_space<vmem>>)
    %add3A_687 = arith.constant 5120 : i32
    %add3A_688 = arith.addi %mul3A_18, %add3A_687 : i32
    %dma_start3A_689 = arith.constant 5120 : i32
    %dma_start3A_690 = arith.constant 0 : i32
    %dma_start3A_691 = tpu.memref_slice %arg10[%dma_start3A_689, %dma_start3A_690] : memref<6912x16xf32, #tpu.memory_space<vmem>> -> memref<128x16xf32, #tpu.memory_space<vmem>>
    %dma_start3A_692 = arith.constant 0 : i32
    %dma_start3A_693 = tpu.memref_slice %arg5[%add3A_688, %dma_start3A_692] : memref<221184x16xf32, #tpu.memory_space<hbm>> -> memref<128x16xf32, #tpu.memory_space<hbm>>
    %dma_start3A_694 = arith.constant 0 : i32
    %dma_start3A_695 = tpu.memref_slice %arg5[%add3A_688, %dma_start3A_694] : memref<221184x16xf32, #tpu.memory_space<hbm>> -> memref<128x16xf32, #tpu.memory_space<hbm>>
    %dma_start3A_696 = arith.constant 5120 : i32
    %dma_start3A_697 = arith.constant 0 : i32
    %dma_start3A_698 = tpu.memref_slice %arg10[%dma_start3A_696, %dma_start3A_697] : memref<6912x16xf32, #tpu.memory_space<vmem>> -> memref<128x16xf32, #tpu.memory_space<vmem>>
    tpu.enqueue_dma source(%dma_start3A_698 : memref<128x16xf32, #tpu.memory_space<vmem>>) target(%dma_start3A_695 : memref<128x16xf32, #tpu.memory_space<hbm>>) target_semaphore(%arg12 : memref<!tpu.dma_semaphore, #tpu.memory_space<semaphore_mem>>)
    %dma_wait3A_699 = arith.constant 41 : i32
    %dma_wait3A_700 = arith.constant 5248 : i32
    %dma_wait3A_701 = arith.constant 0 : i32
    %dma_wait3A_702 = tpu.memref_slice %arg10[%dma_wait3A_700, %dma_wait3A_701] : memref<6912x16xf32, #tpu.memory_space<vmem>> -> memref<128x16xf32, #tpu.memory_space<vmem>>
    %dma_wait3A_703 = arith.constant 0 : i32
    %dma_wait3A_704 = tpu.memref_slice %arg9[%dma_wait3A_699, %dma_wait3A_703] : memref<54x128xi32, #tpu.memory_space<vmem>> -> memref<1x128xi32, #tpu.memory_space<vmem>>
    %dma_wait3A_705 = tpu.memref_squeeze %dma_wait3A_704 : memref<1x128xi32, #tpu.memory_space<vmem>> -> memref<128xi32, #tpu.memory_space<vmem>>
    %dma_wait3A_706 = arith.constant 0 : i32
    %dma_wait3A_707 = arith.constant 0 : i32
    %dma_wait3A_708 = tpu.memref_slice %arg2[%dma_wait3A_706, %dma_wait3A_707] : memref<3538944x16xf32, #tpu.memory_space<hbm>> -> memref<3538944x16xf32, #tpu.memory_space<hbm>>
    tpu.wait_indirect_dma semaphore(%arg11 : memref<!tpu.dma_semaphore, #tpu.memory_space<semaphore_mem>>) src(%dma_wait3A_708 : memref<3538944x16xf32, #tpu.memory_space<hbm>>) dst(%dma_wait3A_702 : memref<128x16xf32, #tpu.memory_space<vmem>>)
    %add3A_709 = arith.constant 5248 : i32
    %add3A_710 = arith.addi %mul3A_18, %add3A_709 : i32
    %dma_start3A_711 = arith.constant 5248 : i32
    %dma_start3A_712 = arith.constant 0 : i32
    %dma_start3A_713 = tpu.memref_slice %arg10[%dma_start3A_711, %dma_start3A_712] : memref<6912x16xf32, #tpu.memory_space<vmem>> -> memref<128x16xf32, #tpu.memory_space<vmem>>
    %dma_start3A_714 = arith.constant 0 : i32
    %dma_start3A_715 = tpu.memref_slice %arg5[%add3A_710, %dma_start3A_714] : memref<221184x16xf32, #tpu.memory_space<hbm>> -> memref<128x16xf32, #tpu.memory_space<hbm>>
    %dma_start3A_716 = arith.constant 0 : i32
    %dma_start3A_717 = tpu.memref_slice %arg5[%add3A_710, %dma_start3A_716] : memref<221184x16xf32, #tpu.memory_space<hbm>> -> memref<128x16xf32, #tpu.memory_space<hbm>>
    %dma_start3A_718 = arith.constant 5248 : i32
    %dma_start3A_719 = arith.constant 0 : i32
    %dma_start3A_720 = tpu.memref_slice %arg10[%dma_start3A_718, %dma_start3A_719] : memref<6912x16xf32, #tpu.memory_space<vmem>> -> memref<128x16xf32, #tpu.memory_space<vmem>>
    tpu.enqueue_dma source(%dma_start3A_720 : memref<128x16xf32, #tpu.memory_space<vmem>>) target(%dma_start3A_717 : memref<128x16xf32, #tpu.memory_space<hbm>>) target_semaphore(%arg12 : memref<!tpu.dma_semaphore, #tpu.memory_space<semaphore_mem>>)
    %dma_wait3A_721 = arith.constant 42 : i32
    %dma_wait3A_722 = arith.constant 5376 : i32
    %dma_wait3A_723 = arith.constant 0 : i32
    %dma_wait3A_724 = tpu.memref_slice %arg10[%dma_wait3A_722, %dma_wait3A_723] : memref<6912x16xf32, #tpu.memory_space<vmem>> -> memref<128x16xf32, #tpu.memory_space<vmem>>
    %dma_wait3A_725 = arith.constant 0 : i32
    %dma_wait3A_726 = tpu.memref_slice %arg9[%dma_wait3A_721, %dma_wait3A_725] : memref<54x128xi32, #tpu.memory_space<vmem>> -> memref<1x128xi32, #tpu.memory_space<vmem>>
    %dma_wait3A_727 = tpu.memref_squeeze %dma_wait3A_726 : memref<1x128xi32, #tpu.memory_space<vmem>> -> memref<128xi32, #tpu.memory_space<vmem>>
    %dma_wait3A_728 = arith.constant 0 : i32
    %dma_wait3A_729 = arith.constant 0 : i32
    %dma_wait3A_730 = tpu.memref_slice %arg2[%dma_wait3A_728, %dma_wait3A_729] : memref<3538944x16xf32, #tpu.memory_space<hbm>> -> memref<3538944x16xf32, #tpu.memory_space<hbm>>
    tpu.wait_indirect_dma semaphore(%arg11 : memref<!tpu.dma_semaphore, #tpu.memory_space<semaphore_mem>>) src(%dma_wait3A_730 : memref<3538944x16xf32, #tpu.memory_space<hbm>>) dst(%dma_wait3A_724 : memref<128x16xf32, #tpu.memory_space<vmem>>)
    %add3A_731 = arith.constant 5376 : i32
    %add3A_732 = arith.addi %mul3A_18, %add3A_731 : i32
    %dma_start3A_733 = arith.constant 5376 : i32
    %dma_start3A_734 = arith.constant 0 : i32
    %dma_start3A_735 = tpu.memref_slice %arg10[%dma_start3A_733, %dma_start3A_734] : memref<6912x16xf32, #tpu.memory_space<vmem>> -> memref<128x16xf32, #tpu.memory_space<vmem>>
    %dma_start3A_736 = arith.constant 0 : i32
    %dma_start3A_737 = tpu.memref_slice %arg5[%add3A_732, %dma_start3A_736] : memref<221184x16xf32, #tpu.memory_space<hbm>> -> memref<128x16xf32, #tpu.memory_space<hbm>>
    %dma_start3A_738 = arith.constant 0 : i32
    %dma_start3A_739 = tpu.memref_slice %arg5[%add3A_732, %dma_start3A_738] : memref<221184x16xf32, #tpu.memory_space<hbm>> -> memref<128x16xf32, #tpu.memory_space<hbm>>
    %dma_start3A_740 = arith.constant 5376 : i32
    %dma_start3A_741 = arith.constant 0 : i32
    %dma_start3A_742 = tpu.memref_slice %arg10[%dma_start3A_740, %dma_start3A_741] : memref<6912x16xf32, #tpu.memory_space<vmem>> -> memref<128x16xf32, #tpu.memory_space<vmem>>
    tpu.enqueue_dma source(%dma_start3A_742 : memref<128x16xf32, #tpu.memory_space<vmem>>) target(%dma_start3A_739 : memref<128x16xf32, #tpu.memory_space<hbm>>) target_semaphore(%arg12 : memref<!tpu.dma_semaphore, #tpu.memory_space<semaphore_mem>>)
    %dma_wait3A_743 = arith.constant 43 : i32
    %dma_wait3A_744 = arith.constant 5504 : i32
    %dma_wait3A_745 = arith.constant 0 : i32
    %dma_wait3A_746 = tpu.memref_slice %arg10[%dma_wait3A_744, %dma_wait3A_745] : memref<6912x16xf32, #tpu.memory_space<vmem>> -> memref<128x16xf32, #tpu.memory_space<vmem>>
    %dma_wait3A_747 = arith.constant 0 : i32
    %dma_wait3A_748 = tpu.memref_slice %arg9[%dma_wait3A_743, %dma_wait3A_747] : memref<54x128xi32, #tpu.memory_space<vmem>> -> memref<1x128xi32, #tpu.memory_space<vmem>>
    %dma_wait3A_749 = tpu.memref_squeeze %dma_wait3A_748 : memref<1x128xi32, #tpu.memory_space<vmem>> -> memref<128xi32, #tpu.memory_space<vmem>>
    %dma_wait3A_750 = arith.constant 0 : i32
    %dma_wait3A_751 = arith.constant 0 : i32
    %dma_wait3A_752 = tpu.memref_slice %arg2[%dma_wait3A_750, %dma_wait3A_751] : memref<3538944x16xf32, #tpu.memory_space<hbm>> -> memref<3538944x16xf32, #tpu.memory_space<hbm>>
    tpu.wait_indirect_dma semaphore(%arg11 : memref<!tpu.dma_semaphore, #tpu.memory_space<semaphore_mem>>) src(%dma_wait3A_752 : memref<3538944x16xf32, #tpu.memory_space<hbm>>) dst(%dma_wait3A_746 : memref<128x16xf32, #tpu.memory_space<vmem>>)
    %add3A_753 = arith.constant 5504 : i32
    %add3A_754 = arith.addi %mul3A_18, %add3A_753 : i32
    %dma_start3A_755 = arith.constant 5504 : i32
    %dma_start3A_756 = arith.constant 0 : i32
    %dma_start3A_757 = tpu.memref_slice %arg10[%dma_start3A_755, %dma_start3A_756] : memref<6912x16xf32, #tpu.memory_space<vmem>> -> memref<128x16xf32, #tpu.memory_space<vmem>>
    %dma_start3A_758 = arith.constant 0 : i32
    %dma_start3A_759 = tpu.memref_slice %arg5[%add3A_754, %dma_start3A_758] : memref<221184x16xf32, #tpu.memory_space<hbm>> -> memref<128x16xf32, #tpu.memory_space<hbm>>
    %dma_start3A_760 = arith.constant 0 : i32
    %dma_start3A_761 = tpu.memref_slice %arg5[%add3A_754, %dma_start3A_760] : memref<221184x16xf32, #tpu.memory_space<hbm>> -> memref<128x16xf32, #tpu.memory_space<hbm>>
    %dma_start3A_762 = arith.constant 5504 : i32
    %dma_start3A_763 = arith.constant 0 : i32
    %dma_start3A_764 = tpu.memref_slice %arg10[%dma_start3A_762, %dma_start3A_763] : memref<6912x16xf32, #tpu.memory_space<vmem>> -> memref<128x16xf32, #tpu.memory_space<vmem>>
    tpu.enqueue_dma source(%dma_start3A_764 : memref<128x16xf32, #tpu.memory_space<vmem>>) target(%dma_start3A_761 : memref<128x16xf32, #tpu.memory_space<hbm>>) target_semaphore(%arg12 : memref<!tpu.dma_semaphore, #tpu.memory_space<semaphore_mem>>)
    %dma_wait3A_765 = arith.constant 44 : i32
    %dma_wait3A_766 = arith.constant 5632 : i32
    %dma_wait3A_767 = arith.constant 0 : i32
    %dma_wait3A_768 = tpu.memref_slice %arg10[%dma_wait3A_766, %dma_wait3A_767] : memref<6912x16xf32, #tpu.memory_space<vmem>> -> memref<128x16xf32, #tpu.memory_space<vmem>>
    %dma_wait3A_769 = arith.constant 0 : i32
    %dma_wait3A_770 = tpu.memref_slice %arg9[%dma_wait3A_765, %dma_wait3A_769] : memref<54x128xi32, #tpu.memory_space<vmem>> -> memref<1x128xi32, #tpu.memory_space<vmem>>
    %dma_wait3A_771 = tpu.memref_squeeze %dma_wait3A_770 : memref<1x128xi32, #tpu.memory_space<vmem>> -> memref<128xi32, #tpu.memory_space<vmem>>
    %dma_wait3A_772 = arith.constant 0 : i32
    %dma_wait3A_773 = arith.constant 0 : i32
    %dma_wait3A_774 = tpu.memref_slice %arg2[%dma_wait3A_772, %dma_wait3A_773] : memref<3538944x16xf32, #tpu.memory_space<hbm>> -> memref<3538944x16xf32, #tpu.memory_space<hbm>>
    tpu.wait_indirect_dma semaphore(%arg11 : memref<!tpu.dma_semaphore, #tpu.memory_space<semaphore_mem>>) src(%dma_wait3A_774 : memref<3538944x16xf32, #tpu.memory_space<hbm>>) dst(%dma_wait3A_768 : memref<128x16xf32, #tpu.memory_space<vmem>>)
    %add3A_775 = arith.constant 5632 : i32
    %add3A_776 = arith.addi %mul3A_18, %add3A_775 : i32
    %dma_start3A_777 = arith.constant 5632 : i32
    %dma_start3A_778 = arith.constant 0 : i32
    %dma_start3A_779 = tpu.memref_slice %arg10[%dma_start3A_777, %dma_start3A_778] : memref<6912x16xf32, #tpu.memory_space<vmem>> -> memref<128x16xf32, #tpu.memory_space<vmem>>
    %dma_start3A_780 = arith.constant 0 : i32
    %dma_start3A_781 = tpu.memref_slice %arg5[%add3A_776, %dma_start3A_780] : memref<221184x16xf32, #tpu.memory_space<hbm>> -> memref<128x16xf32, #tpu.memory_space<hbm>>
    %dma_start3A_782 = arith.constant 0 : i32
    %dma_start3A_783 = tpu.memref_slice %arg5[%add3A_776, %dma_start3A_782] : memref<221184x16xf32, #tpu.memory_space<hbm>> -> memref<128x16xf32, #tpu.memory_space<hbm>>
    %dma_start3A_784 = arith.constant 5632 : i32
    %dma_start3A_785 = arith.constant 0 : i32
    %dma_start3A_786 = tpu.memref_slice %arg10[%dma_start3A_784, %dma_start3A_785] : memref<6912x16xf32, #tpu.memory_space<vmem>> -> memref<128x16xf32, #tpu.memory_space<vmem>>
    tpu.enqueue_dma source(%dma_start3A_786 : memref<128x16xf32, #tpu.memory_space<vmem>>) target(%dma_start3A_783 : memref<128x16xf32, #tpu.memory_space<hbm>>) target_semaphore(%arg12 : memref<!tpu.dma_semaphore, #tpu.memory_space<semaphore_mem>>)
    %dma_wait3A_787 = arith.constant 45 : i32
    %dma_wait3A_788 = arith.constant 5760 : i32
    %dma_wait3A_789 = arith.constant 0 : i32
    %dma_wait3A_790 = tpu.memref_slice %arg10[%dma_wait3A_788, %dma_wait3A_789] : memref<6912x16xf32, #tpu.memory_space<vmem>> -> memref<128x16xf32, #tpu.memory_space<vmem>>
    %dma_wait3A_791 = arith.constant 0 : i32
    %dma_wait3A_792 = tpu.memref_slice %arg9[%dma_wait3A_787, %dma_wait3A_791] : memref<54x128xi32, #tpu.memory_space<vmem>> -> memref<1x128xi32, #tpu.memory_space<vmem>>
    %dma_wait3A_793 = tpu.memref_squeeze %dma_wait3A_792 : memref<1x128xi32, #tpu.memory_space<vmem>> -> memref<128xi32, #tpu.memory_space<vmem>>
    %dma_wait3A_794 = arith.constant 0 : i32
    %dma_wait3A_795 = arith.constant 0 : i32
    %dma_wait3A_796 = tpu.memref_slice %arg2[%dma_wait3A_794, %dma_wait3A_795] : memref<3538944x16xf32, #tpu.memory_space<hbm>> -> memref<3538944x16xf32, #tpu.memory_space<hbm>>
    tpu.wait_indirect_dma semaphore(%arg11 : memref<!tpu.dma_semaphore, #tpu.memory_space<semaphore_mem>>) src(%dma_wait3A_796 : memref<3538944x16xf32, #tpu.memory_space<hbm>>) dst(%dma_wait3A_790 : memref<128x16xf32, #tpu.memory_space<vmem>>)
    %add3A_797 = arith.constant 5760 : i32
    %add3A_798 = arith.addi %mul3A_18, %add3A_797 : i32
    %dma_start3A_799 = arith.constant 5760 : i32
    %dma_start3A_800 = arith.constant 0 : i32
    %dma_start3A_801 = tpu.memref_slice %arg10[%dma_start3A_799, %dma_start3A_800] : memref<6912x16xf32, #tpu.memory_space<vmem>> -> memref<128x16xf32, #tpu.memory_space<vmem>>
    %dma_start3A_802 = arith.constant 0 : i32
    %dma_start3A_803 = tpu.memref_slice %arg5[%add3A_798, %dma_start3A_802] : memref<221184x16xf32, #tpu.memory_space<hbm>> -> memref<128x16xf32, #tpu.memory_space<hbm>>
    %dma_start3A_804 = arith.constant 0 : i32
    %dma_start3A_805 = tpu.memref_slice %arg5[%add3A_798, %dma_start3A_804] : memref<221184x16xf32, #tpu.memory_space<hbm>> -> memref<128x16xf32, #tpu.memory_space<hbm>>
    %dma_start3A_806 = arith.constant 5760 : i32
    %dma_start3A_807 = arith.constant 0 : i32
    %dma_start3A_808 = tpu.memref_slice %arg10[%dma_start3A_806, %dma_start3A_807] : memref<6912x16xf32, #tpu.memory_space<vmem>> -> memref<128x16xf32, #tpu.memory_space<vmem>>
    tpu.enqueue_dma source(%dma_start3A_808 : memref<128x16xf32, #tpu.memory_space<vmem>>) target(%dma_start3A_805 : memref<128x16xf32, #tpu.memory_space<hbm>>) target_semaphore(%arg12 : memref<!tpu.dma_semaphore, #tpu.memory_space<semaphore_mem>>)
    %dma_wait3A_809 = arith.constant 46 : i32
    %dma_wait3A_810 = arith.constant 5888 : i32
    %dma_wait3A_811 = arith.constant 0 : i32
    %dma_wait3A_812 = tpu.memref_slice %arg10[%dma_wait3A_810, %dma_wait3A_811] : memref<6912x16xf32, #tpu.memory_space<vmem>> -> memref<128x16xf32, #tpu.memory_space<vmem>>
    %dma_wait3A_813 = arith.constant 0 : i32
    %dma_wait3A_814 = tpu.memref_slice %arg9[%dma_wait3A_809, %dma_wait3A_813] : memref<54x128xi32, #tpu.memory_space<vmem>> -> memref<1x128xi32, #tpu.memory_space<vmem>>
    %dma_wait3A_815 = tpu.memref_squeeze %dma_wait3A_814 : memref<1x128xi32, #tpu.memory_space<vmem>> -> memref<128xi32, #tpu.memory_space<vmem>>
    %dma_wait3A_816 = arith.constant 0 : i32
    %dma_wait3A_817 = arith.constant 0 : i32
    %dma_wait3A_818 = tpu.memref_slice %arg2[%dma_wait3A_816, %dma_wait3A_817] : memref<3538944x16xf32, #tpu.memory_space<hbm>> -> memref<3538944x16xf32, #tpu.memory_space<hbm>>
    tpu.wait_indirect_dma semaphore(%arg11 : memref<!tpu.dma_semaphore, #tpu.memory_space<semaphore_mem>>) src(%dma_wait3A_818 : memref<3538944x16xf32, #tpu.memory_space<hbm>>) dst(%dma_wait3A_812 : memref<128x16xf32, #tpu.memory_space<vmem>>)
    %add3A_819 = arith.constant 5888 : i32
    %add3A_820 = arith.addi %mul3A_18, %add3A_819 : i32
    %dma_start3A_821 = arith.constant 5888 : i32
    %dma_start3A_822 = arith.constant 0 : i32
    %dma_start3A_823 = tpu.memref_slice %arg10[%dma_start3A_821, %dma_start3A_822] : memref<6912x16xf32, #tpu.memory_space<vmem>> -> memref<128x16xf32, #tpu.memory_space<vmem>>
    %dma_start3A_824 = arith.constant 0 : i32
    %dma_start3A_825 = tpu.memref_slice %arg5[%add3A_820, %dma_start3A_824] : memref<221184x16xf32, #tpu.memory_space<hbm>> -> memref<128x16xf32, #tpu.memory_space<hbm>>
    %dma_start3A_826 = arith.constant 0 : i32
    %dma_start3A_827 = tpu.memref_slice %arg5[%add3A_820, %dma_start3A_826] : memref<221184x16xf32, #tpu.memory_space<hbm>> -> memref<128x16xf32, #tpu.memory_space<hbm>>
    %dma_start3A_828 = arith.constant 5888 : i32
    %dma_start3A_829 = arith.constant 0 : i32
    %dma_start3A_830 = tpu.memref_slice %arg10[%dma_start3A_828, %dma_start3A_829] : memref<6912x16xf32, #tpu.memory_space<vmem>> -> memref<128x16xf32, #tpu.memory_space<vmem>>
    tpu.enqueue_dma source(%dma_start3A_830 : memref<128x16xf32, #tpu.memory_space<vmem>>) target(%dma_start3A_827 : memref<128x16xf32, #tpu.memory_space<hbm>>) target_semaphore(%arg12 : memref<!tpu.dma_semaphore, #tpu.memory_space<semaphore_mem>>)
    %dma_wait3A_831 = arith.constant 47 : i32
    %dma_wait3A_832 = arith.constant 6016 : i32
    %dma_wait3A_833 = arith.constant 0 : i32
    %dma_wait3A_834 = tpu.memref_slice %arg10[%dma_wait3A_832, %dma_wait3A_833] : memref<6912x16xf32, #tpu.memory_space<vmem>> -> memref<128x16xf32, #tpu.memory_space<vmem>>
    %dma_wait3A_835 = arith.constant 0 : i32
    %dma_wait3A_836 = tpu.memref_slice %arg9[%dma_wait3A_831, %dma_wait3A_835] : memref<54x128xi32, #tpu.memory_space<vmem>> -> memref<1x128xi32, #tpu.memory_space<vmem>>
    %dma_wait3A_837 = tpu.memref_squeeze %dma_wait3A_836 : memref<1x128xi32, #tpu.memory_space<vmem>> -> memref<128xi32, #tpu.memory_space<vmem>>
    %dma_wait3A_838 = arith.constant 0 : i32
    %dma_wait3A_839 = arith.constant 0 : i32
    %dma_wait3A_840 = tpu.memref_slice %arg2[%dma_wait3A_838, %dma_wait3A_839] : memref<3538944x16xf32, #tpu.memory_space<hbm>> -> memref<3538944x16xf32, #tpu.memory_space<hbm>>
    tpu.wait_indirect_dma semaphore(%arg11 : memref<!tpu.dma_semaphore, #tpu.memory_space<semaphore_mem>>) src(%dma_wait3A_840 : memref<3538944x16xf32, #tpu.memory_space<hbm>>) dst(%dma_wait3A_834 : memref<128x16xf32, #tpu.memory_space<vmem>>)
    %add3A_841 = arith.constant 6016 : i32
    %add3A_842 = arith.addi %mul3A_18, %add3A_841 : i32
    %dma_start3A_843 = arith.constant 6016 : i32
    %dma_start3A_844 = arith.constant 0 : i32
    %dma_start3A_845 = tpu.memref_slice %arg10[%dma_start3A_843, %dma_start3A_844] : memref<6912x16xf32, #tpu.memory_space<vmem>> -> memref<128x16xf32, #tpu.memory_space<vmem>>
    %dma_start3A_846 = arith.constant 0 : i32
    %dma_start3A_847 = tpu.memref_slice %arg5[%add3A_842, %dma_start3A_846] : memref<221184x16xf32, #tpu.memory_space<hbm>> -> memref<128x16xf32, #tpu.memory_space<hbm>>
    %dma_start3A_848 = arith.constant 0 : i32
    %dma_start3A_849 = tpu.memref_slice %arg5[%add3A_842, %dma_start3A_848] : memref<221184x16xf32, #tpu.memory_space<hbm>> -> memref<128x16xf32, #tpu.memory_space<hbm>>
    %dma_start3A_850 = arith.constant 6016 : i32
    %dma_start3A_851 = arith.constant 0 : i32
    %dma_start3A_852 = tpu.memref_slice %arg10[%dma_start3A_850, %dma_start3A_851] : memref<6912x16xf32, #tpu.memory_space<vmem>> -> memref<128x16xf32, #tpu.memory_space<vmem>>
    tpu.enqueue_dma source(%dma_start3A_852 : memref<128x16xf32, #tpu.memory_space<vmem>>) target(%dma_start3A_849 : memref<128x16xf32, #tpu.memory_space<hbm>>) target_semaphore(%arg12 : memref<!tpu.dma_semaphore, #tpu.memory_space<semaphore_mem>>)
    %dma_wait3A_853 = arith.constant 48 : i32
    %dma_wait3A_854 = arith.constant 6144 : i32
    %dma_wait3A_855 = arith.constant 0 : i32
    %dma_wait3A_856 = tpu.memref_slice %arg10[%dma_wait3A_854, %dma_wait3A_855] : memref<6912x16xf32, #tpu.memory_space<vmem>> -> memref<128x16xf32, #tpu.memory_space<vmem>>
    %dma_wait3A_857 = arith.constant 0 : i32
    %dma_wait3A_858 = tpu.memref_slice %arg9[%dma_wait3A_853, %dma_wait3A_857] : memref<54x128xi32, #tpu.memory_space<vmem>> -> memref<1x128xi32, #tpu.memory_space<vmem>>
    %dma_wait3A_859 = tpu.memref_squeeze %dma_wait3A_858 : memref<1x128xi32, #tpu.memory_space<vmem>> -> memref<128xi32, #tpu.memory_space<vmem>>
    %dma_wait3A_860 = arith.constant 0 : i32
    %dma_wait3A_861 = arith.constant 0 : i32
    %dma_wait3A_862 = tpu.memref_slice %arg2[%dma_wait3A_860, %dma_wait3A_861] : memref<3538944x16xf32, #tpu.memory_space<hbm>> -> memref<3538944x16xf32, #tpu.memory_space<hbm>>
    tpu.wait_indirect_dma semaphore(%arg11 : memref<!tpu.dma_semaphore, #tpu.memory_space<semaphore_mem>>) src(%dma_wait3A_862 : memref<3538944x16xf32, #tpu.memory_space<hbm>>) dst(%dma_wait3A_856 : memref<128x16xf32, #tpu.memory_space<vmem>>)
    %add3A_863 = arith.constant 6144 : i32
    %add3A_864 = arith.addi %mul3A_18, %add3A_863 : i32
    %dma_start3A_865 = arith.constant 6144 : i32
    %dma_start3A_866 = arith.constant 0 : i32
    %dma_start3A_867 = tpu.memref_slice %arg10[%dma_start3A_865, %dma_start3A_866] : memref<6912x16xf32, #tpu.memory_space<vmem>> -> memref<128x16xf32, #tpu.memory_space<vmem>>
    %dma_start3A_868 = arith.constant 0 : i32
    %dma_start3A_869 = tpu.memref_slice %arg5[%add3A_864, %dma_start3A_868] : memref<221184x16xf32, #tpu.memory_space<hbm>> -> memref<128x16xf32, #tpu.memory_space<hbm>>
    %dma_start3A_870 = arith.constant 0 : i32
    %dma_start3A_871 = tpu.memref_slice %arg5[%add3A_864, %dma_start3A_870] : memref<221184x16xf32, #tpu.memory_space<hbm>> -> memref<128x16xf32, #tpu.memory_space<hbm>>
    %dma_start3A_872 = arith.constant 6144 : i32
    %dma_start3A_873 = arith.constant 0 : i32
    %dma_start3A_874 = tpu.memref_slice %arg10[%dma_start3A_872, %dma_start3A_873] : memref<6912x16xf32, #tpu.memory_space<vmem>> -> memref<128x16xf32, #tpu.memory_space<vmem>>
    tpu.enqueue_dma source(%dma_start3A_874 : memref<128x16xf32, #tpu.memory_space<vmem>>) target(%dma_start3A_871 : memref<128x16xf32, #tpu.memory_space<hbm>>) target_semaphore(%arg12 : memref<!tpu.dma_semaphore, #tpu.memory_space<semaphore_mem>>)
    %dma_wait3A_875 = arith.constant 49 : i32
    %dma_wait3A_876 = arith.constant 6272 : i32
    %dma_wait3A_877 = arith.constant 0 : i32
    %dma_wait3A_878 = tpu.memref_slice %arg10[%dma_wait3A_876, %dma_wait3A_877] : memref<6912x16xf32, #tpu.memory_space<vmem>> -> memref<128x16xf32, #tpu.memory_space<vmem>>
    %dma_wait3A_879 = arith.constant 0 : i32
    %dma_wait3A_880 = tpu.memref_slice %arg9[%dma_wait3A_875, %dma_wait3A_879] : memref<54x128xi32, #tpu.memory_space<vmem>> -> memref<1x128xi32, #tpu.memory_space<vmem>>
    %dma_wait3A_881 = tpu.memref_squeeze %dma_wait3A_880 : memref<1x128xi32, #tpu.memory_space<vmem>> -> memref<128xi32, #tpu.memory_space<vmem>>
    %dma_wait3A_882 = arith.constant 0 : i32
    %dma_wait3A_883 = arith.constant 0 : i32
    %dma_wait3A_884 = tpu.memref_slice %arg2[%dma_wait3A_882, %dma_wait3A_883] : memref<3538944x16xf32, #tpu.memory_space<hbm>> -> memref<3538944x16xf32, #tpu.memory_space<hbm>>
    tpu.wait_indirect_dma semaphore(%arg11 : memref<!tpu.dma_semaphore, #tpu.memory_space<semaphore_mem>>) src(%dma_wait3A_884 : memref<3538944x16xf32, #tpu.memory_space<hbm>>) dst(%dma_wait3A_878 : memref<128x16xf32, #tpu.memory_space<vmem>>)
    %add3A_885 = arith.constant 6272 : i32
    %add3A_886 = arith.addi %mul3A_18, %add3A_885 : i32
    %dma_start3A_887 = arith.constant 6272 : i32
    %dma_start3A_888 = arith.constant 0 : i32
    %dma_start3A_889 = tpu.memref_slice %arg10[%dma_start3A_887, %dma_start3A_888] : memref<6912x16xf32, #tpu.memory_space<vmem>> -> memref<128x16xf32, #tpu.memory_space<vmem>>
    %dma_start3A_890 = arith.constant 0 : i32
    %dma_start3A_891 = tpu.memref_slice %arg5[%add3A_886, %dma_start3A_890] : memref<221184x16xf32, #tpu.memory_space<hbm>> -> memref<128x16xf32, #tpu.memory_space<hbm>>
    %dma_start3A_892 = arith.constant 0 : i32
    %dma_start3A_893 = tpu.memref_slice %arg5[%add3A_886, %dma_start3A_892] : memref<221184x16xf32, #tpu.memory_space<hbm>> -> memref<128x16xf32, #tpu.memory_space<hbm>>
    %dma_start3A_894 = arith.constant 6272 : i32
    %dma_start3A_895 = arith.constant 0 : i32
    %dma_start3A_896 = tpu.memref_slice %arg10[%dma_start3A_894, %dma_start3A_895] : memref<6912x16xf32, #tpu.memory_space<vmem>> -> memref<128x16xf32, #tpu.memory_space<vmem>>
    tpu.enqueue_dma source(%dma_start3A_896 : memref<128x16xf32, #tpu.memory_space<vmem>>) target(%dma_start3A_893 : memref<128x16xf32, #tpu.memory_space<hbm>>) target_semaphore(%arg12 : memref<!tpu.dma_semaphore, #tpu.memory_space<semaphore_mem>>)
    %dma_wait3A_897 = arith.constant 50 : i32
    %dma_wait3A_898 = arith.constant 6400 : i32
    %dma_wait3A_899 = arith.constant 0 : i32
    %dma_wait3A_900 = tpu.memref_slice %arg10[%dma_wait3A_898, %dma_wait3A_899] : memref<6912x16xf32, #tpu.memory_space<vmem>> -> memref<128x16xf32, #tpu.memory_space<vmem>>
    %dma_wait3A_901 = arith.constant 0 : i32
    %dma_wait3A_902 = tpu.memref_slice %arg9[%dma_wait3A_897, %dma_wait3A_901] : memref<54x128xi32, #tpu.memory_space<vmem>> -> memref<1x128xi32, #tpu.memory_space<vmem>>
    %dma_wait3A_903 = tpu.memref_squeeze %dma_wait3A_902 : memref<1x128xi32, #tpu.memory_space<vmem>> -> memref<128xi32, #tpu.memory_space<vmem>>
    %dma_wait3A_904 = arith.constant 0 : i32
    %dma_wait3A_905 = arith.constant 0 : i32
    %dma_wait3A_906 = tpu.memref_slice %arg2[%dma_wait3A_904, %dma_wait3A_905] : memref<3538944x16xf32, #tpu.memory_space<hbm>> -> memref<3538944x16xf32, #tpu.memory_space<hbm>>
    tpu.wait_indirect_dma semaphore(%arg11 : memref<!tpu.dma_semaphore, #tpu.memory_space<semaphore_mem>>) src(%dma_wait3A_906 : memref<3538944x16xf32, #tpu.memory_space<hbm>>) dst(%dma_wait3A_900 : memref<128x16xf32, #tpu.memory_space<vmem>>)
    %add3A_907 = arith.constant 6400 : i32
    %add3A_908 = arith.addi %mul3A_18, %add3A_907 : i32
    %dma_start3A_909 = arith.constant 6400 : i32
    %dma_start3A_910 = arith.constant 0 : i32
    %dma_start3A_911 = tpu.memref_slice %arg10[%dma_start3A_909, %dma_start3A_910] : memref<6912x16xf32, #tpu.memory_space<vmem>> -> memref<128x16xf32, #tpu.memory_space<vmem>>
    %dma_start3A_912 = arith.constant 0 : i32
    %dma_start3A_913 = tpu.memref_slice %arg5[%add3A_908, %dma_start3A_912] : memref<221184x16xf32, #tpu.memory_space<hbm>> -> memref<128x16xf32, #tpu.memory_space<hbm>>
    %dma_start3A_914 = arith.constant 0 : i32
    %dma_start3A_915 = tpu.memref_slice %arg5[%add3A_908, %dma_start3A_914] : memref<221184x16xf32, #tpu.memory_space<hbm>> -> memref<128x16xf32, #tpu.memory_space<hbm>>
    %dma_start3A_916 = arith.constant 6400 : i32
    %dma_start3A_917 = arith.constant 0 : i32
    %dma_start3A_918 = tpu.memref_slice %arg10[%dma_start3A_916, %dma_start3A_917] : memref<6912x16xf32, #tpu.memory_space<vmem>> -> memref<128x16xf32, #tpu.memory_space<vmem>>
    tpu.enqueue_dma source(%dma_start3A_918 : memref<128x16xf32, #tpu.memory_space<vmem>>) target(%dma_start3A_915 : memref<128x16xf32, #tpu.memory_space<hbm>>) target_semaphore(%arg12 : memref<!tpu.dma_semaphore, #tpu.memory_space<semaphore_mem>>)
    %dma_wait3A_919 = arith.constant 51 : i32
    %dma_wait3A_920 = arith.constant 6528 : i32
    %dma_wait3A_921 = arith.constant 0 : i32
    %dma_wait3A_922 = tpu.memref_slice %arg10[%dma_wait3A_920, %dma_wait3A_921] : memref<6912x16xf32, #tpu.memory_space<vmem>> -> memref<128x16xf32, #tpu.memory_space<vmem>>
    %dma_wait3A_923 = arith.constant 0 : i32
    %dma_wait3A_924 = tpu.memref_slice %arg9[%dma_wait3A_919, %dma_wait3A_923] : memref<54x128xi32, #tpu.memory_space<vmem>> -> memref<1x128xi32, #tpu.memory_space<vmem>>
    %dma_wait3A_925 = tpu.memref_squeeze %dma_wait3A_924 : memref<1x128xi32, #tpu.memory_space<vmem>> -> memref<128xi32, #tpu.memory_space<vmem>>
    %dma_wait3A_926 = arith.constant 0 : i32
    %dma_wait3A_927 = arith.constant 0 : i32
    %dma_wait3A_928 = tpu.memref_slice %arg2[%dma_wait3A_926, %dma_wait3A_927] : memref<3538944x16xf32, #tpu.memory_space<hbm>> -> memref<3538944x16xf32, #tpu.memory_space<hbm>>
    tpu.wait_indirect_dma semaphore(%arg11 : memref<!tpu.dma_semaphore, #tpu.memory_space<semaphore_mem>>) src(%dma_wait3A_928 : memref<3538944x16xf32, #tpu.memory_space<hbm>>) dst(%dma_wait3A_922 : memref<128x16xf32, #tpu.memory_space<vmem>>)
    %add3A_929 = arith.constant 6528 : i32
    %add3A_930 = arith.addi %mul3A_18, %add3A_929 : i32
    %dma_start3A_931 = arith.constant 6528 : i32
    %dma_start3A_932 = arith.constant 0 : i32
    %dma_start3A_933 = tpu.memref_slice %arg10[%dma_start3A_931, %dma_start3A_932] : memref<6912x16xf32, #tpu.memory_space<vmem>> -> memref<128x16xf32, #tpu.memory_space<vmem>>
    %dma_start3A_934 = arith.constant 0 : i32
    %dma_start3A_935 = tpu.memref_slice %arg5[%add3A_930, %dma_start3A_934] : memref<221184x16xf32, #tpu.memory_space<hbm>> -> memref<128x16xf32, #tpu.memory_space<hbm>>
    %dma_start3A_936 = arith.constant 0 : i32
    %dma_start3A_937 = tpu.memref_slice %arg5[%add3A_930, %dma_start3A_936] : memref<221184x16xf32, #tpu.memory_space<hbm>> -> memref<128x16xf32, #tpu.memory_space<hbm>>
    %dma_start3A_938 = arith.constant 6528 : i32
    %dma_start3A_939 = arith.constant 0 : i32
    %dma_start3A_940 = tpu.memref_slice %arg10[%dma_start3A_938, %dma_start3A_939] : memref<6912x16xf32, #tpu.memory_space<vmem>> -> memref<128x16xf32, #tpu.memory_space<vmem>>
    tpu.enqueue_dma source(%dma_start3A_940 : memref<128x16xf32, #tpu.memory_space<vmem>>) target(%dma_start3A_937 : memref<128x16xf32, #tpu.memory_space<hbm>>) target_semaphore(%arg12 : memref<!tpu.dma_semaphore, #tpu.memory_space<semaphore_mem>>)
    %dma_wait3A_941 = arith.constant 52 : i32
    %dma_wait3A_942 = arith.constant 6656 : i32
    %dma_wait3A_943 = arith.constant 0 : i32
    %dma_wait3A_944 = tpu.memref_slice %arg10[%dma_wait3A_942, %dma_wait3A_943] : memref<6912x16xf32, #tpu.memory_space<vmem>> -> memref<128x16xf32, #tpu.memory_space<vmem>>
    %dma_wait3A_945 = arith.constant 0 : i32
    %dma_wait3A_946 = tpu.memref_slice %arg9[%dma_wait3A_941, %dma_wait3A_945] : memref<54x128xi32, #tpu.memory_space<vmem>> -> memref<1x128xi32, #tpu.memory_space<vmem>>
    %dma_wait3A_947 = tpu.memref_squeeze %dma_wait3A_946 : memref<1x128xi32, #tpu.memory_space<vmem>> -> memref<128xi32, #tpu.memory_space<vmem>>
    %dma_wait3A_948 = arith.constant 0 : i32
    %dma_wait3A_949 = arith.constant 0 : i32
    %dma_wait3A_950 = tpu.memref_slice %arg2[%dma_wait3A_948, %dma_wait3A_949] : memref<3538944x16xf32, #tpu.memory_space<hbm>> -> memref<3538944x16xf32, #tpu.memory_space<hbm>>
    tpu.wait_indirect_dma semaphore(%arg11 : memref<!tpu.dma_semaphore, #tpu.memory_space<semaphore_mem>>) src(%dma_wait3A_950 : memref<3538944x16xf32, #tpu.memory_space<hbm>>) dst(%dma_wait3A_944 : memref<128x16xf32, #tpu.memory_space<vmem>>)
    %add3A_951 = arith.constant 6656 : i32
    %add3A_952 = arith.addi %mul3A_18, %add3A_951 : i32
    %dma_start3A_953 = arith.constant 6656 : i32
    %dma_start3A_954 = arith.constant 0 : i32
    %dma_start3A_955 = tpu.memref_slice %arg10[%dma_start3A_953, %dma_start3A_954] : memref<6912x16xf32, #tpu.memory_space<vmem>> -> memref<128x16xf32, #tpu.memory_space<vmem>>
    %dma_start3A_956 = arith.constant 0 : i32
    %dma_start3A_957 = tpu.memref_slice %arg5[%add3A_952, %dma_start3A_956] : memref<221184x16xf32, #tpu.memory_space<hbm>> -> memref<128x16xf32, #tpu.memory_space<hbm>>
    %dma_start3A_958 = arith.constant 0 : i32
    %dma_start3A_959 = tpu.memref_slice %arg5[%add3A_952, %dma_start3A_958] : memref<221184x16xf32, #tpu.memory_space<hbm>> -> memref<128x16xf32, #tpu.memory_space<hbm>>
    %dma_start3A_960 = arith.constant 6656 : i32
    %dma_start3A_961 = arith.constant 0 : i32
    %dma_start3A_962 = tpu.memref_slice %arg10[%dma_start3A_960, %dma_start3A_961] : memref<6912x16xf32, #tpu.memory_space<vmem>> -> memref<128x16xf32, #tpu.memory_space<vmem>>
    tpu.enqueue_dma source(%dma_start3A_962 : memref<128x16xf32, #tpu.memory_space<vmem>>) target(%dma_start3A_959 : memref<128x16xf32, #tpu.memory_space<hbm>>) target_semaphore(%arg12 : memref<!tpu.dma_semaphore, #tpu.memory_space<semaphore_mem>>)
    %dma_wait3A_963 = arith.constant 53 : i32
    %dma_wait3A_964 = arith.constant 6784 : i32
    %dma_wait3A_965 = arith.constant 0 : i32
    %dma_wait3A_966 = tpu.memref_slice %arg10[%dma_wait3A_964, %dma_wait3A_965] : memref<6912x16xf32, #tpu.memory_space<vmem>> -> memref<128x16xf32, #tpu.memory_space<vmem>>
    %dma_wait3A_967 = arith.constant 0 : i32
    %dma_wait3A_968 = tpu.memref_slice %arg9[%dma_wait3A_963, %dma_wait3A_967] : memref<54x128xi32, #tpu.memory_space<vmem>> -> memref<1x128xi32, #tpu.memory_space<vmem>>
    %dma_wait3A_969 = tpu.memref_squeeze %dma_wait3A_968 : memref<1x128xi32, #tpu.memory_space<vmem>> -> memref<128xi32, #tpu.memory_space<vmem>>
    %dma_wait3A_970 = arith.constant 0 : i32
    %dma_wait3A_971 = arith.constant 0 : i32
    %dma_wait3A_972 = tpu.memref_slice %arg2[%dma_wait3A_970, %dma_wait3A_971] : memref<3538944x16xf32, #tpu.memory_space<hbm>> -> memref<3538944x16xf32, #tpu.memory_space<hbm>>
    tpu.wait_indirect_dma semaphore(%arg11 : memref<!tpu.dma_semaphore, #tpu.memory_space<semaphore_mem>>) src(%dma_wait3A_972 : memref<3538944x16xf32, #tpu.memory_space<hbm>>) dst(%dma_wait3A_966 : memref<128x16xf32, #tpu.memory_space<vmem>>)
    %add3A_973 = arith.constant 6784 : i32
    %add3A_974 = arith.addi %mul3A_18, %add3A_973 : i32
    %dma_start3A_975 = arith.constant 6784 : i32
    %dma_start3A_976 = arith.constant 0 : i32
    %dma_start3A_977 = tpu.memref_slice %arg10[%dma_start3A_975, %dma_start3A_976] : memref<6912x16xf32, #tpu.memory_space<vmem>> -> memref<128x16xf32, #tpu.memory_space<vmem>>
    %dma_start3A_978 = arith.constant 0 : i32
    %dma_start3A_979 = tpu.memref_slice %arg5[%add3A_974, %dma_start3A_978] : memref<221184x16xf32, #tpu.memory_space<hbm>> -> memref<128x16xf32, #tpu.memory_space<hbm>>
    %dma_start3A_980 = arith.constant 0 : i32
    %dma_start3A_981 = tpu.memref_slice %arg5[%add3A_974, %dma_start3A_980] : memref<221184x16xf32, #tpu.memory_space<hbm>> -> memref<128x16xf32, #tpu.memory_space<hbm>>
    %dma_start3A_982 = arith.constant 6784 : i32
    %dma_start3A_983 = arith.constant 0 : i32
    %dma_start3A_984 = tpu.memref_slice %arg10[%dma_start3A_982, %dma_start3A_983] : memref<6912x16xf32, #tpu.memory_space<vmem>> -> memref<128x16xf32, #tpu.memory_space<vmem>>
    tpu.enqueue_dma source(%dma_start3A_984 : memref<128x16xf32, #tpu.memory_space<vmem>>) target(%dma_start3A_981 : memref<128x16xf32, #tpu.memory_space<hbm>>) target_semaphore(%arg12 : memref<!tpu.dma_semaphore, #tpu.memory_space<semaphore_mem>>)
    %scan3A_985 = arith.constant 0 : i32
    %scan3A_986 = arith.constant 0 : i32
    %scan3A_987 = arith.constant 54 : i32
    %scan3A_988 = arith.addi %scan3A_986, %scan3A_987 : i32
    %scan3A_989 = arith.constant 1 : i32
    scf.for %scan3A_991 = %scan3A_986 to %scan3A_988 step %scan3A_989  : i32 {
      %mul3A_992 = arith.constant 128 : i32
      %mul3A_993 = arith.muli %scan3A_991, %mul3A_992 : i32
      %mul3A_994 = arith.constant 128 : i32
      %mul3A_995 = arith.muli %scan3A_991, %mul3A_994 : i32
      %add3A_996 = arith.addi %mul3A_18, %mul3A_995 : i32
      %dma_wait3A_997 = arith.constant 0 : i32
      %dma_wait3A_998 = tpu.memref_slice %arg10[%mul3A_993, %dma_wait3A_997] : memref<6912x16xf32, #tpu.memory_space<vmem>> -> memref<128x16xf32, #tpu.memory_space<vmem>>
      %dma_wait3A_999 = arith.constant 0 : i32
      %dma_wait3A_1000 = tpu.memref_slice %arg5[%add3A_996, %dma_wait3A_999] : memref<221184x16xf32, #tpu.memory_space<hbm>> -> memref<128x16xf32, #tpu.memory_space<hbm>>
      %dma_wait3A_1001 = arith.constant 0 : i32
      %dma_wait3A_1002 = tpu.memref_slice %arg5[%add3A_996, %dma_wait3A_1001] : memref<221184x16xf32, #tpu.memory_space<hbm>> -> memref<128x16xf32, #tpu.memory_space<hbm>>
      %dma_wait3A_1003 = arith.constant 0 : i32
      %dma_wait3A_1004 = tpu.memref_slice %arg10[%mul3A_993, %dma_wait3A_1003] : memref<6912x16xf32, #tpu.memory_space<vmem>> -> memref<128x16xf32, #tpu.memory_space<vmem>>
      tpu.wait_dma2 semaphore(%arg12 : memref<!tpu.dma_semaphore, #tpu.memory_space<semaphore_mem>>) src(%dma_wait3A_1004 : memref<128x16xf32, #tpu.memory_space<vmem>>) dst(%dma_wait3A_1002 : memref<128x16xf32, #tpu.memory_space<hbm>>)
    }
    %scan3A_990 = arith.constant 54 : i32
    return
  }
}

</mosaic_0001>

<sc_bundles>
// kernel: kernel.3.cloned.1.call-start
scs
__scs_entry_jumppad:
0x0: {  	(pc) =	sbr.rel $0x88, $3  }
0x1: {  	(tag) =	ssettag $0x0;
	lr =	simm.s32 $0x1  }
0x2: {  	[smem:$0x3F9F] =	sst lr;
	_ =	strace $0xD0000000  }
0x3: {  	_ = 	snop  }
0x4: {  	_ = 	snop  }
0x5: {  	_ = 	snop  }
0x6: {  	_ = 	snop  }
0x7: {  	_ = 	snop  }
__scs_overlays_trampoline_lowered:
0x8: {  	[smem:$0x3FAE] =	sst s0  }
0x9: {  	[smem:$0x3FAF] =	sst s1  }
0xa: {  	[smem:$0x3FB0] =	sst s2  }
0xb: {  	[smem:$0x3FB1] =	sst s3  }
0xc: {  	[smem:$0x3FB2] =	sst s4  }
0xd: {  	[smem:$0x3FB3] =	sst s5  }
0xe: {  	[smem:$0x3FB4] =	sst s6  }
0xf: {  	[smem:$0x3FB5] =	sst s7  }
0x10: {  	[smem:$0x3FB6] =	sst s8  }
0x11: {  	[smem:$0x3FB7] =	sst s9;
	s0 =	simm.s32 @!p0 $0x0  }
0x12: {  	s1 =	sld [smem:$0x3F9D];
	s0 =	simm.s32 @p0 $0x1  }
0x13: {  	[smem:$0x3FB8] =	sst s0;
	s0 =	simm.s32 @!p1 $0x0  }
0x14: {  	s2 =	sld [smem:$0x3F9C];
	s0 =	simm.s32 @p1 $0x1  }
0x15: {  	[smem:$0x3FB9] =	sst s0;
	s0 =	simm.s32 @!p2 $0x0  }
0x16: {  	s3 =	sld [smem:$0x3FDB];
	s0 =	simm.s32 @p2 $0x1  }
0x17: {  	s4 =	simm.s32 $0x1BF5;
	[smem:$0x3FBB] =	sst s0  }
0x18: {  	s0 =	sld [smem:$0x3F9E];
	_ =	swait.ge [sflag:s4], $0x0  }
0x19: {  	s7 =	sld [smem:$0x3F9F]  }
0x1a: {  	s8 =	sadd.s32 $0xFFFFE003, lr  }
0x1b: {  	s9 =	sadd.s32 $0xFFFFFEF7, lr;
	s5 =	simm.s32 $0xFFFFFFFF;
	p2 =	slt.u32 s8, $0xFFFFF086  }
0x1c: {  	p1 =	slt.u32 s9, $0xF7A;
	s5 =	simm.s32 @!p2 $0x0  }
0x1d: {  	s5 =	simm.s32 @p1 $0x1;
	p0 =	seq.s32 s7, s2  }
0x1e: {  	s7 =	smul.u32 @!p0 $0xF7A, s2;
	p2 =	seq.s32 @!p0 s5, $0x0  }
0x1f: {  	s9 =	smul.u32 $0xF7A, s1;
	s8 =	simm.s32 @!p0 $0x1BF5;
	p2 =	por !p2, p0  }
0x20: {  	[sflag:s8] =	ssyncset.s32 @!p0 $0xFFFFF086;
	s6 =	sadd.s32 @!p0 s3, s7;
	s7 =	simm.s32 @!p0 $0x108  }
0x21: {  	s3 =	sadd.s32 s3, s9;
	s6 =	sadd.s32 @!p0 $0x88, s6;
	s7 =	simm.s32 @p2 $0x1082  }
0x22: {  	[simem:s7], [sflag:s8] =	dma.local @!p0 [hbm:s6], $0xF7A  }
0x23: {  	s9 =	sor.u32 $0xD0000000, s2;
	s6 =	simm.s32 $0x108;
	_ =	swait.ge @!p0 [sflag:s8], $0x0  }
0x24: {  	s3 =	sadd.s32 $0x88, s3;
	s6 =	simm.s32 @!p1 $0x1082;
	[sflag:s4] =	ssyncset.s32 $0xFFFFF086  }
0x25: {  	[simem:s6], [sflag:s4] =	dma.local [hbm:s3], $0xF7A  }
0x26: {  	[smem:$0x3F9F] =	sst s1;
	(tag) =	ssettag s2;
	_ =	strace s9  }
0x27: {  	s1 =	sld [smem:$0x3FAF]  }
0x28: {  	s2 =	sld [smem:$0x3FB0]  }
0x29: {  	s4 =	sld [smem:$0x3FB2]  }
0x2a: {  	p0 =	seq.s32 s5, $0x0;
	s5 =	sld [smem:$0x3FB3]  }
0x2b: {  	s6 =	sld [smem:$0x3FB4]  }
0x2c: {  	s7 =	sld [smem:$0x3FB5]  }
0x2d: {  	s3 =	simm.s32 $0x108;
	s8 =	sld [smem:$0x3FB6]  }
0x2e: {  	s3 =	simm.s32 @!p0 $0x1082;
	s9 =	sld [smem:$0x3FB7]  }
0x2f: {  	lr =	sadd.s32 s0, s3;
	s0 =	sld [smem:$0x3FAE]  }
0x30: {  	s3 =	sld [smem:$0x3FB1]  }
0x31: {  	[smem:$0x3FBA] =	sst s10  }
0x32: {  	s10 =	sld [smem:$0x3FB8];
	_ =	sdelay $0x3  }
0x33: {  	p0 =	seq.s32 s10, $0x1;
	s10 =	sld [smem:$0x3FBA];
	_ =	sdelay $0x3  }
0x34: {  	[smem:$0x3FBA] =	sst s10  }
0x35: {  	s10 =	sld [smem:$0x3FB9];
	_ =	sdelay $0x3  }
0x36: {  	p1 =	seq.s32 s10, $0x1;
	s10 =	sld [smem:$0x3FBA];
	_ =	sdelay $0x3  }
0x37: {  	[smem:$0x3FBA] =	sst s10  }
0x38: {  	s10 =	sld [smem:$0x3FBB]  }
0x39: {  	_ = 	snop;
	(pc) =	sbr.ind lr, $3  }
0x3a: {  	_ = 	snop  }
0x3b: {  	_ = 	snop  }
0x3c: {  	p2 =	seq.s32 s10, $0x1;
	s10 =	sld [smem:$0x3FBA]  }
0x3d: {  	_ =	shalt  }
0x3e: {  	_ =	shalt  }
0x3f: {  	_ =	shalt  }
0x40: {  	_ =	shalt  }
0x41: {  	_ =	shalt  }
0x42: {  	_ =	shalt  }
0x43: {  	_ =	shalt  }
0x44: {  	_ =	shalt  }
0x45: {  	_ =	shalt  }
0x46: {  	_ =	shalt  }
0x47: {  	_ =	shalt  }
0x48: {  	_ =	shalt  }
0x49: {  	_ =	shalt  }
0x4a: {  	_ =	shalt  }
0x4b: {  	_ =	shalt  }
0x4c: {  	_ =	shalt  }
0x4d: {  	_ =	shalt  }
0x4e: {  	_ =	shalt  }
0x4f: {  	_ =	shalt  }
0x50: {  	_ =	shalt  }
0x51: {  	_ =	shalt  }
0x52: {  	_ =	shalt  }
0x53: {  	_ =	shalt  }
0x54: {  	_ =	shalt  }
0x55: {  	_ =	shalt  }
0x56: {  	_ =	shalt  }
0x57: {  	_ =	shalt  }
0x58: {  	_ =	shalt  }
0x59: {  	_ =	shalt  }
0x5a: {  	_ =	shalt  }
0x5b: {  	_ =	shalt  }
0x5c: {  	_ =	shalt  }
0x5d: {  	_ =	shalt  }
0x5e: {  	_ =	shalt  }
0x5f: {  	_ =	shalt  }
0x60: {  	_ =	shalt  }
0x61: {  	_ =	shalt  }
0x62: {  	_ =	shalt  }
0x63: {  	_ =	shalt  }
0x64: {  	_ =	shalt  }
0x65: {  	_ =	shalt  }
0x66: {  	_ =	shalt  }
0x67: {  	_ =	shalt  }
0x68: {  	_ =	shalt  }
0x69: {  	_ =	shalt  }
0x6a: {  	_ =	shalt  }
0x6b: {  	_ =	shalt  }
0x6c: {  	_ =	shalt  }
0x6d: {  	_ =	shalt  }
0x6e: {  	_ =	shalt  }
0x6f: {  	_ =	shalt  }
0x70: {  	_ =	shalt  }
0x71: {  	_ =	shalt  }
0x72: {  	_ =	shalt  }
0x73: {  	_ =	shalt  }
0x74: {  	_ =	shalt  }
0x75: {  	_ =	shalt  }
0x76: {  	_ =	shalt  }
0x77: {  	_ =	shalt  }
0x78: {  	_ =	shalt  }
0x79: {  	_ =	shalt  }
0x7a: {  	_ =	shalt  }
0x7b: {  	_ =	shalt  }
0x7c: {  	_ =	shalt  }
0x7d: {  	_ =	shalt  }
0x7e: {  	_ =	shalt  }
0x7f: {  	_ =	shalt  }
0x80: {  	_ =	shalt  }
0x81: {  	_ =	shalt  }
0x82: {  	_ =	shalt  }
0x83: {  	_ =	shalt  }
0x84: {  	_ =	shalt  }
0x85: {  	_ =	shalt  }
0x86: {  	_ =	shalt  }
0x87: {  	_ =	shalt  }
.Lfunc_end0:
.L_simem_size_0:
called_computation_lowered:
.L_overlay_start_0:
0x88: {  	s2 =	sld [smem:$0x3FD9]  }
0x89: {  	s3 =	sld [smem:$0x3FFE];
	_ =	sdelay $0x1  }
0x8a: {  	s1 =	srdreg.scid  }
0x8b: {  	s0 =	sand.u32 $0x1, s1  }
0x8c: {  	s17 =	sshll.u32 s0, $0xA;
	s2 =	sadd.s32 s3, s2  }
0x8d: {  	s2 =	sadd.s32 s2, s17  }
0x8e: {  	[smem:$0x3FC6] =	sst s2  }
0x8f: {  	_ = 	snop  }
0x90: {  	s2 =	sld [smem:$0x3FC9]  }
0x91: {  	s18 =	sld [smem:$0x3FD0];
	(tm) =	ssettm $0x1  }
0x92: {  	s4 =	sld [smem:$0x3FFB];
	_ =	sdelay $0x3  }
0x93: {  	_ =	strace s4  }
0x94: {  	s4 =	sld [smem:$0x3FFC];
	_ =	sdelay $0x3  }
0x95: {  	_ =	strace s4  }
0x96: {  	s4 =	sld [smem:$0x3FFD];
	_ =	sdelay $0x3  }
0x97: {  	_ =	strace s4  }
0x98: {  	_ =	strace $0x8FFFFFFF  }
0x99: {  	s19 =	sld [smem:$0x3FDB];
	_ =	sdelay $0x1  }
0x9a: {  	s5 =	simm.s32 $_scs_section_size  }
0x9b: {  	s6 =	simm.s32 $_size__tile_overlayer_lowered;
	s7 =	simm.s32 $_tile_overlayer_lowered  }
0x9c: {  	s22 =	simm.s32 $0x1BFF;
	s21 =	sshll.u32 s7, $0x1;
	s4 =	sadd.s32 s5, s19  }
0x9d: {  	s8 =	simm.s32 $0x0;
	s20 =	sshll.u32 s6, $0x1;
	s6 =	sadd.s32 s21, s4  }
0x9e: {  	[timem:s8], [sflag:s22] =	dma.local [hbm:s6], s20  }
0x9f: {  	_ =	swait.ge [sflag:s22], s20  }
0xa0: {  	s5 =	ssub.s32 $0x0, s20;
	[sflag:s22] =	ssyncset.done $0x0  }
0xa1: {  	[sflag:s22] =	ssyncadd.s32 s5;
	_ =	sdelay $0x1  }
0xa2: {  	s23 =	simm.s32 $0x1B8B  }
0xa3: {  	_ =	swait.ge [sflag:s23], $0x1  }
0xa4: {  	[sflag:s23] =	ssyncset.done $0x0  }
0xa5: {  	s25 =	simm.s32 $0x1B8E;
	s24 =	sld [smem:$0x3FFE];
	[sflag:s23] =	ssyncadd.s32 $0xFFFFFFFF  }
0xa6: {  	s26 =	simm.s32 $execute0_lowered;
	[smem:$0x3FD2] =	sst s25  }
0xa7: {  	s6 =	sshll.u32 s26, $0x1;
	_ =	strace $0x80000046;
	[dreg:$0x1] =	wrdreg $0xFFFFFFFF  }
0xa8: {  	s28 =	simm.s32 $_size_execute0_lowered;
	s4 =	sadd.s32 s4, s6;
	[dreg:$0x0] =	wrdreg $0x0  }
0xa9: {  	s6 =	sshll.u32 s28, $0x1;
	[dreg:$0x2] =	wrdreg s4  }
0xaa: {  	[dreg:$0x3] =	wrdreg s6  }
0xab: {  	[dreg:$0x4] =	wrdreg $0xC0  }
0xac: {  	_ =	task [dreg:s8], $0x5FFFF  }
0xad: {  	[dreg:$0x1] =	wrdreg $0xFFFFFFFF  }
0xae: {  	[dreg:$0x0] =	wrdreg $0x60  }
0xaf: {  	[dreg:$0x2] =	wrdreg s2  }
0xb0: {  	[dreg:$0x3] =	wrdreg s24  }
0xb1: {  	[dreg:$0x4] =	wrdreg s18  }
0xb2: {  	[dreg:$0x5] =	wrdreg $0x9  }
0xb3: {  	_ =	task.clear_ibuf [dreg:s8], $0x6FFFF;
	_ =	strace $0x90000046  }
0xb4: {  	s29 =	simm.s32 $0x9;
	_ =	strace $0x80000048  }
0xb5: {  	_ =	swait.ge [sflag:s29], $0x1  }
0xb6: {  	[sflag:s29] =	ssyncadd.s32 $0xFFFFFFFF  }
0xb7: {  	_ =	strace $0x90000048  }
0xb8: {  	_ =	sfence  }
0xb9: {  	s30 =	sld [smem:$0x0];
	_ =	sdelay $0x2  }
0xba: {  	s31 =	sshll.u32 s1, $0xD;
	s1 =	sshrl.u32 s1, $0x2  }
0xbb: {  	s3 =	sand.u32 $0x4000, s31;
	s1 =	sadd.s32 s1, s30  }
0xbc: {  	s0 =	sor.u32 s3, s0;
	s1 =	sshll.u32 s1, $0x11  }
0xbd: {  	s0 =	sor.u32 s1, s0  }
0xbe: {  	s0 =	sadd.s32 $0x8F2B, s0  }
0xbf: {  	[sflag:s0] =	ssyncadd.remote.s32 $0x1  }
0xc0: {  	_ =	sfence.sel $0xFFFF  }
0xc1: {  	[dreg:$0x0] =	wrdreg $0xFFFFFFFF;
	(pc) =	sbr.abs _section_cstart, $3  }
0xc2: {  	[dreg:$0x1] =	wrdreg $0xFFFFFFFF  }
0xc3: {  	_ =	task.clear_ibuf [dreg:s8], $0x2FFFF;
	_ =	strace $0x9FFFFFFF  }
0xc4: {  	(tm) =	ssettm $0x7FFFFFFF  }
0xc5: {  	_ =	shalt  }
tec
execute0_lowered:
.L_overlay_start_1:
0x0: {  	(tag) =	ssettag $0x1  }
0x1: {  	s1 =	rddreg [dreg:$0x0]  }
0x2: {  	s4 =	stileid.u32;
	s2 =	srdreg.scid  }
0x3: {  	s2 =	sand.u32 $0x1, s2;
	s5 =	sshll.u32 s4, $0x1;
	s6 =	sshrl.u32 s4, $0x1  }
0x4: {  	s0 =	rddreg [dreg:$0x1];
	s5 =	sor.u32 s2, s5;
	s8 =	smul.u32 $0x90, s6  }
0x5: {  	s3 =	rddreg [dreg:$0x2];
	s11 =	simm.s32 $0x0;
	s7 =	smul.u32 $0x1B00, s5  }
0x6: {  	[smem:$0x7FF] =	sst s11;
	s5 =	smul.u32 $0x1B000, s5  }
0x7: {  	_ =	strace $0x80000047;
	s8 =	sadd.s32 s8, s0;
	s7 =	sshrl.u32 s7, $0x3  }
0x8: {  	s8 =	sadd.s32 $0x600, s8;
	s5 =	sshrl.u32 s5, $0x3;
	s0 =	sadd.s32 s7, s0  }
0x9: {  	[dreg:$0x4] =	wrdreg s8;
	s5 =	sadd.s32 s3, s5;
	s0 =	sadd.s32 $0xC00, s0  }
0xa: {  	s22 =	sadd.s32 $0x1B00, s5;
	[dreg:$0x5] =	wrdreg s0  }
0xb: {  	s23 =	sadd.s32 $0x1C00, s5;
	[dreg:$0x6] =	wrdreg s22  }
0xc: {  	s24 =	sadd.s32 $0x1D00, s5;
	[dreg:$0x7] =	wrdreg s23  }
0xd: {  	s25 =	sadd.s32 $0x1E00, s5;
	[dreg:$0x8] =	wrdreg s24  }
0xe: {  	s26 =	sadd.s32 $0x1F00, s5;
	[dreg:$0x9] =	wrdreg s25  }
0xf: {  	s28 =	sadd.s32 $0x2000, s5;
	[dreg:$0xa] =	wrdreg s26  }
0x10: {  	s29 =	sadd.s32 $0x2100, s5;
	[dreg:$0xb] =	wrdreg s28  }
0x11: {  	s9 =	ssub.s32 $0x2, s2;
	s30 =	sadd.s32 $0x2200, s5;
	[dreg:$0xc] =	wrdreg s29  }
0x12: {  	s12 =	smul.u32 $0x1B000, s6;
	s6 =	sadd.s32 $0x2300, s5;
	[dreg:$0xd] =	wrdreg s30  }
0x13: {  	s21 =	sshrl.u32 s9, $0x1;
	s8 =	sadd.s32 $0x2400, s5;
	[dreg:$0xe] =	wrdreg s6  }
0x14: {  	s7 =	ssub.s32 s9, s21;
	s9 =	sadd.s32 $0x2500, s5;
	[dreg:$0xf] =	wrdreg s8  }
0x15: {  	s10 =	sadd.s32 $0x2600, s5;
	[dreg:$0x10] =	wrdreg s9  }
0x16: {  	s13 =	sadd.s32 $0x2700, s5;
	[dreg:$0x11] =	wrdreg s10  }
0x17: {  	s14 =	sadd.s32 $0x2800, s5;
	[dreg:$0x12] =	wrdreg s13  }
0x18: {  	s15 =	sadd.s32 $0x2900, s5;
	[dreg:$0x13] =	wrdreg s14  }
0x19: {  	s17 =	sadd.s32 $0x2A00, s5;
	[dreg:$0x14] =	wrdreg s15  }
0x1a: {  	s18 =	sadd.s32 $0x2B00, s5;
	[dreg:$0x15] =	wrdreg s17  }
0x1b: {  	s19 =	sadd.s32 $0x2C00, s5;
	[dreg:$0x16] =	wrdreg s18  }
0x1c: {  	s20 =	sadd.s32 $0x2D00, s5;
	[dreg:$0x17] =	wrdreg s19  }
0x1d: {  	s21 =	sadd.s32 $0x2E00, s5;
	[dreg:$0x18] =	wrdreg s20  }
0x1e: {  	[dreg:$0x19] =	wrdreg s21;
	s22 =	sadd.s32 $0x2F00, s5  }
0x1f: {  	s23 =	sadd.s32 $0x3000, s5;
	[dreg:$0x1a] =	wrdreg s22  }
0x20: {  	v0 =	vimm.s32 $0xECA86420;
	s31 =	smul.u32 $0x3600, s4;
	s24 =	sadd.s32 $0x3100, s5;
	[dreg:$0x1b] =	wrdreg s23  }
0x21: {  	vm0 =	vcmask $0xB08;
	vm1 =	vcmask $0x1310;
	vm2 =	vcmask $0x1B18;
	s2 =	smul.u32 $0x1B00, s2;
	s25 =	sadd.s32 $0x3200, s5;
	[dreg:$0x1c] =	wrdreg s24  }
0x22: {  	vm3 =	vcmask $0x300;
	vm4 =	vcmask $0x2320;
	vm5 =	vcmask $0x2B28;
	s26 =	sadd.s32 $0x3300, s5;
	[dreg:$0x1d] =	wrdreg s25  }
0x23: {  	vm6 =	vcmask $0x3330;
	vm7 =	vcmask $0x3B38;
	v2 =	vlaneseq.u32;
	s0 =	sadd.s32 s2, s31;
	s28 =	sadd.s32 $0x3400, s5;
	[dreg:$0x1e] =	wrdreg s26  }
0x24: {  	vm8 =	vmmov $0xff;
	vm9 =	vcmask $0x704;
	vm10 =	vcmask $0xF0C;
	s29 =	sadd.s32 $0x3500, s5;
	s30 =	smax.u32 s7, $0x1;
	[dreg:$0x1f] =	wrdreg s28  }
0x25: {  	vm11 =	vcmask $0x1714;
	vm12 =	vcmask $0x1F1C;
	v1 =	vunpack.c.l.s4.s8 v0;
	s8 =	simm.s32 $0x2;
	s16 =	sshll.u32 s0, $0x1;
	[smem:$0x7FB] =	sst s29  }
0x26: {  	vm13 =	vcmask $0x2724;
	vm14 =	vcmask $0x2F2C;
	vm15 =	vcmask $0x3734;
	s9 =	simm.s32 $0x480;
	[smem:$0x7FC] =	sst s30;
	s31 =	sadd.s32 $0xFFFFE500, s16  }
0x27: {  	v2 =	vmul.u32 $0x2, v2;
	v1 =	vunpack.c.0.s8.s32 v1;
	v0 =	vmov s12;
	s10 =	simm.s32 $0x80;
	s2 =	simm.s32 $0x0;
	[smem:$0x7FD] =	sst s31  }
.LBB2_1:
0x28: {  	[smem:$0x7D8] =	sst s2  }
0x29: {  	s0 =	rddreg [dreg:$0x4]  }
0x2a: {  	[tilespmem:s11], [sflag:$0x2] =	stream.linear.gather [hbm4b:s0+s11], $0x480, $0x38;
	[tilespmem:$0x1ECC0] =	vst v63  }
0x2b: {  	s25 =	rddreg [dreg:$0x5];
	s26 =	simm.s32 $0x6C0  }
0x2c: {  	[tilespmem:s26], [sflag:$0x2] =	stream.linear.gather [hbm4b:s25+s11], $0x1B00, $0x38;
	[tilespmem:$0x1ECC0] =	vst v63  }
0x2d: {  	_ =	swait.ge [sflag:s8], $0x480  }
0x2e: {  	[sflag:s8] =	ssyncset.done $0x0  }
0x2f: {  	[sflag:s8] =	ssyncadd.s32 $0xFFFFFB80  }
0x30: {  	v3 =	vld [tilespmem:$0x120];
	_ =	sdelay $0x4  }
0x31: {  	(v2sf) =	vpush v3, $0xD;
	_ =	sdelay $0x1  }
0x32: {  	(v2sf) =	vpush v3, $0xC;
	_ =	sdelay $0x1  }
0x33: {  	(v2sf) =	vpush v3, $0xE;
	_ =	sdelay $0x1  }
0x34: {  	(v2sf) =	vpush v3, $0xF  }
0x35: {  	(v2sf) =	vpush v3, $0x9;
	_ =	sdelay $0x2  }
0x36: {  	(v2sf) =	vpush v3, $0x8;
	_ =	sdelay $0x1  }
0x37: {  	(v2sf) =	vpush v3, $0xA;
	_ =	sdelay $0x1  }
0x38: {  	(v2sf) =	vpush v3, $0xB  }
0x39: {  	s13 =	spop (v2sf)  }
0x3a: {  	(v2sf) =	vpush v3, $0x0;
	s14 =	smulhi.u32 $0x2AAAAAAB, s13;
	s13 =	sshra.s32 s13, $0x1F  }
0x3b: {  	s15 =	spop (v2sf);
	s13 =	smul.u32 $0x2AAAAAAB, s13  }
0x3c: {  	(v2sf) =	vpush v3, $0x1;
	s16 =	smulhi.u32 $0x2AAAAAAB, s15;
	s15 =	sshra.s32 s15, $0x1F  }
0x3d: {  	(v2sf) =	vpush v3, $0x2;
	s17 =	spop (v2sf);
	s15 =	smul.u32 $0x2AAAAAAB, s15  }
0x3e: {  	(v2sf) =	vpush v3, $0x3;
	s18 =	smulhi.u32 $0x2AAAAAAB, s17;
	s17 =	sshra.s32 s17, $0x1F  }
0x3f: {  	s19 =	spop (v2sf);
	(v2sf) =	vpush v3, $0x4;
	s17 =	smul.u32 $0x2AAAAAAB, s17;
	s28 =	sadd.s32 s13, s14  }
0x40: {  	s20 =	smulhi.u32 $0x2AAAAAAB, s19;
	s29 =	sshra.s32 s19, $0x1F;
	s30 =	spop (v2sf);
	(v2sf) =	vpush v3, $0x5  }
0x41: {  	[smem:$0x7DA] =	sst s28;
	s19 =	smul.u32 $0x2AAAAAAB, s29;
	(v2sf) =	vpush v3, $0x6  }
0x42: {  	s0 =	sshrl.u32 s28, $0x1F;
	s21 =	smulhi.u32 $0x2AAAAAAB, s30;
	s14 =	sshra.s32 s30, $0x1F;
	(v2sf) =	vpush v3, $0x7  }
0x43: {  	s16 =	sadd.s32 s15, s16;
	s31 =	spop (v2sf);
	s23 =	smul.u32 $0x2AAAAAAB, s14  }
0x44: {  	[smem:$0x7D9] =	sst s0;
	s0 =	smulhi.u32 $0x2AAAAAAB, s31;
	s15 =	sshra.s32 s31, $0x1F  }
0x45: {  	s26 =	sshrl.u32 s16, $0x1F;
	s2 =	spop (v2sf);
	s28 =	smul.u32 $0x2AAAAAAB, s15  }
0x46: {  	s22 =	sadd.s32 s17, s18;
	s4 =	smulhi.u32 $0x2AAAAAAB, s2;
	s17 =	sshra.s32 s2, $0x1F  }
0x47: {  	s15 =	sadd.s32 s19, s20;
	s6 =	spop (v2sf);
	s29 =	smul.u32 $0x2AAAAAAB, s17  }
0x48: {  	v5 =	vmov s26;
	s26 =	sld [smem:$0x7D9];
	s30 =	smulhi.u32 $0x2AAAAAAB, s6;
	s20 =	sshra.s32 s6, $0x1F  }
0x49: {  	s24 =	sshrl.u32 s22, $0x1F;
	s31 =	smul.u32 $0x2AAAAAAB, s20;
	s7 =	spop (v2sf)  }
0x4a: {  	s17 =	sadd.s32 s23, s21;
	s2 =	smulhi.u32 $0x2AAAAAAB, s7;
	s11 =	sshra.s32 s7, $0x1F  }
0x4b: {  	s20 =	sadd.s32 s28, s0;
	s12 =	spop (v2sf);
	s13 =	smul.u32 $0x2AAAAAAB, s11  }
0x4c: {  	s21 =	spop (v2sf);
	s5 =	smulhi.u32 $0x2AAAAAAB, s12;
	s0 =	sshra.s32 s12, $0x1F  }
0x4d: {  	s25 =	sshrl.u32 s15, $0x1F;
	s6 =	spop (v2sf);
	s0 =	smul.u32 $0x2AAAAAAB, s0  }
0x4e: {  	s23 =	sshrl.u32 s17, $0x1F;
	s7 =	smulhi.u32 $0x2AAAAAAB, s21;
	s12 =	spop (v2sf)  }
0x4f: {  	s18 =	sshra.s32 s21, $0x1F;
	s21 =	sadd.s32 s29, s4;
	s11 =	spop (v2sf)  }
0x50: {  	s19 =	smul.u32 $0x2AAAAAAB, s18;
	s18 =	sadd.s32 s31, s30;
	s29 =	spop (v2sf)  }
0x51: {  	s30 =	smulhi.u32 $0x2AAAAAAB, s6;
	s2 =	sadd.s32 s13, s2;
	s4 =	spop (v2sf)  }
0x52: {  	s13 =	sshra.s32 s6, $0x1F;
	s28 =	smulhi.u32 $0x2AAAAAAB, s4;
	s31 =	sshra.s32 s4, $0x1F  }
0x53: {  	s6 =	sshrl.u32 s2, $0x1F;
	s4 =	sadd.s32 s0, s5;
	s0 =	smul.u32 $0x2AAAAAAB, s31  }
0x54: {  	s14 =	sshrl.u32 s20, $0x1F;
	v6 =	vmov s6;
	s6 =	smulhi.u32 $0x2AAAAAAB, s11;
	s11 =	sshra.s32 s11, $0x1F  }
0x55: {  	s7 =	sadd.s32 s19, s7;
	s11 =	smul.u32 $0x2AAAAAAB, s11;
	s19 =	sadd.s32 s0, s28  }
0x56: {  	s5 =	smul.u32 $0x2AAAAAAB, s13;
	s13 =	sshrl.u32 s18, $0x1F;
	s0 =	sshra.s32 s19, $0x1F  }
0x57: {  	v5 =	vsel vm0, s26, v5;
	s31 =	sshrl.u32 s21, $0x1F;
	s26 =	sshra.s32 s4, $0x3;
	v4 =	vmov s0;
	s0 =	sshra.s32 s2, $0x3  }
0x58: {  	v7 =	vmov s14;
	s6 =	sadd.s32 s11, s6;
	s5 =	sadd.s32 s5, s30;
	s2 =	sshra.s32 s2, $0x1F;
	v4 =	vsel vm3, s0, v4  }
0x59: {  	v7 =	vsel vm0, s23, v7;
	s30 =	sshrl.u32 s4, $0x1F;
	s28 =	smulhi.u32 $0x2AAAAAAB, s12;
	s12 =	sshra.s32 s12, $0x1F;
	v4 =	vsel vm9, s2, v4  }
0x5a: {  	v7 =	vsel vm1, s31, v7;
	s31 =	sld [smem:$0x7DA];
	s0 =	smul.u32 $0x2AAAAAAB, s12;
	s2 =	sshra.s32 s4, $0x1F;
	v4 =	vsel vm0, s26, v4  }
0x5b: {  	v6 =	vnsel vm3, $0x0, v6;
	s4 =	smulhi.u32 $0x2AAAAAAB, s29;
	s26 =	sshra.s32 s29, $0x1F;
	s29 =	sshra.s32 s7, $0x3;
	v4 =	vsel vm10, s2, v4  }
0x5c: {  	v5 =	vsel vm1, s24, v5;
	s24 =	sshrl.u32 s5, $0x1F;
	v6 =	vsel vm0, s30, v6;
	s12 =	sshrl.u32 s7, $0x1F;
	s7 =	sshra.s32 s7, $0x1F;
	v4 =	vsel vm1, s29, v4  }
0x5d: {  	v5 =	vsel vm2, s25, v5;
	s23 =	sshra.s32 s5, $0x3;
	s25 =	sshra.s32 s5, $0x1F;
	v6 =	vsel vm1, s12, v6;
	s0 =	sadd.s32 s0, s28;
	v4 =	vsel vm11, s7, v4  }
0x5e: {  	v7 =	vsel vm2, s13, v7;
	v6 =	vsel vm2, s24, v6;
	s24 =	sshrl.u32 s6, $0x1F;
	s30 =	smul.u32 $0x2AAAAAAB, s26;
	s14 =	sshrl.u32 s0, $0x1F;
	v4 =	vsel vm2, s23, v4  }
0x5f: {  	v5 =	vcombine.low v7, v5;
	s28 =	sshra.s32 s0, $0x3;
	s0 =	sshra.s32 s0, $0x1F;
	v6 =	vsel vm4, s14, v6;
	s29 =	sshra.s32 s16, $0x3;
	v4 =	vsel vm12, s25, v4  }
0x60: {  	s2 =	sshra.s32 s31, $0x3;
	s4 =	sadd.s32 s30, s4;
	v6 =	vsel vm5, s24, v6;
	s30 =	sshra.s32 s20, $0x3;
	v20 =	vmov s29;
	v4 =	vsel vm4, s28, v4  }
0x61: {  	s11 =	sshra.s32 s17, $0x3;
	s12 =	sshra.s32 s6, $0x3;
	s26 =	sshrl.u32 s4, $0x1F;
	v8 =	vmov s30;
	v7 =	vsel vm0, s2, v20;
	v4 =	vsel vm13, s0, v4  }
0x62: {  	s13 =	sshra.s32 s22, $0x3;
	s14 =	sshra.s32 s21, $0x3;
	s16 =	sshra.s32 s6, $0x1F;
	v6 =	vsel vm6, s26, v6;
	v8 =	vsel vm0, s11, v8;
	v4 =	vsel vm5, s12, v4  }
0x63: {  	s18 =	sshra.s32 s18, $0x3;
	s17 =	sshra.s32 s15, $0x3;
	s20 =	sshra.s32 s4, $0x3;
	v7 =	vsel vm1, s13, v7;
	v8 =	vsel vm1, s14, v8;
	v4 =	vsel vm14, s16, v4  }
0x64: {  	s21 =	sshrl.u32 s19, $0x1F;
	s22 =	sshra.s32 s4, $0x1F;
	v7 =	vsel vm2, s17, v7;
	v8 =	vsel vm2, s18, v8;
	v4 =	vsel vm6, s20, v4  }
0x65: {  	s23 =	sshra.s32 s19, $0x3;
	v6 =	vsel vm7, s21, v6;
	v7 =	vcombine.low v8, v7;
	v4 =	vsel vm15, s22, v4  }
0x66: {  	v5 =	vperm.xlane v5, v1;
	v6 =	vperm.xlane v6, v2;
	v4 =	vsel vm7, s23, v4  }
0x67: {  	v7 =	vperm.xlane v7, v1;
	v4 =	vperm.xlane v4, v2;
	_ =	sdelay $0x1  }
0x68: {  	v5 =	vsel vm8, v6, v5;
	v4 =	vsel vm8, v4, v7  }
0x69: {  	v21 =	vld [tilespmem:$0x0];
	v4 =	vadd.s32 v5, v4  }
0x6a: {  	v5 =	vmul.u32 $0xD0, v4;
	_ =	sdelay $0x1  }
0x6b: {  	v23 =	vshra.s32 v3, $0x1F;
	v5 =	vadd.s32 v3, v5  }
0x6c: {  	v9 =	vld [tilespmem:$0x240];
	v8 =	vshrl.u32 v23, $0x1D;
	v22 =	vshll.u32 v5, $0x18  }
0x6d: {  	v10 =	vld [tilespmem:$0x360];
	v8 =	vadd.s32 v8, v3;
	v6 =	vmul.u32 $0xD8000, v21;
	v7 =	vshra.s32 v22, $0x1F  }
0x6e: {  	v24 =	vshrl.u32 v8, $0x3;
	v7 =	vand.u32 $0x7, v7  }
0x6f: {  	v6 =	vadd.s32 v0, v6;
	v5 =	vadd.s32 v7, v5;
	v7 =	vshll.u32 v24, $0x3  }
0x70: {  	v4 =	vmul.u32 $0x300, v4;
	v5 =	vshll.u32 v5, $0x18;
	v3 =	vsub.s32 v3, v7  }
0x71: {  	v5 =	vshra.s32 v5, $0x1B;
	v3 =	vadd.s32 v3, v6  }
0x72: {  	v5 =	vshll.u32 v5, $0x6;
	v3 =	vadd.s32 v4, v3  }
0x73: {  	v3 =	vadd.s32 v5, v3  }
0x74: {  	[tilespmem:v9+s9+$0x0] =	vst.idx.msk $0xffff, v3  }
0x75: {  	[tilespmem:v10+s9+$0x0] =	vst.idx.msk $0xffff, v3  }
0x76: {  	v3 =	vld [tilespmem:$0x130];
	_ =	sdelay $0x4  }
0x77: {  	(v2sf) =	vpush v3, $0xD;
	_ =	sdelay $0x1  }
0x78: {  	(v2sf) =	vpush v3, $0xC;
	_ =	sdelay $0x1  }
0x79: {  	(v2sf) =	vpush v3, $0xE;
	_ =	sdelay $0x1  }
0x7a: {  	(v2sf) =	vpush v3, $0xF  }
0x7b: {  	(v2sf) =	vpush v3, $0x9;
	_ =	sdelay $0x1  }
0x7c: {  	(v2sf) =	vpush v3, $0x8;
	_ =	sdelay $0x2  }
0x7d: {  	(v2sf) =	vpush v3, $0xA;
	_ =	sdelay $0x1  }
0x7e: {  	(v2sf) =	vpush v3, $0xB  }
0x7f: {  	s24 =	spop (v2sf)  }
0x80: {  	(v2sf) =	vpush v3, $0x0;
	s25 =	smulhi.u32 $0x2AAAAAAB, s24;
	s0 =	sshra.s32 s24, $0x1F  }
0x81: {  	s26 =	spop (v2sf);
	s0 =	smul.u32 $0x2AAAAAAB, s0  }
0x82: {  	(v2sf) =	vpush v3, $0x1;
	s28 =	smulhi.u32 $0x2AAAAAAB, s26;
	s4 =	sshra.s32 s26, $0x1F  }
0x83: {  	(v2sf) =	vpush v3, $0x2;
	s29 =	spop (v2sf);
	s4 =	smul.u32 $0x2AAAAAAB, s4  }
0x84: {  	(v2sf) =	vpush v3, $0x3;
	s30 =	smulhi.u32 $0x2AAAAAAB, s29;
	s6 =	sshra.s32 s29, $0x1F  }
0x85: {  	(v2sf) =	vpush v3, $0x4;
	s31 =	spop (v2sf);
	s6 =	smul.u32 $0x2AAAAAAB, s6;
	s2 =	sadd.s32 s0, s25  }
0x86: {  	(v2sf) =	vpush v3, $0x5;
	s13 =	smulhi.u32 $0x2AAAAAAB, s31;
	s15 =	sshra.s32 s31, $0x1F;
	s17 =	spop (v2sf)  }
0x87: {  	[smem:$0x7DC] =	sst s2;
	(v2sf) =	vpush v3, $0x6;
	s16 =	sshrl.u32 s2, $0x1F;
	s2 =	smul.u32 $0x2AAAAAAB, s15  }
0x88: {  	s18 =	smulhi.u32 $0x2AAAAAAB, s17;
	s19 =	sshra.s32 s17, $0x1F;
	s20 =	spop (v2sf);
	(v2sf) =	vpush v3, $0x7  }
0x89: {  	[smem:$0x7DB] =	sst s16;
	s5 =	smul.u32 $0x2AAAAAAB, s19  }
0x8a: {  	s16 =	sadd.s32 s4, s28;
	s22 =	sadd.s32 s6, s30;
	s21 =	smulhi.u32 $0x2AAAAAAB, s20  }
0x8b: {  	s25 =	sshra.s32 s20, $0x1F;
	s26 =	spop (v2sf);
	s14 =	sshrl.u32 s16, $0x1F  }
0x8c: {  	s24 =	sshrl.u32 s22, $0x1F;
	s7 =	smul.u32 $0x2AAAAAAB, s25;
	s15 =	sadd.s32 s2, s13  }
0x8d: {  	s0 =	smulhi.u32 $0x2AAAAAAB, s26;
	s28 =	sshra.s32 s26, $0x1F;
	s29 =	spop (v2sf)  }
0x8e: {  	s25 =	sshrl.u32 s15, $0x1F;
	s2 =	smul.u32 $0x2AAAAAAB, s28;
	s17 =	sadd.s32 s5, s18  }
0x8f: {  	s4 =	smulhi.u32 $0x2AAAAAAB, s29;
	s30 =	sshra.s32 s29, $0x1F;
	s31 =	spop (v2sf)  }
0x90: {  	v26 =	vmov s14;
	s14 =	sld [smem:$0x7DB];
	s23 =	sshrl.u32 s17, $0x1F;
	s5 =	smul.u32 $0x2AAAAAAB, s30  }
0x91: {  	s19 =	smulhi.u32 $0x2AAAAAAB, s31;
	s12 =	sshra.s32 s31, $0x1F;
	s11 =	spop (v2sf)  }
0x92: {  	s20 =	sadd.s32 s7, s21;
	s13 =	smul.u32 $0x2AAAAAAB, s12;
	s21 =	spop (v2sf)  }
0x93: {  	s12 =	smulhi.u32 $0x2AAAAAAB, s11;
	s18 =	sshra.s32 s11, $0x1F;
	s26 =	spop (v2sf)  }
0x94: {  	s28 =	sshrl.u32 s20, $0x1F;
	s29 =	smul.u32 $0x2AAAAAAB, s18;
	s30 =	spop (v2sf)  }
0x95: {  	s31 =	smulhi.u32 $0x2AAAAAAB, s21;
	s7 =	sshra.s32 s21, $0x1F;
	s18 =	spop (v2sf)  }
0x96: {  	s21 =	sadd.s32 s2, s0;
	s2 =	smul.u32 $0x2AAAAAAB, s7;
	s7 =	spop (v2sf)  }
0x97: {  	s11 =	sadd.s32 s5, s4;
	s6 =	sadd.s32 s13, s19;
	s0 =	spop (v2sf)  }
0x98: {  	v5 =	vsel vm0, s14, v26;
	s12 =	sadd.s32 s29, s12;
	s13 =	smulhi.u32 $0x2AAAAAAB, s0;
	s5 =	sshra.s32 s0, $0x1F  }
0x99: {  	v28 =	vmov s28;
	s28 =	sshra.s32 s16, $0x3;
	v5 =	vsel vm1, s24, v5;
	s24 =	sshra.s32 s12, $0x1F;
	s5 =	smul.u32 $0x2AAAAAAB, s5  }
0x9a: {  	v7 =	vsel vm0, s23, v28;
	s4 =	smulhi.u32 $0x2AAAAAAB, s26;
	s26 =	sshra.s32 s26, $0x1F;
	s29 =	sshrl.u32 s21, $0x1F  }
0x9b: {  	s26 =	smul.u32 $0x2AAAAAAB, s26;
	v7 =	vsel vm1, s29, v7;
	s29 =	sshra.s32 s20, $0x3;
	s19 =	sadd.s32 s5, s13  }
0x9c: {  	s2 =	sadd.s32 s2, s31;
	s14 =	sshra.s32 s18, $0x1F;
	s0 =	sshra.s32 s19, $0x1F  }
0x9d: {  	s4 =	sadd.s32 s26, s4;
	s26 =	smulhi.u32 $0x2AAAAAAB, s30;
	v25 =	vmov s0;
	s0 =	sshra.s32 s6, $0x3  }
0x9e: {  	s14 =	smul.u32 $0x2AAAAAAB, s14;
	s5 =	sshrl.u32 s6, $0x1F;
	s6 =	sshra.s32 s6, $0x1F;
	v4 =	vsel vm3, s0, v25  }
0x9f: {  	v5 =	vsel vm2, s25, v5;
	s31 =	sshrl.u32 s11, $0x1F;
	s25 =	smulhi.u32 $0x2AAAAAAB, s7;
	v27 =	vmov s5;
	v4 =	vsel vm9, s6, v4;
	s6 =	sshra.s32 s12, $0x3  }
0xa0: {  	s7 =	sshra.s32 s7, $0x1F;
	s13 =	sshra.s32 s30, $0x1F;
	s30 =	sshrl.u32 s12, $0x1F;
	v6 =	vnsel vm3, $0x0, v27;
	v4 =	vsel vm0, s6, v4  }
0xa1: {  	s0 =	smul.u32 $0x2AAAAAAB, s13;
	s13 =	sshrl.u32 s2, $0x1F;
	v6 =	vsel vm0, s30, v6;
	s30 =	sshra.s32 s2, $0x3;
	v4 =	vsel vm10, s24, v4  }
0xa2: {  	s5 =	smulhi.u32 $0x2AAAAAAB, s18;
	s18 =	sshrl.u32 s4, $0x1F;
	s2 =	sshra.s32 s2, $0x1F;
	v6 =	vsel vm1, s13, v6;
	v4 =	vsel vm1, s30, v4  }
0xa3: {  	v7 =	vsel vm2, s31, v7;
	s31 =	sshra.s32 s17, $0x3;
	s7 =	smul.u32 $0x2AAAAAAB, s7;
	v6 =	vsel vm2, s18, v6;
	s18 =	sshra.s32 s4, $0x3;
	v4 =	vsel vm11, s2, v4  }
0xa4: {  	s0 =	sadd.s32 s0, s26;
	s24 =	sshra.s32 s4, $0x1F;
	s30 =	sld [smem:$0x7DC];
	v4 =	vsel vm2, s18, v4  }
0xa5: {  	v29 =	vmov s28;
	v30 =	vmov s29;
	s7 =	sadd.s32 s7, s25;
	s5 =	sadd.s32 s14, s5;
	s26 =	sshra.s32 s0, $0x3;
	v4 =	vsel vm12, s24, v4  }
0xa6: {  	v5 =	vcombine.low v7, v5;
	v8 =	vsel vm0, s31, v30;
	s14 =	sshra.s32 s21, $0x3;
	s13 =	sshrl.u32 s0, $0x1F;
	s0 =	sshra.s32 s0, $0x1F;
	v4 =	vsel vm4, s26, v4  }
0xa7: {  	s23 =	sshrl.u32 s5, $0x1F;
	s12 =	sshra.s32 s5, $0x3;
	v8 =	vsel vm1, s14, v8;
	v6 =	vsel vm4, s13, v6;
	s2 =	sshra.s32 s30, $0x3;
	v4 =	vsel vm13, s0, v4  }
0xa8: {  	s25 =	sshrl.u32 s7, $0x1F;
	s16 =	sshra.s32 s5, $0x1F;
	s13 =	sshra.s32 s22, $0x3;
	v6 =	vsel vm5, s23, v6;
	v7 =	vsel vm0, s2, v29;
	v4 =	vsel vm5, s12, v4  }
0xa9: {  	s17 =	sshra.s32 s15, $0x3;
	s20 =	sshra.s32 s7, $0x3;
	v6 =	vsel vm6, s25, v6;
	s18 =	sshra.s32 s11, $0x3;
	v7 =	vsel vm1, s13, v7;
	v4 =	vsel vm14, s16, v4  }
0xaa: {  	s21 =	sshrl.u32 s19, $0x1F;
	s22 =	sshra.s32 s7, $0x1F;
	v8 =	vsel vm2, s18, v8;
	v7 =	vsel vm2, s17, v7;
	v4 =	vsel vm6, s20, v4  }
0xab: {  	s23 =	sshra.s32 s19, $0x3;
	v6 =	vsel vm7, s21, v6;
	v7 =	vcombine.low v8, v7;
	v4 =	vsel vm15, s22, v4  }
0xac: {  	v5 =	vperm.xlane v5, v1;
	v6 =	vperm.xlane v6, v2;
	v4 =	vsel vm7, s23, v4  }
0xad: {  	v7 =	vperm.xlane v7, v1;
	v4 =	vperm.xlane v4, v2;
	_ =	sdelay $0x1  }
0xae: {  	v5 =	vsel vm8, v6, v5;
	v4 =	vsel vm8, v4, v7  }
0xaf: {  	v31 =	vld [tilespmem:$0x10];
	v4 =	vadd.s32 v5, v4  }
0xb0: {  	v5 =	vmul.u32 $0xD0, v4;
	_ =	sdelay $0x1  }
0xb1: {  	v33 =	vshra.s32 v3, $0x1F;
	v5 =	vadd.s32 v3, v5  }
0xb2: {  	v9 =	vld [tilespmem:$0x250];
	v8 =	vshrl.u32 v33, $0x1D;
	v32 =	vshll.u32 v5, $0x18  }
0xb3: {  	v10 =	vld [tilespmem:$0x370];
	v6 =	vmul.u32 $0xD8000, v31;
	v8 =	vadd.s32 v8, v3;
	v7 =	vshra.s32 v32, $0x1F  }
0xb4: {  	v34 =	vshrl.u32 v8, $0x3;
	v7 =	vand.u32 $0x7, v7  }
0xb5: {  	v6 =	vadd.s32 v0, v6;
	v5 =	vadd.s32 v7, v5;
	v7 =	vshll.u32 v34, $0x3  }
0xb6: {  	v4 =	vmul.u32 $0x300, v4;
	v5 =	vshll.u32 v5, $0x18;
	v3 =	vsub.s32 v3, v7  }
0xb7: {  	v5 =	vshra.s32 v5, $0x1B;
	v3 =	vadd.s32 v3, v6  }
0xb8: {  	v5 =	vshll.u32 v5, $0x6;
	v3 =	vadd.s32 v4, v3  }
0xb9: {  	v3 =	vadd.s32 v5, v3  }
0xba: {  	[tilespmem:v9+s9+$0x0] =	vst.idx.msk $0xffff, v3  }
0xbb: {  	[tilespmem:v10+s9+$0x0] =	vst.idx.msk $0xffff, v3  }
0xbc: {  	v3 =	vld [tilespmem:$0x140];
	_ =	sdelay $0x4  }
0xbd: {  	(v2sf) =	vpush v3, $0xD;
	_ =	sdelay $0x1  }
0xbe: {  	(v2sf) =	vpush v3, $0xC;
	_ =	sdelay $0x1  }
0xbf: {  	(v2sf) =	vpush v3, $0xE;
	_ =	sdelay $0x1  }
0xc0: {  	(v2sf) =	vpush v3, $0xF  }
0xc1: {  	(v2sf) =	vpush v3, $0x9;
	_ =	sdelay $0x1  }
0xc2: {  	(v2sf) =	vpush v3, $0x8;
	_ =	sdelay $0x2  }
0xc3: {  	(v2sf) =	vpush v3, $0xA;
	_ =	sdelay $0x1  }
0xc4: {  	(v2sf) =	vpush v3, $0xB  }
0xc5: {  	s24 =	spop (v2sf)  }
0xc6: {  	(v2sf) =	vpush v3, $0x0;
	s25 =	smulhi.u32 $0x2AAAAAAB, s24;
	s0 =	sshra.s32 s24, $0x1F  }
0xc7: {  	s26 =	spop (v2sf);
	s0 =	smul.u32 $0x2AAAAAAB, s0  }
0xc8: {  	(v2sf) =	vpush v3, $0x1;
	s28 =	smulhi.u32 $0x2AAAAAAB, s26;
	s4 =	sshra.s32 s26, $0x1F  }
0xc9: {  	(v2sf) =	vpush v3, $0x2;
	s29 =	spop (v2sf);
	s4 =	smul.u32 $0x2AAAAAAB, s4  }
0xca: {  	(v2sf) =	vpush v3, $0x3;
	s30 =	smulhi.u32 $0x2AAAAAAB, s29;
	s6 =	sshra.s32 s29, $0x1F  }
0xcb: {  	(v2sf) =	vpush v3, $0x4;
	s31 =	spop (v2sf);
	s6 =	smul.u32 $0x2AAAAAAB, s6;
	s2 =	sadd.s32 s0, s25  }
0xcc: {  	(v2sf) =	vpush v3, $0x5;
	s13 =	smulhi.u32 $0x2AAAAAAB, s31;
	s15 =	sshra.s32 s31, $0x1F;
	s17 =	spop (v2sf)  }
0xcd: {  	[smem:$0x7DE] =	sst s2;
	(v2sf) =	vpush v3, $0x6;
	s16 =	sshrl.u32 s2, $0x1F;
	s2 =	smul.u32 $0x2AAAAAAB, s15  }
0xce: {  	s18 =	smulhi.u32 $0x2AAAAAAB, s17;
	s19 =	sshra.s32 s17, $0x1F;
	s20 =	spop (v2sf);
	(v2sf) =	vpush v3, $0x7  }
0xcf: {  	[smem:$0x7DD] =	sst s16;
	s5 =	smul.u32 $0x2AAAAAAB, s19  }
0xd0: {  	s16 =	sadd.s32 s4, s28;
	s22 =	sadd.s32 s6, s30;
	s21 =	smulhi.u32 $0x2AAAAAAB, s20  }
0xd1: {  	s25 =	sshra.s32 s20, $0x1F;
	s26 =	spop (v2sf);
	s14 =	sshrl.u32 s16, $0x1F  }
0xd2: {  	s24 =	sshrl.u32 s22, $0x1F;
	s7 =	smul.u32 $0x2AAAAAAB, s25;
	s15 =	sadd.s32 s2, s13  }
0xd3: {  	s0 =	smulhi.u32 $0x2AAAAAAB, s26;
	s28 =	sshra.s32 s26, $0x1F;
	s29 =	spop (v2sf)  }
0xd4: {  	s25 =	sshrl.u32 s15, $0x1F;
	s2 =	smul.u32 $0x2AAAAAAB, s28;
	s17 =	sadd.s32 s5, s18  }
0xd5: {  	s4 =	smulhi.u32 $0x2AAAAAAB, s29;
	s30 =	sshra.s32 s29, $0x1F;
	s31 =	spop (v2sf)  }
0xd6: {  	v36 =	vmov s14;
	s14 =	sld [smem:$0x7DD];
	s23 =	sshrl.u32 s17, $0x1F;
	s5 =	smul.u32 $0x2AAAAAAB, s30  }
0xd7: {  	s19 =	smulhi.u32 $0x2AAAAAAB, s31;
	s12 =	sshra.s32 s31, $0x1F;
	s11 =	spop (v2sf)  }
0xd8: {  	s20 =	sadd.s32 s7, s21;
	s13 =	smul.u32 $0x2AAAAAAB, s12;
	s21 =	spop (v2sf)  }
0xd9: {  	s12 =	smulhi.u32 $0x2AAAAAAB, s11;
	s18 =	sshra.s32 s11, $0x1F;
	s26 =	spop (v2sf)  }
0xda: {  	s28 =	sshrl.u32 s20, $0x1F;
	s29 =	smul.u32 $0x2AAAAAAB, s18;
	s30 =	spop (v2sf)  }
0xdb: {  	s31 =	smulhi.u32 $0x2AAAAAAB, s21;
	s7 =	sshra.s32 s21, $0x1F;
	s18 =	spop (v2sf)  }
0xdc: {  	s21 =	sadd.s32 s2, s0;
	s2 =	smul.u32 $0x2AAAAAAB, s7;
	s7 =	spop (v2sf)  }
0xdd: {  	s11 =	sadd.s32 s5, s4;
	s6 =	sadd.s32 s13, s19;
	s0 =	spop (v2sf)  }
0xde: {  	v5 =	vsel vm0, s14, v36;
	s12 =	sadd.s32 s29, s12;
	s13 =	smulhi.u32 $0x2AAAAAAB, s0;
	s5 =	sshra.s32 s0, $0x1F  }
0xdf: {  	v38 =	vmov s28;
	s28 =	sshra.s32 s16, $0x3;
	v5 =	vsel vm1, s24, v5;
	s24 =	sshra.s32 s12, $0x1F;
	s5 =	smul.u32 $0x2AAAAAAB, s5  }
0xe0: {  	v7 =	vsel vm0, s23, v38;
	s4 =	smulhi.u32 $0x2AAAAAAB, s26;
	s26 =	sshra.s32 s26, $0x1F;
	s29 =	sshrl.u32 s21, $0x1F  }
0xe1: {  	s26 =	smul.u32 $0x2AAAAAAB, s26;
	v7 =	vsel vm1, s29, v7;
	s29 =	sshra.s32 s20, $0x3;
	s19 =	sadd.s32 s5, s13  }
0xe2: {  	s2 =	sadd.s32 s2, s31;
	s14 =	sshra.s32 s18, $0x1F;
	s0 =	sshra.s32 s19, $0x1F  }
0xe3: {  	s4 =	sadd.s32 s26, s4;
	s26 =	smulhi.u32 $0x2AAAAAAB, s30;
	v35 =	vmov s0;
	s0 =	sshra.s32 s6, $0x3  }
0xe4: {  	s14 =	smul.u32 $0x2AAAAAAB, s14;
	s5 =	sshrl.u32 s6, $0x1F;
	s6 =	sshra.s32 s6, $0x1F;
	v4 =	vsel vm3, s0, v35  }
0xe5: {  	v5 =	vsel vm2, s25, v5;
	s31 =	sshrl.u32 s11, $0x1F;
	s25 =	smulhi.u32 $0x2AAAAAAB, s7;
	v37 =	vmov s5;
	v4 =	vsel vm9, s6, v4;
	s6 =	sshra.s32 s12, $0x3  }
0xe6: {  	s7 =	sshra.s32 s7, $0x1F;
	s13 =	sshra.s32 s30, $0x1F;
	s30 =	sshrl.u32 s12, $0x1F;
	v6 =	vnsel vm3, $0x0, v37;
	v4 =	vsel vm0, s6, v4  }
0xe7: {  	s0 =	smul.u32 $0x2AAAAAAB, s13;
	s13 =	sshrl.u32 s2, $0x1F;
	v6 =	vsel vm0, s30, v6;
	s30 =	sshra.s32 s2, $0x3;
	v4 =	vsel vm10, s24, v4  }
0xe8: {  	s5 =	smulhi.u32 $0x2AAAAAAB, s18;
	s18 =	sshrl.u32 s4, $0x1F;
	s2 =	sshra.s32 s2, $0x1F;
	v6 =	vsel vm1, s13, v6;
	v4 =	vsel vm1, s30, v4  }
0xe9: {  	v7 =	vsel vm2, s31, v7;
	s31 =	sshra.s32 s17, $0x3;
	s7 =	smul.u32 $0x2AAAAAAB, s7;
	v6 =	vsel vm2, s18, v6;
	s18 =	sshra.s32 s4, $0x3;
	v4 =	vsel vm11, s2, v4  }
0xea: {  	s0 =	sadd.s32 s0, s26;
	s24 =	sshra.s32 s4, $0x1F;
	s30 =	sld [smem:$0x7DE];
	v4 =	vsel vm2, s18, v4  }
0xeb: {  	v39 =	vmov s28;
	v40 =	vmov s29;
	s7 =	sadd.s32 s7, s25;
	s5 =	sadd.s32 s14, s5;
	s26 =	sshra.s32 s0, $0x3;
	v4 =	vsel vm12, s24, v4  }
0xec: {  	v5 =	vcombine.low v7, v5;
	v8 =	vsel vm0, s31, v40;
	s14 =	sshra.s32 s21, $0x3;
	s13 =	sshrl.u32 s0, $0x1F;
	s0 =	sshra.s32 s0, $0x1F;
	v4 =	vsel vm4, s26, v4  }
0xed: {  	s23 =	sshrl.u32 s5, $0x1F;
	s12 =	sshra.s32 s5, $0x3;
	v8 =	vsel vm1, s14, v8;
	v6 =	vsel vm4, s13, v6;
	s2 =	sshra.s32 s30, $0x3;
	v4 =	vsel vm13, s0, v4  }
0xee: {  	s25 =	sshrl.u32 s7, $0x1F;
	s16 =	sshra.s32 s5, $0x1F;
	s13 =	sshra.s32 s22, $0x3;
	v6 =	vsel vm5, s23, v6;
	v7 =	vsel vm0, s2, v39;
	v4 =	vsel vm5, s12, v4  }
0xef: {  	s17 =	sshra.s32 s15, $0x3;
	s20 =	sshra.s32 s7, $0x3;
	v6 =	vsel vm6, s25, v6;
	s18 =	sshra.s32 s11, $0x3;
	v7 =	vsel vm1, s13, v7;
	v4 =	vsel vm14, s16, v4  }
0xf0: {  	s21 =	sshrl.u32 s19, $0x1F;
	s22 =	sshra.s32 s7, $0x1F;
	v8 =	vsel vm2, s18, v8;
	v7 =	vsel vm2, s17, v7;
	v4 =	vsel vm6, s20, v4  }
0xf1: {  	s23 =	sshra.s32 s19, $0x3;
	v6 =	vsel vm7, s21, v6;
	v7 =	vcombine.low v8, v7;
	v4 =	vsel vm15, s22, v4  }
0xf2: {  	v5 =	vperm.xlane v5, v1;
	v6 =	vperm.xlane v6, v2;
	v4 =	vsel vm7, s23, v4  }
0xf3: {  	v7 =	vperm.xlane v7, v1;
	v4 =	vperm.xlane v4, v2;
	_ =	sdelay $0x1  }
0xf4: {  	v5 =	vsel vm8, v6, v5;
	v4 =	vsel vm8, v4, v7  }
0xf5: {  	v41 =	vld [tilespmem:$0x20];
	v4 =	vadd.s32 v5, v4  }
0xf6: {  	v5 =	vmul.u32 $0xD0, v4;
	_ =	sdelay $0x1  }
0xf7: {  	v43 =	vshra.s32 v3, $0x1F;
	v5 =	vadd.s32 v3, v5  }
0xf8: {  	v9 =	vld [tilespmem:$0x260];
	v8 =	vshrl.u32 v43, $0x1D;
	v42 =	vshll.u32 v5, $0x18  }
0xf9: {  	v10 =	vld [tilespmem:$0x380];
	v6 =	vmul.u32 $0xD8000, v41;
	v8 =	vadd.s32 v8, v3;
	v7 =	vshra.s32 v42, $0x1F  }
0xfa: {  	v44 =	vshrl.u32 v8, $0x3;
	v7 =	vand.u32 $0x7, v7  }
0xfb: {  	v6 =	vadd.s32 v0, v6;
	v5 =	vadd.s32 v7, v5;
	v7 =	vshll.u32 v44, $0x3  }
0xfc: {  	v4 =	vmul.u32 $0x300, v4;
	v5 =	vshll.u32 v5, $0x18;
	v3 =	vsub.s32 v3, v7  }
0xfd: {  	v5 =	vshra.s32 v5, $0x1B;
	v3 =	vadd.s32 v3, v6  }
0xfe: {  	v5 =	vshll.u32 v5, $0x6;
	v3 =	vadd.s32 v4, v3  }
0xff: {  	v3 =	vadd.s32 v5, v3  }
0x100: {  	[tilespmem:v9+s9+$0x0] =	vst.idx.msk $0xffff, v3  }
0x101: {  	[tilespmem:v10+s9+$0x0] =	vst.idx.msk $0xffff, v3  }
0x102: {  	v3 =	vld [tilespmem:$0x150];
	_ =	sdelay $0x4  }
0x103: {  	(v2sf) =	vpush v3, $0xD;
	_ =	sdelay $0x1  }
0x104: {  	(v2sf) =	vpush v3, $0xC;
	_ =	sdelay $0x1  }
0x105: {  	(v2sf) =	vpush v3, $0xE;
	_ =	sdelay $0x1  }
0x106: {  	(v2sf) =	vpush v3, $0xF  }
0x107: {  	(v2sf) =	vpush v3, $0x9;
	_ =	sdelay $0x1  }
0x108: {  	(v2sf) =	vpush v3, $0x8;
	_ =	sdelay $0x2  }
0x109: {  	(v2sf) =	vpush v3, $0xA;
	_ =	sdelay $0x1  }
0x10a: {  	(v2sf) =	vpush v3, $0xB  }
0x10b: {  	s24 =	spop (v2sf)  }
0x10c: {  	(v2sf) =	vpush v3, $0x0;
	s25 =	smulhi.u32 $0x2AAAAAAB, s24;
	s0 =	sshra.s32 s24, $0x1F  }
0x10d: {  	s26 =	spop (v2sf);
	s0 =	smul.u32 $0x2AAAAAAB, s0  }
0x10e: {  	(v2sf) =	vpush v3, $0x1;
	s28 =	smulhi.u32 $0x2AAAAAAB, s26;
	s4 =	sshra.s32 s26, $0x1F  }
0x10f: {  	(v2sf) =	vpush v3, $0x2;
	s29 =	spop (v2sf);
	s4 =	smul.u32 $0x2AAAAAAB, s4  }
0x110: {  	(v2sf) =	vpush v3, $0x3;
	s30 =	smulhi.u32 $0x2AAAAAAB, s29;
	s6 =	sshra.s32 s29, $0x1F  }
0x111: {  	(v2sf) =	vpush v3, $0x4;
	s31 =	spop (v2sf);
	s6 =	smul.u32 $0x2AAAAAAB, s6;
	s2 =	sadd.s32 s0, s25  }
0x112: {  	(v2sf) =	vpush v3, $0x5;
	s13 =	smulhi.u32 $0x2AAAAAAB, s31;
	s15 =	sshra.s32 s31, $0x1F;
	s17 =	spop (v2sf)  }
0x113: {  	[smem:$0x7E0] =	sst s2;
	(v2sf) =	vpush v3, $0x6;
	s16 =	sshrl.u32 s2, $0x1F;
	s2 =	smul.u32 $0x2AAAAAAB, s15  }
0x114: {  	s18 =	smulhi.u32 $0x2AAAAAAB, s17;
	s19 =	sshra.s32 s17, $0x1F;
	s20 =	spop (v2sf);
	(v2sf) =	vpush v3, $0x7  }
0x115: {  	[smem:$0x7DF] =	sst s16;
	s5 =	smul.u32 $0x2AAAAAAB, s19  }
0x116: {  	s16 =	sadd.s32 s4, s28;
	s22 =	sadd.s32 s6, s30;
	s21 =	smulhi.u32 $0x2AAAAAAB, s20  }
0x117: {  	s25 =	sshra.s32 s20, $0x1F;
	s26 =	spop (v2sf);
	s14 =	sshrl.u32 s16, $0x1F  }
0x118: {  	s24 =	sshrl.u32 s22, $0x1F;
	s7 =	smul.u32 $0x2AAAAAAB, s25;
	s15 =	sadd.s32 s2, s13  }
0x119: {  	s0 =	smulhi.u32 $0x2AAAAAAB, s26;
	s28 =	sshra.s32 s26, $0x1F;
	s29 =	spop (v2sf)  }
0x11a: {  	s25 =	sshrl.u32 s15, $0x1F;
	s2 =	smul.u32 $0x2AAAAAAB, s28;
	s17 =	sadd.s32 s5, s18  }
0x11b: {  	s4 =	smulhi.u32 $0x2AAAAAAB, s29;
	s30 =	sshra.s32 s29, $0x1F;
	s31 =	spop (v2sf)  }
0x11c: {  	v46 =	vmov s14;
	s14 =	sld [smem:$0x7DF];
	s23 =	sshrl.u32 s17, $0x1F;
	s5 =	smul.u32 $0x2AAAAAAB, s30  }
0x11d: {  	s19 =	smulhi.u32 $0x2AAAAAAB, s31;
	s12 =	sshra.s32 s31, $0x1F;
	s11 =	spop (v2sf)  }
0x11e: {  	s20 =	sadd.s32 s7, s21;
	s13 =	smul.u32 $0x2AAAAAAB, s12;
	s21 =	spop (v2sf)  }
0x11f: {  	s12 =	smulhi.u32 $0x2AAAAAAB, s11;
	s18 =	sshra.s32 s11, $0x1F;
	s26 =	spop (v2sf)  }
0x120: {  	s28 =	sshrl.u32 s20, $0x1F;
	s29 =	smul.u32 $0x2AAAAAAB, s18;
	s30 =	spop (v2sf)  }
0x121: {  	s31 =	smulhi.u32 $0x2AAAAAAB, s21;
	s7 =	sshra.s32 s21, $0x1F;
	s18 =	spop (v2sf)  }
0x122: {  	s21 =	sadd.s32 s2, s0;
	s2 =	smul.u32 $0x2AAAAAAB, s7;
	s7 =	spop (v2sf)  }
0x123: {  	s11 =	sadd.s32 s5, s4;
	s6 =	sadd.s32 s13, s19;
	s0 =	spop (v2sf)  }
0x124: {  	v5 =	vsel vm0, s14, v46;
	s12 =	sadd.s32 s29, s12;
	s13 =	smulhi.u32 $0x2AAAAAAB, s0;
	s5 =	sshra.s32 s0, $0x1F  }
0x125: {  	v48 =	vmov s28;
	s28 =	sshra.s32 s16, $0x3;
	v5 =	vsel vm1, s24, v5;
	s24 =	sshra.s32 s12, $0x1F;
	s5 =	smul.u32 $0x2AAAAAAB, s5  }
0x126: {  	v7 =	vsel vm0, s23, v48;
	s4 =	smulhi.u32 $0x2AAAAAAB, s26;
	s26 =	sshra.s32 s26, $0x1F;
	s29 =	sshrl.u32 s21, $0x1F  }
0x127: {  	s26 =	smul.u32 $0x2AAAAAAB, s26;
	v7 =	vsel vm1, s29, v7;
	s29 =	sshra.s32 s20, $0x3;
	s19 =	sadd.s32 s5, s13  }
0x128: {  	s2 =	sadd.s32 s2, s31;
	s14 =	sshra.s32 s18, $0x1F;
	s0 =	sshra.s32 s19, $0x1F  }
0x129: {  	s4 =	sadd.s32 s26, s4;
	s26 =	smulhi.u32 $0x2AAAAAAB, s30;
	v45 =	vmov s0;
	s0 =	sshra.s32 s6, $0x3  }
0x12a: {  	s14 =	smul.u32 $0x2AAAAAAB, s14;
	s5 =	sshrl.u32 s6, $0x1F;
	s6 =	sshra.s32 s6, $0x1F;
	v4 =	vsel vm3, s0, v45  }
0x12b: {  	v5 =	vsel vm2, s25, v5;
	s31 =	sshrl.u32 s11, $0x1F;
	s25 =	smulhi.u32 $0x2AAAAAAB, s7;
	v47 =	vmov s5;
	v4 =	vsel vm9, s6, v4;
	s6 =	sshra.s32 s12, $0x3  }
0x12c: {  	s7 =	sshra.s32 s7, $0x1F;
	s13 =	sshra.s32 s30, $0x1F;
	s30 =	sshrl.u32 s12, $0x1F;
	v6 =	vnsel vm3, $0x0, v47;
	v4 =	vsel vm0, s6, v4  }
0x12d: {  	s0 =	smul.u32 $0x2AAAAAAB, s13;
	s13 =	sshrl.u32 s2, $0x1F;
	v6 =	vsel vm0, s30, v6;
	s30 =	sshra.s32 s2, $0x3;
	v4 =	vsel vm10, s24, v4  }
0x12e: {  	s5 =	smulhi.u32 $0x2AAAAAAB, s18;
	s18 =	sshrl.u32 s4, $0x1F;
	s2 =	sshra.s32 s2, $0x1F;
	v6 =	vsel vm1, s13, v6;
	v4 =	vsel vm1, s30, v4  }
0x12f: {  	v7 =	vsel vm2, s31, v7;
	s31 =	sshra.s32 s17, $0x3;
	s7 =	smul.u32 $0x2AAAAAAB, s7;
	v6 =	vsel vm2, s18, v6;
	s18 =	sshra.s32 s4, $0x3;
	v4 =	vsel vm11, s2, v4  }
0x130: {  	s0 =	sadd.s32 s0, s26;
	s24 =	sshra.s32 s4, $0x1F;
	s30 =	sld [smem:$0x7E0];
	v4 =	vsel vm2, s18, v4  }
0x131: {  	v49 =	vmov s28;
	v50 =	vmov s29;
	s7 =	sadd.s32 s7, s25;
	s5 =	sadd.s32 s14, s5;
	s26 =	sshra.s32 s0, $0x3;
	v4 =	vsel vm12, s24, v4  }
0x132: {  	v5 =	vcombine.low v7, v5;
	v8 =	vsel vm0, s31, v50;
	s14 =	sshra.s32 s21, $0x3;
	s13 =	sshrl.u32 s0, $0x1F;
	s0 =	sshra.s32 s0, $0x1F;
	v4 =	vsel vm4, s26, v4  }
0x133: {  	s23 =	sshrl.u32 s5, $0x1F;
	s12 =	sshra.s32 s5, $0x3;
	v8 =	vsel vm1, s14, v8;
	v6 =	vsel vm4, s13, v6;
	s2 =	sshra.s32 s30, $0x3;
	v4 =	vsel vm13, s0, v4  }
0x134: {  	s25 =	sshrl.u32 s7, $0x1F;
	s16 =	sshra.s32 s5, $0x1F;
	s13 =	sshra.s32 s22, $0x3;
	v6 =	vsel vm5, s23, v6;
	v7 =	vsel vm0, s2, v49;
	v4 =	vsel vm5, s12, v4  }
0x135: {  	s17 =	sshra.s32 s15, $0x3;
	s20 =	sshra.s32 s7, $0x3;
	v6 =	vsel vm6, s25, v6;
	s18 =	sshra.s32 s11, $0x3;
	v7 =	vsel vm1, s13, v7;
	v4 =	vsel vm14, s16, v4  }
0x136: {  	s21 =	sshrl.u32 s19, $0x1F;
	s22 =	sshra.s32 s7, $0x1F;
	v8 =	vsel vm2, s18, v8;
	v7 =	vsel vm2, s17, v7;
	v4 =	vsel vm6, s20, v4  }
0x137: {  	s23 =	sshra.s32 s19, $0x3;
	v6 =	vsel vm7, s21, v6;
	v7 =	vcombine.low v8, v7;
	v4 =	vsel vm15, s22, v4  }
0x138: {  	v5 =	vperm.xlane v5, v1;
	v6 =	vperm.xlane v6, v2;
	v4 =	vsel vm7, s23, v4  }
0x139: {  	v7 =	vperm.xlane v7, v1;
	v4 =	vperm.xlane v4, v2;
	_ =	sdelay $0x1  }
0x13a: {  	v5 =	vsel vm8, v6, v5;
	v4 =	vsel vm8, v4, v7  }
0x13b: {  	v51 =	vld [tilespmem:$0x30];
	v4 =	vadd.s32 v5, v4  }
0x13c: {  	v5 =	vmul.u32 $0xD0, v4;
	_ =	sdelay $0x1  }
0x13d: {  	v53 =	vshra.s32 v3, $0x1F;
	v5 =	vadd.s32 v3, v5  }
0x13e: {  	v9 =	vld [tilespmem:$0x270];
	v8 =	vshrl.u32 v53, $0x1D;
	v52 =	vshll.u32 v5, $0x18  }
0x13f: {  	v10 =	vld [tilespmem:$0x390];
	v6 =	vmul.u32 $0xD8000, v51;
	v8 =	vadd.s32 v8, v3;
	v7 =	vshra.s32 v52, $0x1F  }
0x140: {  	v54 =	vshrl.u32 v8, $0x3;
	v7 =	vand.u32 $0x7, v7  }
0x141: {  	v6 =	vadd.s32 v0, v6;
	v5 =	vadd.s32 v7, v5;
	v7 =	vshll.u32 v54, $0x3  }
0x142: {  	v4 =	vmul.u32 $0x300, v4;
	v5 =	vshll.u32 v5, $0x18;
	v3 =	vsub.s32 v3, v7  }
0x143: {  	v5 =	vshra.s32 v5, $0x1B;
	v3 =	vadd.s32 v3, v6  }
0x144: {  	v5 =	vshll.u32 v5, $0x6;
	v3 =	vadd.s32 v4, v3  }
0x145: {  	v3 =	vadd.s32 v5, v3  }
0x146: {  	[tilespmem:v9+s9+$0x0] =	vst.idx.msk $0xffff, v3  }
0x147: {  	[tilespmem:v10+s9+$0x0] =	vst.idx.msk $0xffff, v3  }
0x148: {  	v3 =	vld [tilespmem:$0x160];
	_ =	sdelay $0x4  }
0x149: {  	(v2sf) =	vpush v3, $0xD;
	_ =	sdelay $0x1  }
0x14a: {  	(v2sf) =	vpush v3, $0xC;
	_ =	sdelay $0x1  }
0x14b: {  	(v2sf) =	vpush v3, $0xE;
	_ =	sdelay $0x1  }
0x14c: {  	(v2sf) =	vpush v3, $0xF  }
0x14d: {  	(v2sf) =	vpush v3, $0x9;
	_ =	sdelay $0x1  }
0x14e: {  	(v2sf) =	vpush v3, $0x8;
	_ =	sdelay $0x2  }
0x14f: {  	(v2sf) =	vpush v3, $0xA;
	_ =	sdelay $0x1  }
0x150: {  	(v2sf) =	vpush v3, $0xB  }
0x151: {  	s24 =	spop (v2sf)  }
0x152: {  	(v2sf) =	vpush v3, $0x0;
	s25 =	smulhi.u32 $0x2AAAAAAB, s24;
	s0 =	sshra.s32 s24, $0x1F  }
0x153: {  	s26 =	spop (v2sf);
	s0 =	smul.u32 $0x2AAAAAAB, s0  }
0x154: {  	(v2sf) =	vpush v3, $0x1;
	s28 =	smulhi.u32 $0x2AAAAAAB, s26;
	s4 =	sshra.s32 s26, $0x1F  }
0x155: {  	(v2sf) =	vpush v3, $0x2;
	s29 =	spop (v2sf);
	s4 =	smul.u32 $0x2AAAAAAB, s4  }
0x156: {  	(v2sf) =	vpush v3, $0x3;
	s30 =	smulhi.u32 $0x2AAAAAAB, s29;
	s6 =	sshra.s32 s29, $0x1F  }
0x157: {  	(v2sf) =	vpush v3, $0x4;
	s31 =	spop (v2sf);
	s6 =	smul.u32 $0x2AAAAAAB, s6;
	s2 =	sadd.s32 s0, s25  }
0x158: {  	(v2sf) =	vpush v3, $0x5;
	s13 =	smulhi.u32 $0x2AAAAAAB, s31;
	s15 =	sshra.s32 s31, $0x1F;
	s17 =	spop (v2sf)  }
0x159: {  	[smem:$0x7E2] =	sst s2;
	(v2sf) =	vpush v3, $0x6;
	s16 =	sshrl.u32 s2, $0x1F;
	s2 =	smul.u32 $0x2AAAAAAB, s15  }
0x15a: {  	s18 =	smulhi.u32 $0x2AAAAAAB, s17;
	s19 =	sshra.s32 s17, $0x1F;
	s20 =	spop (v2sf);
	(v2sf) =	vpush v3, $0x7  }
0x15b: {  	[smem:$0x7E1] =	sst s16;
	s5 =	smul.u32 $0x2AAAAAAB, s19  }
0x15c: {  	s16 =	sadd.s32 s4, s28;
	s22 =	sadd.s32 s6, s30;
	s21 =	smulhi.u32 $0x2AAAAAAB, s20  }
0x15d: {  	s25 =	sshra.s32 s20, $0x1F;
	s26 =	spop (v2sf);
	s14 =	sshrl.u32 s16, $0x1F  }
0x15e: {  	s24 =	sshrl.u32 s22, $0x1F;
	s7 =	smul.u32 $0x2AAAAAAB, s25;
	s15 =	sadd.s32 s2, s13  }
0x15f: {  	s0 =	smulhi.u32 $0x2AAAAAAB, s26;
	s28 =	sshra.s32 s26, $0x1F;
	s29 =	spop (v2sf)  }
0x160: {  	s25 =	sshrl.u32 s15, $0x1F;
	s2 =	smul.u32 $0x2AAAAAAB, s28;
	s17 =	sadd.s32 s5, s18  }
0x161: {  	s4 =	smulhi.u32 $0x2AAAAAAB, s29;
	s30 =	sshra.s32 s29, $0x1F;
	s31 =	spop (v2sf)  }
0x162: {  	v56 =	vmov s14;
	s14 =	sld [smem:$0x7E1];
	s23 =	sshrl.u32 s17, $0x1F;
	s5 =	smul.u32 $0x2AAAAAAB, s30  }
0x163: {  	s19 =	smulhi.u32 $0x2AAAAAAB, s31;
	s12 =	sshra.s32 s31, $0x1F;
	s11 =	spop (v2sf)  }
0x164: {  	s20 =	sadd.s32 s7, s21;
	s13 =	smul.u32 $0x2AAAAAAB, s12;
	s21 =	spop (v2sf)  }
0x165: {  	s12 =	smulhi.u32 $0x2AAAAAAB, s11;
	s18 =	sshra.s32 s11, $0x1F;
	s26 =	spop (v2sf)  }
0x166: {  	s28 =	sshrl.u32 s20, $0x1F;
	s29 =	smul.u32 $0x2AAAAAAB, s18;
	s30 =	spop (v2sf)  }
0x167: {  	s31 =	smulhi.u32 $0x2AAAAAAB, s21;
	s7 =	sshra.s32 s21, $0x1F;
	s18 =	spop (v2sf)  }
0x168: {  	s21 =	sadd.s32 s2, s0;
	s2 =	smul.u32 $0x2AAAAAAB, s7;
	s7 =	spop (v2sf)  }
0x169: {  	s11 =	sadd.s32 s5, s4;
	s6 =	sadd.s32 s13, s19;
	s0 =	spop (v2sf)  }
0x16a: {  	v5 =	vsel vm0, s14, v56;
	s12 =	sadd.s32 s29, s12;
	s13 =	smulhi.u32 $0x2AAAAAAB, s0;
	s5 =	sshra.s32 s0, $0x1F  }
0x16b: {  	v58 =	vmov s28;
	s28 =	sshra.s32 s16, $0x3;
	v5 =	vsel vm1, s24, v5;
	s24 =	sshra.s32 s12, $0x1F;
	s5 =	smul.u32 $0x2AAAAAAB, s5  }
0x16c: {  	v7 =	vsel vm0, s23, v58;
	s4 =	smulhi.u32 $0x2AAAAAAB, s26;
	s26 =	sshra.s32 s26, $0x1F;
	s29 =	sshrl.u32 s21, $0x1F  }
0x16d: {  	s26 =	smul.u32 $0x2AAAAAAB, s26;
	v7 =	vsel vm1, s29, v7;
	s29 =	sshra.s32 s20, $0x3;
	s19 =	sadd.s32 s5, s13  }
0x16e: {  	s2 =	sadd.s32 s2, s31;
	s14 =	sshra.s32 s18, $0x1F;
	s0 =	sshra.s32 s19, $0x1F  }
0x16f: {  	s4 =	sadd.s32 s26, s4;
	s26 =	smulhi.u32 $0x2AAAAAAB, s30;
	v55 =	vmov s0;
	s0 =	sshra.s32 s6, $0x3  }
0x170: {  	s14 =	smul.u32 $0x2AAAAAAB, s14;
	s5 =	sshrl.u32 s6, $0x1F;
	s6 =	sshra.s32 s6, $0x1F;
	v4 =	vsel vm3, s0, v55  }
0x171: {  	v5 =	vsel vm2, s25, v5;
	s31 =	sshrl.u32 s11, $0x1F;
	s25 =	smulhi.u32 $0x2AAAAAAB, s7;
	v57 =	vmov s5;
	v4 =	vsel vm9, s6, v4;
	s6 =	sshra.s32 s12, $0x3  }
0x172: {  	s7 =	sshra.s32 s7, $0x1F;
	s13 =	sshra.s32 s30, $0x1F;
	s30 =	sshrl.u32 s12, $0x1F;
	v6 =	vnsel vm3, $0x0, v57;
	v4 =	vsel vm0, s6, v4  }
0x173: {  	s0 =	smul.u32 $0x2AAAAAAB, s13;
	s13 =	sshrl.u32 s2, $0x1F;
	v6 =	vsel vm0, s30, v6;
	s30 =	sshra.s32 s2, $0x3;
	v4 =	vsel vm10, s24, v4  }
0x174: {  	s5 =	smulhi.u32 $0x2AAAAAAB, s18;
	s18 =	sshrl.u32 s4, $0x1F;
	s2 =	sshra.s32 s2, $0x1F;
	v6 =	vsel vm1, s13, v6;
	v4 =	vsel vm1, s30, v4  }
0x175: {  	v7 =	vsel vm2, s31, v7;
	s31 =	sshra.s32 s17, $0x3;
	s7 =	smul.u32 $0x2AAAAAAB, s7;
	v6 =	vsel vm2, s18, v6;
	s18 =	sshra.s32 s4, $0x3;
	v4 =	vsel vm11, s2, v4  }
0x176: {  	s0 =	sadd.s32 s0, s26;
	s24 =	sshra.s32 s4, $0x1F;
	s30 =	sld [smem:$0x7E2];
	v4 =	vsel vm2, s18, v4  }
0x177: {  	v59 =	vmov s28;
	v60 =	vmov s29;
	s5 =	sadd.s32 s14, s5;
	s13 =	sshrl.u32 s0, $0x1F;
	s26 =	sshra.s32 s0, $0x3;
	v4 =	vsel vm12, s24, v4  }
0x178: {  	v5 =	vcombine.low v7, v5;
	s7 =	sadd.s32 s7, s25;
	s23 =	sshrl.u32 s5, $0x1F;
	s0 =	sshra.s32 s0, $0x1F;
	v6 =	vsel vm4, s13, v6;
	v4 =	vsel vm4, s26, v4  }
0x179: {  	v8 =	vsel vm0, s31, v60;
	s6 =	sshra.s32 s5, $0x3;
	s13 =	sshra.s32 s21, $0x3;
	v6 =	vsel vm5, s23, v6;
	s2 =	sshra.s32 s30, $0x3;
	v4 =	vsel vm13, s0, v4  }
0x17a: {  	s25 =	sshrl.u32 s7, $0x1F;
	s12 =	sshra.s32 s22, $0x3;
	s14 =	sshra.s32 s5, $0x1F;
	v8 =	vsel vm1, s13, v8;
	v7 =	vsel vm0, s2, v59;
	v4 =	vsel vm5, s6, v4  }
0x17b: {  	s16 =	sshra.s32 s15, $0x3;
	s17 =	sshra.s32 s11, $0x3;
	v6 =	vsel vm6, s25, v6;
	s18 =	sshra.s32 s7, $0x3;
	v7 =	vsel vm1, s12, v7;
	v4 =	vsel vm14, s14, v4  }
0x17c: {  	s20 =	sshrl.u32 s19, $0x1F;
	s21 =	sshra.s32 s7, $0x1F;
	v8 =	vsel vm2, s17, v8;
	v7 =	vsel vm2, s16, v7;
	v4 =	vsel vm6, s18, v4  }
0x17d: {  	s22 =	sshra.s32 s19, $0x3;
	v6 =	vsel vm7, s20, v6;
	v7 =	vcombine.low v8, v7;
	v4 =	vsel vm15, s21, v4  }
0x17e: {  	v5 =	vperm.xlane v5, v1;
	v6 =	vperm.xlane v6, v2;
	v4 =	vsel vm7, s22, v4  }
0x17f: {  	v7 =	vperm.xlane v7, v1;
	v4 =	vperm.xlane v4, v2;
	_ =	sdelay $0x1  }
0x180: {  	v5 =	vsel vm8, v6, v5;
	v4 =	vsel vm8, v4, v7  }
0x181: {  	v61 =	vld [tilespmem:$0x40];
	v4 =	vadd.s32 v5, v4  }
0x182: {  	v5 =	vmul.u32 $0xD0, v4;
	_ =	sdelay $0x1  }
0x183: {  	v63 =	vshra.s32 v3, $0x1F;
	v5 =	vadd.s32 v3, v5  }
0x184: {  	v9 =	vld [tilespmem:$0x280];
	v8 =	vshrl.u32 v63, $0x1D;
	v62 =	vshll.u32 v5, $0x18  }
0x185: {  	v10 =	vld [tilespmem:$0x3A0];
	v6 =	vmul.u32 $0xD8000, v61;
	v8 =	vadd.s32 v8, v3;
	v7 =	vshra.s32 v62, $0x1F  }
0x186: {  	v11 =	vshrl.u32 v8, $0x3;
	v7 =	vand.u32 $0x7, v7  }
0x187: {  	v6 =	vadd.s32 v0, v6;
	v5 =	vadd.s32 v7, v5;
	v7 =	vshll.u32 v11, $0x3  }
0x188: {  	v4 =	vmul.u32 $0x300, v4;
	v5 =	vshll.u32 v5, $0x18;
	v3 =	vsub.s32 v3, v7  }
0x189: {  	v5 =	vshra.s32 v5, $0x1B;
	v3 =	vadd.s32 v3, v6  }
0x18a: {  	v5 =	vshll.u32 v5, $0x6;
	v3 =	vadd.s32 v4, v3  }
0x18b: {  	v3 =	vadd.s32 v5, v3  }
0x18c: {  	[tilespmem:v9+s9+$0x0] =	vst.idx.msk $0xffff, v3  }
0x18d: {  	[tilespmem:v10+s9+$0x0] =	vst.idx.msk $0xffff, v3  }
0x18e: {  	v3 =	vld [tilespmem:$0x170];
	_ =	sdelay $0x4  }
0x18f: {  	(v2sf) =	vpush v3, $0xD;
	_ =	sdelay $0x1  }
0x190: {  	(v2sf) =	vpush v3, $0xC  }
0x191: {  	(v2sf) =	vpush v3, $0xE  }
0x192: {  	(v2sf) =	vpush v3, $0xF  }
0x193: {  	(v2sf) =	vpush v3, $0x9  }
0x194: {  	(v2sf) =	vpush v3, $0x8  }
0x195: {  	(v2sf) =	vpush v3, $0xA  }
0x196: {  	(v2sf) =	vpush v3, $0xB  }
0x197: {  	(v2sf) =	vpush v3, $0x0;
	_ =	sdelay $0x5  }
0x198: {  	s23 =	spop (v2sf)  }
0x199: {  	s17 =	smulhi.u32 $0x2AAAAAAB, s23;
	s0 =	sshra.s32 s23, $0x1F  }
0x19a: {  	s24 =	spop (v2sf);
	s0 =	smul.u32 $0x2AAAAAAB, s0  }
0x19b: {  	s25 =	spop (v2sf);
	(v2sf) =	vpush v3, $0x1;
	s19 =	smulhi.u32 $0x2AAAAAAB, s24;
	s2 =	sshra.s32 s24, $0x1F  }
0x19c: {  	s26 =	spop (v2sf);
	(v2sf) =	vpush v3, $0x2;
	s2 =	smul.u32 $0x2AAAAAAB, s2  }
0x19d: {  	s20 =	smulhi.u32 $0x2AAAAAAB, s25;
	s4 =	sshra.s32 s25, $0x1F;
	s28 =	spop (v2sf);
	(v2sf) =	vpush v3, $0x3  }
0x19e: {  	s4 =	smul.u32 $0x2AAAAAAB, s4;
	s29 =	spop (v2sf);
	(v2sf) =	vpush v3, $0x4  }
0x19f: {  	s21 =	smulhi.u32 $0x2AAAAAAB, s26;
	s5 =	sshra.s32 s26, $0x1F;
	s30 =	spop (v2sf);
	(v2sf) =	vpush v3, $0x5  }
0x1a0: {  	s5 =	smul.u32 $0x2AAAAAAB, s5;
	s31 =	spop (v2sf);
	(v2sf) =	vpush v3, $0x6  }
0x1a1: {  	s22 =	smulhi.u32 $0x2AAAAAAB, s28;
	s6 =	sshra.s32 s28, $0x1F;
	s18 =	spop (v2sf);
	(v2sf) =	vpush v3, $0x7  }
0x1a2: {  	s14 =	sadd.s32 s0, s17;
	s25 =	smul.u32 $0x2AAAAAAB, s6  }
0x1a3: {  	s16 =	sadd.s32 s2, s19;
	s26 =	smulhi.u32 $0x2AAAAAAB, s29;
	s28 =	sshra.s32 s29, $0x1F  }
0x1a4: {  	s13 =	sshrl.u32 s14, $0x1F;
	s23 =	sshrl.u32 s16, $0x1F;
	s6 =	smul.u32 $0x2AAAAAAB, s28  }
0x1a5: {  	s15 =	sadd.s32 s4, s20;
	s4 =	smulhi.u32 $0x2AAAAAAB, s30;
	s11 =	sshra.s32 s30, $0x1F  }
0x1a6: {  	s24 =	sshrl.u32 s15, $0x1F;
	s29 =	sadd.s32 s5, s21;
	s5 =	smul.u32 $0x2AAAAAAB, s11  }
0x1a7: {  	[smem:$0x7E4] =	sst s29;
	s0 =	smulhi.u32 $0x2AAAAAAB, s31;
	s30 =	sshra.s32 s31, $0x1F  }
0x1a8: {  	s17 =	sadd.s32 s25, s22;
	s12 =	sshrl.u32 s29, $0x1F;
	s11 =	smul.u32 $0x2AAAAAAB, s30  }
0x1a9: {  	s31 =	sshrl.u32 s17, $0x1F;
	s19 =	smulhi.u32 $0x2AAAAAAB, s18;
	s18 =	sshra.s32 s18, $0x1F  }
0x1aa: {  	s20 =	sadd.s32 s6, s26;
	[smem:$0x7E3] =	sst s31;
	s7 =	spop (v2sf)  }
0x1ab: {  	s2 =	smul.u32 $0x2AAAAAAB, s18;
	s28 =	sshrl.u32 s20, $0x1F;
	s22 =	spop (v2sf)  }
0x1ac: {  	s25 =	smulhi.u32 $0x2AAAAAAB, s7;
	s31 =	sshra.s32 s7, $0x1F;
	s26 =	spop (v2sf)  }
0x1ad: {  	s21 =	sadd.s32 s5, s4;
	s29 =	smul.u32 $0x2AAAAAAB, s31;
	s30 =	spop (v2sf)  }
0x1ae: {  	s31 =	smulhi.u32 $0x2AAAAAAB, s22;
	s6 =	sshra.s32 s22, $0x1F;
	s18 =	spop (v2sf)  }
0x1af: {  	s2 =	sadd.s32 s2, s19;
	s4 =	smul.u32 $0x2AAAAAAB, s6;
	s5 =	spop (v2sf)  }
0x1b0: {  	s7 =	sadd.s32 s11, s0;
	s6 =	smulhi.u32 $0x2AAAAAAB, s26;
	s0 =	spop (v2sf)  }
0x1b1: {  	s26 =	sshra.s32 s26, $0x1F;
	s22 =	smulhi.u32 $0x2AAAAAAB, s0;
	s11 =	sshra.s32 s0, $0x1F  }
0x1b2: {  	v16 =	vmov s23;
	s25 =	sadd.s32 s29, s25;
	s29 =	sshrl.u32 s21, $0x1F;
	s11 =	smul.u32 $0x2AAAAAAB, s11  }
0x1b3: {  	v8 =	vsel vm0, s13, v16;
	s26 =	smul.u32 $0x2AAAAAAB, s26;
	s4 =	sadd.s32 s4, s31;
	s31 =	sshrl.u32 s7, $0x1F  }
0x1b4: {  	v8 =	vsel vm1, s24, v8;
	s13 =	sshra.s32 s18, $0x1F;
	s24 =	sshra.s32 s25, $0x1F;
	s19 =	sadd.s32 s11, s22  }
0x1b5: {  	s6 =	sadd.s32 s26, s6;
	s26 =	smulhi.u32 $0x2AAAAAAB, s30;
	s0 =	sshra.s32 s19, $0x1F  }
0x1b6: {  	s13 =	smul.u32 $0x2AAAAAAB, s13;
	s11 =	sshrl.u32 s2, $0x1F;
	v15 =	vmov s0;
	s0 =	sshra.s32 s2, $0x3  }
0x1b7: {  	v8 =	vsel vm2, s12, v8;
	s12 =	smulhi.u32 $0x2AAAAAAB, s5;
	s22 =	sshra.s32 s30, $0x1F;
	v17 =	vmov s11;
	s2 =	sshra.s32 s2, $0x1F;
	v7 =	vsel vm3, s0, v15  }
0x1b8: {  	s30 =	sshrl.u32 s25, $0x1F;
	s11 =	smulhi.u32 $0x2AAAAAAB, s18;
	s18 =	sshra.s32 s25, $0x3;
	v9 =	vnsel vm3, $0x0, v17;
	v7 =	vsel vm9, s2, v7  }
0x1b9: {  	s5 =	sshra.s32 s5, $0x1F;
	s0 =	smul.u32 $0x2AAAAAAB, s22;
	v9 =	vsel vm0, s30, v9;
	s30 =	sld [smem:$0x7E3];
	v7 =	vsel vm0, s18, v7  }
0x1ba: {  	s5 =	smul.u32 $0x2AAAAAAB, s5;
	s25 =	sshra.s32 s4, $0x3;
	s22 =	sshrl.u32 s4, $0x1F;
	v7 =	vsel vm10, s24, v7  }
0x1bb: {  	v18 =	vmov s28;
	s28 =	sshra.s32 s4, $0x1F;
	s23 =	sshrl.u32 s6, $0x1F;
	v9 =	vsel vm1, s22, v9;
	s0 =	sadd.s32 s0, s26;
	v7 =	vsel vm1, s25, v7  }
0x1bc: {  	s5 =	sadd.s32 s5, s12;
	v9 =	vsel vm2, s23, v9;
	s23 =	sshra.s32 s6, $0x3;
	v10 =	vsel vm0, s30, v18;
	s22 =	sshrl.u32 s0, $0x1F;
	v7 =	vsel vm11, s28, v7  }
0x1bd: {  	s11 =	sadd.s32 s13, s11;
	s30 =	sshra.s32 s20, $0x3;
	v10 =	vsel vm1, s29, v10;
	v9 =	vsel vm4, s22, v9;
	s25 =	sshra.s32 s6, $0x1F;
	v7 =	vsel vm2, s23, v7  }
0x1be: {  	s24 =	sshrl.u32 s11, $0x1F;
	s29 =	sshra.s32 s16, $0x3;
	v11 =	vmov s30;
	v10 =	vsel vm2, s31, v10;
	s28 =	sshra.s32 s0, $0x3;
	v7 =	vsel vm12, s25, v7  }
0x1bf: {  	s12 =	sshra.s32 s17, $0x3;
	s17 =	sld [smem:$0x7E4];
	v9 =	vsel vm5, s24, v9;
	s0 =	sshra.s32 s0, $0x1F;
	v19 =	vmov s29;
	v7 =	vsel vm4, s28, v7  }
0x1c0: {  	s13 =	sshra.s32 s11, $0x3;
	s26 =	sshrl.u32 s5, $0x1F;
	s31 =	sshra.s32 s14, $0x3;
	v11 =	vsel vm0, s12, v11;
	v8 =	vcombine.low v10, v8;
	v7 =	vsel vm13, s0, v7  }
0x1c1: {  	s16 =	sshra.s32 s11, $0x1F;
	s14 =	sshra.s32 s15, $0x3;
	s15 =	sshra.s32 s21, $0x3;
	v9 =	vsel vm6, s26, v9;
	v10 =	vsel vm0, s31, v19;
	v7 =	vsel vm5, s13, v7  }
0x1c2: {  	s2 =	sshra.s32 s17, $0x3;
	s18 =	sshra.s32 s7, $0x3;
	s20 =	sshra.s32 s5, $0x3;
	v11 =	vsel vm1, s15, v11;
	v10 =	vsel vm1, s14, v10;
	v7 =	vsel vm14, s16, v7  }
0x1c3: {  	s22 =	sshra.s32 s5, $0x1F;
	s21 =	sshrl.u32 s19, $0x1F;
	v11 =	vsel vm2, s18, v11;
	v10 =	vsel vm2, s2, v10;
	v7 =	vsel vm6, s20, v7  }
0x1c4: {  	s23 =	sshra.s32 s19, $0x3;
	v9 =	vsel vm7, s21, v9;
	v10 =	vcombine.low v11, v10;
	v7 =	vsel vm15, s22, v7  }
0x1c5: {  	v8 =	vperm.xlane v8, v1;
	v9 =	vperm.xlane v9, v2;
	v7 =	vsel vm7, s23, v7  }
0x1c6: {  	v10 =	vperm.xlane v10, v1;
	v7 =	vperm.xlane v7, v2;
	_ =	sdelay $0x1  }
0x1c7: {  	v8 =	vsel vm8, v9, v8;
	v7 =	vsel vm8, v7, v10  }
0x1c8: {  	v12 =	vld [tilespmem:$0x50];
	v7 =	vadd.s32 v8, v7  }
0x1c9: {  	v8 =	vmul.u32 $0xD0, v7;
	_ =	sdelay $0x1  }
0x1ca: {  	v21 =	vshra.s32 v3, $0x1F;
	v8 =	vadd.s32 v3, v8  }
0x1cb: {  	v13 =	vld [tilespmem:$0x290];
	v10 =	vshrl.u32 v21, $0x1D;
	v20 =	vshll.u32 v8, $0x18  }
0x1cc: {  	v14 =	vld [tilespmem:$0x3B0];
	v6 =	vmul.u32 $0xD8000, v12;
	v10 =	vadd.s32 v10, v3;
	v9 =	vshra.s32 v20, $0x1F  }
0x1cd: {  	v22 =	vshrl.u32 v10, $0x3;
	v9 =	vand.u32 $0x7, v9  }
0x1ce: {  	v6 =	vadd.s32 v0, v6;
	v8 =	vadd.s32 v9, v8;
	v9 =	vshll.u32 v22, $0x3  }
0x1cf: {  	v7 =	vmul.u32 $0x300, v7;
	v8 =	vshll.u32 v8, $0x18;
	v3 =	vsub.s32 v3, v9  }
0x1d0: {  	v8 =	vshra.s32 v8, $0x1B;
	v3 =	vadd.s32 v3, v6  }
0x1d1: {  	v23 =	vshll.u32 v8, $0x6;
	v3 =	vadd.s32 v7, v3  }
0x1d2: {  	v3 =	vadd.s32 v23, v3  }
0x1d3: {  	[tilespmem:v13+s9+$0x0] =	vst.idx.msk $0xffff, v3  }
0x1d4: {  	[tilespmem:v14+s9+$0x0] =	vst.idx.msk $0xffff, v3  }
0x1d5: {  	v3 =	vld [tilespmem:$0x180];
	_ =	sdelay $0x4  }
0x1d6: {  	(v2sf) =	vpush v3, $0xD;
	_ =	sdelay $0x1  }
0x1d7: {  	(v2sf) =	vpush v3, $0xC;
	_ =	sdelay $0x1  }
0x1d8: {  	(v2sf) =	vpush v3, $0xE;
	_ =	sdelay $0x1  }
0x1d9: {  	(v2sf) =	vpush v3, $0xF  }
0x1da: {  	(v2sf) =	vpush v3, $0x9;
	_ =	sdelay $0x1  }
0x1db: {  	(v2sf) =	vpush v3, $0x8;
	_ =	sdelay $0x2  }
0x1dc: {  	(v2sf) =	vpush v3, $0xA;
	_ =	sdelay $0x1  }
0x1dd: {  	(v2sf) =	vpush v3, $0xB  }
0x1de: {  	s24 =	spop (v2sf)  }
0x1df: {  	(v2sf) =	vpush v3, $0x0;
	s25 =	smulhi.u32 $0x2AAAAAAB, s24;
	s0 =	sshra.s32 s24, $0x1F  }
0x1e0: {  	s26 =	spop (v2sf);
	s0 =	smul.u32 $0x2AAAAAAB, s0  }
0x1e1: {  	(v2sf) =	vpush v3, $0x1;
	s28 =	smulhi.u32 $0x2AAAAAAB, s26;
	s4 =	sshra.s32 s26, $0x1F  }
0x1e2: {  	(v2sf) =	vpush v3, $0x2;
	s29 =	spop (v2sf);
	s4 =	smul.u32 $0x2AAAAAAB, s4  }
0x1e3: {  	(v2sf) =	vpush v3, $0x3;
	s30 =	smulhi.u32 $0x2AAAAAAB, s29;
	s6 =	sshra.s32 s29, $0x1F  }
0x1e4: {  	(v2sf) =	vpush v3, $0x4;
	s31 =	spop (v2sf);
	s6 =	smul.u32 $0x2AAAAAAB, s6;
	s2 =	sadd.s32 s0, s25  }
0x1e5: {  	(v2sf) =	vpush v3, $0x5;
	s13 =	smulhi.u32 $0x2AAAAAAB, s31;
	s15 =	sshra.s32 s31, $0x1F;
	s17 =	spop (v2sf)  }
0x1e6: {  	[smem:$0x7E6] =	sst s2;
	(v2sf) =	vpush v3, $0x6;
	s16 =	sshrl.u32 s2, $0x1F;
	s2 =	smul.u32 $0x2AAAAAAB, s15  }
0x1e7: {  	s18 =	smulhi.u32 $0x2AAAAAAB, s17;
	s19 =	sshra.s32 s17, $0x1F;
	s20 =	spop (v2sf);
	(v2sf) =	vpush v3, $0x7  }
0x1e8: {  	[smem:$0x7E5] =	sst s16;
	s5 =	smul.u32 $0x2AAAAAAB, s19  }
0x1e9: {  	s16 =	sadd.s32 s4, s28;
	s21 =	smulhi.u32 $0x2AAAAAAB, s20;
	s25 =	sshra.s32 s20, $0x1F  }
0x1ea: {  	s22 =	sadd.s32 s6, s30;
	s26 =	spop (v2sf);
	s7 =	smul.u32 $0x2AAAAAAB, s25  }
0x1eb: {  	s14 =	sshrl.u32 s16, $0x1F;
	s0 =	smulhi.u32 $0x2AAAAAAB, s26;
	s28 =	sshra.s32 s26, $0x1F  }
0x1ec: {  	s15 =	sadd.s32 s2, s13;
	s29 =	spop (v2sf);
	s2 =	smul.u32 $0x2AAAAAAB, s28  }
0x1ed: {  	s24 =	sshrl.u32 s22, $0x1F;
	s4 =	smulhi.u32 $0x2AAAAAAB, s29;
	s30 =	sshra.s32 s29, $0x1F  }
0x1ee: {  	s17 =	sadd.s32 s5, s18;
	s31 =	spop (v2sf);
	s5 =	smul.u32 $0x2AAAAAAB, s30  }
0x1ef: {  	s25 =	sshrl.u32 s15, $0x1F;
	s19 =	smulhi.u32 $0x2AAAAAAB, s31;
	s12 =	sshra.s32 s31, $0x1F  }
0x1f0: {  	s23 =	sshrl.u32 s17, $0x1F;
	s11 =	spop (v2sf);
	s13 =	smul.u32 $0x2AAAAAAB, s12  }
0x1f1: {  	s20 =	sadd.s32 s7, s21;
	s12 =	smulhi.u32 $0x2AAAAAAB, s11;
	s21 =	spop (v2sf)  }
0x1f2: {  	s18 =	sshra.s32 s11, $0x1F;
	s28 =	sshrl.u32 s20, $0x1F;
	s26 =	spop (v2sf)  }
0x1f3: {  	s29 =	smul.u32 $0x2AAAAAAB, s18;
	s11 =	sadd.s32 s5, s4;
	s30 =	spop (v2sf)  }
0x1f4: {  	s31 =	smulhi.u32 $0x2AAAAAAB, s21;
	s7 =	sshra.s32 s21, $0x1F;
	s18 =	spop (v2sf)  }
0x1f5: {  	s21 =	sadd.s32 s2, s0;
	s2 =	smul.u32 $0x2AAAAAAB, s7;
	s7 =	spop (v2sf)  }
0x1f6: {  	v27 =	vmov s28;
	s28 =	sshra.s32 s16, $0x3;
	s4 =	smulhi.u32 $0x2AAAAAAB, s26;
	s0 =	spop (v2sf)  }
0x1f7: {  	s6 =	sadd.s32 s13, s19;
	s13 =	smulhi.u32 $0x2AAAAAAB, s0;
	s5 =	sshra.s32 s0, $0x1F  }
0x1f8: {  	v25 =	vmov s14;
	s14 =	sld [smem:$0x7E5];
	s26 =	sshra.s32 s26, $0x1F;
	s5 =	smul.u32 $0x2AAAAAAB, s5  }
0x1f9: {  	v7 =	vsel vm0, s23, v27;
	s12 =	sadd.s32 s29, s12;
	s29 =	sshrl.u32 s21, $0x1F;
	s26 =	smul.u32 $0x2AAAAAAB, s26  }
0x1fa: {  	v7 =	vsel vm1, s29, v7;
	s29 =	sshra.s32 s20, $0x3;
	s2 =	sadd.s32 s2, s31;
	s19 =	sadd.s32 s5, s13  }
0x1fb: {  	s31 =	sshrl.u32 s11, $0x1F;
	v5 =	vsel vm0, s14, v25;
	s14 =	sshra.s32 s18, $0x1F;
	s0 =	sshra.s32 s19, $0x1F  }
0x1fc: {  	s4 =	sadd.s32 s26, s4;
	s26 =	smulhi.u32 $0x2AAAAAAB, s30;
	v24 =	vmov s0;
	s0 =	sshra.s32 s6, $0x3  }
0x1fd: {  	v5 =	vsel vm1, s24, v5;
	s14 =	smul.u32 $0x2AAAAAAB, s14;
	s5 =	sshrl.u32 s6, $0x1F;
	s6 =	sshra.s32 s6, $0x1F;
	v4 =	vsel vm3, s0, v24  }
0x1fe: {  	s24 =	sshra.s32 s12, $0x1F;
	v5 =	vsel vm2, s25, v5;
	s25 =	smulhi.u32 $0x2AAAAAAB, s7;
	v26 =	vmov s5;
	v4 =	vsel vm9, s6, v4;
	s6 =	sshra.s32 s12, $0x3  }
0x1ff: {  	s7 =	sshra.s32 s7, $0x1F;
	s13 =	sshra.s32 s30, $0x1F;
	s30 =	sshrl.u32 s12, $0x1F;
	v6 =	vnsel vm3, $0x0, v26;
	v4 =	vsel vm0, s6, v4  }
0x200: {  	s0 =	smul.u32 $0x2AAAAAAB, s13;
	s13 =	sshrl.u32 s2, $0x1F;
	v6 =	vsel vm0, s30, v6;
	s30 =	sshra.s32 s2, $0x3;
	v4 =	vsel vm10, s24, v4  }
0x201: {  	s5 =	smulhi.u32 $0x2AAAAAAB, s18;
	s18 =	sshrl.u32 s4, $0x1F;
	s2 =	sshra.s32 s2, $0x1F;
	v6 =	vsel vm1, s13, v6;
	v4 =	vsel vm1, s30, v4  }
0x202: {  	v7 =	vsel vm2, s31, v7;
	s31 =	sshra.s32 s17, $0x3;
	s7 =	smul.u32 $0x2AAAAAAB, s7;
	v6 =	vsel vm2, s18, v6;
	s18 =	sshra.s32 s4, $0x3;
	v4 =	vsel vm11, s2, v4  }
0x203: {  	s0 =	sadd.s32 s0, s26;
	s24 =	sshra.s32 s4, $0x1F;
	s30 =	sld [smem:$0x7E6];
	v4 =	vsel vm2, s18, v4  }
0x204: {  	v28 =	vmov s28;
	v29 =	vmov s29;
	s7 =	sadd.s32 s7, s25;
	s5 =	sadd.s32 s14, s5;
	s26 =	sshra.s32 s0, $0x3;
	v4 =	vsel vm12, s24, v4  }
0x205: {  	v8 =	vsel vm0, s31, v29;
	v5 =	vcombine.low v7, v5;
	s14 =	sshra.s32 s21, $0x3;
	s13 =	sshrl.u32 s0, $0x1F;
	s0 =	sshra.s32 s0, $0x1F;
	v4 =	vsel vm4, s26, v4  }
0x206: {  	s23 =	sshrl.u32 s5, $0x1F;
	s12 =	sshra.s32 s5, $0x3;
	v8 =	vsel vm1, s14, v8;
	v6 =	vsel vm4, s13, v6;
	s2 =	sshra.s32 s30, $0x3;
	v4 =	vsel vm13, s0, v4  }
0x207: {  	s25 =	sshrl.u32 s7, $0x1F;
	s16 =	sshra.s32 s5, $0x1F;
	s13 =	sshra.s32 s22, $0x3;
	v6 =	vsel vm5, s23, v6;
	v7 =	vsel vm0, s2, v28;
	v4 =	vsel vm5, s12, v4  }
0x208: {  	s17 =	sshra.s32 s15, $0x3;
	s20 =	sshra.s32 s7, $0x3;
	v6 =	vsel vm6, s25, v6;
	s18 =	sshra.s32 s11, $0x3;
	v7 =	vsel vm1, s13, v7;
	v4 =	vsel vm14, s16, v4  }
0x209: {  	s21 =	sshrl.u32 s19, $0x1F;
	s22 =	sshra.s32 s7, $0x1F;
	v8 =	vsel vm2, s18, v8;
	v7 =	vsel vm2, s17, v7;
	v4 =	vsel vm6, s20, v4  }
0x20a: {  	s23 =	sshra.s32 s19, $0x3;
	v6 =	vsel vm7, s21, v6;
	v7 =	vcombine.low v8, v7;
	v4 =	vsel vm15, s22, v4  }
0x20b: {  	v5 =	vperm.xlane v5, v1;
	v6 =	vperm.xlane v6, v2;
	v4 =	vsel vm7, s23, v4  }
0x20c: {  	v7 =	vperm.xlane v7, v1;
	v4 =	vperm.xlane v4, v2;
	_ =	sdelay $0x1  }
0x20d: {  	v5 =	vsel vm8, v6, v5;
	v4 =	vsel vm8, v4, v7  }
0x20e: {  	v30 =	vld [tilespmem:$0x60];
	v4 =	vadd.s32 v5, v4  }
0x20f: {  	v5 =	vmul.u32 $0xD0, v4;
	_ =	sdelay $0x1  }
0x210: {  	v32 =	vshra.s32 v3, $0x1F;
	v5 =	vadd.s32 v3, v5  }
0x211: {  	v33 =	vld [tilespmem:$0x2A0];
	v8 =	vshrl.u32 v32, $0x1D;
	v31 =	vshll.u32 v5, $0x18  }
0x212: {  	v34 =	vld [tilespmem:$0x3C0];
	v6 =	vmul.u32 $0xD8000, v30;
	v8 =	vadd.s32 v8, v3;
	v7 =	vshra.s32 v31, $0x1F  }
0x213: {  	v35 =	vshrl.u32 v8, $0x3;
	v7 =	vand.u32 $0x7, v7  }
0x214: {  	v6 =	vadd.s32 v0, v6;
	v5 =	vadd.s32 v7, v5;
	v7 =	vshll.u32 v35, $0x3  }
0x215: {  	v4 =	vmul.u32 $0x300, v4;
	v5 =	vshll.u32 v5, $0x18;
	v3 =	vsub.s32 v3, v7  }
0x216: {  	v5 =	vshra.s32 v5, $0x1B;
	v3 =	vadd.s32 v3, v6  }
0x217: {  	v5 =	vshll.u32 v5, $0x6;
	v3 =	vadd.s32 v4, v3  }
0x218: {  	v3 =	vadd.s32 v5, v3  }
0x219: {  	[tilespmem:v33+s9+$0x0] =	vst.idx.msk $0xffff, v3  }
0x21a: {  	[tilespmem:v34+s9+$0x0] =	vst.idx.msk $0xffff, v3  }
0x21b: {  	v3 =	vld [tilespmem:$0x190];
	_ =	sdelay $0x4  }
0x21c: {  	(v2sf) =	vpush v3, $0xD;
	_ =	sdelay $0x1  }
0x21d: {  	(v2sf) =	vpush v3, $0xC;
	_ =	sdelay $0x1  }
0x21e: {  	(v2sf) =	vpush v3, $0xE;
	_ =	sdelay $0x1  }
0x21f: {  	(v2sf) =	vpush v3, $0xF  }
0x220: {  	(v2sf) =	vpush v3, $0x9;
	_ =	sdelay $0x1  }
0x221: {  	(v2sf) =	vpush v3, $0x8;
	_ =	sdelay $0x2  }
0x222: {  	(v2sf) =	vpush v3, $0xA;
	_ =	sdelay $0x1  }
0x223: {  	(v2sf) =	vpush v3, $0xB  }
0x224: {  	s24 =	spop (v2sf)  }
0x225: {  	(v2sf) =	vpush v3, $0x0;
	s25 =	smulhi.u32 $0x2AAAAAAB, s24;
	s0 =	sshra.s32 s24, $0x1F  }
0x226: {  	s26 =	spop (v2sf);
	s0 =	smul.u32 $0x2AAAAAAB, s0  }
0x227: {  	(v2sf) =	vpush v3, $0x1;
	s28 =	smulhi.u32 $0x2AAAAAAB, s26;
	s4 =	sshra.s32 s26, $0x1F  }
0x228: {  	(v2sf) =	vpush v3, $0x2;
	s29 =	spop (v2sf);
	s4 =	smul.u32 $0x2AAAAAAB, s4  }
0x229: {  	(v2sf) =	vpush v3, $0x3;
	s30 =	smulhi.u32 $0x2AAAAAAB, s29;
	s6 =	sshra.s32 s29, $0x1F  }
0x22a: {  	(v2sf) =	vpush v3, $0x4;
	s31 =	spop (v2sf);
	s6 =	smul.u32 $0x2AAAAAAB, s6;
	s2 =	sadd.s32 s0, s25  }
0x22b: {  	(v2sf) =	vpush v3, $0x5;
	s13 =	smulhi.u32 $0x2AAAAAAB, s31;
	s15 =	sshra.s32 s31, $0x1F;
	s17 =	spop (v2sf)  }
0x22c: {  	[smem:$0x7E8] =	sst s2;
	(v2sf) =	vpush v3, $0x6;
	s16 =	sshrl.u32 s2, $0x1F;
	s2 =	smul.u32 $0x2AAAAAAB, s15  }
0x22d: {  	s18 =	smulhi.u32 $0x2AAAAAAB, s17;
	s19 =	sshra.s32 s17, $0x1F;
	s20 =	spop (v2sf);
	(v2sf) =	vpush v3, $0x7  }
0x22e: {  	[smem:$0x7E7] =	sst s16;
	s5 =	smul.u32 $0x2AAAAAAB, s19  }
0x22f: {  	s16 =	sadd.s32 s4, s28;
	s22 =	sadd.s32 s6, s30;
	s21 =	smulhi.u32 $0x2AAAAAAB, s20  }
0x230: {  	s25 =	sshra.s32 s20, $0x1F;
	s26 =	spop (v2sf);
	s14 =	sshrl.u32 s16, $0x1F  }
0x231: {  	s24 =	sshrl.u32 s22, $0x1F;
	s7 =	smul.u32 $0x2AAAAAAB, s25;
	s15 =	sadd.s32 s2, s13  }
0x232: {  	s0 =	smulhi.u32 $0x2AAAAAAB, s26;
	s28 =	sshra.s32 s26, $0x1F;
	s29 =	spop (v2sf)  }
0x233: {  	s25 =	sshrl.u32 s15, $0x1F;
	s2 =	smul.u32 $0x2AAAAAAB, s28;
	s17 =	sadd.s32 s5, s18  }
0x234: {  	s4 =	smulhi.u32 $0x2AAAAAAB, s29;
	s30 =	sshra.s32 s29, $0x1F;
	s31 =	spop (v2sf)  }
0x235: {  	v37 =	vmov s14;
	s14 =	sld [smem:$0x7E7];
	s23 =	sshrl.u32 s17, $0x1F;
	s5 =	smul.u32 $0x2AAAAAAB, s30  }
0x236: {  	s19 =	smulhi.u32 $0x2AAAAAAB, s31;
	s12 =	sshra.s32 s31, $0x1F;
	s11 =	spop (v2sf)  }
0x237: {  	s20 =	sadd.s32 s7, s21;
	s13 =	smul.u32 $0x2AAAAAAB, s12;
	s21 =	spop (v2sf)  }
0x238: {  	s12 =	smulhi.u32 $0x2AAAAAAB, s11;
	s18 =	sshra.s32 s11, $0x1F;
	s26 =	spop (v2sf)  }
0x239: {  	s28 =	sshrl.u32 s20, $0x1F;
	s29 =	smul.u32 $0x2AAAAAAB, s18;
	s30 =	spop (v2sf)  }
0x23a: {  	s31 =	smulhi.u32 $0x2AAAAAAB, s21;
	s7 =	sshra.s32 s21, $0x1F;
	s18 =	spop (v2sf)  }
0x23b: {  	s21 =	sadd.s32 s2, s0;
	s2 =	smul.u32 $0x2AAAAAAB, s7;
	s7 =	spop (v2sf)  }
0x23c: {  	s11 =	sadd.s32 s5, s4;
	s6 =	sadd.s32 s13, s19;
	s0 =	spop (v2sf)  }
0x23d: {  	v5 =	vsel vm0, s14, v37;
	s12 =	sadd.s32 s29, s12;
	s13 =	smulhi.u32 $0x2AAAAAAB, s0;
	s5 =	sshra.s32 s0, $0x1F  }
0x23e: {  	v39 =	vmov s28;
	s28 =	sshra.s32 s16, $0x3;
	v5 =	vsel vm1, s24, v5;
	s24 =	sshra.s32 s12, $0x1F;
	s5 =	smul.u32 $0x2AAAAAAB, s5  }
0x23f: {  	v7 =	vsel vm0, s23, v39;
	s4 =	smulhi.u32 $0x2AAAAAAB, s26;
	s26 =	sshra.s32 s26, $0x1F;
	s29 =	sshrl.u32 s21, $0x1F  }
0x240: {  	s26 =	smul.u32 $0x2AAAAAAB, s26;
	v7 =	vsel vm1, s29, v7;
	s29 =	sshra.s32 s20, $0x3;
	s19 =	sadd.s32 s5, s13  }
0x241: {  	s2 =	sadd.s32 s2, s31;
	s14 =	sshra.s32 s18, $0x1F;
	s0 =	sshra.s32 s19, $0x1F  }
0x242: {  	s4 =	sadd.s32 s26, s4;
	s26 =	smulhi.u32 $0x2AAAAAAB, s30;
	v36 =	vmov s0;
	s0 =	sshra.s32 s6, $0x3  }
0x243: {  	s14 =	smul.u32 $0x2AAAAAAB, s14;
	s5 =	sshrl.u32 s6, $0x1F;
	s6 =	sshra.s32 s6, $0x1F;
	v4 =	vsel vm3, s0, v36  }
0x244: {  	v5 =	vsel vm2, s25, v5;
	s31 =	sshrl.u32 s11, $0x1F;
	s25 =	smulhi.u32 $0x2AAAAAAB, s7;
	v38 =	vmov s5;
	v4 =	vsel vm9, s6, v4;
	s6 =	sshra.s32 s12, $0x3  }
0x245: {  	s7 =	sshra.s32 s7, $0x1F;
	s13 =	sshra.s32 s30, $0x1F;
	s30 =	sshrl.u32 s12, $0x1F;
	v6 =	vnsel vm3, $0x0, v38;
	v4 =	vsel vm0, s6, v4  }
0x246: {  	s0 =	smul.u32 $0x2AAAAAAB, s13;
	s13 =	sshrl.u32 s2, $0x1F;
	v6 =	vsel vm0, s30, v6;
	s30 =	sshra.s32 s2, $0x3;
	v4 =	vsel vm10, s24, v4  }
0x247: {  	s5 =	smulhi.u32 $0x2AAAAAAB, s18;
	s18 =	sshrl.u32 s4, $0x1F;
	s2 =	sshra.s32 s2, $0x1F;
	v6 =	vsel vm1, s13, v6;
	v4 =	vsel vm1, s30, v4  }
0x248: {  	v7 =	vsel vm2, s31, v7;
	s31 =	sshra.s32 s17, $0x3;
	s7 =	smul.u32 $0x2AAAAAAB, s7;
	v6 =	vsel vm2, s18, v6;
	s18 =	sshra.s32 s4, $0x3;
	v4 =	vsel vm11, s2, v4  }
0x249: {  	s0 =	sadd.s32 s0, s26;
	s24 =	sshra.s32 s4, $0x1F;
	s30 =	sld [smem:$0x7E8];
	v4 =	vsel vm2, s18, v4  }
0x24a: {  	v40 =	vmov s28;
	v41 =	vmov s29;
	s7 =	sadd.s32 s7, s25;
	s5 =	sadd.s32 s14, s5;
	s26 =	sshra.s32 s0, $0x3;
	v4 =	vsel vm12, s24, v4  }
0x24b: {  	v5 =	vcombine.low v7, v5;
	v8 =	vsel vm0, s31, v41;
	s14 =	sshra.s32 s21, $0x3;
	s13 =	sshrl.u32 s0, $0x1F;
	s0 =	sshra.s32 s0, $0x1F;
	v4 =	vsel vm4, s26, v4  }
0x24c: {  	s23 =	sshrl.u32 s5, $0x1F;
	s12 =	sshra.s32 s5, $0x3;
	v8 =	vsel vm1, s14, v8;
	v6 =	vsel vm4, s13, v6;
	s2 =	sshra.s32 s30, $0x3;
	v4 =	vsel vm13, s0, v4  }
0x24d: {  	s25 =	sshrl.u32 s7, $0x1F;
	s16 =	sshra.s32 s5, $0x1F;
	s13 =	sshra.s32 s22, $0x3;
	v6 =	vsel vm5, s23, v6;
	v7 =	vsel vm0, s2, v40;
	v4 =	vsel vm5, s12, v4  }
0x24e: {  	s17 =	sshra.s32 s15, $0x3;
	s20 =	sshra.s32 s7, $0x3;
	v6 =	vsel vm6, s25, v6;
	s18 =	sshra.s32 s11, $0x3;
	v7 =	vsel vm1, s13, v7;
	v4 =	vsel vm14, s16, v4  }
0x24f: {  	s21 =	sshrl.u32 s19, $0x1F;
	s22 =	sshra.s32 s7, $0x1F;
	v8 =	vsel vm2, s18, v8;
	v7 =	vsel vm2, s17, v7;
	v4 =	vsel vm6, s20, v4  }
0x250: {  	s23 =	sshra.s32 s19, $0x3;
	v6 =	vsel vm7, s21, v6;
	v7 =	vcombine.low v8, v7;
	v4 =	vsel vm15, s22, v4  }
0x251: {  	v5 =	vperm.xlane v5, v1;
	v6 =	vperm.xlane v6, v2;
	v4 =	vsel vm7, s23, v4  }
0x252: {  	v7 =	vperm.xlane v7, v1;
	v4 =	vperm.xlane v4, v2;
	_ =	sdelay $0x1  }
0x253: {  	v5 =	vsel vm8, v6, v5;
	v4 =	vsel vm8, v4, v7  }
0x254: {  	v42 =	vld [tilespmem:$0x70];
	v4 =	vadd.s32 v5, v4  }
0x255: {  	v5 =	vmul.u32 $0xD0, v4;
	_ =	sdelay $0x1  }
0x256: {  	v44 =	vshra.s32 v3, $0x1F;
	v5 =	vadd.s32 v3, v5  }
0x257: {  	v9 =	vld [tilespmem:$0x2B0];
	v8 =	vshrl.u32 v44, $0x1D;
	v43 =	vshll.u32 v5, $0x18  }
0x258: {  	v10 =	vld [tilespmem:$0x3D0];
	v6 =	vmul.u32 $0xD8000, v42;
	v8 =	vadd.s32 v8, v3;
	v7 =	vshra.s32 v43, $0x1F  }
0x259: {  	v45 =	vshrl.u32 v8, $0x3;
	v7 =	vand.u32 $0x7, v7  }
0x25a: {  	v6 =	vadd.s32 v0, v6;
	v5 =	vadd.s32 v7, v5;
	v7 =	vshll.u32 v45, $0x3  }
0x25b: {  	v4 =	vmul.u32 $0x300, v4;
	v5 =	vshll.u32 v5, $0x18;
	v3 =	vsub.s32 v3, v7  }
0x25c: {  	v5 =	vshra.s32 v5, $0x1B;
	v3 =	vadd.s32 v3, v6  }
0x25d: {  	v5 =	vshll.u32 v5, $0x6;
	v3 =	vadd.s32 v4, v3  }
0x25e: {  	v3 =	vadd.s32 v5, v3  }
0x25f: {  	[tilespmem:v9+s9+$0x0] =	vst.idx.msk $0xffff, v3  }
0x260: {  	[tilespmem:v10+s9+$0x0] =	vst.idx.msk $0xffff, v3  }
0x261: {  	v3 =	vld [tilespmem:$0x1A0];
	_ =	sdelay $0x4  }
0x262: {  	(v2sf) =	vpush v3, $0xD;
	_ =	sdelay $0x1  }
0x263: {  	(v2sf) =	vpush v3, $0xC;
	_ =	sdelay $0x1  }
0x264: {  	(v2sf) =	vpush v3, $0xE;
	_ =	sdelay $0x1  }
0x265: {  	(v2sf) =	vpush v3, $0xF  }
0x266: {  	(v2sf) =	vpush v3, $0x9;
	_ =	sdelay $0x1  }
0x267: {  	(v2sf) =	vpush v3, $0x8;
	_ =	sdelay $0x2  }
0x268: {  	(v2sf) =	vpush v3, $0xA;
	_ =	sdelay $0x1  }
0x269: {  	(v2sf) =	vpush v3, $0xB  }
0x26a: {  	s24 =	spop (v2sf)  }
0x26b: {  	(v2sf) =	vpush v3, $0x0;
	s25 =	smulhi.u32 $0x2AAAAAAB, s24;
	s0 =	sshra.s32 s24, $0x1F  }
0x26c: {  	s26 =	spop (v2sf);
	s0 =	smul.u32 $0x2AAAAAAB, s0  }
0x26d: {  	(v2sf) =	vpush v3, $0x1;
	s28 =	smulhi.u32 $0x2AAAAAAB, s26;
	s4 =	sshra.s32 s26, $0x1F  }
0x26e: {  	(v2sf) =	vpush v3, $0x2;
	s29 =	spop (v2sf);
	s4 =	smul.u32 $0x2AAAAAAB, s4  }
0x26f: {  	(v2sf) =	vpush v3, $0x3;
	s30 =	smulhi.u32 $0x2AAAAAAB, s29;
	s6 =	sshra.s32 s29, $0x1F  }
0x270: {  	(v2sf) =	vpush v3, $0x4;
	s31 =	spop (v2sf);
	s6 =	smul.u32 $0x2AAAAAAB, s6;
	s2 =	sadd.s32 s0, s25  }
0x271: {  	(v2sf) =	vpush v3, $0x5;
	s13 =	smulhi.u32 $0x2AAAAAAB, s31;
	s15 =	sshra.s32 s31, $0x1F;
	s17 =	spop (v2sf)  }
0x272: {  	[smem:$0x7EA] =	sst s2;
	(v2sf) =	vpush v3, $0x6;
	s16 =	sshrl.u32 s2, $0x1F;
	s2 =	smul.u32 $0x2AAAAAAB, s15  }
0x273: {  	s18 =	smulhi.u32 $0x2AAAAAAB, s17;
	s19 =	sshra.s32 s17, $0x1F;
	s20 =	spop (v2sf);
	(v2sf) =	vpush v3, $0x7  }
0x274: {  	[smem:$0x7E9] =	sst s16;
	s5 =	smul.u32 $0x2AAAAAAB, s19  }
0x275: {  	s16 =	sadd.s32 s4, s28;
	s22 =	sadd.s32 s6, s30;
	s21 =	smulhi.u32 $0x2AAAAAAB, s20  }
0x276: {  	s25 =	sshra.s32 s20, $0x1F;
	s26 =	spop (v2sf);
	s14 =	sshrl.u32 s16, $0x1F  }
0x277: {  	s24 =	sshrl.u32 s22, $0x1F;
	s7 =	smul.u32 $0x2AAAAAAB, s25;
	s15 =	sadd.s32 s2, s13  }
0x278: {  	s0 =	smulhi.u32 $0x2AAAAAAB, s26;
	s28 =	sshra.s32 s26, $0x1F;
	s29 =	spop (v2sf)  }
0x279: {  	s25 =	sshrl.u32 s15, $0x1F;
	s2 =	smul.u32 $0x2AAAAAAB, s28;
	s17 =	sadd.s32 s5, s18  }
0x27a: {  	s4 =	smulhi.u32 $0x2AAAAAAB, s29;
	s30 =	sshra.s32 s29, $0x1F;
	s31 =	spop (v2sf)  }
0x27b: {  	v47 =	vmov s14;
	s14 =	sld [smem:$0x7E9];
	s23 =	sshrl.u32 s17, $0x1F;
	s5 =	smul.u32 $0x2AAAAAAB, s30  }
0x27c: {  	s19 =	smulhi.u32 $0x2AAAAAAB, s31;
	s12 =	sshra.s32 s31, $0x1F;
	s11 =	spop (v2sf)  }
0x27d: {  	s20 =	sadd.s32 s7, s21;
	s13 =	smul.u32 $0x2AAAAAAB, s12;
	s21 =	spop (v2sf)  }
0x27e: {  	s12 =	smulhi.u32 $0x2AAAAAAB, s11;
	s18 =	sshra.s32 s11, $0x1F;
	s26 =	spop (v2sf)  }
0x27f: {  	s28 =	sshrl.u32 s20, $0x1F;
	s29 =	smul.u32 $0x2AAAAAAB, s18;
	s30 =	spop (v2sf)  }
0x280: {  	s31 =	smulhi.u32 $0x2AAAAAAB, s21;
	s7 =	sshra.s32 s21, $0x1F;
	s18 =	spop (v2sf)  }
0x281: {  	s21 =	sadd.s32 s2, s0;
	s2 =	smul.u32 $0x2AAAAAAB, s7;
	s7 =	spop (v2sf)  }
0x282: {  	s11 =	sadd.s32 s5, s4;
	s6 =	sadd.s32 s13, s19;
	s0 =	spop (v2sf)  }
0x283: {  	v5 =	vsel vm0, s14, v47;
	s12 =	sadd.s32 s29, s12;
	s13 =	smulhi.u32 $0x2AAAAAAB, s0;
	s5 =	sshra.s32 s0, $0x1F  }
0x284: {  	v49 =	vmov s28;
	s28 =	sshra.s32 s16, $0x3;
	v5 =	vsel vm1, s24, v5;
	s24 =	sshra.s32 s12, $0x1F;
	s5 =	smul.u32 $0x2AAAAAAB, s5  }
0x285: {  	v7 =	vsel vm0, s23, v49;
	s4 =	smulhi.u32 $0x2AAAAAAB, s26;
	s26 =	sshra.s32 s26, $0x1F;
	s29 =	sshrl.u32 s21, $0x1F  }
0x286: {  	s26 =	smul.u32 $0x2AAAAAAB, s26;
	v7 =	vsel vm1, s29, v7;
	s29 =	sshra.s32 s20, $0x3;
	s19 =	sadd.s32 s5, s13  }
0x287: {  	s2 =	sadd.s32 s2, s31;
	s14 =	sshra.s32 s18, $0x1F;
	s0 =	sshra.s32 s19, $0x1F  }
0x288: {  	s4 =	sadd.s32 s26, s4;
	s26 =	smulhi.u32 $0x2AAAAAAB, s30;
	v46 =	vmov s0;
	s0 =	sshra.s32 s6, $0x3  }
0x289: {  	s14 =	smul.u32 $0x2AAAAAAB, s14;
	s5 =	sshrl.u32 s6, $0x1F;
	s6 =	sshra.s32 s6, $0x1F;
	v4 =	vsel vm3, s0, v46  }
0x28a: {  	v5 =	vsel vm2, s25, v5;
	s31 =	sshrl.u32 s11, $0x1F;
	s25 =	smulhi.u32 $0x2AAAAAAB, s7;
	v48 =	vmov s5;
	v4 =	vsel vm9, s6, v4;
	s6 =	sshra.s32 s12, $0x3  }
0x28b: {  	s7 =	sshra.s32 s7, $0x1F;
	s13 =	sshra.s32 s30, $0x1F;
	s30 =	sshrl.u32 s12, $0x1F;
	v6 =	vnsel vm3, $0x0, v48;
	v4 =	vsel vm0, s6, v4  }
0x28c: {  	s0 =	smul.u32 $0x2AAAAAAB, s13;
	s13 =	sshrl.u32 s2, $0x1F;
	v6 =	vsel vm0, s30, v6;
	s30 =	sshra.s32 s2, $0x3;
	v4 =	vsel vm10, s24, v4  }
0x28d: {  	s5 =	smulhi.u32 $0x2AAAAAAB, s18;
	s18 =	sshrl.u32 s4, $0x1F;
	s2 =	sshra.s32 s2, $0x1F;
	v6 =	vsel vm1, s13, v6;
	v4 =	vsel vm1, s30, v4  }
0x28e: {  	v7 =	vsel vm2, s31, v7;
	s31 =	sshra.s32 s17, $0x3;
	s7 =	smul.u32 $0x2AAAAAAB, s7;
	v6 =	vsel vm2, s18, v6;
	s18 =	sshra.s32 s4, $0x3;
	v4 =	vsel vm11, s2, v4  }
0x28f: {  	s0 =	sadd.s32 s0, s26;
	s24 =	sshra.s32 s4, $0x1F;
	s30 =	sld [smem:$0x7EA];
	v4 =	vsel vm2, s18, v4  }
0x290: {  	v50 =	vmov s28;
	v51 =	vmov s29;
	s7 =	sadd.s32 s7, s25;
	s5 =	sadd.s32 s14, s5;
	s26 =	sshra.s32 s0, $0x3;
	v4 =	vsel vm12, s24, v4  }
0x291: {  	v5 =	vcombine.low v7, v5;
	v8 =	vsel vm0, s31, v51;
	s14 =	sshra.s32 s21, $0x3;
	s13 =	sshrl.u32 s0, $0x1F;
	s0 =	sshra.s32 s0, $0x1F;
	v4 =	vsel vm4, s26, v4  }
0x292: {  	s23 =	sshrl.u32 s5, $0x1F;
	s12 =	sshra.s32 s5, $0x3;
	v8 =	vsel vm1, s14, v8;
	v6 =	vsel vm4, s13, v6;
	s2 =	sshra.s32 s30, $0x3;
	v4 =	vsel vm13, s0, v4  }
0x293: {  	s25 =	sshrl.u32 s7, $0x1F;
	s16 =	sshra.s32 s5, $0x1F;
	s13 =	sshra.s32 s22, $0x3;
	v6 =	vsel vm5, s23, v6;
	v7 =	vsel vm0, s2, v50;
	v4 =	vsel vm5, s12, v4  }
0x294: {  	s17 =	sshra.s32 s15, $0x3;
	s20 =	sshra.s32 s7, $0x3;
	v6 =	vsel vm6, s25, v6;
	s18 =	sshra.s32 s11, $0x3;
	v7 =	vsel vm1, s13, v7;
	v4 =	vsel vm14, s16, v4  }
0x295: {  	s21 =	sshrl.u32 s19, $0x1F;
	s22 =	sshra.s32 s7, $0x1F;
	v8 =	vsel vm2, s18, v8;
	v7 =	vsel vm2, s17, v7;
	v4 =	vsel vm6, s20, v4  }
0x296: {  	s23 =	sshra.s32 s19, $0x3;
	v6 =	vsel vm7, s21, v6;
	v7 =	vcombine.low v8, v7;
	v4 =	vsel vm15, s22, v4  }
0x297: {  	v5 =	vperm.xlane v5, v1;
	v6 =	vperm.xlane v6, v2;
	v4 =	vsel vm7, s23, v4  }
0x298: {  	v7 =	vperm.xlane v7, v1;
	v4 =	vperm.xlane v4, v2;
	_ =	sdelay $0x1  }
0x299: {  	v5 =	vsel vm8, v6, v5;
	v4 =	vsel vm8, v4, v7  }
0x29a: {  	v52 =	vld [tilespmem:$0x80];
	v4 =	vadd.s32 v5, v4  }
0x29b: {  	v5 =	vmul.u32 $0xD0, v4;
	_ =	sdelay $0x1  }
0x29c: {  	v54 =	vshra.s32 v3, $0x1F;
	v5 =	vadd.s32 v3, v5  }
0x29d: {  	v9 =	vld [tilespmem:$0x2C0];
	v8 =	vshrl.u32 v54, $0x1D;
	v53 =	vshll.u32 v5, $0x18  }
0x29e: {  	v10 =	vld [tilespmem:$0x3E0];
	v6 =	vmul.u32 $0xD8000, v52;
	v8 =	vadd.s32 v8, v3;
	v7 =	vshra.s32 v53, $0x1F  }
0x29f: {  	v55 =	vshrl.u32 v8, $0x3;
	v7 =	vand.u32 $0x7, v7  }
0x2a0: {  	v6 =	vadd.s32 v0, v6;
	v5 =	vadd.s32 v7, v5;
	v7 =	vshll.u32 v55, $0x3  }
0x2a1: {  	v4 =	vmul.u32 $0x300, v4;
	v5 =	vshll.u32 v5, $0x18;
	v3 =	vsub.s32 v3, v7  }
0x2a2: {  	v5 =	vshra.s32 v5, $0x1B;
	v3 =	vadd.s32 v3, v6  }
0x2a3: {  	v5 =	vshll.u32 v5, $0x6;
	v3 =	vadd.s32 v4, v3  }
0x2a4: {  	v3 =	vadd.s32 v5, v3  }
0x2a5: {  	[tilespmem:v9+s9+$0x0] =	vst.idx.msk $0xffff, v3  }
0x2a6: {  	[tilespmem:v10+s9+$0x0] =	vst.idx.msk $0xffff, v3  }
0x2a7: {  	v3 =	vld [tilespmem:$0x1B0];
	_ =	sdelay $0x4  }
0x2a8: {  	(v2sf) =	vpush v3, $0xD;
	_ =	sdelay $0x1  }
0x2a9: {  	(v2sf) =	vpush v3, $0xC;
	_ =	sdelay $0x1  }
0x2aa: {  	(v2sf) =	vpush v3, $0xE;
	_ =	sdelay $0x1  }
0x2ab: {  	(v2sf) =	vpush v3, $0xF  }
0x2ac: {  	(v2sf) =	vpush v3, $0x9;
	_ =	sdelay $0x1  }
0x2ad: {  	(v2sf) =	vpush v3, $0x8;
	_ =	sdelay $0x2  }
0x2ae: {  	(v2sf) =	vpush v3, $0xA;
	_ =	sdelay $0x1  }
0x2af: {  	(v2sf) =	vpush v3, $0xB  }
0x2b0: {  	s24 =	spop (v2sf)  }
0x2b1: {  	(v2sf) =	vpush v3, $0x0;
	s25 =	smulhi.u32 $0x2AAAAAAB, s24;
	s0 =	sshra.s32 s24, $0x1F  }
0x2b2: {  	s26 =	spop (v2sf);
	s0 =	smul.u32 $0x2AAAAAAB, s0  }
0x2b3: {  	(v2sf) =	vpush v3, $0x1;
	s28 =	smulhi.u32 $0x2AAAAAAB, s26;
	s4 =	sshra.s32 s26, $0x1F  }
0x2b4: {  	(v2sf) =	vpush v3, $0x2;
	s29 =	spop (v2sf);
	s4 =	smul.u32 $0x2AAAAAAB, s4  }
0x2b5: {  	(v2sf) =	vpush v3, $0x3;
	s30 =	smulhi.u32 $0x2AAAAAAB, s29;
	s6 =	sshra.s32 s29, $0x1F  }
0x2b6: {  	(v2sf) =	vpush v3, $0x4;
	s31 =	spop (v2sf);
	s6 =	smul.u32 $0x2AAAAAAB, s6;
	s2 =	sadd.s32 s0, s25  }
0x2b7: {  	(v2sf) =	vpush v3, $0x5;
	s13 =	smulhi.u32 $0x2AAAAAAB, s31;
	s15 =	sshra.s32 s31, $0x1F;
	s17 =	spop (v2sf)  }
0x2b8: {  	[smem:$0x7EC] =	sst s2;
	(v2sf) =	vpush v3, $0x6;
	s16 =	sshrl.u32 s2, $0x1F;
	s2 =	smul.u32 $0x2AAAAAAB, s15  }
0x2b9: {  	s18 =	smulhi.u32 $0x2AAAAAAB, s17;
	s19 =	sshra.s32 s17, $0x1F;
	s20 =	spop (v2sf);
	(v2sf) =	vpush v3, $0x7  }
0x2ba: {  	[smem:$0x7EB] =	sst s16;
	s5 =	smul.u32 $0x2AAAAAAB, s19  }
0x2bb: {  	s16 =	sadd.s32 s4, s28;
	s22 =	sadd.s32 s6, s30;
	s21 =	smulhi.u32 $0x2AAAAAAB, s20  }
0x2bc: {  	s25 =	sshra.s32 s20, $0x1F;
	s26 =	spop (v2sf);
	s14 =	sshrl.u32 s16, $0x1F  }
0x2bd: {  	s24 =	sshrl.u32 s22, $0x1F;
	s7 =	smul.u32 $0x2AAAAAAB, s25;
	s15 =	sadd.s32 s2, s13  }
0x2be: {  	s0 =	smulhi.u32 $0x2AAAAAAB, s26;
	s28 =	sshra.s32 s26, $0x1F;
	s29 =	spop (v2sf)  }
0x2bf: {  	s25 =	sshrl.u32 s15, $0x1F;
	s2 =	smul.u32 $0x2AAAAAAB, s28;
	s17 =	sadd.s32 s5, s18  }
0x2c0: {  	s4 =	smulhi.u32 $0x2AAAAAAB, s29;
	s30 =	sshra.s32 s29, $0x1F;
	s31 =	spop (v2sf)  }
0x2c1: {  	v57 =	vmov s14;
	s14 =	sld [smem:$0x7EB];
	s23 =	sshrl.u32 s17, $0x1F;
	s5 =	smul.u32 $0x2AAAAAAB, s30  }
0x2c2: {  	s19 =	smulhi.u32 $0x2AAAAAAB, s31;
	s12 =	sshra.s32 s31, $0x1F;
	s11 =	spop (v2sf)  }
0x2c3: {  	s20 =	sadd.s32 s7, s21;
	s13 =	smul.u32 $0x2AAAAAAB, s12;
	s21 =	spop (v2sf)  }
0x2c4: {  	s12 =	smulhi.u32 $0x2AAAAAAB, s11;
	s18 =	sshra.s32 s11, $0x1F;
	s26 =	spop (v2sf)  }
0x2c5: {  	s28 =	sshrl.u32 s20, $0x1F;
	s29 =	smul.u32 $0x2AAAAAAB, s18;
	s30 =	spop (v2sf)  }
0x2c6: {  	s31 =	smulhi.u32 $0x2AAAAAAB, s21;
	s7 =	sshra.s32 s21, $0x1F;
	s18 =	spop (v2sf)  }
0x2c7: {  	s21 =	sadd.s32 s2, s0;
	s2 =	smul.u32 $0x2AAAAAAB, s7;
	s7 =	spop (v2sf)  }
0x2c8: {  	s11 =	sadd.s32 s5, s4;
	s6 =	sadd.s32 s13, s19;
	s0 =	spop (v2sf)  }
0x2c9: {  	v5 =	vsel vm0, s14, v57;
	s12 =	sadd.s32 s29, s12;
	s13 =	smulhi.u32 $0x2AAAAAAB, s0;
	s5 =	sshra.s32 s0, $0x1F  }
0x2ca: {  	v59 =	vmov s28;
	s28 =	sshra.s32 s16, $0x3;
	v5 =	vsel vm1, s24, v5;
	s24 =	sshra.s32 s12, $0x1F;
	s5 =	smul.u32 $0x2AAAAAAB, s5  }
0x2cb: {  	v7 =	vsel vm0, s23, v59;
	s4 =	smulhi.u32 $0x2AAAAAAB, s26;
	s26 =	sshra.s32 s26, $0x1F;
	s29 =	sshrl.u32 s21, $0x1F  }
0x2cc: {  	s26 =	smul.u32 $0x2AAAAAAB, s26;
	v7 =	vsel vm1, s29, v7;
	s29 =	sshra.s32 s20, $0x3;
	s19 =	sadd.s32 s5, s13  }
0x2cd: {  	s2 =	sadd.s32 s2, s31;
	s14 =	sshra.s32 s18, $0x1F;
	s0 =	sshra.s32 s19, $0x1F  }
0x2ce: {  	s4 =	sadd.s32 s26, s4;
	s26 =	smulhi.u32 $0x2AAAAAAB, s30;
	v56 =	vmov s0;
	s0 =	sshra.s32 s6, $0x3  }
0x2cf: {  	s14 =	smul.u32 $0x2AAAAAAB, s14;
	s5 =	sshrl.u32 s6, $0x1F;
	s6 =	sshra.s32 s6, $0x1F;
	v4 =	vsel vm3, s0, v56  }
0x2d0: {  	v5 =	vsel vm2, s25, v5;
	s31 =	sshrl.u32 s11, $0x1F;
	s25 =	smulhi.u32 $0x2AAAAAAB, s7;
	v58 =	vmov s5;
	v4 =	vsel vm9, s6, v4;
	s6 =	sshra.s32 s12, $0x3  }
0x2d1: {  	s7 =	sshra.s32 s7, $0x1F;
	s13 =	sshra.s32 s30, $0x1F;
	s30 =	sshrl.u32 s12, $0x1F;
	v6 =	vnsel vm3, $0x0, v58;
	v4 =	vsel vm0, s6, v4  }
0x2d2: {  	s0 =	smul.u32 $0x2AAAAAAB, s13;
	s13 =	sshrl.u32 s2, $0x1F;
	v6 =	vsel vm0, s30, v6;
	s30 =	sshra.s32 s2, $0x3;
	v4 =	vsel vm10, s24, v4  }
0x2d3: {  	s5 =	smulhi.u32 $0x2AAAAAAB, s18;
	s18 =	sshrl.u32 s4, $0x1F;
	s2 =	sshra.s32 s2, $0x1F;
	v6 =	vsel vm1, s13, v6;
	v4 =	vsel vm1, s30, v4  }
0x2d4: {  	v7 =	vsel vm2, s31, v7;
	s31 =	sshra.s32 s17, $0x3;
	s7 =	smul.u32 $0x2AAAAAAB, s7;
	v6 =	vsel vm2, s18, v6;
	s18 =	sshra.s32 s4, $0x3;
	v4 =	vsel vm11, s2, v4  }
0x2d5: {  	s0 =	sadd.s32 s0, s26;
	s24 =	sshra.s32 s4, $0x1F;
	s30 =	sld [smem:$0x7EC];
	v4 =	vsel vm2, s18, v4  }
0x2d6: {  	v60 =	vmov s28;
	v61 =	vmov s29;
	s7 =	sadd.s32 s7, s25;
	s5 =	sadd.s32 s14, s5;
	s26 =	sshra.s32 s0, $0x3;
	v4 =	vsel vm12, s24, v4  }
0x2d7: {  	v5 =	vcombine.low v7, v5;
	v8 =	vsel vm0, s31, v61;
	s14 =	sshra.s32 s21, $0x3;
	s13 =	sshrl.u32 s0, $0x1F;
	s0 =	sshra.s32 s0, $0x1F;
	v4 =	vsel vm4, s26, v4  }
0x2d8: {  	s23 =	sshrl.u32 s5, $0x1F;
	s12 =	sshra.s32 s5, $0x3;
	v8 =	vsel vm1, s14, v8;
	v6 =	vsel vm4, s13, v6;
	s2 =	sshra.s32 s30, $0x3;
	v4 =	vsel vm13, s0, v4  }
0x2d9: {  	s25 =	sshrl.u32 s7, $0x1F;
	s16 =	sshra.s32 s5, $0x1F;
	s13 =	sshra.s32 s22, $0x3;
	v6 =	vsel vm5, s23, v6;
	v7 =	vsel vm0, s2, v60;
	v4 =	vsel vm5, s12, v4  }
0x2da: {  	s17 =	sshra.s32 s15, $0x3;
	s20 =	sshra.s32 s7, $0x3;
	v6 =	vsel vm6, s25, v6;
	s18 =	sshra.s32 s11, $0x3;
	v7 =	vsel vm1, s13, v7;
	v4 =	vsel vm14, s16, v4  }
0x2db: {  	s21 =	sshrl.u32 s19, $0x1F;
	s22 =	sshra.s32 s7, $0x1F;
	v8 =	vsel vm2, s18, v8;
	v7 =	vsel vm2, s17, v7;
	v4 =	vsel vm6, s20, v4  }
0x2dc: {  	s23 =	sshra.s32 s19, $0x3;
	v6 =	vsel vm7, s21, v6;
	v7 =	vcombine.low v8, v7;
	v4 =	vsel vm15, s22, v4  }
0x2dd: {  	v5 =	vperm.xlane v5, v1;
	v6 =	vperm.xlane v6, v2;
	v4 =	vsel vm7, s23, v4  }
0x2de: {  	v7 =	vperm.xlane v7, v1;
	v4 =	vperm.xlane v4, v2;
	_ =	sdelay $0x1  }
0x2df: {  	v5 =	vsel vm8, v6, v5;
	v4 =	vsel vm8, v4, v7  }
0x2e0: {  	v62 =	vld [tilespmem:$0x90];
	v4 =	vadd.s32 v5, v4  }
0x2e1: {  	v5 =	vmul.u32 $0xD0, v4;
	_ =	sdelay $0x1  }
0x2e2: {  	v12 =	vshra.s32 v3, $0x1F;
	v5 =	vadd.s32 v3, v5  }
0x2e3: {  	v9 =	vld [tilespmem:$0x2D0];
	v8 =	vshrl.u32 v12, $0x1D;
	v63 =	vshll.u32 v5, $0x18  }
0x2e4: {  	v10 =	vld [tilespmem:$0x3F0];
	v6 =	vmul.u32 $0xD8000, v62;
	v8 =	vadd.s32 v8, v3;
	v7 =	vshra.s32 v63, $0x1F  }
0x2e5: {  	v13 =	vshrl.u32 v8, $0x3;
	v7 =	vand.u32 $0x7, v7  }
0x2e6: {  	v6 =	vadd.s32 v0, v6;
	v5 =	vadd.s32 v7, v5;
	v7 =	vshll.u32 v13, $0x3  }
0x2e7: {  	v4 =	vmul.u32 $0x300, v4;
	v5 =	vshll.u32 v5, $0x18;
	v3 =	vsub.s32 v3, v7  }
0x2e8: {  	v5 =	vshra.s32 v5, $0x1B;
	v3 =	vadd.s32 v3, v6  }
0x2e9: {  	v5 =	vshll.u32 v5, $0x6;
	v3 =	vadd.s32 v4, v3  }
0x2ea: {  	v3 =	vadd.s32 v5, v3  }
0x2eb: {  	[tilespmem:v9+s9+$0x0] =	vst.idx.msk $0xffff, v3  }
0x2ec: {  	[tilespmem:v10+s9+$0x0] =	vst.idx.msk $0xffff, v3  }
0x2ed: {  	v3 =	vld [tilespmem:$0x1C0];
	_ =	sdelay $0x4  }
0x2ee: {  	(v2sf) =	vpush v3, $0xD;
	_ =	sdelay $0x1  }
0x2ef: {  	(v2sf) =	vpush v3, $0xC;
	_ =	sdelay $0x1  }
0x2f0: {  	(v2sf) =	vpush v3, $0xE;
	_ =	sdelay $0x1  }
0x2f1: {  	(v2sf) =	vpush v3, $0xF  }
0x2f2: {  	(v2sf) =	vpush v3, $0x9;
	_ =	sdelay $0x1  }
0x2f3: {  	(v2sf) =	vpush v3, $0x8;
	_ =	sdelay $0x2  }
0x2f4: {  	(v2sf) =	vpush v3, $0xA;
	_ =	sdelay $0x1  }
0x2f5: {  	(v2sf) =	vpush v3, $0xB  }
0x2f6: {  	s24 =	spop (v2sf)  }
0x2f7: {  	(v2sf) =	vpush v3, $0x0;
	s25 =	smulhi.u32 $0x2AAAAAAB, s24;
	s0 =	sshra.s32 s24, $0x1F  }
0x2f8: {  	s26 =	spop (v2sf);
	s0 =	smul.u32 $0x2AAAAAAB, s0  }
0x2f9: {  	(v2sf) =	vpush v3, $0x1;
	s28 =	smulhi.u32 $0x2AAAAAAB, s26;
	s4 =	sshra.s32 s26, $0x1F  }
0x2fa: {  	(v2sf) =	vpush v3, $0x2;
	s29 =	spop (v2sf);
	s4 =	smul.u32 $0x2AAAAAAB, s4  }
0x2fb: {  	(v2sf) =	vpush v3, $0x3;
	s30 =	smulhi.u32 $0x2AAAAAAB, s29;
	s6 =	sshra.s32 s29, $0x1F  }
0x2fc: {  	(v2sf) =	vpush v3, $0x4;
	s31 =	spop (v2sf);
	s6 =	smul.u32 $0x2AAAAAAB, s6;
	s2 =	sadd.s32 s0, s25  }
0x2fd: {  	(v2sf) =	vpush v3, $0x5;
	s13 =	smulhi.u32 $0x2AAAAAAB, s31;
	s15 =	sshra.s32 s31, $0x1F;
	s17 =	spop (v2sf)  }
0x2fe: {  	[smem:$0x7EE] =	sst s2;
	(v2sf) =	vpush v3, $0x6;
	s16 =	sshrl.u32 s2, $0x1F;
	s2 =	smul.u32 $0x2AAAAAAB, s15  }
0x2ff: {  	s18 =	smulhi.u32 $0x2AAAAAAB, s17;
	s19 =	sshra.s32 s17, $0x1F;
	s20 =	spop (v2sf);
	(v2sf) =	vpush v3, $0x7  }
0x300: {  	[smem:$0x7ED] =	sst s16;
	s5 =	smul.u32 $0x2AAAAAAB, s19  }
0x301: {  	s16 =	sadd.s32 s4, s28;
	s22 =	sadd.s32 s6, s30;
	s21 =	smulhi.u32 $0x2AAAAAAB, s20  }
0x302: {  	s25 =	sshra.s32 s20, $0x1F;
	s26 =	spop (v2sf);
	s14 =	sshrl.u32 s16, $0x1F  }
0x303: {  	s24 =	sshrl.u32 s22, $0x1F;
	s7 =	smul.u32 $0x2AAAAAAB, s25;
	s15 =	sadd.s32 s2, s13  }
0x304: {  	s0 =	smulhi.u32 $0x2AAAAAAB, s26;
	s28 =	sshra.s32 s26, $0x1F;
	s29 =	spop (v2sf)  }
0x305: {  	s25 =	sshrl.u32 s15, $0x1F;
	s2 =	smul.u32 $0x2AAAAAAB, s28;
	s17 =	sadd.s32 s5, s18  }
0x306: {  	s4 =	smulhi.u32 $0x2AAAAAAB, s29;
	s30 =	sshra.s32 s29, $0x1F;
	s31 =	spop (v2sf)  }
0x307: {  	v15 =	vmov s14;
	s14 =	sld [smem:$0x7ED];
	s23 =	sshrl.u32 s17, $0x1F;
	s5 =	smul.u32 $0x2AAAAAAB, s30  }
0x308: {  	s19 =	smulhi.u32 $0x2AAAAAAB, s31;
	s12 =	sshra.s32 s31, $0x1F;
	s11 =	spop (v2sf)  }
0x309: {  	s20 =	sadd.s32 s7, s21;
	s13 =	smul.u32 $0x2AAAAAAB, s12;
	s21 =	spop (v2sf)  }
0x30a: {  	s12 =	smulhi.u32 $0x2AAAAAAB, s11;
	s18 =	sshra.s32 s11, $0x1F;
	s26 =	spop (v2sf)  }
0x30b: {  	s28 =	sshrl.u32 s20, $0x1F;
	s29 =	smul.u32 $0x2AAAAAAB, s18;
	s30 =	spop (v2sf)  }
0x30c: {  	s31 =	smulhi.u32 $0x2AAAAAAB, s21;
	s7 =	sshra.s32 s21, $0x1F;
	s18 =	spop (v2sf)  }
0x30d: {  	s21 =	sadd.s32 s2, s0;
	s2 =	smul.u32 $0x2AAAAAAB, s7;
	s7 =	spop (v2sf)  }
0x30e: {  	s11 =	sadd.s32 s5, s4;
	s6 =	sadd.s32 s13, s19;
	s0 =	spop (v2sf)  }
0x30f: {  	v5 =	vsel vm0, s14, v15;
	s12 =	sadd.s32 s29, s12;
	s13 =	smulhi.u32 $0x2AAAAAAB, s0;
	s5 =	sshra.s32 s0, $0x1F  }
0x310: {  	v17 =	vmov s28;
	s28 =	sshra.s32 s16, $0x3;
	v5 =	vsel vm1, s24, v5;
	s24 =	sshra.s32 s12, $0x1F;
	s5 =	smul.u32 $0x2AAAAAAB, s5  }
0x311: {  	v7 =	vsel vm0, s23, v17;
	s4 =	smulhi.u32 $0x2AAAAAAB, s26;
	s26 =	sshra.s32 s26, $0x1F;
	s29 =	sshrl.u32 s21, $0x1F  }
0x312: {  	s26 =	smul.u32 $0x2AAAAAAB, s26;
	v7 =	vsel vm1, s29, v7;
	s29 =	sshra.s32 s20, $0x3;
	s19 =	sadd.s32 s5, s13  }
0x313: {  	s2 =	sadd.s32 s2, s31;
	s14 =	sshra.s32 s18, $0x1F;
	s0 =	sshra.s32 s19, $0x1F  }
0x314: {  	s4 =	sadd.s32 s26, s4;
	s26 =	smulhi.u32 $0x2AAAAAAB, s30;
	v14 =	vmov s0;
	s0 =	sshra.s32 s6, $0x3  }
0x315: {  	s14 =	smul.u32 $0x2AAAAAAB, s14;
	s5 =	sshrl.u32 s6, $0x1F;
	s6 =	sshra.s32 s6, $0x1F;
	v4 =	vsel vm3, s0, v14  }
0x316: {  	v5 =	vsel vm2, s25, v5;
	s31 =	sshrl.u32 s11, $0x1F;
	s25 =	smulhi.u32 $0x2AAAAAAB, s7;
	v16 =	vmov s5;
	v4 =	vsel vm9, s6, v4;
	s6 =	sshra.s32 s12, $0x3  }
0x317: {  	s7 =	sshra.s32 s7, $0x1F;
	s13 =	sshra.s32 s30, $0x1F;
	s30 =	sshrl.u32 s12, $0x1F;
	v6 =	vnsel vm3, $0x0, v16;
	v4 =	vsel vm0, s6, v4  }
0x318: {  	s0 =	smul.u32 $0x2AAAAAAB, s13;
	s13 =	sshrl.u32 s2, $0x1F;
	v6 =	vsel vm0, s30, v6;
	s30 =	sshra.s32 s2, $0x3;
	v4 =	vsel vm10, s24, v4  }
0x319: {  	s5 =	smulhi.u32 $0x2AAAAAAB, s18;
	s18 =	sshrl.u32 s4, $0x1F;
	s2 =	sshra.s32 s2, $0x1F;
	v6 =	vsel vm1, s13, v6;
	v4 =	vsel vm1, s30, v4  }
0x31a: {  	v7 =	vsel vm2, s31, v7;
	s31 =	sshra.s32 s17, $0x3;
	s7 =	smul.u32 $0x2AAAAAAB, s7;
	v6 =	vsel vm2, s18, v6;
	s18 =	sshra.s32 s4, $0x3;
	v4 =	vsel vm11, s2, v4  }
0x31b: {  	s0 =	sadd.s32 s0, s26;
	s24 =	sshra.s32 s4, $0x1F;
	s30 =	sld [smem:$0x7EE];
	v4 =	vsel vm2, s18, v4  }
0x31c: {  	v18 =	vmov s28;
	v19 =	vmov s29;
	s7 =	sadd.s32 s7, s25;
	s5 =	sadd.s32 s14, s5;
	s26 =	sshra.s32 s0, $0x3;
	v4 =	vsel vm12, s24, v4  }
0x31d: {  	v5 =	vcombine.low v7, v5;
	v8 =	vsel vm0, s31, v19;
	s14 =	sshra.s32 s21, $0x3;
	s13 =	sshrl.u32 s0, $0x1F;
	s0 =	sshra.s32 s0, $0x1F;
	v4 =	vsel vm4, s26, v4  }
0x31e: {  	s23 =	sshrl.u32 s5, $0x1F;
	s12 =	sshra.s32 s5, $0x3;
	v8 =	vsel vm1, s14, v8;
	v6 =	vsel vm4, s13, v6;
	s2 =	sshra.s32 s30, $0x3;
	v4 =	vsel vm13, s0, v4  }
0x31f: {  	s25 =	sshrl.u32 s7, $0x1F;
	s16 =	sshra.s32 s5, $0x1F;
	s13 =	sshra.s32 s22, $0x3;
	v6 =	vsel vm5, s23, v6;
	v7 =	vsel vm0, s2, v18;
	v4 =	vsel vm5, s12, v4  }
0x320: {  	s17 =	sshra.s32 s15, $0x3;
	s20 =	sshra.s32 s7, $0x3;
	v6 =	vsel vm6, s25, v6;
	s18 =	sshra.s32 s11, $0x3;
	v7 =	vsel vm1, s13, v7;
	v4 =	vsel vm14, s16, v4  }
0x321: {  	s21 =	sshrl.u32 s19, $0x1F;
	s22 =	sshra.s32 s7, $0x1F;
	v8 =	vsel vm2, s18, v8;
	v7 =	vsel vm2, s17, v7;
	v4 =	vsel vm6, s20, v4  }
0x322: {  	s23 =	sshra.s32 s19, $0x3;
	v6 =	vsel vm7, s21, v6;
	v7 =	vcombine.low v8, v7;
	v4 =	vsel vm15, s22, v4  }
0x323: {  	v5 =	vperm.xlane v5, v1;
	v6 =	vperm.xlane v6, v2;
	v4 =	vsel vm7, s23, v4  }
0x324: {  	v7 =	vperm.xlane v7, v1;
	v4 =	vperm.xlane v4, v2;
	_ =	sdelay $0x1  }
0x325: {  	v5 =	vsel vm8, v6, v5;
	v4 =	vsel vm8, v4, v7  }
0x326: {  	v20 =	vld [tilespmem:$0xA0];
	v4 =	vadd.s32 v5, v4  }
0x327: {  	v5 =	vmul.u32 $0xD0, v4;
	_ =	sdelay $0x1  }
0x328: {  	v22 =	vshra.s32 v3, $0x1F;
	v5 =	vadd.s32 v3, v5  }
0x329: {  	v9 =	vld [tilespmem:$0x2E0];
	v8 =	vshrl.u32 v22, $0x1D;
	v21 =	vshll.u32 v5, $0x18  }
0x32a: {  	v10 =	vld [tilespmem:$0x400];
	v6 =	vmul.u32 $0xD8000, v20;
	v8 =	vadd.s32 v8, v3;
	v7 =	vshra.s32 v21, $0x1F  }
0x32b: {  	v23 =	vshrl.u32 v8, $0x3;
	v7 =	vand.u32 $0x7, v7  }
0x32c: {  	v6 =	vadd.s32 v0, v6;
	v5 =	vadd.s32 v7, v5;
	v7 =	vshll.u32 v23, $0x3  }
0x32d: {  	v4 =	vmul.u32 $0x300, v4;
	v5 =	vshll.u32 v5, $0x18;
	v3 =	vsub.s32 v3, v7  }
0x32e: {  	v5 =	vshra.s32 v5, $0x1B;
	v3 =	vadd.s32 v3, v6  }
0x32f: {  	v5 =	vshll.u32 v5, $0x6;
	v3 =	vadd.s32 v4, v3  }
0x330: {  	v3 =	vadd.s32 v5, v3  }
0x331: {  	[tilespmem:v9+s9+$0x0] =	vst.idx.msk $0xffff, v3  }
0x332: {  	[tilespmem:v10+s9+$0x0] =	vst.idx.msk $0xffff, v3  }
0x333: {  	v3 =	vld [tilespmem:$0x1D0];
	_ =	sdelay $0x4  }
0x334: {  	(v2sf) =	vpush v3, $0xD;
	_ =	sdelay $0x1  }
0x335: {  	(v2sf) =	vpush v3, $0xC;
	_ =	sdelay $0x1  }
0x336: {  	(v2sf) =	vpush v3, $0xE;
	_ =	sdelay $0x1  }
0x337: {  	(v2sf) =	vpush v3, $0xF  }
0x338: {  	(v2sf) =	vpush v3, $0x9;
	_ =	sdelay $0x1  }
0x339: {  	(v2sf) =	vpush v3, $0x8;
	_ =	sdelay $0x2  }
0x33a: {  	(v2sf) =	vpush v3, $0xA;
	_ =	sdelay $0x1  }
0x33b: {  	(v2sf) =	vpush v3, $0xB  }
0x33c: {  	s24 =	spop (v2sf)  }
0x33d: {  	(v2sf) =	vpush v3, $0x0;
	s25 =	smulhi.u32 $0x2AAAAAAB, s24;
	s0 =	sshra.s32 s24, $0x1F  }
0x33e: {  	s26 =	spop (v2sf);
	s0 =	smul.u32 $0x2AAAAAAB, s0  }
0x33f: {  	(v2sf) =	vpush v3, $0x1;
	s28 =	smulhi.u32 $0x2AAAAAAB, s26;
	s4 =	sshra.s32 s26, $0x1F  }
0x340: {  	(v2sf) =	vpush v3, $0x2;
	s29 =	spop (v2sf);
	s4 =	smul.u32 $0x2AAAAAAB, s4  }
0x341: {  	(v2sf) =	vpush v3, $0x3;
	s30 =	smulhi.u32 $0x2AAAAAAB, s29;
	s6 =	sshra.s32 s29, $0x1F  }
0x342: {  	(v2sf) =	vpush v3, $0x4;
	s31 =	spop (v2sf);
	s6 =	smul.u32 $0x2AAAAAAB, s6;
	s2 =	sadd.s32 s0, s25  }
0x343: {  	(v2sf) =	vpush v3, $0x5;
	s13 =	smulhi.u32 $0x2AAAAAAB, s31;
	s15 =	sshra.s32 s31, $0x1F;
	s17 =	spop (v2sf)  }
0x344: {  	[smem:$0x7F0] =	sst s2;
	(v2sf) =	vpush v3, $0x6;
	s16 =	sshrl.u32 s2, $0x1F;
	s2 =	smul.u32 $0x2AAAAAAB, s15  }
0x345: {  	s18 =	smulhi.u32 $0x2AAAAAAB, s17;
	s19 =	sshra.s32 s17, $0x1F;
	s20 =	spop (v2sf);
	(v2sf) =	vpush v3, $0x7  }
0x346: {  	[smem:$0x7EF] =	sst s16;
	s5 =	smul.u32 $0x2AAAAAAB, s19  }
0x347: {  	s16 =	sadd.s32 s4, s28;
	s22 =	sadd.s32 s6, s30;
	s21 =	smulhi.u32 $0x2AAAAAAB, s20  }
0x348: {  	s25 =	sshra.s32 s20, $0x1F;
	s26 =	spop (v2sf);
	s14 =	sshrl.u32 s16, $0x1F  }
0x349: {  	s24 =	sshrl.u32 s22, $0x1F;
	s7 =	smul.u32 $0x2AAAAAAB, s25;
	s15 =	sadd.s32 s2, s13  }
0x34a: {  	s0 =	smulhi.u32 $0x2AAAAAAB, s26;
	s28 =	sshra.s32 s26, $0x1F;
	s29 =	spop (v2sf)  }
0x34b: {  	s25 =	sshrl.u32 s15, $0x1F;
	s2 =	smul.u32 $0x2AAAAAAB, s28;
	s17 =	sadd.s32 s5, s18  }
0x34c: {  	s4 =	smulhi.u32 $0x2AAAAAAB, s29;
	s30 =	sshra.s32 s29, $0x1F;
	s31 =	spop (v2sf)  }
0x34d: {  	v25 =	vmov s14;
	s14 =	sld [smem:$0x7EF];
	s23 =	sshrl.u32 s17, $0x1F;
	s5 =	smul.u32 $0x2AAAAAAB, s30  }
0x34e: {  	s19 =	smulhi.u32 $0x2AAAAAAB, s31;
	s12 =	sshra.s32 s31, $0x1F;
	s11 =	spop (v2sf)  }
0x34f: {  	s20 =	sadd.s32 s7, s21;
	s13 =	smul.u32 $0x2AAAAAAB, s12;
	s21 =	spop (v2sf)  }
0x350: {  	s12 =	smulhi.u32 $0x2AAAAAAB, s11;
	s18 =	sshra.s32 s11, $0x1F;
	s26 =	spop (v2sf)  }
0x351: {  	s28 =	sshrl.u32 s20, $0x1F;
	s29 =	smul.u32 $0x2AAAAAAB, s18;
	s30 =	spop (v2sf)  }
0x352: {  	s31 =	smulhi.u32 $0x2AAAAAAB, s21;
	s7 =	sshra.s32 s21, $0x1F;
	s18 =	spop (v2sf)  }
0x353: {  	s21 =	sadd.s32 s2, s0;
	s2 =	smul.u32 $0x2AAAAAAB, s7;
	s7 =	spop (v2sf)  }
0x354: {  	s11 =	sadd.s32 s5, s4;
	s6 =	sadd.s32 s13, s19;
	s0 =	spop (v2sf)  }
0x355: {  	v5 =	vsel vm0, s14, v25;
	s12 =	sadd.s32 s29, s12;
	s13 =	smulhi.u32 $0x2AAAAAAB, s0;
	s5 =	sshra.s32 s0, $0x1F  }
0x356: {  	v27 =	vmov s28;
	s28 =	sshra.s32 s16, $0x3;
	v5 =	vsel vm1, s24, v5;
	s24 =	sshra.s32 s12, $0x1F;
	s5 =	smul.u32 $0x2AAAAAAB, s5  }
0x357: {  	v7 =	vsel vm0, s23, v27;
	s4 =	smulhi.u32 $0x2AAAAAAB, s26;
	s26 =	sshra.s32 s26, $0x1F;
	s29 =	sshrl.u32 s21, $0x1F  }
0x358: {  	s26 =	smul.u32 $0x2AAAAAAB, s26;
	v7 =	vsel vm1, s29, v7;
	s29 =	sshra.s32 s20, $0x3;
	s19 =	sadd.s32 s5, s13  }
0x359: {  	s2 =	sadd.s32 s2, s31;
	s14 =	sshra.s32 s18, $0x1F;
	s0 =	sshra.s32 s19, $0x1F  }
0x35a: {  	s4 =	sadd.s32 s26, s4;
	s26 =	smulhi.u32 $0x2AAAAAAB, s30;
	v24 =	vmov s0;
	s0 =	sshra.s32 s6, $0x3  }
0x35b: {  	s14 =	smul.u32 $0x2AAAAAAB, s14;
	s5 =	sshrl.u32 s6, $0x1F;
	s6 =	sshra.s32 s6, $0x1F;
	v4 =	vsel vm3, s0, v24  }
0x35c: {  	v5 =	vsel vm2, s25, v5;
	s31 =	sshrl.u32 s11, $0x1F;
	s25 =	smulhi.u32 $0x2AAAAAAB, s7;
	v26 =	vmov s5;
	v4 =	vsel vm9, s6, v4;
	s6 =	sshra.s32 s12, $0x3  }
0x35d: {  	s7 =	sshra.s32 s7, $0x1F;
	s13 =	sshra.s32 s30, $0x1F;
	s30 =	sshrl.u32 s12, $0x1F;
	v6 =	vnsel vm3, $0x0, v26;
	v4 =	vsel vm0, s6, v4  }
0x35e: {  	s0 =	smul.u32 $0x2AAAAAAB, s13;
	s13 =	sshrl.u32 s2, $0x1F;
	v6 =	vsel vm0, s30, v6;
	s30 =	sshra.s32 s2, $0x3;
	v4 =	vsel vm10, s24, v4  }
0x35f: {  	s5 =	smulhi.u32 $0x2AAAAAAB, s18;
	s18 =	sshrl.u32 s4, $0x1F;
	s2 =	sshra.s32 s2, $0x1F;
	v6 =	vsel vm1, s13, v6;
	v4 =	vsel vm1, s30, v4  }
0x360: {  	v7 =	vsel vm2, s31, v7;
	s31 =	sshra.s32 s17, $0x3;
	s7 =	smul.u32 $0x2AAAAAAB, s7;
	v6 =	vsel vm2, s18, v6;
	s18 =	sshra.s32 s4, $0x3;
	v4 =	vsel vm11, s2, v4  }
0x361: {  	s0 =	sadd.s32 s0, s26;
	s24 =	sshra.s32 s4, $0x1F;
	s30 =	sld [smem:$0x7F0];
	v4 =	vsel vm2, s18, v4  }
0x362: {  	v28 =	vmov s28;
	v29 =	vmov s29;
	s7 =	sadd.s32 s7, s25;
	s5 =	sadd.s32 s14, s5;
	s26 =	sshra.s32 s0, $0x3;
	v4 =	vsel vm12, s24, v4  }
0x363: {  	v5 =	vcombine.low v7, v5;
	v8 =	vsel vm0, s31, v29;
	s14 =	sshra.s32 s21, $0x3;
	s13 =	sshrl.u32 s0, $0x1F;
	s0 =	sshra.s32 s0, $0x1F;
	v4 =	vsel vm4, s26, v4  }
0x364: {  	s23 =	sshrl.u32 s5, $0x1F;
	s12 =	sshra.s32 s5, $0x3;
	v8 =	vsel vm1, s14, v8;
	v6 =	vsel vm4, s13, v6;
	s2 =	sshra.s32 s30, $0x3;
	v4 =	vsel vm13, s0, v4  }
0x365: {  	s25 =	sshrl.u32 s7, $0x1F;
	s16 =	sshra.s32 s5, $0x1F;
	s13 =	sshra.s32 s22, $0x3;
	v6 =	vsel vm5, s23, v6;
	v7 =	vsel vm0, s2, v28;
	v4 =	vsel vm5, s12, v4  }
0x366: {  	s17 =	sshra.s32 s15, $0x3;
	s20 =	sshra.s32 s7, $0x3;
	v6 =	vsel vm6, s25, v6;
	s18 =	sshra.s32 s11, $0x3;
	v7 =	vsel vm1, s13, v7;
	v4 =	vsel vm14, s16, v4  }
0x367: {  	s21 =	sshrl.u32 s19, $0x1F;
	s22 =	sshra.s32 s7, $0x1F;
	v8 =	vsel vm2, s18, v8;
	v7 =	vsel vm2, s17, v7;
	v4 =	vsel vm6, s20, v4  }
0x368: {  	s23 =	sshra.s32 s19, $0x3;
	v6 =	vsel vm7, s21, v6;
	v7 =	vcombine.low v8, v7;
	v4 =	vsel vm15, s22, v4  }
0x369: {  	v5 =	vperm.xlane v5, v1;
	v6 =	vperm.xlane v6, v2;
	v4 =	vsel vm7, s23, v4  }
0x36a: {  	v7 =	vperm.xlane v7, v1;
	v4 =	vperm.xlane v4, v2;
	_ =	sdelay $0x1  }
0x36b: {  	v5 =	vsel vm8, v6, v5;
	v4 =	vsel vm8, v4, v7  }
0x36c: {  	v30 =	vld [tilespmem:$0xB0];
	v4 =	vadd.s32 v5, v4  }
0x36d: {  	v5 =	vmul.u32 $0xD0, v4;
	_ =	sdelay $0x1  }
0x36e: {  	v32 =	vshra.s32 v3, $0x1F;
	v5 =	vadd.s32 v3, v5  }
0x36f: {  	v9 =	vld [tilespmem:$0x2F0];
	v8 =	vshrl.u32 v32, $0x1D;
	v31 =	vshll.u32 v5, $0x18  }
0x370: {  	v10 =	vld [tilespmem:$0x410];
	v6 =	vmul.u32 $0xD8000, v30;
	v8 =	vadd.s32 v8, v3;
	v7 =	vshra.s32 v31, $0x1F  }
0x371: {  	v33 =	vshrl.u32 v8, $0x3;
	v7 =	vand.u32 $0x7, v7  }
0x372: {  	v6 =	vadd.s32 v0, v6;
	v5 =	vadd.s32 v7, v5;
	v7 =	vshll.u32 v33, $0x3  }
0x373: {  	v4 =	vmul.u32 $0x300, v4;
	v5 =	vshll.u32 v5, $0x18;
	v3 =	vsub.s32 v3, v7  }
0x374: {  	v5 =	vshra.s32 v5, $0x1B;
	v3 =	vadd.s32 v3, v6  }
0x375: {  	v5 =	vshll.u32 v5, $0x6;
	v3 =	vadd.s32 v4, v3  }
0x376: {  	v3 =	vadd.s32 v5, v3  }
0x377: {  	[tilespmem:v9+s9+$0x0] =	vst.idx.msk $0xffff, v3  }
0x378: {  	[tilespmem:v10+s9+$0x0] =	vst.idx.msk $0xffff, v3  }
0x379: {  	v3 =	vld [tilespmem:$0x1E0];
	_ =	sdelay $0x4  }
0x37a: {  	(v2sf) =	vpush v3, $0xD;
	_ =	sdelay $0x1  }
0x37b: {  	(v2sf) =	vpush v3, $0xC;
	_ =	sdelay $0x1  }
0x37c: {  	(v2sf) =	vpush v3, $0xE;
	_ =	sdelay $0x1  }
0x37d: {  	(v2sf) =	vpush v3, $0xF  }
0x37e: {  	(v2sf) =	vpush v3, $0x9;
	_ =	sdelay $0x1  }
0x37f: {  	(v2sf) =	vpush v3, $0x8;
	_ =	sdelay $0x2  }
0x380: {  	(v2sf) =	vpush v3, $0xA;
	_ =	sdelay $0x1  }
0x381: {  	(v2sf) =	vpush v3, $0xB  }
0x382: {  	s24 =	spop (v2sf)  }
0x383: {  	(v2sf) =	vpush v3, $0x0;
	s25 =	smulhi.u32 $0x2AAAAAAB, s24;
	s0 =	sshra.s32 s24, $0x1F  }
0x384: {  	s26 =	spop (v2sf);
	s0 =	smul.u32 $0x2AAAAAAB, s0  }
0x385: {  	(v2sf) =	vpush v3, $0x1;
	s28 =	smulhi.u32 $0x2AAAAAAB, s26;
	s4 =	sshra.s32 s26, $0x1F  }
0x386: {  	(v2sf) =	vpush v3, $0x2;
	s29 =	spop (v2sf);
	s4 =	smul.u32 $0x2AAAAAAB, s4  }
0x387: {  	(v2sf) =	vpush v3, $0x3;
	s30 =	smulhi.u32 $0x2AAAAAAB, s29;
	s6 =	sshra.s32 s29, $0x1F  }
0x388: {  	(v2sf) =	vpush v3, $0x4;
	s31 =	spop (v2sf);
	s6 =	smul.u32 $0x2AAAAAAB, s6;
	s2 =	sadd.s32 s0, s25  }
0x389: {  	(v2sf) =	vpush v3, $0x5;
	s13 =	smulhi.u32 $0x2AAAAAAB, s31;
	s15 =	sshra.s32 s31, $0x1F;
	s17 =	spop (v2sf)  }
0x38a: {  	[smem:$0x7F2] =	sst s2;
	(v2sf) =	vpush v3, $0x6;
	s16 =	sshrl.u32 s2, $0x1F;
	s2 =	smul.u32 $0x2AAAAAAB, s15  }
0x38b: {  	s18 =	smulhi.u32 $0x2AAAAAAB, s17;
	s19 =	sshra.s32 s17, $0x1F;
	s20 =	spop (v2sf);
	(v2sf) =	vpush v3, $0x7  }
0x38c: {  	[smem:$0x7F1] =	sst s16;
	s5 =	smul.u32 $0x2AAAAAAB, s19  }
0x38d: {  	s16 =	sadd.s32 s4, s28;
	s22 =	sadd.s32 s6, s30;
	s21 =	smulhi.u32 $0x2AAAAAAB, s20  }
0x38e: {  	s25 =	sshra.s32 s20, $0x1F;
	s26 =	spop (v2sf);
	s14 =	sshrl.u32 s16, $0x1F  }
0x38f: {  	s24 =	sshrl.u32 s22, $0x1F;
	s7 =	smul.u32 $0x2AAAAAAB, s25;
	s15 =	sadd.s32 s2, s13  }
0x390: {  	s0 =	smulhi.u32 $0x2AAAAAAB, s26;
	s28 =	sshra.s32 s26, $0x1F;
	s29 =	spop (v2sf)  }
0x391: {  	s25 =	sshrl.u32 s15, $0x1F;
	s2 =	smul.u32 $0x2AAAAAAB, s28;
	s17 =	sadd.s32 s5, s18  }
0x392: {  	s4 =	smulhi.u32 $0x2AAAAAAB, s29;
	s30 =	sshra.s32 s29, $0x1F;
	s31 =	spop (v2sf)  }
0x393: {  	v35 =	vmov s14;
	s14 =	sld [smem:$0x7F1];
	s23 =	sshrl.u32 s17, $0x1F;
	s5 =	smul.u32 $0x2AAAAAAB, s30  }
0x394: {  	s19 =	smulhi.u32 $0x2AAAAAAB, s31;
	s12 =	sshra.s32 s31, $0x1F;
	s11 =	spop (v2sf)  }
0x395: {  	s20 =	sadd.s32 s7, s21;
	s13 =	smul.u32 $0x2AAAAAAB, s12;
	s21 =	spop (v2sf)  }
0x396: {  	s12 =	smulhi.u32 $0x2AAAAAAB, s11;
	s18 =	sshra.s32 s11, $0x1F;
	s26 =	spop (v2sf)  }
0x397: {  	s28 =	sshrl.u32 s20, $0x1F;
	s29 =	smul.u32 $0x2AAAAAAB, s18;
	s30 =	spop (v2sf)  }
0x398: {  	s31 =	smulhi.u32 $0x2AAAAAAB, s21;
	s7 =	sshra.s32 s21, $0x1F;
	s18 =	spop (v2sf)  }
0x399: {  	s21 =	sadd.s32 s2, s0;
	s2 =	smul.u32 $0x2AAAAAAB, s7;
	s7 =	spop (v2sf)  }
0x39a: {  	s11 =	sadd.s32 s5, s4;
	s6 =	sadd.s32 s13, s19;
	s0 =	spop (v2sf)  }
0x39b: {  	v5 =	vsel vm0, s14, v35;
	s12 =	sadd.s32 s29, s12;
	s13 =	smulhi.u32 $0x2AAAAAAB, s0;
	s5 =	sshra.s32 s0, $0x1F  }
0x39c: {  	v37 =	vmov s28;
	s28 =	sshra.s32 s16, $0x3;
	v5 =	vsel vm1, s24, v5;
	s24 =	sshra.s32 s12, $0x1F;
	s5 =	smul.u32 $0x2AAAAAAB, s5  }
0x39d: {  	v7 =	vsel vm0, s23, v37;
	s4 =	smulhi.u32 $0x2AAAAAAB, s26;
	s26 =	sshra.s32 s26, $0x1F;
	s29 =	sshrl.u32 s21, $0x1F  }
0x39e: {  	s26 =	smul.u32 $0x2AAAAAAB, s26;
	v7 =	vsel vm1, s29, v7;
	s29 =	sshra.s32 s20, $0x3;
	s19 =	sadd.s32 s5, s13  }
0x39f: {  	s2 =	sadd.s32 s2, s31;
	s14 =	sshra.s32 s18, $0x1F;
	s0 =	sshra.s32 s19, $0x1F  }
0x3a0: {  	s4 =	sadd.s32 s26, s4;
	s26 =	smulhi.u32 $0x2AAAAAAB, s30;
	v34 =	vmov s0;
	s0 =	sshra.s32 s6, $0x3  }
0x3a1: {  	s14 =	smul.u32 $0x2AAAAAAB, s14;
	s5 =	sshrl.u32 s6, $0x1F;
	s6 =	sshra.s32 s6, $0x1F;
	v4 =	vsel vm3, s0, v34  }
0x3a2: {  	v5 =	vsel vm2, s25, v5;
	s31 =	sshrl.u32 s11, $0x1F;
	s25 =	smulhi.u32 $0x2AAAAAAB, s7;
	v36 =	vmov s5;
	v4 =	vsel vm9, s6, v4;
	s6 =	sshra.s32 s12, $0x3  }
0x3a3: {  	s7 =	sshra.s32 s7, $0x1F;
	s13 =	sshra.s32 s30, $0x1F;
	s30 =	sshrl.u32 s12, $0x1F;
	v6 =	vnsel vm3, $0x0, v36;
	v4 =	vsel vm0, s6, v4  }
0x3a4: {  	s0 =	smul.u32 $0x2AAAAAAB, s13;
	s13 =	sshrl.u32 s2, $0x1F;
	v6 =	vsel vm0, s30, v6;
	s30 =	sshra.s32 s2, $0x3;
	v4 =	vsel vm10, s24, v4  }
0x3a5: {  	s5 =	smulhi.u32 $0x2AAAAAAB, s18;
	s18 =	sshrl.u32 s4, $0x1F;
	s2 =	sshra.s32 s2, $0x1F;
	v6 =	vsel vm1, s13, v6;
	v4 =	vsel vm1, s30, v4  }
0x3a6: {  	v7 =	vsel vm2, s31, v7;
	s31 =	sshra.s32 s17, $0x3;
	s7 =	smul.u32 $0x2AAAAAAB, s7;
	v6 =	vsel vm2, s18, v6;
	s18 =	sshra.s32 s4, $0x3;
	v4 =	vsel vm11, s2, v4  }
0x3a7: {  	s0 =	sadd.s32 s0, s26;
	s24 =	sshra.s32 s4, $0x1F;
	s30 =	sld [smem:$0x7F2];
	v4 =	vsel vm2, s18, v4  }
0x3a8: {  	v38 =	vmov s28;
	v39 =	vmov s29;
	s7 =	sadd.s32 s7, s25;
	s5 =	sadd.s32 s14, s5;
	s26 =	sshra.s32 s0, $0x3;
	v4 =	vsel vm12, s24, v4  }
0x3a9: {  	v5 =	vcombine.low v7, v5;
	v8 =	vsel vm0, s31, v39;
	s14 =	sshra.s32 s21, $0x3;
	s13 =	sshrl.u32 s0, $0x1F;
	s0 =	sshra.s32 s0, $0x1F;
	v4 =	vsel vm4, s26, v4  }
0x3aa: {  	s23 =	sshrl.u32 s5, $0x1F;
	s12 =	sshra.s32 s5, $0x3;
	v8 =	vsel vm1, s14, v8;
	v6 =	vsel vm4, s13, v6;
	s2 =	sshra.s32 s30, $0x3;
	v4 =	vsel vm13, s0, v4  }
0x3ab: {  	s25 =	sshrl.u32 s7, $0x1F;
	s16 =	sshra.s32 s5, $0x1F;
	s13 =	sshra.s32 s22, $0x3;
	v6 =	vsel vm5, s23, v6;
	v7 =	vsel vm0, s2, v38;
	v4 =	vsel vm5, s12, v4  }
0x3ac: {  	s17 =	sshra.s32 s15, $0x3;
	s20 =	sshra.s32 s7, $0x3;
	v6 =	vsel vm6, s25, v6;
	s18 =	sshra.s32 s11, $0x3;
	v7 =	vsel vm1, s13, v7;
	v4 =	vsel vm14, s16, v4  }
0x3ad: {  	s21 =	sshrl.u32 s19, $0x1F;
	s22 =	sshra.s32 s7, $0x1F;
	v8 =	vsel vm2, s18, v8;
	v7 =	vsel vm2, s17, v7;
	v4 =	vsel vm6, s20, v4  }
0x3ae: {  	s23 =	sshra.s32 s19, $0x3;
	v6 =	vsel vm7, s21, v6;
	v7 =	vcombine.low v8, v7;
	v4 =	vsel vm15, s22, v4  }
0x3af: {  	v5 =	vperm.xlane v5, v1;
	v6 =	vperm.xlane v6, v2;
	v4 =	vsel vm7, s23, v4  }
0x3b0: {  	v7 =	vperm.xlane v7, v1;
	v4 =	vperm.xlane v4, v2;
	_ =	sdelay $0x1  }
0x3b1: {  	v5 =	vsel vm8, v6, v5;
	v4 =	vsel vm8, v4, v7  }
0x3b2: {  	v40 =	vld [tilespmem:$0xC0];
	v4 =	vadd.s32 v5, v4  }
0x3b3: {  	v5 =	vmul.u32 $0xD0, v4;
	_ =	sdelay $0x1  }
0x3b4: {  	v42 =	vshra.s32 v3, $0x1F;
	v5 =	vadd.s32 v3, v5  }
0x3b5: {  	v9 =	vld [tilespmem:$0x300];
	v8 =	vshrl.u32 v42, $0x1D;
	v41 =	vshll.u32 v5, $0x18  }
0x3b6: {  	v10 =	vld [tilespmem:$0x420];
	v6 =	vmul.u32 $0xD8000, v40;
	v8 =	vadd.s32 v8, v3;
	v7 =	vshra.s32 v41, $0x1F  }
0x3b7: {  	v43 =	vshrl.u32 v8, $0x3;
	v7 =	vand.u32 $0x7, v7  }
0x3b8: {  	v6 =	vadd.s32 v0, v6;
	v5 =	vadd.s32 v7, v5;
	v7 =	vshll.u32 v43, $0x3  }
0x3b9: {  	v4 =	vmul.u32 $0x300, v4;
	v5 =	vshll.u32 v5, $0x18;
	v3 =	vsub.s32 v3, v7  }
0x3ba: {  	v5 =	vshra.s32 v5, $0x1B;
	v3 =	vadd.s32 v3, v6  }
0x3bb: {  	v5 =	vshll.u32 v5, $0x6;
	v3 =	vadd.s32 v4, v3  }
0x3bc: {  	v3 =	vadd.s32 v5, v3  }
0x3bd: {  	[tilespmem:v9+s9+$0x0] =	vst.idx.msk $0xffff, v3  }
0x3be: {  	[tilespmem:v10+s9+$0x0] =	vst.idx.msk $0xffff, v3  }
0x3bf: {  	v3 =	vld [tilespmem:$0x1F0];
	_ =	sdelay $0x4  }
0x3c0: {  	(v2sf) =	vpush v3, $0xD;
	_ =	sdelay $0x1  }
0x3c1: {  	(v2sf) =	vpush v3, $0xC;
	_ =	sdelay $0x1  }
0x3c2: {  	(v2sf) =	vpush v3, $0xE;
	_ =	sdelay $0x1  }
0x3c3: {  	(v2sf) =	vpush v3, $0xF  }
0x3c4: {  	(v2sf) =	vpush v3, $0x9;
	_ =	sdelay $0x1  }
0x3c5: {  	(v2sf) =	vpush v3, $0x8;
	_ =	sdelay $0x2  }
0x3c6: {  	(v2sf) =	vpush v3, $0xA;
	_ =	sdelay $0x1  }
0x3c7: {  	(v2sf) =	vpush v3, $0xB  }
0x3c8: {  	s24 =	spop (v2sf)  }
0x3c9: {  	(v2sf) =	vpush v3, $0x0;
	s25 =	smulhi.u32 $0x2AAAAAAB, s24;
	s0 =	sshra.s32 s24, $0x1F  }
0x3ca: {  	s26 =	spop (v2sf);
	s0 =	smul.u32 $0x2AAAAAAB, s0  }
0x3cb: {  	(v2sf) =	vpush v3, $0x1;
	s28 =	smulhi.u32 $0x2AAAAAAB, s26;
	s4 =	sshra.s32 s26, $0x1F  }
0x3cc: {  	(v2sf) =	vpush v3, $0x2;
	s29 =	spop (v2sf);
	s4 =	smul.u32 $0x2AAAAAAB, s4  }
0x3cd: {  	(v2sf) =	vpush v3, $0x3;
	s30 =	smulhi.u32 $0x2AAAAAAB, s29;
	s6 =	sshra.s32 s29, $0x1F  }
0x3ce: {  	(v2sf) =	vpush v3, $0x4;
	s31 =	spop (v2sf);
	s6 =	smul.u32 $0x2AAAAAAB, s6;
	s2 =	sadd.s32 s0, s25  }
0x3cf: {  	(v2sf) =	vpush v3, $0x5;
	s13 =	smulhi.u32 $0x2AAAAAAB, s31;
	s15 =	sshra.s32 s31, $0x1F;
	s17 =	spop (v2sf)  }
0x3d0: {  	[smem:$0x7F4] =	sst s2;
	(v2sf) =	vpush v3, $0x6;
	s16 =	sshrl.u32 s2, $0x1F;
	s2 =	smul.u32 $0x2AAAAAAB, s15  }
0x3d1: {  	s18 =	smulhi.u32 $0x2AAAAAAB, s17;
	s19 =	sshra.s32 s17, $0x1F;
	s20 =	spop (v2sf);
	(v2sf) =	vpush v3, $0x7  }
0x3d2: {  	[smem:$0x7F3] =	sst s16;
	s5 =	smul.u32 $0x2AAAAAAB, s19  }
0x3d3: {  	s16 =	sadd.s32 s4, s28;
	s22 =	sadd.s32 s6, s30;
	s21 =	smulhi.u32 $0x2AAAAAAB, s20  }
0x3d4: {  	s25 =	sshra.s32 s20, $0x1F;
	s26 =	spop (v2sf);
	s14 =	sshrl.u32 s16, $0x1F  }
0x3d5: {  	s24 =	sshrl.u32 s22, $0x1F;
	s7 =	smul.u32 $0x2AAAAAAB, s25;
	s15 =	sadd.s32 s2, s13  }
0x3d6: {  	s0 =	smulhi.u32 $0x2AAAAAAB, s26;
	s28 =	sshra.s32 s26, $0x1F;
	s29 =	spop (v2sf)  }
0x3d7: {  	s25 =	sshrl.u32 s15, $0x1F;
	s2 =	smul.u32 $0x2AAAAAAB, s28;
	s17 =	sadd.s32 s5, s18  }
0x3d8: {  	s4 =	smulhi.u32 $0x2AAAAAAB, s29;
	s30 =	sshra.s32 s29, $0x1F;
	s31 =	spop (v2sf)  }
0x3d9: {  	v45 =	vmov s14;
	s14 =	sld [smem:$0x7F3];
	s23 =	sshrl.u32 s17, $0x1F;
	s5 =	smul.u32 $0x2AAAAAAB, s30  }
0x3da: {  	s19 =	smulhi.u32 $0x2AAAAAAB, s31;
	s12 =	sshra.s32 s31, $0x1F;
	s11 =	spop (v2sf)  }
0x3db: {  	s20 =	sadd.s32 s7, s21;
	s13 =	smul.u32 $0x2AAAAAAB, s12;
	s21 =	spop (v2sf)  }
0x3dc: {  	s12 =	smulhi.u32 $0x2AAAAAAB, s11;
	s18 =	sshra.s32 s11, $0x1F;
	s26 =	spop (v2sf)  }
0x3dd: {  	s28 =	sshrl.u32 s20, $0x1F;
	s29 =	smul.u32 $0x2AAAAAAB, s18;
	s30 =	spop (v2sf)  }
0x3de: {  	s31 =	smulhi.u32 $0x2AAAAAAB, s21;
	s7 =	sshra.s32 s21, $0x1F;
	s18 =	spop (v2sf)  }
0x3df: {  	s21 =	sadd.s32 s2, s0;
	s2 =	smul.u32 $0x2AAAAAAB, s7;
	s7 =	spop (v2sf)  }
0x3e0: {  	s11 =	sadd.s32 s5, s4;
	s6 =	sadd.s32 s13, s19;
	s0 =	spop (v2sf)  }
0x3e1: {  	v5 =	vsel vm0, s14, v45;
	s12 =	sadd.s32 s29, s12;
	s13 =	smulhi.u32 $0x2AAAAAAB, s0;
	s5 =	sshra.s32 s0, $0x1F  }
0x3e2: {  	v47 =	vmov s28;
	s28 =	sshra.s32 s16, $0x3;
	v5 =	vsel vm1, s24, v5;
	s24 =	sshra.s32 s12, $0x1F;
	s5 =	smul.u32 $0x2AAAAAAB, s5  }
0x3e3: {  	v7 =	vsel vm0, s23, v47;
	s4 =	smulhi.u32 $0x2AAAAAAB, s26;
	s26 =	sshra.s32 s26, $0x1F;
	s29 =	sshrl.u32 s21, $0x1F  }
0x3e4: {  	s26 =	smul.u32 $0x2AAAAAAB, s26;
	v7 =	vsel vm1, s29, v7;
	s29 =	sshra.s32 s20, $0x3;
	s19 =	sadd.s32 s5, s13  }
0x3e5: {  	s2 =	sadd.s32 s2, s31;
	s14 =	sshra.s32 s18, $0x1F;
	s0 =	sshra.s32 s19, $0x1F  }
0x3e6: {  	s4 =	sadd.s32 s26, s4;
	s26 =	smulhi.u32 $0x2AAAAAAB, s30;
	v44 =	vmov s0;
	s0 =	sshra.s32 s6, $0x3  }
0x3e7: {  	s14 =	smul.u32 $0x2AAAAAAB, s14;
	s5 =	sshrl.u32 s6, $0x1F;
	s6 =	sshra.s32 s6, $0x1F;
	v4 =	vsel vm3, s0, v44  }
0x3e8: {  	v5 =	vsel vm2, s25, v5;
	s31 =	sshrl.u32 s11, $0x1F;
	s25 =	smulhi.u32 $0x2AAAAAAB, s7;
	v46 =	vmov s5;
	v4 =	vsel vm9, s6, v4;
	s6 =	sshra.s32 s12, $0x3  }
0x3e9: {  	s7 =	sshra.s32 s7, $0x1F;
	s13 =	sshra.s32 s30, $0x1F;
	s30 =	sshrl.u32 s12, $0x1F;
	v6 =	vnsel vm3, $0x0, v46;
	v4 =	vsel vm0, s6, v4  }
0x3ea: {  	s0 =	smul.u32 $0x2AAAAAAB, s13;
	s13 =	sshrl.u32 s2, $0x1F;
	v6 =	vsel vm0, s30, v6;
	s30 =	sshra.s32 s2, $0x3;
	v4 =	vsel vm10, s24, v4  }
0x3eb: {  	s5 =	smulhi.u32 $0x2AAAAAAB, s18;
	s18 =	sshrl.u32 s4, $0x1F;
	s2 =	sshra.s32 s2, $0x1F;
	v6 =	vsel vm1, s13, v6;
	v4 =	vsel vm1, s30, v4  }
0x3ec: {  	v7 =	vsel vm2, s31, v7;
	s31 =	sshra.s32 s17, $0x3;
	s7 =	smul.u32 $0x2AAAAAAB, s7;
	v6 =	vsel vm2, s18, v6;
	s18 =	sshra.s32 s4, $0x3;
	v4 =	vsel vm11, s2, v4  }
0x3ed: {  	s0 =	sadd.s32 s0, s26;
	s24 =	sshra.s32 s4, $0x1F;
	s30 =	sld [smem:$0x7F4];
	v4 =	vsel vm2, s18, v4  }
0x3ee: {  	v48 =	vmov s28;
	v49 =	vmov s29;
	s7 =	sadd.s32 s7, s25;
	s5 =	sadd.s32 s14, s5;
	s26 =	sshra.s32 s0, $0x3;
	v4 =	vsel vm12, s24, v4  }
0x3ef: {  	v5 =	vcombine.low v7, v5;
	v8 =	vsel vm0, s31, v49;
	s14 =	sshra.s32 s21, $0x3;
	s13 =	sshrl.u32 s0, $0x1F;
	s0 =	sshra.s32 s0, $0x1F;
	v4 =	vsel vm4, s26, v4  }
0x3f0: {  	s23 =	sshrl.u32 s5, $0x1F;
	s12 =	sshra.s32 s5, $0x3;
	v8 =	vsel vm1, s14, v8;
	v6 =	vsel vm4, s13, v6;
	s2 =	sshra.s32 s30, $0x3;
	v4 =	vsel vm13, s0, v4  }
0x3f1: {  	s25 =	sshrl.u32 s7, $0x1F;
	s16 =	sshra.s32 s5, $0x1F;
	s13 =	sshra.s32 s22, $0x3;
	v6 =	vsel vm5, s23, v6;
	v7 =	vsel vm0, s2, v48;
	v4 =	vsel vm5, s12, v4  }
0x3f2: {  	s17 =	sshra.s32 s15, $0x3;
	s20 =	sshra.s32 s7, $0x3;
	v6 =	vsel vm6, s25, v6;
	s18 =	sshra.s32 s11, $0x3;
	v7 =	vsel vm1, s13, v7;
	v4 =	vsel vm14, s16, v4  }
0x3f3: {  	s21 =	sshrl.u32 s19, $0x1F;
	s22 =	sshra.s32 s7, $0x1F;
	v8 =	vsel vm2, s18, v8;
	v7 =	vsel vm2, s17, v7;
	v4 =	vsel vm6, s20, v4  }
0x3f4: {  	s23 =	sshra.s32 s19, $0x3;
	v6 =	vsel vm7, s21, v6;
	v7 =	vcombine.low v8, v7;
	v4 =	vsel vm15, s22, v4  }
0x3f5: {  	v5 =	vperm.xlane v5, v1;
	v6 =	vperm.xlane v6, v2;
	v4 =	vsel vm7, s23, v4  }
0x3f6: {  	v7 =	vperm.xlane v7, v1;
	v4 =	vperm.xlane v4, v2;
	_ =	sdelay $0x1  }
0x3f7: {  	v5 =	vsel vm8, v6, v5;
	v4 =	vsel vm8, v4, v7  }
0x3f8: {  	v50 =	vld [tilespmem:$0xD0];
	v4 =	vadd.s32 v5, v4  }
0x3f9: {  	v5 =	vmul.u32 $0xD0, v4;
	_ =	sdelay $0x1  }
0x3fa: {  	v52 =	vshra.s32 v3, $0x1F;
	v5 =	vadd.s32 v3, v5  }
0x3fb: {  	v9 =	vld [tilespmem:$0x310];
	v8 =	vshrl.u32 v52, $0x1D;
	v51 =	vshll.u32 v5, $0x18  }
0x3fc: {  	v10 =	vld [tilespmem:$0x430];
	v6 =	vmul.u32 $0xD8000, v50;
	v8 =	vadd.s32 v8, v3;
	v7 =	vshra.s32 v51, $0x1F  }
0x3fd: {  	v53 =	vshrl.u32 v8, $0x3;
	v7 =	vand.u32 $0x7, v7  }
0x3fe: {  	v6 =	vadd.s32 v0, v6;
	v5 =	vadd.s32 v7, v5;
	v7 =	vshll.u32 v53, $0x3  }
0x3ff: {  	v4 =	vmul.u32 $0x300, v4;
	v5 =	vshll.u32 v5, $0x18;
	v3 =	vsub.s32 v3, v7  }
0x400: {  	v5 =	vshra.s32 v5, $0x1B;
	v3 =	vadd.s32 v3, v6  }
0x401: {  	v5 =	vshll.u32 v5, $0x6;
	v3 =	vadd.s32 v4, v3  }
0x402: {  	v3 =	vadd.s32 v5, v3  }
0x403: {  	[tilespmem:v9+s9+$0x0] =	vst.idx.msk $0xffff, v3  }
0x404: {  	[tilespmem:v10+s9+$0x0] =	vst.idx.msk $0xffff, v3  }
0x405: {  	v3 =	vld [tilespmem:$0x200];
	_ =	sdelay $0x4  }
0x406: {  	(v2sf) =	vpush v3, $0xD;
	_ =	sdelay $0x1  }
0x407: {  	(v2sf) =	vpush v3, $0xC;
	_ =	sdelay $0x1  }
0x408: {  	(v2sf) =	vpush v3, $0xE;
	_ =	sdelay $0x1  }
0x409: {  	(v2sf) =	vpush v3, $0xF  }
0x40a: {  	(v2sf) =	vpush v3, $0x9;
	_ =	sdelay $0x1  }
0x40b: {  	(v2sf) =	vpush v3, $0x8;
	_ =	sdelay $0x2  }
0x40c: {  	(v2sf) =	vpush v3, $0xA;
	_ =	sdelay $0x1  }
0x40d: {  	(v2sf) =	vpush v3, $0xB  }
0x40e: {  	s24 =	spop (v2sf)  }
0x40f: {  	(v2sf) =	vpush v3, $0x0;
	s25 =	smulhi.u32 $0x2AAAAAAB, s24;
	s0 =	sshra.s32 s24, $0x1F  }
0x410: {  	s26 =	spop (v2sf);
	s0 =	smul.u32 $0x2AAAAAAB, s0  }
0x411: {  	(v2sf) =	vpush v3, $0x1;
	s28 =	smulhi.u32 $0x2AAAAAAB, s26;
	s4 =	sshra.s32 s26, $0x1F  }
0x412: {  	(v2sf) =	vpush v3, $0x2;
	s29 =	spop (v2sf);
	s4 =	smul.u32 $0x2AAAAAAB, s4  }
0x413: {  	(v2sf) =	vpush v3, $0x3;
	s30 =	smulhi.u32 $0x2AAAAAAB, s29;
	s6 =	sshra.s32 s29, $0x1F  }
0x414: {  	(v2sf) =	vpush v3, $0x4;
	s31 =	spop (v2sf);
	s6 =	smul.u32 $0x2AAAAAAB, s6;
	s2 =	sadd.s32 s0, s25  }
0x415: {  	(v2sf) =	vpush v3, $0x5;
	s13 =	smulhi.u32 $0x2AAAAAAB, s31;
	s15 =	sshra.s32 s31, $0x1F;
	s17 =	spop (v2sf)  }
0x416: {  	[smem:$0x7F6] =	sst s2;
	(v2sf) =	vpush v3, $0x6;
	s16 =	sshrl.u32 s2, $0x1F;
	s2 =	smul.u32 $0x2AAAAAAB, s15  }
0x417: {  	s18 =	smulhi.u32 $0x2AAAAAAB, s17;
	s19 =	sshra.s32 s17, $0x1F;
	s20 =	spop (v2sf);
	(v2sf) =	vpush v3, $0x7  }
0x418: {  	[smem:$0x7F5] =	sst s16;
	s5 =	smul.u32 $0x2AAAAAAB, s19  }
0x419: {  	s16 =	sadd.s32 s4, s28;
	s22 =	sadd.s32 s6, s30;
	s21 =	smulhi.u32 $0x2AAAAAAB, s20  }
0x41a: {  	s25 =	sshra.s32 s20, $0x1F;
	s26 =	spop (v2sf);
	s14 =	sshrl.u32 s16, $0x1F  }
0x41b: {  	s24 =	sshrl.u32 s22, $0x1F;
	s7 =	smul.u32 $0x2AAAAAAB, s25;
	s15 =	sadd.s32 s2, s13  }
0x41c: {  	s0 =	smulhi.u32 $0x2AAAAAAB, s26;
	s28 =	sshra.s32 s26, $0x1F;
	s29 =	spop (v2sf)  }
0x41d: {  	s25 =	sshrl.u32 s15, $0x1F;
	s2 =	smul.u32 $0x2AAAAAAB, s28;
	s17 =	sadd.s32 s5, s18  }
0x41e: {  	s4 =	smulhi.u32 $0x2AAAAAAB, s29;
	s30 =	sshra.s32 s29, $0x1F;
	s31 =	spop (v2sf)  }
0x41f: {  	v55 =	vmov s14;
	s14 =	sld [smem:$0x7F5];
	s23 =	sshrl.u32 s17, $0x1F;
	s5 =	smul.u32 $0x2AAAAAAB, s30  }
0x420: {  	s19 =	smulhi.u32 $0x2AAAAAAB, s31;
	s12 =	sshra.s32 s31, $0x1F;
	s11 =	spop (v2sf)  }
0x421: {  	s20 =	sadd.s32 s7, s21;
	s13 =	smul.u32 $0x2AAAAAAB, s12;
	s21 =	spop (v2sf)  }
0x422: {  	s12 =	smulhi.u32 $0x2AAAAAAB, s11;
	s18 =	sshra.s32 s11, $0x1F;
	s26 =	spop (v2sf)  }
0x423: {  	s28 =	sshrl.u32 s20, $0x1F;
	s29 =	smul.u32 $0x2AAAAAAB, s18;
	s30 =	spop (v2sf)  }
0x424: {  	s31 =	smulhi.u32 $0x2AAAAAAB, s21;
	s7 =	sshra.s32 s21, $0x1F;
	s18 =	spop (v2sf)  }
0x425: {  	s21 =	sadd.s32 s2, s0;
	s2 =	smul.u32 $0x2AAAAAAB, s7;
	s7 =	spop (v2sf)  }
0x426: {  	s11 =	sadd.s32 s5, s4;
	s6 =	sadd.s32 s13, s19;
	s0 =	spop (v2sf)  }
0x427: {  	v5 =	vsel vm0, s14, v55;
	s12 =	sadd.s32 s29, s12;
	s13 =	smulhi.u32 $0x2AAAAAAB, s0;
	s5 =	sshra.s32 s0, $0x1F  }
0x428: {  	v57 =	vmov s28;
	s28 =	sshra.s32 s16, $0x3;
	v5 =	vsel vm1, s24, v5;
	s24 =	sshra.s32 s12, $0x1F;
	s5 =	smul.u32 $0x2AAAAAAB, s5  }
0x429: {  	v7 =	vsel vm0, s23, v57;
	s4 =	smulhi.u32 $0x2AAAAAAB, s26;
	s26 =	sshra.s32 s26, $0x1F;
	s29 =	sshrl.u32 s21, $0x1F  }
0x42a: {  	s26 =	smul.u32 $0x2AAAAAAB, s26;
	v7 =	vsel vm1, s29, v7;
	s29 =	sshra.s32 s20, $0x3;
	s19 =	sadd.s32 s5, s13  }
0x42b: {  	s2 =	sadd.s32 s2, s31;
	s14 =	sshra.s32 s18, $0x1F;
	s0 =	sshra.s32 s19, $0x1F  }
0x42c: {  	s4 =	sadd.s32 s26, s4;
	s26 =	smulhi.u32 $0x2AAAAAAB, s30;
	v54 =	vmov s0;
	s0 =	sshra.s32 s6, $0x3  }
0x42d: {  	s14 =	smul.u32 $0x2AAAAAAB, s14;
	s5 =	sshrl.u32 s6, $0x1F;
	s6 =	sshra.s32 s6, $0x1F;
	v4 =	vsel vm3, s0, v54  }
0x42e: {  	v5 =	vsel vm2, s25, v5;
	s31 =	sshrl.u32 s11, $0x1F;
	s25 =	smulhi.u32 $0x2AAAAAAB, s7;
	v56 =	vmov s5;
	v4 =	vsel vm9, s6, v4;
	s6 =	sshra.s32 s12, $0x3  }
0x42f: {  	s7 =	sshra.s32 s7, $0x1F;
	s13 =	sshra.s32 s30, $0x1F;
	s30 =	sshrl.u32 s12, $0x1F;
	v6 =	vnsel vm3, $0x0, v56;
	v4 =	vsel vm0, s6, v4  }
0x430: {  	s0 =	smul.u32 $0x2AAAAAAB, s13;
	s13 =	sshrl.u32 s2, $0x1F;
	v6 =	vsel vm0, s30, v6;
	s30 =	sshra.s32 s2, $0x3;
	v4 =	vsel vm10, s24, v4  }
0x431: {  	s5 =	smulhi.u32 $0x2AAAAAAB, s18;
	s18 =	sshrl.u32 s4, $0x1F;
	s2 =	sshra.s32 s2, $0x1F;
	v6 =	vsel vm1, s13, v6;
	v4 =	vsel vm1, s30, v4  }
0x432: {  	v7 =	vsel vm2, s31, v7;
	s31 =	sshra.s32 s17, $0x3;
	s7 =	smul.u32 $0x2AAAAAAB, s7;
	v6 =	vsel vm2, s18, v6;
	s18 =	sshra.s32 s4, $0x3;
	v4 =	vsel vm11, s2, v4  }
0x433: {  	s0 =	sadd.s32 s0, s26;
	s24 =	sshra.s32 s4, $0x1F;
	s30 =	sld [smem:$0x7F6];
	v4 =	vsel vm2, s18, v4  }
0x434: {  	v58 =	vmov s28;
	v59 =	vmov s29;
	s7 =	sadd.s32 s7, s25;
	s5 =	sadd.s32 s14, s5;
	s26 =	sshra.s32 s0, $0x3;
	v4 =	vsel vm12, s24, v4  }
0x435: {  	v5 =	vcombine.low v7, v5;
	v8 =	vsel vm0, s31, v59;
	s14 =	sshra.s32 s21, $0x3;
	s13 =	sshrl.u32 s0, $0x1F;
	s0 =	sshra.s32 s0, $0x1F;
	v4 =	vsel vm4, s26, v4  }
0x436: {  	s23 =	sshrl.u32 s5, $0x1F;
	s12 =	sshra.s32 s5, $0x3;
	v8 =	vsel vm1, s14, v8;
	v6 =	vsel vm4, s13, v6;
	s2 =	sshra.s32 s30, $0x3;
	v4 =	vsel vm13, s0, v4  }
0x437: {  	s25 =	sshrl.u32 s7, $0x1F;
	s16 =	sshra.s32 s5, $0x1F;
	s13 =	sshra.s32 s22, $0x3;
	v6 =	vsel vm5, s23, v6;
	v7 =	vsel vm0, s2, v58;
	v4 =	vsel vm5, s12, v4  }
0x438: {  	s17 =	sshra.s32 s15, $0x3;
	s20 =	sshra.s32 s7, $0x3;
	v6 =	vsel vm6, s25, v6;
	s18 =	sshra.s32 s11, $0x3;
	v7 =	vsel vm1, s13, v7;
	v4 =	vsel vm14, s16, v4  }
0x439: {  	s21 =	sshrl.u32 s19, $0x1F;
	s22 =	sshra.s32 s7, $0x1F;
	v8 =	vsel vm2, s18, v8;
	v7 =	vsel vm2, s17, v7;
	v4 =	vsel vm6, s20, v4  }
0x43a: {  	s23 =	sshra.s32 s19, $0x3;
	v6 =	vsel vm7, s21, v6;
	v7 =	vcombine.low v8, v7;
	v4 =	vsel vm15, s22, v4  }
0x43b: {  	v5 =	vperm.xlane v5, v1;
	v6 =	vperm.xlane v6, v2;
	v4 =	vsel vm7, s23, v4  }
0x43c: {  	v7 =	vperm.xlane v7, v1;
	v4 =	vperm.xlane v4, v2;
	_ =	sdelay $0x1  }
0x43d: {  	v5 =	vsel vm8, v6, v5;
	v4 =	vsel vm8, v4, v7  }
0x43e: {  	v60 =	vld [tilespmem:$0xE0];
	v4 =	vadd.s32 v5, v4  }
0x43f: {  	v5 =	vmul.u32 $0xD0, v4;
	_ =	sdelay $0x1  }
0x440: {  	v62 =	vshra.s32 v3, $0x1F;
	v5 =	vadd.s32 v3, v5  }
0x441: {  	v9 =	vld [tilespmem:$0x320];
	v8 =	vshrl.u32 v62, $0x1D;
	v61 =	vshll.u32 v5, $0x18  }
0x442: {  	v10 =	vld [tilespmem:$0x440];
	v6 =	vmul.u32 $0xD8000, v60;
	v8 =	vadd.s32 v8, v3;
	v7 =	vshra.s32 v61, $0x1F  }
0x443: {  	v63 =	vshrl.u32 v8, $0x3;
	v7 =	vand.u32 $0x7, v7  }
0x444: {  	v6 =	vadd.s32 v0, v6;
	v5 =	vadd.s32 v7, v5;
	v7 =	vshll.u32 v63, $0x3  }
0x445: {  	v4 =	vmul.u32 $0x300, v4;
	v5 =	vshll.u32 v5, $0x18;
	v3 =	vsub.s32 v3, v7  }
0x446: {  	v5 =	vshra.s32 v5, $0x1B;
	v3 =	vadd.s32 v3, v6  }
0x447: {  	v5 =	vshll.u32 v5, $0x6;
	v3 =	vadd.s32 v4, v3  }
0x448: {  	v3 =	vadd.s32 v5, v3  }
0x449: {  	[tilespmem:v9+s9+$0x0] =	vst.idx.msk $0xffff, v3  }
0x44a: {  	[tilespmem:v10+s9+$0x0] =	vst.idx.msk $0xffff, v3  }
0x44b: {  	v3 =	vld [tilespmem:$0x210];
	_ =	sdelay $0x4  }
0x44c: {  	(v2sf) =	vpush v3, $0xD;
	_ =	sdelay $0x1  }
0x44d: {  	(v2sf) =	vpush v3, $0xC;
	_ =	sdelay $0x1  }
0x44e: {  	(v2sf) =	vpush v3, $0xE;
	_ =	sdelay $0x1  }
0x44f: {  	(v2sf) =	vpush v3, $0xF  }
0x450: {  	(v2sf) =	vpush v3, $0x9;
	_ =	sdelay $0x1  }
0x451: {  	(v2sf) =	vpush v3, $0x8;
	_ =	sdelay $0x2  }
0x452: {  	(v2sf) =	vpush v3, $0xA;
	_ =	sdelay $0x1  }
0x453: {  	(v2sf) =	vpush v3, $0xB  }
0x454: {  	s24 =	spop (v2sf)  }
0x455: {  	(v2sf) =	vpush v3, $0x0;
	s25 =	smulhi.u32 $0x2AAAAAAB, s24;
	s0 =	sshra.s32 s24, $0x1F  }
0x456: {  	s26 =	spop (v2sf);
	s0 =	smul.u32 $0x2AAAAAAB, s0  }
0x457: {  	(v2sf) =	vpush v3, $0x1;
	s28 =	smulhi.u32 $0x2AAAAAAB, s26;
	s4 =	sshra.s32 s26, $0x1F  }
0x458: {  	(v2sf) =	vpush v3, $0x2;
	s29 =	spop (v2sf);
	s4 =	smul.u32 $0x2AAAAAAB, s4  }
0x459: {  	(v2sf) =	vpush v3, $0x3;
	s30 =	smulhi.u32 $0x2AAAAAAB, s29;
	s6 =	sshra.s32 s29, $0x1F  }
0x45a: {  	(v2sf) =	vpush v3, $0x4;
	s31 =	spop (v2sf);
	s6 =	smul.u32 $0x2AAAAAAB, s6;
	s2 =	sadd.s32 s0, s25  }
0x45b: {  	(v2sf) =	vpush v3, $0x5;
	s13 =	smulhi.u32 $0x2AAAAAAB, s31;
	s15 =	sshra.s32 s31, $0x1F;
	s17 =	spop (v2sf)  }
0x45c: {  	[smem:$0x7F8] =	sst s2;
	(v2sf) =	vpush v3, $0x6;
	s16 =	sshrl.u32 s2, $0x1F;
	s2 =	smul.u32 $0x2AAAAAAB, s15  }
0x45d: {  	s18 =	smulhi.u32 $0x2AAAAAAB, s17;
	s19 =	sshra.s32 s17, $0x1F;
	s20 =	spop (v2sf);
	(v2sf) =	vpush v3, $0x7  }
0x45e: {  	[smem:$0x7F7] =	sst s16;
	s5 =	smul.u32 $0x2AAAAAAB, s19  }
0x45f: {  	s16 =	sadd.s32 s4, s28;
	s22 =	sadd.s32 s6, s30;
	s21 =	smulhi.u32 $0x2AAAAAAB, s20  }
0x460: {  	s25 =	sshra.s32 s20, $0x1F;
	s26 =	spop (v2sf);
	s14 =	sshrl.u32 s16, $0x1F  }
0x461: {  	s24 =	sshrl.u32 s22, $0x1F;
	s7 =	smul.u32 $0x2AAAAAAB, s25;
	s15 =	sadd.s32 s2, s13  }
0x462: {  	s0 =	smulhi.u32 $0x2AAAAAAB, s26;
	s28 =	sshra.s32 s26, $0x1F;
	s29 =	spop (v2sf)  }
0x463: {  	s25 =	sshrl.u32 s15, $0x1F;
	s2 =	smul.u32 $0x2AAAAAAB, s28;
	s17 =	sadd.s32 s5, s18  }
0x464: {  	s4 =	smulhi.u32 $0x2AAAAAAB, s29;
	s30 =	sshra.s32 s29, $0x1F;
	s31 =	spop (v2sf)  }
0x465: {  	v12 =	vmov s14;
	s14 =	sld [smem:$0x7F7];
	s23 =	sshrl.u32 s17, $0x1F;
	s5 =	smul.u32 $0x2AAAAAAB, s30  }
0x466: {  	s19 =	smulhi.u32 $0x2AAAAAAB, s31;
	s12 =	sshra.s32 s31, $0x1F;
	s11 =	spop (v2sf)  }
0x467: {  	s20 =	sadd.s32 s7, s21;
	s13 =	smul.u32 $0x2AAAAAAB, s12;
	s21 =	spop (v2sf)  }
0x468: {  	s12 =	smulhi.u32 $0x2AAAAAAB, s11;
	s18 =	sshra.s32 s11, $0x1F;
	s26 =	spop (v2sf)  }
0x469: {  	s28 =	sshrl.u32 s20, $0x1F;
	s29 =	smul.u32 $0x2AAAAAAB, s18;
	s30 =	spop (v2sf)  }
0x46a: {  	s31 =	smulhi.u32 $0x2AAAAAAB, s21;
	s7 =	sshra.s32 s21, $0x1F;
	s18 =	spop (v2sf)  }
0x46b: {  	s21 =	sadd.s32 s2, s0;
	s2 =	smul.u32 $0x2AAAAAAB, s7;
	s7 =	spop (v2sf)  }
0x46c: {  	s11 =	sadd.s32 s5, s4;
	s6 =	sadd.s32 s13, s19;
	s0 =	spop (v2sf)  }
0x46d: {  	v5 =	vsel vm0, s14, v12;
	s12 =	sadd.s32 s29, s12;
	s13 =	smulhi.u32 $0x2AAAAAAB, s0;
	s5 =	sshra.s32 s0, $0x1F  }
0x46e: {  	v14 =	vmov s28;
	s28 =	sshra.s32 s16, $0x3;
	v5 =	vsel vm1, s24, v5;
	s24 =	sshra.s32 s12, $0x1F;
	s5 =	smul.u32 $0x2AAAAAAB, s5  }
0x46f: {  	v7 =	vsel vm0, s23, v14;
	s4 =	smulhi.u32 $0x2AAAAAAB, s26;
	s26 =	sshra.s32 s26, $0x1F;
	s29 =	sshrl.u32 s21, $0x1F  }
0x470: {  	s26 =	smul.u32 $0x2AAAAAAB, s26;
	v7 =	vsel vm1, s29, v7;
	s29 =	sshra.s32 s20, $0x3;
	s19 =	sadd.s32 s5, s13  }
0x471: {  	s2 =	sadd.s32 s2, s31;
	s14 =	sshra.s32 s18, $0x1F;
	s0 =	sshra.s32 s19, $0x1F  }
0x472: {  	s4 =	sadd.s32 s26, s4;
	s26 =	smulhi.u32 $0x2AAAAAAB, s30;
	v11 =	vmov s0;
	s0 =	sshra.s32 s6, $0x3  }
0x473: {  	s14 =	smul.u32 $0x2AAAAAAB, s14;
	s5 =	sshrl.u32 s6, $0x1F;
	s6 =	sshra.s32 s6, $0x1F;
	v4 =	vsel vm3, s0, v11  }
0x474: {  	v5 =	vsel vm2, s25, v5;
	s31 =	sshrl.u32 s11, $0x1F;
	s25 =	smulhi.u32 $0x2AAAAAAB, s7;
	v13 =	vmov s5;
	v4 =	vsel vm9, s6, v4;
	s6 =	sshra.s32 s12, $0x3  }
0x475: {  	s7 =	sshra.s32 s7, $0x1F;
	s13 =	sshra.s32 s30, $0x1F;
	s30 =	sshrl.u32 s12, $0x1F;
	v6 =	vnsel vm3, $0x0, v13;
	v4 =	vsel vm0, s6, v4  }
0x476: {  	s0 =	smul.u32 $0x2AAAAAAB, s13;
	s13 =	sshrl.u32 s2, $0x1F;
	v6 =	vsel vm0, s30, v6;
	s30 =	sshra.s32 s2, $0x3;
	v4 =	vsel vm10, s24, v4  }
0x477: {  	s5 =	smulhi.u32 $0x2AAAAAAB, s18;
	s18 =	sshrl.u32 s4, $0x1F;
	s2 =	sshra.s32 s2, $0x1F;
	v6 =	vsel vm1, s13, v6;
	v4 =	vsel vm1, s30, v4  }
0x478: {  	v7 =	vsel vm2, s31, v7;
	s31 =	sshra.s32 s17, $0x3;
	s7 =	smul.u32 $0x2AAAAAAB, s7;
	v6 =	vsel vm2, s18, v6;
	s18 =	sshra.s32 s4, $0x3;
	v4 =	vsel vm11, s2, v4  }
0x479: {  	s0 =	sadd.s32 s0, s26;
	s24 =	sshra.s32 s4, $0x1F;
	s30 =	sld [smem:$0x7F8];
	v4 =	vsel vm2, s18, v4  }
0x47a: {  	v15 =	vmov s28;
	v16 =	vmov s29;
	s7 =	sadd.s32 s7, s25;
	s5 =	sadd.s32 s14, s5;
	s26 =	sshra.s32 s0, $0x3;
	v4 =	vsel vm12, s24, v4  }
0x47b: {  	v5 =	vcombine.low v7, v5;
	v8 =	vsel vm0, s31, v16;
	s14 =	sshra.s32 s21, $0x3;
	s13 =	sshrl.u32 s0, $0x1F;
	s0 =	sshra.s32 s0, $0x1F;
	v4 =	vsel vm4, s26, v4  }
0x47c: {  	s23 =	sshrl.u32 s5, $0x1F;
	s12 =	sshra.s32 s5, $0x3;
	v8 =	vsel vm1, s14, v8;
	v6 =	vsel vm4, s13, v6;
	s2 =	sshra.s32 s30, $0x3;
	v4 =	vsel vm13, s0, v4  }
0x47d: {  	s25 =	sshrl.u32 s7, $0x1F;
	s16 =	sshra.s32 s5, $0x1F;
	s13 =	sshra.s32 s22, $0x3;
	v6 =	vsel vm5, s23, v6;
	v7 =	vsel vm0, s2, v15;
	v4 =	vsel vm5, s12, v4  }
0x47e: {  	s17 =	sshra.s32 s15, $0x3;
	s20 =	sshra.s32 s7, $0x3;
	v6 =	vsel vm6, s25, v6;
	s18 =	sshra.s32 s11, $0x3;
	v7 =	vsel vm1, s13, v7;
	v4 =	vsel vm14, s16, v4  }
0x47f: {  	s21 =	sshrl.u32 s19, $0x1F;
	s22 =	sshra.s32 s7, $0x1F;
	v8 =	vsel vm2, s18, v8;
	v7 =	vsel vm2, s17, v7;
	v4 =	vsel vm6, s20, v4  }
0x480: {  	s23 =	sshra.s32 s19, $0x3;
	v6 =	vsel vm7, s21, v6;
	v7 =	vcombine.low v8, v7;
	v4 =	vsel vm15, s22, v4  }
0x481: {  	v5 =	vperm.xlane v5, v1;
	v6 =	vperm.xlane v6, v2;
	v4 =	vsel vm7, s23, v4  }
0x482: {  	v7 =	vperm.xlane v7, v1;
	v4 =	vperm.xlane v4, v2;
	_ =	sdelay $0x1  }
0x483: {  	v5 =	vsel vm8, v6, v5;
	v4 =	vsel vm8, v4, v7  }
0x484: {  	v17 =	vld [tilespmem:$0xF0];
	v4 =	vadd.s32 v5, v4  }
0x485: {  	v5 =	vmul.u32 $0xD0, v4;
	_ =	sdelay $0x1  }
0x486: {  	v19 =	vshra.s32 v3, $0x1F;
	v5 =	vadd.s32 v3, v5  }
0x487: {  	v9 =	vld [tilespmem:$0x330];
	v8 =	vshrl.u32 v19, $0x1D;
	v18 =	vshll.u32 v5, $0x18  }
0x488: {  	v10 =	vld [tilespmem:$0x450];
	v6 =	vmul.u32 $0xD8000, v17;
	v8 =	vadd.s32 v8, v3;
	v7 =	vshra.s32 v18, $0x1F  }
0x489: {  	v20 =	vshrl.u32 v8, $0x3;
	v7 =	vand.u32 $0x7, v7  }
0x48a: {  	v6 =	vadd.s32 v0, v6;
	v5 =	vadd.s32 v7, v5;
	v7 =	vshll.u32 v20, $0x3  }
0x48b: {  	v4 =	vmul.u32 $0x300, v4;
	v5 =	vshll.u32 v5, $0x18;
	v3 =	vsub.s32 v3, v7  }
0x48c: {  	v5 =	vshra.s32 v5, $0x1B;
	v3 =	vadd.s32 v3, v6  }
0x48d: {  	v5 =	vshll.u32 v5, $0x6;
	v3 =	vadd.s32 v4, v3  }
0x48e: {  	v3 =	vadd.s32 v5, v3  }
0x48f: {  	[tilespmem:v9+s9+$0x0] =	vst.idx.msk $0xffff, v3  }
0x490: {  	[tilespmem:v10+s9+$0x0] =	vst.idx.msk $0xffff, v3  }
0x491: {  	v3 =	vld [tilespmem:$0x220];
	_ =	sdelay $0x4  }
0x492: {  	(v2sf) =	vpush v3, $0xD;
	_ =	sdelay $0x1  }
0x493: {  	(v2sf) =	vpush v3, $0xC;
	_ =	sdelay $0x1  }
0x494: {  	(v2sf) =	vpush v3, $0xE;
	_ =	sdelay $0x1  }
0x495: {  	(v2sf) =	vpush v3, $0xF  }
0x496: {  	(v2sf) =	vpush v3, $0x9;
	_ =	sdelay $0x1  }
0x497: {  	(v2sf) =	vpush v3, $0x8;
	_ =	sdelay $0x2  }
0x498: {  	(v2sf) =	vpush v3, $0xA;
	_ =	sdelay $0x1  }
0x499: {  	(v2sf) =	vpush v3, $0xB  }
0x49a: {  	s24 =	spop (v2sf)  }
0x49b: {  	(v2sf) =	vpush v3, $0x0;
	s25 =	smulhi.u32 $0x2AAAAAAB, s24;
	s0 =	sshra.s32 s24, $0x1F  }
0x49c: {  	s26 =	spop (v2sf);
	s0 =	smul.u32 $0x2AAAAAAB, s0  }
0x49d: {  	(v2sf) =	vpush v3, $0x1;
	s28 =	smulhi.u32 $0x2AAAAAAB, s26;
	s4 =	sshra.s32 s26, $0x1F  }
0x49e: {  	(v2sf) =	vpush v3, $0x2;
	s29 =	spop (v2sf);
	s4 =	smul.u32 $0x2AAAAAAB, s4  }
0x49f: {  	(v2sf) =	vpush v3, $0x3;
	s30 =	smulhi.u32 $0x2AAAAAAB, s29;
	s6 =	sshra.s32 s29, $0x1F  }
0x4a0: {  	(v2sf) =	vpush v3, $0x4;
	s31 =	spop (v2sf);
	s6 =	smul.u32 $0x2AAAAAAB, s6;
	s2 =	sadd.s32 s0, s25  }
0x4a1: {  	(v2sf) =	vpush v3, $0x5;
	s13 =	smulhi.u32 $0x2AAAAAAB, s31;
	s15 =	sshra.s32 s31, $0x1F;
	s17 =	spop (v2sf)  }
0x4a2: {  	[smem:$0x7FA] =	sst s2;
	(v2sf) =	vpush v3, $0x6;
	s16 =	sshrl.u32 s2, $0x1F;
	s2 =	smul.u32 $0x2AAAAAAB, s15  }
0x4a3: {  	s18 =	smulhi.u32 $0x2AAAAAAB, s17;
	s19 =	sshra.s32 s17, $0x1F;
	s20 =	spop (v2sf);
	(v2sf) =	vpush v3, $0x7  }
0x4a4: {  	[smem:$0x7F9] =	sst s16;
	s5 =	smul.u32 $0x2AAAAAAB, s19  }
0x4a5: {  	s16 =	sadd.s32 s4, s28;
	s22 =	sadd.s32 s6, s30;
	s21 =	smulhi.u32 $0x2AAAAAAB, s20  }
0x4a6: {  	s25 =	sshra.s32 s20, $0x1F;
	s26 =	spop (v2sf);
	s14 =	sshrl.u32 s16, $0x1F  }
0x4a7: {  	s24 =	sshrl.u32 s22, $0x1F;
	s7 =	smul.u32 $0x2AAAAAAB, s25;
	s15 =	sadd.s32 s2, s13  }
0x4a8: {  	s0 =	smulhi.u32 $0x2AAAAAAB, s26;
	s28 =	sshra.s32 s26, $0x1F;
	s29 =	spop (v2sf)  }
0x4a9: {  	s25 =	sshrl.u32 s15, $0x1F;
	s2 =	smul.u32 $0x2AAAAAAB, s28;
	s17 =	sadd.s32 s5, s18  }
0x4aa: {  	s4 =	smulhi.u32 $0x2AAAAAAB, s29;
	s30 =	sshra.s32 s29, $0x1F;
	s31 =	spop (v2sf)  }
0x4ab: {  	v22 =	vmov s14;
	s14 =	sld [smem:$0x7F9];
	s23 =	sshrl.u32 s17, $0x1F;
	s5 =	smul.u32 $0x2AAAAAAB, s30  }
0x4ac: {  	s19 =	smulhi.u32 $0x2AAAAAAB, s31;
	s12 =	sshra.s32 s31, $0x1F;
	s11 =	spop (v2sf)  }
0x4ad: {  	s20 =	sadd.s32 s7, s21;
	s13 =	smul.u32 $0x2AAAAAAB, s12;
	s21 =	spop (v2sf)  }
0x4ae: {  	s12 =	smulhi.u32 $0x2AAAAAAB, s11;
	s18 =	sshra.s32 s11, $0x1F;
	s26 =	spop (v2sf)  }
0x4af: {  	s28 =	sshrl.u32 s20, $0x1F;
	s29 =	smul.u32 $0x2AAAAAAB, s18;
	s30 =	spop (v2sf)  }
0x4b0: {  	s31 =	smulhi.u32 $0x2AAAAAAB, s21;
	s7 =	sshra.s32 s21, $0x1F;
	s18 =	spop (v2sf)  }
0x4b1: {  	s21 =	sadd.s32 s2, s0;
	s2 =	smul.u32 $0x2AAAAAAB, s7;
	s7 =	spop (v2sf)  }
0x4b2: {  	s11 =	sadd.s32 s5, s4;
	s4 =	smulhi.u32 $0x2AAAAAAB, s26;
	s0 =	spop (v2sf)  }
0x4b3: {  	s6 =	sadd.s32 s13, s19;
	s13 =	smulhi.u32 $0x2AAAAAAB, s0;
	s5 =	sshra.s32 s0, $0x1F  }
0x4b4: {  	v24 =	vmov s28;
	s28 =	sshra.s32 s16, $0x3;
	s26 =	sshra.s32 s26, $0x1F;
	s5 =	smul.u32 $0x2AAAAAAB, s5  }
0x4b5: {  	v7 =	vsel vm0, s23, v24;
	s12 =	sadd.s32 s29, s12;
	s29 =	sshrl.u32 s21, $0x1F;
	s26 =	smul.u32 $0x2AAAAAAB, s26  }
0x4b6: {  	v5 =	vsel vm0, s14, v22;
	v7 =	vsel vm1, s29, v7;
	s29 =	sshra.s32 s20, $0x3;
	s14 =	sshra.s32 s18, $0x1F;
	s19 =	sadd.s32 s5, s13  }
0x4b7: {  	s4 =	sadd.s32 s26, s4;
	s26 =	smulhi.u32 $0x2AAAAAAB, s30;
	s0 =	sshra.s32 s19, $0x1F  }
0x4b8: {  	v5 =	vsel vm1, s24, v5;
	s2 =	sadd.s32 s2, s31;
	s14 =	smul.u32 $0x2AAAAAAB, s14;
	v21 =	vmov s0;
	s0 =	sshra.s32 s6, $0x3  }
0x4b9: {  	v5 =	vsel vm2, s25, v5;
	s25 =	smulhi.u32 $0x2AAAAAAB, s7;
	s5 =	sshrl.u32 s6, $0x1F;
	s6 =	sshra.s32 s6, $0x1F;
	v4 =	vsel vm3, s0, v21  }
0x4ba: {  	s31 =	sshrl.u32 s11, $0x1F;
	v23 =	vmov s5;
	s5 =	smulhi.u32 $0x2AAAAAAB, s18;
	s18 =	sshra.s32 s12, $0x3;
	v4 =	vsel vm9, s6, v4  }
0x4bb: {  	s13 =	sshra.s32 s30, $0x1F;
	s30 =	sshrl.u32 s12, $0x1F;
	s12 =	sshra.s32 s12, $0x1F;
	v6 =	vnsel vm3, $0x0, v23;
	v4 =	vsel vm0, s18, v4  }
0x4bc: {  	s7 =	sshra.s32 s7, $0x1F;
	s24 =	sshrl.u32 s4, $0x1F;
	v6 =	vsel vm0, s30, v6;
	s30 =	sshra.s32 s2, $0x3;
	v4 =	vsel vm10, s12, v4  }
0x4bd: {  	s0 =	smul.u32 $0x2AAAAAAB, s13;
	s13 =	sshrl.u32 s2, $0x1F;
	s2 =	sshra.s32 s2, $0x1F;
	v4 =	vsel vm1, s30, v4  }
0x4be: {  	s7 =	smul.u32 $0x2AAAAAAB, s7;
	s5 =	sadd.s32 s14, s5;
	s14 =	sshra.s32 s4, $0x3;
	v6 =	vsel vm1, s13, v6;
	v4 =	vsel vm11, s2, v4  }
0x4bf: {  	v25 =	vmov s28;
	s0 =	sadd.s32 s0, s26;
	v6 =	vsel vm2, s24, v6;
	s24 =	sshra.s32 s4, $0x1F;
	s30 =	sld [smem:$0x7FA];
	v4 =	vsel vm2, s14, v4  }
0x4c0: {  	v26 =	vmov s29;
	v7 =	vsel vm2, s31, v7;
	s31 =	sshra.s32 s17, $0x3;
	s13 =	sshrl.u32 s0, $0x1F;
	s26 =	sshra.s32 s0, $0x3;
	v4 =	vsel vm12, s24, v4  }
0x4c1: {  	v5 =	vcombine.low v7, v5;
	s7 =	sadd.s32 s7, s25;
	s23 =	sshrl.u32 s5, $0x1F;
	s0 =	sshra.s32 s0, $0x1F;
	v6 =	vsel vm4, s13, v6;
	v4 =	vsel vm4, s26, v4  }
0x4c2: {  	v8 =	vsel vm0, s31, v26;
	s6 =	sshra.s32 s5, $0x3;
	s13 =	sshra.s32 s21, $0x3;
	v6 =	vsel vm5, s23, v6;
	s2 =	sshra.s32 s30, $0x3;
	v4 =	vsel vm13, s0, v4  }
0x4c3: {  	s25 =	sshrl.u32 s7, $0x1F;
	s12 =	sshra.s32 s22, $0x3;
	v8 =	vsel vm1, s13, v8;
	s14 =	sshra.s32 s5, $0x1F;
	v7 =	vsel vm0, s2, v25;
	v4 =	vsel vm5, s6, v4  }
0x4c4: {  	s15 =	sshra.s32 s15, $0x3;
	s16 =	sshra.s32 s11, $0x3;
	s17 =	sshra.s32 s7, $0x3;
	v6 =	vsel vm6, s25, v6;
	v7 =	vsel vm1, s12, v7;
	v4 =	vsel vm14, s14, v4  }
0x4c5: {  	s20 =	sshra.s32 s7, $0x1F;
	s18 =	sshrl.u32 s19, $0x1F;
	v8 =	vsel vm2, s16, v8;
	v7 =	vsel vm2, s15, v7;
	v4 =	vsel vm6, s17, v4  }
0x4c6: {  	s21 =	sshra.s32 s19, $0x3;
	v6 =	vsel vm7, s18, v6;
	v7 =	vcombine.low v8, v7;
	v4 =	vsel vm15, s20, v4  }
0x4c7: {  	v5 =	vperm.xlane v5, v1;
	v6 =	vperm.xlane v6, v2;
	v4 =	vsel vm7, s21, v4  }
0x4c8: {  	v7 =	vperm.xlane v7, v1;
	v4 =	vperm.xlane v4, v2;
	_ =	sdelay $0x1  }
0x4c9: {  	v5 =	vsel vm8, v6, v5;
	v4 =	vsel vm8, v4, v7  }
0x4ca: {  	v27 =	vld [tilespmem:$0x100];
	v4 =	vadd.s32 v5, v4  }
0x4cb: {  	v5 =	vmul.u32 $0xD0, v4;
	_ =	sdelay $0x1  }
0x4cc: {  	v29 =	vshra.s32 v3, $0x1F;
	v5 =	vadd.s32 v3, v5  }
0x4cd: {  	v9 =	vld [tilespmem:$0x340];
	v8 =	vshrl.u32 v29, $0x1D;
	v28 =	vshll.u32 v5, $0x18  }
0x4ce: {  	v10 =	vld [tilespmem:$0x460];
	v6 =	vmul.u32 $0xD8000, v27;
	v8 =	vadd.s32 v8, v3;
	v7 =	vshra.s32 v28, $0x1F  }
0x4cf: {  	v30 =	vshrl.u32 v8, $0x3;
	v7 =	vand.u32 $0x7, v7  }
0x4d0: {  	v6 =	vadd.s32 v0, v6;
	v5 =	vadd.s32 v7, v5;
	v7 =	vshll.u32 v30, $0x3  }
0x4d1: {  	v4 =	vmul.u32 $0x300, v4;
	v5 =	vshll.u32 v5, $0x18;
	v3 =	vsub.s32 v3, v7  }
0x4d2: {  	v5 =	vshra.s32 v5, $0x1B;
	v3 =	vadd.s32 v3, v6  }
0x4d3: {  	v5 =	vshll.u32 v5, $0x6;
	v3 =	vadd.s32 v4, v3  }
0x4d4: {  	v3 =	vadd.s32 v5, v3  }
0x4d5: {  	[tilespmem:v9+s9+$0x0] =	vst.idx.msk $0xffff, v3  }
0x4d6: {  	[tilespmem:v10+s9+$0x0] =	vst.idx.msk $0xffff, v3  }
0x4d7: {  	v3 =	vld [tilespmem:$0x230];
	_ =	sdelay $0x4  }
0x4d8: {  	(v2sf) =	vpush v3, $0xD;
	_ =	sdelay $0x1  }
0x4d9: {  	(v2sf) =	vpush v3, $0xC;
	_ =	sdelay $0x1  }
0x4da: {  	(v2sf) =	vpush v3, $0xE;
	_ =	sdelay $0x1  }
0x4db: {  	(v2sf) =	vpush v3, $0xF;
	_ =	sdelay $0x1  }
0x4dc: {  	(v2sf) =	vpush v3, $0x9;
	_ =	sdelay $0x1  }
0x4dd: {  	(v2sf) =	vpush v3, $0x8;
	_ =	sdelay $0x1  }
0x4de: {  	(v2sf) =	vpush v3, $0xA;
	_ =	sdelay $0x1  }
0x4df: {  	(v2sf) =	vpush v3, $0xB  }
0x4e0: {  	s22 =	spop (v2sf)  }
0x4e1: {  	(v2sf) =	vpush v3, $0x0;
	s2 =	smulhi.u32 $0x2AAAAAAB, s22;
	s0 =	sshra.s32 s22, $0x1F  }
0x4e2: {  	s23 =	spop (v2sf);
	s0 =	smul.u32 $0x2AAAAAAB, s0  }
0x4e3: {  	(v2sf) =	vpush v3, $0x1;
	s5 =	smulhi.u32 $0x2AAAAAAB, s23;
	s4 =	sshra.s32 s23, $0x1F  }
0x4e4: {  	s24 =	spop (v2sf);
	s4 =	smul.u32 $0x2AAAAAAB, s4  }
0x4e5: {  	s7 =	smulhi.u32 $0x2AAAAAAB, s24;
	s6 =	sshra.s32 s24, $0x1F  }
0x4e6: {  	(v2sf) =	vpush v3, $0x2;
	s25 =	spop (v2sf);
	s6 =	smul.u32 $0x2AAAAAAB, s6  }
0x4e7: {  	s12 =	smulhi.u32 $0x2AAAAAAB, s25;
	s11 =	sshra.s32 s25, $0x1F  }
0x4e8: {  	(v2sf) =	vpush v3, $0x3;
	s26 =	spop (v2sf);
	s11 =	smul.u32 $0x2AAAAAAB, s11  }
0x4e9: {  	(v2sf) =	vpush v3, $0x4;
	s16 =	smulhi.u32 $0x2AAAAAAB, s26;
	s13 =	sshra.s32 s26, $0x1F  }
0x4ea: {  	(v2sf) =	vpush v3, $0x5;
	s28 =	spop (v2sf);
	s17 =	smul.u32 $0x2AAAAAAB, s13  }
0x4eb: {  	(v2sf) =	vpush v3, $0x6;
	s18 =	smulhi.u32 $0x2AAAAAAB, s28;
	s13 =	sshra.s32 s28, $0x1F  }
0x4ec: {  	(v2sf) =	vpush v3, $0x7;
	s29 =	spop (v2sf);
	s19 =	smul.u32 $0x2AAAAAAB, s13  }
0x4ed: {  	s22 =	smulhi.u32 $0x2AAAAAAB, s29;
	s14 =	sshra.s32 s29, $0x1F  }
0x4ee: {  	s30 =	spop (v2sf);
	s23 =	smul.u32 $0x2AAAAAAB, s14  }
0x4ef: {  	s24 =	smulhi.u32 $0x2AAAAAAB, s30;
	s13 =	sshra.s32 s30, $0x1F  }
0x4f0: {  	s31 =	spop (v2sf);
	s25 =	smul.u32 $0x2AAAAAAB, s13  }
0x4f1: {  	s28 =	smulhi.u32 $0x2AAAAAAB, s31;
	s31 =	sshra.s32 s31, $0x1F  }
0x4f2: {  	s15 =	sadd.s32 s0, s2;
	s20 =	spop (v2sf);
	s30 =	smul.u32 $0x2AAAAAAB, s31  }
0x4f3: {  	s17 =	sadd.s32 s17, s16;
	s0 =	smulhi.u32 $0x2AAAAAAB, s20;
	s14 =	sshra.s32 s20, $0x1F  }
0x4f4: {  	s13 =	sadd.s32 s11, s12;
	s12 =	sshrl.u32 s15, $0x1F;
	s2 =	smul.u32 $0x2AAAAAAB, s14  }
0x4f5: {  	s20 =	sadd.s32 s4, s5;
	s14 =	sadd.s32 s6, s7;
	s21 =	spop (v2sf)  }
0x4f6: {  	s0 =	sadd.s32 s2, s0;
	s4 =	smulhi.u32 $0x2AAAAAAB, s21;
	s7 =	sshra.s32 s21, $0x1F  }
0x4f7: {  	s26 =	spop (v2sf);
	s21 =	sadd.s32 s19, s18;
	s5 =	smul.u32 $0x2AAAAAAB, s7  }
0x4f8: {  	s29 =	spop (v2sf);
	s7 =	smulhi.u32 $0x2AAAAAAB, s26;
	s16 =	sshra.s32 s26, $0x1F  }
0x4f9: {  	s18 =	sadd.s32 s23, s22;
	s31 =	spop (v2sf);
	s11 =	smul.u32 $0x2AAAAAAB, s16  }
0x4fa: {  	s19 =	smulhi.u32 $0x2AAAAAAB, s29;
	s23 =	sshra.s32 s29, $0x1F;
	s6 =	spop (v2sf)  }
0x4fb: {  	s16 =	sadd.s32 s25, s24;
	s22 =	smul.u32 $0x2AAAAAAB, s23;
	s26 =	spop (v2sf)  }
0x4fc: {  	s24 =	sadd.s32 s30, s28;
	s29 =	smulhi.u32 $0x2AAAAAAB, s26;
	s23 =	sshra.s32 s26, $0x1F  }
0x4fd: {  	s28 =	sshrl.u32 s17, $0x1F;
	s17 =	sshra.s32 s17, $0x3;
	s30 =	smul.u32 $0x2AAAAAAB, s23  }
0x4fe: {  	s4 =	sadd.s32 s5, s4;
	s5 =	sshrl.u32 s13, $0x1F;
	s2 =	smulhi.u32 $0x2AAAAAAB, s31  }
0x4ff: {  	s7 =	sadd.s32 s11, s7;
	s11 =	sadd.s32 s22, s19;
	s19 =	sadd.s32 s30, s29  }
0x500: {  	s31 =	sshra.s32 s31, $0x1F;
	s26 =	sshrl.u32 s20, $0x1F;
	s25 =	sshra.s32 s19, $0x1F  }
0x501: {  	s22 =	smul.u32 $0x2AAAAAAB, s31;
	s31 =	sshrl.u32 s0, $0x1F;
	s29 =	sshra.s32 s24, $0x3;
	v31 =	vmov s25  }
0x502: {  	s23 =	sshrl.u32 s14, $0x1F;
	v32 =	vmov s26;
	s30 =	sshrl.u32 s24, $0x1F;
	s24 =	sshra.s32 s24, $0x1F;
	v4 =	vsel vm3, s29, v31  }
0x503: {  	s26 =	sshrl.u32 s21, $0x1F;
	v5 =	vsel vm0, s12, v32;
	s2 =	sadd.s32 s22, s2;
	v33 =	vmov s30;
	v4 =	vsel vm9, s24, v4;
	s24 =	sshra.s32 s0, $0x3  }
0x504: {  	v34 =	vmov s26;
	s12 =	sshrl.u32 s7, $0x1F;
	s30 =	sshra.s32 s4, $0x3;
	v6 =	vnsel vm3, $0x0, v33;
	s0 =	sshra.s32 s0, $0x1F;
	v4 =	vsel vm0, s24, v4  }
0x505: {  	v5 =	vsel vm1, s23, v5;
	s25 =	smulhi.u32 $0x2AAAAAAB, s6;
	s6 =	sshra.s32 s6, $0x1F;
	v6 =	vsel vm0, s31, v6;
	s29 =	sshrl.u32 s4, $0x1F;
	v4 =	vsel vm10, s0, v4  }
0x506: {  	v7 =	vsel vm0, s28, v34;
	s23 =	sshrl.u32 s11, $0x1F;
	s6 =	smul.u32 $0x2AAAAAAB, s6;
	s4 =	sshra.s32 s4, $0x1F;
	v6 =	vsel vm1, s29, v6;
	v4 =	vsel vm1, s30, v4  }
0x507: {  	s28 =	sshra.s32 s7, $0x1F;
	v5 =	vsel vm2, s5, v5;
	s31 =	sshrl.u32 s18, $0x1F;
	v6 =	vsel vm2, s12, v6;
	s24 =	sshra.s32 s7, $0x3;
	v4 =	vsel vm11, s4, v4  }
0x508: {  	v7 =	vsel vm1, s31, v7;
	s12 =	sshra.s32 s21, $0x3;
	s0 =	sadd.s32 s6, s25;
	v6 =	vsel vm4, s23, v6;
	s25 =	sshrl.u32 s16, $0x1F;
	v4 =	vsel vm2, s24, v4  }
0x509: {  	s26 =	sshrl.u32 s2, $0x1F;
	s31 =	sshra.s32 s11, $0x3;
	s7 =	sshra.s32 s15, $0x3;
	v36 =	vmov s12;
	v7 =	vsel vm2, s25, v7;
	v4 =	vsel vm12, s28, v4  }
0x50a: {  	s15 =	sshra.s32 s11, $0x1F;
	v6 =	vsel vm5, s26, v6;
	s29 =	sshrl.u32 s0, $0x1F;
	s30 =	sshra.s32 s20, $0x3;
	v37 =	vsel vm0, s17, v36;
	v4 =	vsel vm4, s31, v4  }
0x50b: {  	s20 =	sshra.s32 s2, $0x3;
	v6 =	vsel vm6, s29, v6;
	v35 =	vmov s30;
	v4 =	vsel vm13, s15, v4  }
0x50c: {  	s22 =	sshra.s32 s18, $0x3;
	s21 =	sshra.s32 s14, $0x3;
	s2 =	sshra.s32 s2, $0x1F;
	v5 =	vcombine.low v7, v5;
	v8 =	vsel vm0, s7, v35;
	v4 =	vsel vm5, s20, v4  }
0x50d: {  	s23 =	sshra.s32 s13, $0x3;
	s25 =	sshra.s32 s0, $0x3;
	v7 =	vsel vm1, s22, v37;
	s24 =	sshra.s32 s16, $0x3;
	v8 =	vsel vm1, s21, v8;
	v4 =	vsel vm14, s2, v4  }
0x50e: {  	s26 =	sshrl.u32 s19, $0x1F;
	s0 =	sshra.s32 s0, $0x1F;
	v7 =	vsel vm2, s24, v7;
	v8 =	vsel vm2, s23, v8;
	v4 =	vsel vm6, s25, v4  }
0x50f: {  	v6 =	vsel vm7, s26, v6;
	s28 =	sshra.s32 s19, $0x3;
	v7 =	vcombine.low v7, v8;
	v4 =	vsel vm15, s0, v4  }
0x510: {  	v5 =	vperm.xlane v5, v1;
	v6 =	vperm.xlane v6, v2;
	v4 =	vsel vm7, s28, v4  }
0x511: {  	v7 =	vperm.xlane v7, v1;
	v4 =	vperm.xlane v4, v2;
	_ =	sdelay $0x1  }
0x512: {  	v5 =	vsel vm8, v6, v5;
	v4 =	vsel vm8, v4, v7  }
0x513: {  	v38 =	vld [tilespmem:$0x110];
	v4 =	vadd.s32 v5, v4  }
0x514: {  	v5 =	vmul.u32 $0xD0, v4;
	_ =	sdelay $0x1  }
0x515: {  	v40 =	vshra.s32 v3, $0x1F;
	v5 =	vadd.s32 v3, v5  }
0x516: {  	v41 =	vld [tilespmem:$0x350];
	v8 =	vshrl.u32 v40, $0x1D;
	v39 =	vshll.u32 v5, $0x18  }
0x517: {  	v10 =	vld [tilespmem:$0x470];
	v6 =	vmul.u32 $0xD8000, v38;
	v8 =	vadd.s32 v8, v3;
	v7 =	vshra.s32 v39, $0x1F  }
0x518: {  	v42 =	vshrl.u32 v8, $0x3;
	v7 =	vand.u32 $0x7, v7  }
0x519: {  	v6 =	vadd.s32 v0, v6;
	v5 =	vadd.s32 v7, v5;
	v7 =	vshll.u32 v42, $0x3  }
0x51a: {  	v4 =	vmul.u32 $0x300, v4;
	v5 =	vshll.u32 v5, $0x18;
	v3 =	vsub.s32 v3, v7  }
0x51b: {  	v5 =	vshra.s32 v5, $0x1B;
	v3 =	vadd.s32 v3, v6  }
0x51c: {  	v5 =	vshll.u32 v5, $0x6;
	v3 =	vadd.s32 v4, v3  }
0x51d: {  	v3 =	vadd.s32 v5, v3  }
0x51e: {  	[tilespmem:v41+s9+$0x0] =	vst.idx.msk $0xffff, v3  }
0x51f: {  	[tilespmem:v10+s9+$0x0] =	vst.idx.msk $0xffff, v3  }
0x520: {  	_ =	swait.ge [sflag:s8], $0x1B00  }
0x521: {  	[sflag:s8] =	ssyncset.done $0x0  }
0x522: {  	s29 =	simm.s32 $0x0;
	[sflag:s8] =	ssyncadd.s32 $0xFFFFE500  }
0x523: {  	v3 =	vld [tilespmem:s29+$0x6C0];
	_ =	sdelay $0x4  }
0x524: {  	v43 =	vand.u32 $0x3FF, v3;
	_ =	sdelay $0x1  }
0x525: {  	v44 =	vld [tilespmem:s29+$0x6D0];
	_ =	sdelay $0x2  }
0x526: {  	v4 =	vld.idx.msk [tilespmem:v43+s9+$0x0], $0xffff;
	_ =	sdelay $0x1  }
0x527: {  	v45 =	vand.u32 $0x3FF, v44;
	_ =	sdelay $0x1  }
0x528: {  	v46 =	vld [tilespmem:s29+$0x6E0];
	v3 =	vshrl.u32 v3, $0xA  }
0x529: {  	v3 =	vadd.s32 v3, v4  }
0x52a: {  	[tilespmem:s29+$0x21C0] =	vst v3  }
0x52b: {  	v3 =	vld.idx.msk [tilespmem:v45+s9+$0x0], $0xffff;
	_ =	sdelay $0x1  }
0x52c: {  	v47 =	vand.u32 $0x3FF, v46;
	_ =	sdelay $0x1  }
0x52d: {  	v48 =	vld [tilespmem:s29+$0x6F0];
	v5 =	vshrl.u32 v44, $0xA  }
0x52e: {  	v3 =	vadd.s32 v5, v3  }
0x52f: {  	[tilespmem:s29+$0x21D0] =	vst v3  }
0x530: {  	v3 =	vld.idx.msk [tilespmem:v47+s9+$0x0], $0xffff;
	_ =	sdelay $0x1  }
0x531: {  	v49 =	vand.u32 $0x3FF, v48;
	_ =	sdelay $0x1  }
0x532: {  	v51 =	vld [tilespmem:s29+$0x700];
	v50 =	vshrl.u32 v46, $0xA  }
0x533: {  	v3 =	vadd.s32 v50, v3  }
0x534: {  	[tilespmem:s29+$0x21E0] =	vst v3  }
0x535: {  	v3 =	vld.idx.msk [tilespmem:v49+s9+$0x0], $0xffff;
	_ =	sdelay $0x1  }
0x536: {  	v52 =	vand.u32 $0x3FF, v51;
	_ =	sdelay $0x1  }
0x537: {  	v54 =	vld [tilespmem:s29+$0x710];
	v53 =	vshrl.u32 v48, $0xA  }
0x538: {  	v3 =	vadd.s32 v53, v3  }
0x539: {  	[tilespmem:s29+$0x21F0] =	vst v3  }
0x53a: {  	v3 =	vld.idx.msk [tilespmem:v52+s9+$0x0], $0xffff;
	_ =	sdelay $0x1  }
0x53b: {  	v55 =	vand.u32 $0x3FF, v54;
	_ =	sdelay $0x1  }
0x53c: {  	v57 =	vld [tilespmem:s29+$0x720];
	v56 =	vshrl.u32 v51, $0xA  }
0x53d: {  	v3 =	vadd.s32 v56, v3  }
0x53e: {  	[tilespmem:s29+$0x2200] =	vst v3  }
0x53f: {  	v3 =	vld.idx.msk [tilespmem:v55+s9+$0x0], $0xffff;
	_ =	sdelay $0x1  }
0x540: {  	v58 =	vand.u32 $0x3FF, v57;
	_ =	sdelay $0x1  }
0x541: {  	v60 =	vld [tilespmem:s29+$0x730];
	v59 =	vshrl.u32 v54, $0xA  }
0x542: {  	v3 =	vadd.s32 v59, v3  }
0x543: {  	[tilespmem:s29+$0x2210] =	vst v3  }
0x544: {  	v3 =	vld.idx.msk [tilespmem:v58+s9+$0x0], $0xffff;
	_ =	sdelay $0x1  }
0x545: {  	v61 =	vand.u32 $0x3FF, v60;
	_ =	sdelay $0x1  }
0x546: {  	v62 =	vshrl.u32 v57, $0xA  }
0x547: {  	v3 =	vadd.s32 v62, v3  }
0x548: {  	[tilespmem:s29+$0x2220] =	vst v3  }
0x549: {  	v3 =	vld.idx.msk [tilespmem:v61+s9+$0x0], $0xffff;
	_ =	sdelay $0x2  }
0x54a: {  	p1 =	por $0x1, $0x1  }
0x54b: {  	s14 =	simm.s32 $0x44C0;
	s17 =	simm.s32 $0x400;
	s30 =	simm.s32 $0x3CC0;
	v63 =	vshrl.u32 v60, $0xA  }
0x54c: {  	s16 =	simm.s32 $0x200;
	s21 =	simm.s32 @!p1 $0x1;
	s5 =	sld [smem:$0x7FD];
	v3 =	vadd.s32 v63, v3  }
0x54d: {  	s24 =	simm.s32 @!p1 $0x0;
	s31 =	simm.s32 $0x21C0;
	s23 =	simm.s32 @!p1 $0xFFFF64C0;
	[tilespmem:s29+$0x2230] =	vst v3  }
0x54e: {  	[tilespmem:s30], [sflag:$0x1] =	stream.indirect.gather [hbm4b:s1+s10], $0x10, s31, s10, $0xb8;
	[tilespmem:$0x1ECC0] =	vst v63  }
0x54f: {  	s15 =	simm.s32 $0x1;
	s0 =	sand.u32 @!p1 $0x1FFFFF00, s5;
	_ =	swait.ge @!p1 [sflag:s21], $0x800  }
0x550: {  	s13 =	sadd.s32 $0x100, s5;
	s22 =	sadd.s32 @!p1 s3, s0;
	[sflag:s21] =	ssyncset.done @!p1 $0x0  }
.LBB2_2:
0x551: {  	s19 =	sshra.s32 s16, $0x2;
	[sflag:s21] =	ssyncadd.s32 @!p1 $0xFFFFF800;
	s16 =	smov.u32 s17  }
0x552: {  	s17 =	sadd.s32 $0x200, s17;
	s20 =	smov.u32 s13;
	s18 =	smov.u32 s14  }
0x553: {  	[hbm4b:s22+s24] =	stream.linear.scatter @!p1 [tilespmem:s23], [sflag:$0x2], $0x800, $0x38;
	[tilespmem:$0x1ECC0] =	vst v63  }
0x554: {  	p0 =	sne.s32 s17, $0x6C00;
	v3 =	vld [tilespmem:s19+$0x6C0];
	_ =	sdelay $0x4  }
0x555: {  	v4 =	vand.u32 $0x3FF, v3;
	_ =	sdelay $0x1  }
0x556: {  	v5 =	vld [tilespmem:s19+$0x6D0];
	_ =	sdelay $0x2  }
0x557: {  	v4 =	vld.idx.msk [tilespmem:v4+s9+$0x0], $0xffff;
	_ =	sdelay $0x1  }
0x558: {  	v6 =	vand.u32 $0x3FF, v5;
	_ =	sdelay $0x1  }
0x559: {  	v3 =	vshrl.u32 v3, $0xA  }
0x55a: {  	v7 =	vld [tilespmem:s19+$0x6E0]  }
0x55b: {  	v3 =	vadd.s32 v3, v4  }
0x55c: {  	[tilespmem:s19+$0x21C0] =	vst v3  }
0x55d: {  	v3 =	vld.idx.msk [tilespmem:v6+s9+$0x0], $0xffff;
	_ =	sdelay $0x1  }
0x55e: {  	v4 =	vand.u32 $0x3FF, v7;
	_ =	sdelay $0x1  }
0x55f: {  	v5 =	vshrl.u32 v5, $0xA  }
0x560: {  	v6 =	vld [tilespmem:s19+$0x6F0]  }
0x561: {  	v3 =	vadd.s32 v5, v3  }
0x562: {  	[tilespmem:s19+$0x21D0] =	vst v3  }
0x563: {  	v3 =	vld.idx.msk [tilespmem:v4+s9+$0x0], $0xffff;
	_ =	sdelay $0x1  }
0x564: {  	v4 =	vand.u32 $0x3FF, v6;
	_ =	sdelay $0x1  }
0x565: {  	v5 =	vshrl.u32 v7, $0xA  }
0x566: {  	v7 =	vld [tilespmem:s19+$0x700]  }
0x567: {  	v3 =	vadd.s32 v5, v3  }
0x568: {  	[tilespmem:s19+$0x21E0] =	vst v3  }
0x569: {  	v3 =	vld.idx.msk [tilespmem:v4+s9+$0x0], $0xffff;
	_ =	sdelay $0x1  }
0x56a: {  	v4 =	vand.u32 $0x3FF, v7;
	_ =	sdelay $0x1  }
0x56b: {  	v5 =	vshrl.u32 v6, $0xA  }
0x56c: {  	v6 =	vld [tilespmem:s19+$0x710]  }
0x56d: {  	v3 =	vadd.s32 v5, v3  }
0x56e: {  	[tilespmem:s19+$0x21F0] =	vst v3  }
0x56f: {  	v3 =	vld.idx.msk [tilespmem:v4+s9+$0x0], $0xffff;
	_ =	sdelay $0x1  }
0x570: {  	v4 =	vand.u32 $0x3FF, v6;
	_ =	sdelay $0x1  }
0x571: {  	v5 =	vshrl.u32 v7, $0xA  }
0x572: {  	v7 =	vld [tilespmem:s19+$0x720]  }
0x573: {  	v3 =	vadd.s32 v5, v3  }
0x574: {  	[tilespmem:s19+$0x2200] =	vst v3  }
0x575: {  	v3 =	vld.idx.msk [tilespmem:v4+s9+$0x0], $0xffff;
	_ =	sdelay $0x1  }
0x576: {  	v4 =	vand.u32 $0x3FF, v7;
	_ =	sdelay $0x1  }
0x577: {  	v5 =	vshrl.u32 v6, $0xA  }
0x578: {  	v6 =	vld [tilespmem:s19+$0x730]  }
0x579: {  	v3 =	vadd.s32 v5, v3  }
0x57a: {  	[tilespmem:s19+$0x2210] =	vst v3  }
0x57b: {  	v3 =	vld.idx.msk [tilespmem:v4+s9+$0x0], $0xffff;
	_ =	sdelay $0x1  }
0x57c: {  	v4 =	vand.u32 $0x3FF, v6;
	_ =	sdelay $0x1  }
0x57d: {  	v5 =	vshrl.u32 v7, $0xA;
	_ =	sdelay $0x1  }
0x57e: {  	v3 =	vadd.s32 v5, v3  }
0x57f: {  	[tilespmem:s19+$0x2220] =	vst v3  }
0x580: {  	v3 =	vld.idx.msk [tilespmem:v4+s9+$0x0], $0xffff;
	_ =	sdelay $0x3  }
0x581: {  	v4 =	vshrl.u32 v6, $0xA  }
0x582: {  	s13 =	sadd.s32 $0x100, s13  }
.Ltmp0:
0x583: {  	s0 =	sadd.s32 $0x21C0, s19;
	p1 =	slt.u32 s15, $0x1B;
	v3 =	vadd.s32 v4, v3;
	(pc) =	sbr.rel @p0 .LBB2_2-.Ltmp0, $4  }
0x584: {  	s14 =	sadd.s32 $0x800, s14;
	s21 =	simm.s32 @!p1 $0x1;
	s2 =	sand.u32 @!p1 $0x1FFFFF00, s20;
	[tilespmem:s19+$0x2230] =	vst v3  }
0x585: {  	[tilespmem:s18], [sflag:$0x1] =	stream.indirect.gather [hbm4b:s1+s10], $0x10, s0, s10, $0xb8;
	[tilespmem:$0x1ECC0] =	vst v63  }
0x586: {  	s15 =	sadd.s32 $0x1, s15;
	s22 =	sadd.s32 @!p1 s3, s2;
	_ =	swait.ge @!p1 [sflag:s21], $0x800  }
0x587: {  	s23 =	sadd.s32 @!p1 $0xFFFF2800, s18;
	s24 =	simm.s32 @!p1 $0x0;
	[sflag:s21] =	ssyncset.done @!p1 $0x0  }
0x588: {  	[sflag:s21] =	ssyncadd.s32 @!p1 $0xFFFFF800;
	s0 =	sshra.s32 s16, $0x2  }
0x589: {  	[hbm4b:s22+s24] =	stream.linear.scatter @!p1 [tilespmem:s23], [sflag:$0x2], $0x800, $0x38;
	[tilespmem:$0x1ECC0] =	vst v63  }
0x58a: {  	v3 =	vld [tilespmem:s0+$0x6C0];
	_ =	sdelay $0x4  }
0x58b: {  	v4 =	vand.u32 $0x3FF, v3;
	_ =	sdelay $0x1  }
0x58c: {  	v5 =	vld [tilespmem:s0+$0x6D0];
	_ =	sdelay $0x2  }
0x58d: {  	v4 =	vld.idx.msk [tilespmem:v4+s9+$0x0], $0xffff;
	_ =	sdelay $0x1  }
0x58e: {  	v6 =	vand.u32 $0x3FF, v5;
	_ =	sdelay $0x1  }
0x58f: {  	v7 =	vld [tilespmem:s0+$0x6E0];
	v3 =	vshrl.u32 v3, $0xA  }
0x590: {  	v3 =	vadd.s32 v3, v4  }
0x591: {  	[tilespmem:s0+$0x21C0] =	vst v3  }
0x592: {  	v3 =	vld.idx.msk [tilespmem:v6+s9+$0x0], $0xffff;
	_ =	sdelay $0x1  }
0x593: {  	v47 =	vand.u32 $0x3FF, v7;
	_ =	sdelay $0x1  }
0x594: {  	v48 =	vld [tilespmem:s0+$0x6F0];
	v5 =	vshrl.u32 v5, $0xA  }
0x595: {  	v3 =	vadd.s32 v5, v3  }
0x596: {  	[tilespmem:s0+$0x21D0] =	vst v3  }
0x597: {  	v3 =	vld.idx.msk [tilespmem:v47+s9+$0x0], $0xffff;
	_ =	sdelay $0x1  }
0x598: {  	v49 =	vand.u32 $0x3FF, v48;
	_ =	sdelay $0x1  }
0x599: {  	v51 =	vld [tilespmem:s0+$0x700];
	v50 =	vshrl.u32 v7, $0xA  }
0x59a: {  	v3 =	vadd.s32 v50, v3  }
0x59b: {  	[tilespmem:s0+$0x21E0] =	vst v3  }
0x59c: {  	v3 =	vld.idx.msk [tilespmem:v49+s9+$0x0], $0xffff;
	_ =	sdelay $0x1  }
0x59d: {  	v52 =	vand.u32 $0x3FF, v51;
	_ =	sdelay $0x1  }
0x59e: {  	v54 =	vld [tilespmem:s0+$0x710];
	v53 =	vshrl.u32 v48, $0xA  }
0x59f: {  	v3 =	vadd.s32 v53, v3  }
0x5a0: {  	[tilespmem:s0+$0x21F0] =	vst v3  }
0x5a1: {  	v3 =	vld.idx.msk [tilespmem:v52+s9+$0x0], $0xffff;
	_ =	sdelay $0x1  }
0x5a2: {  	v55 =	vand.u32 $0x3FF, v54;
	_ =	sdelay $0x1  }
0x5a3: {  	v57 =	vld [tilespmem:s0+$0x720];
	v56 =	vshrl.u32 v51, $0xA  }
0x5a4: {  	v3 =	vadd.s32 v56, v3  }
0x5a5: {  	[tilespmem:s0+$0x2200] =	vst v3  }
0x5a6: {  	v3 =	vld.idx.msk [tilespmem:v55+s9+$0x0], $0xffff;
	_ =	sdelay $0x1  }
0x5a7: {  	v58 =	vand.u32 $0x3FF, v57;
	_ =	sdelay $0x1  }
0x5a8: {  	v60 =	vld [tilespmem:s0+$0x730];
	v59 =	vshrl.u32 v54, $0xA  }
0x5a9: {  	v3 =	vadd.s32 v59, v3  }
0x5aa: {  	[tilespmem:s0+$0x2210] =	vst v3  }
0x5ab: {  	v3 =	vld.idx.msk [tilespmem:v58+s9+$0x0], $0xffff;
	_ =	sdelay $0x1  }
0x5ac: {  	v61 =	vand.u32 $0x3FF, v60;
	_ =	sdelay $0x1  }
0x5ad: {  	v62 =	vshrl.u32 v57, $0xA  }
0x5ae: {  	v3 =	vadd.s32 v62, v3  }
0x5af: {  	[tilespmem:s0+$0x2220] =	vst v3  }
0x5b0: {  	v3 =	vld.idx.msk [tilespmem:v61+s9+$0x0], $0xffff;
	_ =	sdelay $0x3  }
0x5b1: {  	v63 =	vshrl.u32 v60, $0xA  }
0x5b2: {  	v3 =	vadd.s32 v63, v3  }
0x5b3: {  	p0 =	slt.u32 s15, $0x1B;
	[tilespmem:s0+$0x2230] =	vst v3;
	s0 =	sadd.s32 $0x21C0, s0  }
0x5b4: {  	[tilespmem:s14], [sflag:$0x1] =	stream.indirect.gather [hbm4b:s1+s10], $0x10, s0, s10, $0xb8;
	[tilespmem:$0x1ECC0] =	vst v63  }
0x5b5: {  	s0 =	simm.s32 @!p0 $0x1  }
0x5b6: {  	_ =	swait.ge @!p0 [sflag:s0], $0x800  }
0x5b7: {  	s2 =	sand.u32 @!p0 $0x1FFFFF00, s13;
	s4 =	sadd.s32 @!p0 $0xFFFF2800, s14;
	[sflag:s0] =	ssyncset.done @!p0 $0x0  }
0x5b8: {  	s2 =	sadd.s32 @!p0 s3, s2;
	[sflag:s0] =	ssyncadd.s32 @!p0 $0xFFFFF800;
	s0 =	simm.s32 @!p0 $0x0  }
0x5b9: {  	[hbm4b:s2+s0] =	stream.linear.scatter @!p0 [tilespmem:s4], [sflag:$0x2], $0x800, $0x38;
	[tilespmem:$0x1ECC0] =	vst v63  }
0x5ba: {  	s2 =	simm.s32 $0x1  }
0x5bb: {  	_ =	swait.ge [sflag:s2], $0x800  }
0x5bc: {  	s11 =	simm.s32 $0x0;
	[sflag:s2] =	ssyncset.done $0x0  }
0x5bd: {  	s22 =	simm.s32 $0x114C0;
	s21 =	rddreg [dreg:$0x6];
	[sflag:s2] =	ssyncadd.s32 $0xFFFFF800  }
0x5be: {  	[hbm4b:s21+s11] =	stream.linear.scatter [tilespmem:s22], [sflag:$0x2], $0x800, $0x38;
	[tilespmem:$0x1ECC0] =	vst v63  }
0x5bf: {  	_ =	swait.ge [sflag:s2], $0x800  }
0x5c0: {  	[sflag:s2] =	ssyncset.done $0x0  }
0x5c1: {  	s24 =	simm.s32 $0x11CC0;
	s23 =	rddreg [dreg:$0x7];
	[sflag:s2] =	ssyncadd.s32 $0xFFFFF800  }
0x5c2: {  	[hbm4b:s23+s11] =	stream.linear.scatter [tilespmem:s24], [sflag:$0x2], $0x800, $0x38;
	[tilespmem:$0x1ECC0] =	vst v63  }
0x5c3: {  	_ =	swait.ge [sflag:s2], $0x800  }
0x5c4: {  	[sflag:s2] =	ssyncset.done $0x0  }
0x5c5: {  	s26 =	simm.s32 $0x124C0;
	s25 =	rddreg [dreg:$0x8];
	[sflag:s2] =	ssyncadd.s32 $0xFFFFF800  }
0x5c6: {  	[hbm4b:s25+s11] =	stream.linear.scatter [tilespmem:s26], [sflag:$0x2], $0x800, $0x38;
	[tilespmem:$0x1ECC0] =	vst v63  }
0x5c7: {  	_ =	swait.ge [sflag:s2], $0x800  }
0x5c8: {  	[sflag:s2] =	ssyncset.done $0x0  }
0x5c9: {  	s29 =	simm.s32 $0x12CC0;
	s28 =	rddreg [dreg:$0x9];
	[sflag:s2] =	ssyncadd.s32 $0xFFFFF800  }
0x5ca: {  	[hbm4b:s28+s11] =	stream.linear.scatter [tilespmem:s29], [sflag:$0x2], $0x800, $0x38;
	[tilespmem:$0x1ECC0] =	vst v63  }
0x5cb: {  	_ =	swait.ge [sflag:s2], $0x800  }
0x5cc: {  	[sflag:s2] =	ssyncset.done $0x0  }
0x5cd: {  	s31 =	simm.s32 $0x134C0;
	s30 =	rddreg [dreg:$0xa];
	[sflag:s2] =	ssyncadd.s32 $0xFFFFF800  }
0x5ce: {  	[hbm4b:s30+s11] =	stream.linear.scatter [tilespmem:s31], [sflag:$0x2], $0x800, $0x38;
	[tilespmem:$0x1ECC0] =	vst v63  }
0x5cf: {  	_ =	swait.ge [sflag:s2], $0x800  }
0x5d0: {  	[sflag:s2] =	ssyncset.done $0x0  }
0x5d1: {  	s6 =	simm.s32 $0x13CC0;
	s5 =	rddreg [dreg:$0xb];
	[sflag:s2] =	ssyncadd.s32 $0xFFFFF800  }
0x5d2: {  	[hbm4b:s5+s11] =	stream.linear.scatter [tilespmem:s6], [sflag:$0x2], $0x800, $0x38;
	[tilespmem:$0x1ECC0] =	vst v63  }
0x5d3: {  	_ =	swait.ge [sflag:s2], $0x800  }
0x5d4: {  	[sflag:s2] =	ssyncset.done $0x0  }
0x5d5: {  	s12 =	simm.s32 $0x144C0;
	s7 =	rddreg [dreg:$0xc];
	[sflag:s2] =	ssyncadd.s32 $0xFFFFF800  }
0x5d6: {  	[hbm4b:s7+s11] =	stream.linear.scatter [tilespmem:s12], [sflag:$0x2], $0x800, $0x38;
	[tilespmem:$0x1ECC0] =	vst v63  }
0x5d7: {  	_ =	swait.ge [sflag:s2], $0x800  }
0x5d8: {  	[sflag:s2] =	ssyncset.done $0x0  }
0x5d9: {  	s14 =	simm.s32 $0x14CC0;
	s13 =	rddreg [dreg:$0xd];
	[sflag:s2] =	ssyncadd.s32 $0xFFFFF800  }
0x5da: {  	[hbm4b:s13+s11] =	stream.linear.scatter [tilespmem:s14], [sflag:$0x2], $0x800, $0x38;
	[tilespmem:$0x1ECC0] =	vst v63  }
0x5db: {  	_ =	swait.ge [sflag:s2], $0x800  }
0x5dc: {  	[sflag:s2] =	ssyncset.done $0x0  }
0x5dd: {  	s16 =	simm.s32 $0x154C0;
	s15 =	rddreg [dreg:$0xe];
	[sflag:s2] =	ssyncadd.s32 $0xFFFFF800  }
0x5de: {  	[hbm4b:s15+s11] =	stream.linear.scatter [tilespmem:s16], [sflag:$0x2], $0x800, $0x38;
	[tilespmem:$0x1ECC0] =	vst v63  }
0x5df: {  	_ =	swait.ge [sflag:s2], $0x800  }
0x5e0: {  	[sflag:s2] =	ssyncset.done $0x0  }
0x5e1: {  	s18 =	simm.s32 $0x15CC0;
	s17 =	rddreg [dreg:$0xf];
	[sflag:s2] =	ssyncadd.s32 $0xFFFFF800  }
0x5e2: {  	[hbm4b:s17+s11] =	stream.linear.scatter [tilespmem:s18], [sflag:$0x2], $0x800, $0x38;
	[tilespmem:$0x1ECC0] =	vst v63  }
0x5e3: {  	_ =	swait.ge [sflag:s2], $0x800  }
0x5e4: {  	[sflag:s2] =	ssyncset.done $0x0  }
0x5e5: {  	s20 =	simm.s32 $0x164C0;
	s19 =	rddreg [dreg:$0x10];
	[sflag:s2] =	ssyncadd.s32 $0xFFFFF800  }
0x5e6: {  	[hbm4b:s19+s11] =	stream.linear.scatter [tilespmem:s20], [sflag:$0x2], $0x800, $0x38;
	[tilespmem:$0x1ECC0] =	vst v63  }
0x5e7: {  	_ =	swait.ge [sflag:s2], $0x800  }
0x5e8: {  	[sflag:s2] =	ssyncset.done $0x0  }
0x5e9: {  	s22 =	simm.s32 $0x16CC0;
	s21 =	rddreg [dreg:$0x11];
	[sflag:s2] =	ssyncadd.s32 $0xFFFFF800  }
0x5ea: {  	[hbm4b:s21+s11] =	stream.linear.scatter [tilespmem:s22], [sflag:$0x2], $0x800, $0x38;
	[tilespmem:$0x1ECC0] =	vst v63  }
0x5eb: {  	_ =	swait.ge [sflag:s2], $0x800  }
0x5ec: {  	[sflag:s2] =	ssyncset.done $0x0  }
0x5ed: {  	s24 =	simm.s32 $0x174C0;
	s23 =	rddreg [dreg:$0x12];
	[sflag:s2] =	ssyncadd.s32 $0xFFFFF800  }
0x5ee: {  	[hbm4b:s23+s11] =	stream.linear.scatter [tilespmem:s24], [sflag:$0x2], $0x800, $0x38;
	[tilespmem:$0x1ECC0] =	vst v63  }
0x5ef: {  	_ =	swait.ge [sflag:s2], $0x800  }
0x5f0: {  	[sflag:s2] =	ssyncset.done $0x0  }
0x5f1: {  	s26 =	simm.s32 $0x17CC0;
	s25 =	rddreg [dreg:$0x13];
	[sflag:s2] =	ssyncadd.s32 $0xFFFFF800  }
0x5f2: {  	[hbm4b:s25+s11] =	stream.linear.scatter [tilespmem:s26], [sflag:$0x2], $0x800, $0x38;
	[tilespmem:$0x1ECC0] =	vst v63  }
0x5f3: {  	_ =	swait.ge [sflag:s2], $0x800  }
0x5f4: {  	[sflag:s2] =	ssyncset.done $0x0  }
0x5f5: {  	s29 =	simm.s32 $0x184C0;
	s28 =	rddreg [dreg:$0x14];
	[sflag:s2] =	ssyncadd.s32 $0xFFFFF800  }
0x5f6: {  	[hbm4b:s28+s11] =	stream.linear.scatter [tilespmem:s29], [sflag:$0x2], $0x800, $0x38;
	[tilespmem:$0x1ECC0] =	vst v63  }
0x5f7: {  	_ =	swait.ge [sflag:s2], $0x800  }
0x5f8: {  	[sflag:s2] =	ssyncset.done $0x0  }
0x5f9: {  	s31 =	simm.s32 $0x18CC0;
	s30 =	rddreg [dreg:$0x15];
	[sflag:s2] =	ssyncadd.s32 $0xFFFFF800  }
0x5fa: {  	[hbm4b:s30+s11] =	stream.linear.scatter [tilespmem:s31], [sflag:$0x2], $0x800, $0x38;
	[tilespmem:$0x1ECC0] =	vst v63  }
0x5fb: {  	_ =	swait.ge [sflag:s2], $0x800  }
0x5fc: {  	[sflag:s2] =	ssyncset.done $0x0  }
0x5fd: {  	s6 =	simm.s32 $0x194C0;
	s5 =	rddreg [dreg:$0x16];
	[sflag:s2] =	ssyncadd.s32 $0xFFFFF800  }
0x5fe: {  	[hbm4b:s5+s11] =	stream.linear.scatter [tilespmem:s6], [sflag:$0x2], $0x800, $0x38;
	[tilespmem:$0x1ECC0] =	vst v63  }
0x5ff: {  	_ =	swait.ge [sflag:s2], $0x800  }
0x600: {  	[sflag:s2] =	ssyncset.done $0x0  }
0x601: {  	s12 =	simm.s32 $0x19CC0;
	s7 =	rddreg [dreg:$0x17];
	[sflag:s2] =	ssyncadd.s32 $0xFFFFF800  }
0x602: {  	[hbm4b:s7+s11] =	stream.linear.scatter [tilespmem:s12], [sflag:$0x2], $0x800, $0x38;
	[tilespmem:$0x1ECC0] =	vst v63  }
0x603: {  	_ =	swait.ge [sflag:s2], $0x800  }
0x604: {  	[sflag:s2] =	ssyncset.done $0x0  }
0x605: {  	s14 =	simm.s32 $0x1A4C0;
	s13 =	rddreg [dreg:$0x18];
	[sflag:s2] =	ssyncadd.s32 $0xFFFFF800  }
0x606: {  	[hbm4b:s13+s11] =	stream.linear.scatter [tilespmem:s14], [sflag:$0x2], $0x800, $0x38;
	[tilespmem:$0x1ECC0] =	vst v63  }
0x607: {  	_ =	swait.ge [sflag:s2], $0x800  }
0x608: {  	[sflag:s2] =	ssyncset.done $0x0  }
0x609: {  	s16 =	simm.s32 $0x1ACC0;
	s15 =	rddreg [dreg:$0x19];
	[sflag:s2] =	ssyncadd.s32 $0xFFFFF800  }
0x60a: {  	[hbm4b:s15+s11] =	stream.linear.scatter [tilespmem:s16], [sflag:$0x2], $0x800, $0x38;
	[tilespmem:$0x1ECC0] =	vst v63  }
0x60b: {  	_ =	swait.ge [sflag:s2], $0x800  }
0x60c: {  	[sflag:s2] =	ssyncset.done $0x0  }
0x60d: {  	s18 =	simm.s32 $0x1B4C0;
	s17 =	rddreg [dreg:$0x1a];
	[sflag:s2] =	ssyncadd.s32 $0xFFFFF800  }
0x60e: {  	[hbm4b:s17+s11] =	stream.linear.scatter [tilespmem:s18], [sflag:$0x2], $0x800, $0x38;
	[tilespmem:$0x1ECC0] =	vst v63  }
0x60f: {  	_ =	swait.ge [sflag:s2], $0x800  }
0x610: {  	[sflag:s2] =	ssyncset.done $0x0  }
0x611: {  	s20 =	simm.s32 $0x1BCC0;
	s19 =	rddreg [dreg:$0x1b];
	[sflag:s2] =	ssyncadd.s32 $0xFFFFF800  }
0x612: {  	[hbm4b:s19+s11] =	stream.linear.scatter [tilespmem:s20], [sflag:$0x2], $0x800, $0x38;
	[tilespmem:$0x1ECC0] =	vst v63  }
0x613: {  	_ =	swait.ge [sflag:s2], $0x800  }
0x614: {  	[sflag:s2] =	ssyncset.done $0x0  }
0x615: {  	s22 =	simm.s32 $0x1C4C0;
	s21 =	rddreg [dreg:$0x1c];
	[sflag:s2] =	ssyncadd.s32 $0xFFFFF800  }
0x616: {  	[hbm4b:s21+s11] =	stream.linear.scatter [tilespmem:s22], [sflag:$0x2], $0x800, $0x38;
	[tilespmem:$0x1ECC0] =	vst v63  }
0x617: {  	_ =	swait.ge [sflag:s2], $0x800  }
0x618: {  	[sflag:s2] =	ssyncset.done $0x0  }
0x619: {  	s24 =	simm.s32 $0x1CCC0;
	s23 =	rddreg [dreg:$0x1d];
	[sflag:s2] =	ssyncadd.s32 $0xFFFFF800  }
0x61a: {  	[hbm4b:s23+s11] =	stream.linear.scatter [tilespmem:s24], [sflag:$0x2], $0x800, $0x38;
	[tilespmem:$0x1ECC0] =	vst v63  }
0x61b: {  	_ =	swait.ge [sflag:s2], $0x800  }
0x61c: {  	[sflag:s2] =	ssyncset.done $0x0  }
0x61d: {  	s26 =	simm.s32 $0x1D4C0;
	s25 =	rddreg [dreg:$0x1e];
	[sflag:s2] =	ssyncadd.s32 $0xFFFFF800  }
0x61e: {  	[hbm4b:s25+s11] =	stream.linear.scatter [tilespmem:s26], [sflag:$0x2], $0x800, $0x38;
	[tilespmem:$0x1ECC0] =	vst v63  }
0x61f: {  	_ =	swait.ge [sflag:s2], $0x800  }
0x620: {  	[sflag:s2] =	ssyncset.done $0x0  }
0x621: {  	s29 =	simm.s32 $0x1DCC0;
	s28 =	rddreg [dreg:$0x1f];
	[sflag:s2] =	ssyncadd.s32 $0xFFFFF800  }
0x622: {  	[hbm4b:s28+s11] =	stream.linear.scatter [tilespmem:s29], [sflag:$0x2], $0x800, $0x38;
	[tilespmem:$0x1ECC0] =	vst v63  }
0x623: {  	_ =	swait.ge [sflag:s2], $0x800  }
0x624: {  	s30 =	sld [smem:$0x7FB]  }
0x625: {  	[sflag:s2] =	ssyncset.done $0x0  }
0x626: {  	s31 =	simm.s32 $0x1E4C0;
	[sflag:s2] =	ssyncadd.s32 $0xFFFFF800  }
0x627: {  	[hbm4b:s30+s11] =	stream.linear.scatter [tilespmem:s31], [sflag:$0x2], $0x800, $0x38;
	[tilespmem:$0x1ECC0] =	vst v63  }
0x628: {  	_ =	swait.ge [sflag:s8], $0x800  }
0x629: {  	s13 =	simm.s32 $0x35;
	[sflag:s8] =	ssyncset.done $0x0  }
.LBB2_4:
0x62a: {  	p0 =	sne.s32 s13, $0x1;
	s13 =	sadd.s32 $0xFFFFFFFF, s13;
	[sflag:s8] =	ssyncadd.s32 $0xFFFFF800  }
.Ltmp1:
0x62b: {  	(pc) =	sbr.rel @p0 .LBB2_4-.Ltmp1, $3  }
0x62c: {  	_ =	sdelay $0x1  }
0x62d: {  	_ =	swait.ge [sflag:s8], $0x800  }
0x62e: {  	[sflag:s8] =	ssyncset.done $0x0  }
0x62f: {  	s2 =	sld [smem:$0x7D8]  }
0x630: {  	s0 =	sld [smem:$0x7FC];
	_ =	sdelay $0x1  }
0x631: {  	s2 =	sadd.s32 $0x1, s2  }
0x632: {  	p0 =	sne.s32 s2, s0  }
.Ltmp2:
0x633: {  	_ = 	snop;
	(pc) =	sbr.rel @p0 .LBB2_1-.Ltmp2, $2  }
0x634: {  	_ =	sdelay $0x2  }
0x635: {  	[sflag:s8] =	ssyncadd.s32 $0xFFFFF800  }
0x636: {  	_ =	sfence.sel $0x180000  }
0x637: {  	[bflag:$0x0] =	sbarrier.arrive $0xFFFF  }
0x638: {  	_ =	strace $0x90000047  }
0x639: {  	s0 =	stileid.u32;
	[bflag:$0x2] =	sbarrier.arrive $0xFFFF  }
0x63a: {  	p0 =	sne.s32 s0, $0x0;
	s0 =	rddreg [dreg:$0x3]  }
0x63b: {  	s0 =	sadd.s32 @!p0 $0x100000, s0  }
0x63c: {  	[sflag:s0] =	ssyncadd.tile.s32 @!p0 $0x1;
	_ =	shalt  }
.Lfunc_end2:
_tile_overlayer_lowered:
.L_overlay_start_2:
0x63d: {  	(tag) =	ssettag $0x2  }
0x63e: {  	s0 =	rddreg [dreg:$0x0];
	s2 =	stileid.u32  }
0x63f: {  	s1 =	rddreg [dreg:$0x1];
	p0 =	sne.s32 s2, $0x0  }
0x640: {  	s3 =	rddreg [dreg:$0x2];
	[bflag:$0x3] =	sbarrier.arrive $0xFFFF;
	s2 =	simm.s32 @!p0 $0x1C03  }
0x641: {  	[timem:s3], [sflag:s2] =	dma.local @!p0 [hbm:s0], s1  }
0x642: {  	s0 =	simm.s32 @!p0 $0x3  }
0x643: {  	_ =	swait.ge @!p0 [sflag:s0], s1  }
0x644: {  	s1 =	ssub.s32 @!p0 $0x0, s1;
	[sflag:s0] =	ssyncset.done @!p0 $0x0  }
0x645: {  	[sflag:s0] =	ssyncadd.s32 @!p0 s1  }
0x646: {  	[bflag:$0x3] =	sbarrier.arrive $0xFFFF  }
0x647: {  	_ =	shalt  }

</sc_bundles>
